<compile_context>
chip_gen: v7x
topology: tpu7x:2x2x1
jax: 0.10.2.dev20260603
libtpu: 0.0.44.dev20260713+nightly
codegen_flags: <defaults>
</compile_context>

<pallas_src>
import dataclasses
import functools

import jax
import jax.numpy as jnp
from jax import lax
from jax.experimental import pallas as pl
from jax.experimental.pallas import tpu as pltpu
from jax.experimental.pallas import tpu_sc as plsc

N_NODES = 10000
N_EDGES = 320000
D = 128

NC = 2
NS = 16
LANES = 16

E_PER_SUB = N_EDGES // (NC * NS)
CHUNK = 80
N_CHUNKS = E_PER_SUB // CHUNK
NROW = 3
NSLOT = 6
N_BODY = N_CHUNKS // NSLOT
N_EPI = N_CHUNKS - N_BODY * NSLOT
ROWS_PER_SUB = 624
TAIL_ROWS = N_NODES - NS * ROWS_PER_SUB


def _sc_aggregate(x, src, dst, w):
    mesh = plsc.VectorSubcoreMesh(core_axis_name="c", subcore_axis_name="s")
    cp = pltpu.CompilerParams()
    if "needs_layout_passes" in pltpu.CompilerParams.__dataclass_fields__:
        cp = dataclasses.replace(cp, needs_layout_passes=False)

    @functools.partial(
        pl.kernel,
        out_type=jax.ShapeDtypeStruct((NC, N_NODES, D), jnp.float32),
        mesh=mesh,
        compiler_params=cp,
        scratch_types=[
            *[pltpu.VMEM((CHUNK,), jnp.int32) for _ in range(NSLOT)],
            *[pltpu.VMEM((CHUNK,), jnp.int32) for _ in range(NSLOT)],
            *[pltpu.VMEM((CHUNK,), jnp.float32) for _ in range(NSLOT)],
            *[pltpu.VMEM((CHUNK, D), jnp.float32) for _ in range(NROW)],
            *[pltpu.SemaphoreType.DMA for _ in range(3 * NSLOT + 2 * NROW)],
            pltpu.VMEM_SHARED((N_NODES, D), jnp.float32),
        ],
    )
    def sc_kernel(x_hbm, src_hbm, dst_hbm, w_hbm, out_hbm, *bufs_sems_acc):
        src_idx_vs = bufs_sems_acc[:NSLOT]
        dst_idx_vs = bufs_sems_acc[NSLOT:2 * NSLOT]
        w_vs = bufs_sems_acc[2 * NSLOT:3 * NSLOT]
        rows_vs = bufs_sems_acc[3 * NSLOT:3 * NSLOT + NROW]
        sems = bufs_sems_acc[3 * NSLOT + NROW:3 * NSLOT + NROW + 3 * NSLOT
                             + 2 * NROW]
        srcsems = sems[:NSLOT]
        dstsems = sems[NSLOT:2 * NSLOT]
        wsems = sems[2 * NSLOT:3 * NSLOT]
        gsems = sems[3 * NSLOT:3 * NSLOT + NROW]
        ssems = sems[3 * NSLOT + NROW:3 * NSLOT + 2 * NROW]
        acc_sh = bufs_sems_acc[-1]
        c = lax.axis_index("c")
        s = lax.axis_index("s")
        ebase = (c * NS + s) * E_PER_SUB

        def stage_chunk(u, eoff):
            pltpu.async_copy(src_hbm.at[pl.ds(ebase + eoff, CHUNK)],
                             src_idx_vs[u], srcsems[u])
            pltpu.async_copy(dst_hbm.at[pl.ds(ebase + eoff, CHUNK)],
                             dst_idx_vs[u], dstsems[u])
            pltpu.async_copy(w_hbm.at[pl.ds(ebase + eoff, CHUNK)],
                             w_vs[u], wsems[u])

        def wait_src(u):
            pltpu.make_async_copy(src_hbm.at[pl.ds(ebase, CHUNK)],
                                  src_idx_vs[u], srcsems[u]).wait()

        def wait_dst(u):
            pltpu.make_async_copy(dst_hbm.at[pl.ds(ebase, CHUNK)],
                                  dst_idx_vs[u], dstsems[u]).wait()

        def wait_w(u):
            pltpu.make_async_copy(w_hbm.at[pl.ds(ebase, CHUNK)],
                                  w_vs[u], wsems[u]).wait()

        def fire_gather(u, r):
            pltpu.async_copy(x_hbm.at[src_idx_vs[u]], rows_vs[r], gsems[r])

        def wait_gather(u, r):
            pltpu.make_async_copy(x_hbm.at[src_idx_vs[u]],
                                  rows_vs[r], gsems[r]).wait()

        def fire_scatter(u, r):
            pltpu.async_copy(rows_vs[r], acc_sh.at[dst_idx_vs[u]], ssems[r],
                             add=True)

        def wait_scatter(u, r):
            pltpu.make_async_copy(rows_vs[r],
                                  acc_sh.at[dst_idx_vs[u]], ssems[r]).wait()

        def scale_rows(u, r):
            @plsc.parallel_loop(0, CHUNK, unroll=4)
            def _row(i):
                wb = plsc.load_gather(
                    w_vs[u], [jnp.full((LANES,), i, jnp.int32)])
                for j in range(D // LANES):
                    sl = pl.ds(j * LANES, LANES)
                    rows_vs[r][i, sl] = rows_vs[r][i, sl] * wb

        for u in range(NSLOT):
            stage_chunk(u, u * CHUNK)

        rbase = s * ROWS_PER_SUB

        @pl.loop(0, CHUNK)
        def _zrow(i):
            for j in range(D // LANES):
                rows_vs[0][i, pl.ds(j * LANES, LANES)] = jnp.zeros(
                    (LANES,), jnp.float32)

        zhs = []
        for k in range(ROWS_PER_SUB // CHUNK):
            zhs.append(pltpu.async_copy(
                rows_vs[0], acc_sh.at[pl.ds(rbase + k * CHUNK, CHUNK)],
                ssems[0]))
        _ZREM = ROWS_PER_SUB % CHUNK
        zhs.append(pltpu.async_copy(
            rows_vs[0].at[pl.ds(0, _ZREM)],
            acc_sh.at[pl.ds(rbase + (ROWS_PER_SUB // CHUNK) * CHUNK, _ZREM)],
            ssems[0]))
        for zh in zhs:
            zh.wait()

        @pl.when(s == NS - 1)
        def _init_tail():
            tbase = NS * ROWS_PER_SUB
            pltpu.sync_copy(rows_vs[0].at[pl.ds(0, TAIL_ROWS)],
                            acc_sh.at[pl.ds(tbase, TAIL_ROWS)])

        plsc.subcore_barrier()

        for rr in range(NROW - 1):
            wait_src(rr)
            fire_gather(rr, rr)

        @pl.loop(0, N_BODY)
        def _body(g):
            cbase = g * NSLOT
            for k in range(NSLOT):
                u, r = k, k % NROW
                u1, r1 = (k - 1) % NSLOT, (k - 1) % NROW
                u2 = (k + NROW - 1) % NSLOT
                cc = cbase + k
                wait_gather(u, r)
                wait_w(u)
                scale_rows(u, r)
                wait_dst(u)
                fire_scatter(u, r)

                @pl.when(cc >= 1)
                def _prev_scatter_wait():
                    wait_scatter(u1, r1)

                @pl.when((cc >= 1) & (cc + NSLOT - 1 < N_CHUNKS))
                def _restage():
                    stage_chunk(u1, (cc + NSLOT - 1) * CHUNK)

                @pl.when(cc + NROW - 1 < N_CHUNKS)
                def _next_gather():
                    wait_src(u2)
                    fire_gather(u2, r1)

        for e in range(N_EPI):
            cc = N_BODY * NSLOT + e
            u, r = cc % NSLOT, cc % NROW
            u1, r1 = (cc - 1) % NSLOT, (cc - 1) % NROW
            wait_gather(u, r)
            wait_w(u)
            scale_rows(u, r)
            wait_dst(u)
            fire_scatter(u, r)
            wait_scatter(u1, r1)
            if cc + NROW - 1 < N_CHUNKS:
                u2 = (cc + NROW - 1) % NSLOT
                wait_src(u2)
                fire_gather(u2, r1)
        wait_scatter((N_CHUNKS - 1) % NSLOT, (N_CHUNKS - 1) % NROW)

        plsc.subcore_barrier()
        pltpu.sync_copy(acc_sh.at[pl.ds(rbase, ROWS_PER_SUB)],
                        out_hbm.at[c].at[pl.ds(rbase, ROWS_PER_SUB)])

        @pl.when(s == NS - 1)
        def _out_tail():
            tbase = NS * ROWS_PER_SUB
            pltpu.sync_copy(acc_sh.at[pl.ds(tbase, TAIL_ROWS)],
                            out_hbm.at[c].at[pl.ds(tbase, TAIL_ROWS)])

    return sc_kernel(x, src, dst, w)


def _tc_mlp_body(agg_ref, x_ref, w1_ref, b1_ref, g_ref, bt_ref, w2_ref,
                 b2_ref, y_ref):
    dn = (((1,), (1,)), ((), ()))
    out = agg_ref[0] + agg_ref[1] + x_ref[...]
    h = lax.dot_general(out, w1_ref[...], dn,
                        preferred_element_type=jnp.float32)
    h = h + b1_ref[...][None, :]
    mu = jnp.mean(h, axis=0, keepdims=True)
    d = h - mu
    var = jnp.mean(d * d, axis=0, keepdims=True)
    hn = d * lax.rsqrt(var + 1e-5) * g_ref[...][None, :] + bt_ref[...][None, :]
    hr = jnp.maximum(hn, 0.0)
    y = lax.dot_general(hr, w2_ref[...], dn,
                        preferred_element_type=jnp.float32)
    y_ref[...] = y + b2_ref[...][None, :]


def kernel(x, edge_index, edge_attr, edge_weight, W1, b1, gamma, beta, W2, b2):
    del edge_attr
    src = edge_index[0].astype(jnp.int32)
    dst = edge_index[1].astype(jnp.int32)
    w = edge_weight.astype(jnp.float32)

    agg = _sc_aggregate(x, src, dst, w)

    return pl.pallas_call(
        _tc_mlp_body,
        out_shape=jax.ShapeDtypeStruct((N_NODES, D), jnp.float32),
    )(agg, x, W1, b1, gamma, beta, W2, b2)

# --- scband reference (transcript-rebuilt; emitter-appended) ---
"""Pipeline reference for scband-original-ginconv-28432683499905 (READ-ONLY COPY).

The authoritative reference and input builder live on the scoring server;
editing this copy changes nothing except your own understanding.
"""

import jax, jax.numpy as jnp
import numpy as np

N_NODES = 10000
N_EDGES = 320000
D_IN = 128
D_EMB = 128
D_EDGE = 16


def setup_inputs(seed: int = 0) -> dict:
    key = jax.random.key(seed)
    ks = jax.random.split(key, 10)
    x = jax.random.normal(ks[0], (N_NODES, D_IN), dtype=jnp.float32)
    edge_index = jax.random.randint(ks[1], (2, N_EDGES), 0, N_NODES, dtype=jnp.int64)
    edge_attr = jax.random.normal(ks[2], (N_EDGES, D_EDGE), dtype=jnp.float32)
    edge_weight = jax.random.uniform(ks[3], (N_EDGES,), dtype=jnp.float32)
    # MLP params: Linear(D_IN->D_EMB), BatchNorm1d(D_EMB), ReLU, Linear(D_EMB->D_EMB)
    s1 = 1.0 / np.sqrt(D_IN)
    W1 = jax.random.uniform(ks[4], (D_EMB, D_IN), dtype=jnp.float32, minval=-s1, maxval=s1)
    b1 = jax.random.uniform(ks[5], (D_EMB,), dtype=jnp.float32, minval=-s1, maxval=s1)
    gamma = jnp.ones((D_EMB,), dtype=jnp.float32)
    beta = jnp.zeros((D_EMB,), dtype=jnp.float32)
    s2 = 1.0 / np.sqrt(D_EMB)
    W2 = jax.random.uniform(ks[6], (D_EMB, D_EMB), dtype=jnp.float32, minval=-s2, maxval=s2)
    b2 = jax.random.uniform(ks[7], (D_EMB,), dtype=jnp.float32, minval=-s2, maxval=s2)
    return {"x": x, "edge_index": edge_index, "edge_attr": edge_attr, "edge_weight": edge_weight,
            "W1": W1, "b1": b1, "gamma": gamma, "beta": beta, "W2": W2, "b2": b2}


def reference(x, edge_index, edge_attr, edge_weight, W1, b1, gamma, beta, W2, b2):
    # GIN propagate: message = x_j * edge_weight, aggregate = scatter-add at dst
    src = edge_index[0]
    dst = edge_index[1]
    msg = jnp.take(x, src, axis=0) * edge_weight[:, None]
    agg = jax.ops.segment_sum(msg, dst, num_segments=x.shape[0])
    eps = 0.0  # train_eps=False, default eps=0
    out = agg + (1.0 + eps) * x
    # MLP: Linear -> BatchNorm1d (training-mode batch stats) -> ReLU -> Linear
    h = out @ W1.T + b1
    mu = jnp.mean(h, axis=0)
    var = jnp.var(h, axis=0)  # biased, matches torch BN normalization
    h = (h - mu) / jnp.sqrt(var + 1e-5) * gamma + beta
    h = jax.nn.relu(h)
    return h @ W2.T + b2

if __name__ == "__main__":
    import jax
    _d = setup_inputs()
    print(jax.jit(kernel)(*tuple(_d.values())))

</pallas_src>

<mosaic_0001>
#map = affine_map<(d0, d1) -> (0, 0)>
#map1 = affine_map<(d0, d1) -> (0)>
#map2 = affine_map<(d0, d1) -> (0, 0, 0)>
module attributes {stable_mosaic.version = 14 : i64} {
  func.func @sc_kernel(%arg0: i32, %arg1: i32, %arg2: memref<10000x128xf32, #tpu.memory_space<hbm>>, %arg3: memref<320000xi32, #tpu.memory_space<hbm>>, %arg4: memref<320000xi32, #tpu.memory_space<hbm>>, %arg5: memref<320000xf32, #tpu.memory_space<hbm>>, %arg6: memref<2x10000x128xf32, #tpu.memory_space<hbm>>, %arg7: memref<80xi32, #tpu.memory_space<vmem>>, %arg8: memref<80xi32, #tpu.memory_space<vmem>>, %arg9: memref<80xi32, #tpu.memory_space<vmem>>, %arg10: memref<80xi32, #tpu.memory_space<vmem>>, %arg11: memref<80xi32, #tpu.memory_space<vmem>>, %arg12: memref<80xi32, #tpu.memory_space<vmem>>, %arg13: memref<80xi32, #tpu.memory_space<vmem>>, %arg14: memref<80xi32, #tpu.memory_space<vmem>>, %arg15: memref<80xi32, #tpu.memory_space<vmem>>, %arg16: memref<80xi32, #tpu.memory_space<vmem>>, %arg17: memref<80xi32, #tpu.memory_space<vmem>>, %arg18: memref<80xi32, #tpu.memory_space<vmem>>, %arg19: memref<80xf32, #tpu.memory_space<vmem>>, %arg20: memref<80xf32, #tpu.memory_space<vmem>>, %arg21: memref<80xf32, #tpu.memory_space<vmem>>, %arg22: memref<80xf32, #tpu.memory_space<vmem>>, %arg23: memref<80xf32, #tpu.memory_space<vmem>>, %arg24: memref<80xf32, #tpu.memory_space<vmem>>, %arg25: memref<80x128xf32, #tpu.memory_space<vmem>>, %arg26: memref<80x128xf32, #tpu.memory_space<vmem>>, %arg27: memref<80x128xf32, #tpu.memory_space<vmem>>, %arg28: memref<!tpu.dma_semaphore, #tpu.memory_space<semaphore_mem>>, %arg29: memref<!tpu.dma_semaphore, #tpu.memory_space<semaphore_mem>>, %arg30: memref<!tpu.dma_semaphore, #tpu.memory_space<semaphore_mem>>, %arg31: memref<!tpu.dma_semaphore, #tpu.memory_space<semaphore_mem>>, %arg32: memref<!tpu.dma_semaphore, #tpu.memory_space<semaphore_mem>>, %arg33: memref<!tpu.dma_semaphore, #tpu.memory_space<semaphore_mem>>, %arg34: memref<!tpu.dma_semaphore, #tpu.memory_space<semaphore_mem>>, %arg35: memref<!tpu.dma_semaphore, #tpu.memory_space<semaphore_mem>>, %arg36: memref<!tpu.dma_semaphore, #tpu.memory_space<semaphore_mem>>, %arg37: memref<!tpu.dma_semaphore, #tpu.memory_space<semaphore_mem>>, %arg38: memref<!tpu.dma_semaphore, #tpu.memory_space<semaphore_mem>>, %arg39: memref<!tpu.dma_semaphore, #tpu.memory_space<semaphore_mem>>, %arg40: memref<!tpu.dma_semaphore, #tpu.memory_space<semaphore_mem>>, %arg41: memref<!tpu.dma_semaphore, #tpu.memory_space<semaphore_mem>>, %arg42: memref<!tpu.dma_semaphore, #tpu.memory_space<semaphore_mem>>, %arg43: memref<!tpu.dma_semaphore, #tpu.memory_space<semaphore_mem>>, %arg44: memref<!tpu.dma_semaphore, #tpu.memory_space<semaphore_mem>>, %arg45: memref<!tpu.dma_semaphore, #tpu.memory_space<semaphore_mem>>, %arg46: memref<!tpu.dma_semaphore, #tpu.memory_space<semaphore_mem>>, %arg47: memref<!tpu.dma_semaphore, #tpu.memory_space<semaphore_mem>>, %arg48: memref<!tpu.dma_semaphore, #tpu.memory_space<semaphore_mem>>, %arg49: memref<!tpu.dma_semaphore, #tpu.memory_space<semaphore_mem>>, %arg50: memref<!tpu.dma_semaphore, #tpu.memory_space<semaphore_mem>>, %arg51: memref<!tpu.dma_semaphore, #tpu.memory_space<semaphore_mem>>, %arg52: memref<10000x128xf32, #tpu.memory_space<vmem_shared>>) attributes {dimension_semantics = [#tpu.dimension_semantics<core_parallel>, #tpu.dimension_semantics<subcore_parallel>], iteration_bounds = array<i64: 2, 16>, scalar_prefetch = 0 : i64, scratch_operands = 46 : i64, tpu.core_type = #tpu.core_type<sc_vector_subcore>, window_params = [{transform_indices = #map}, {transform_indices = #map1}, {transform_indices = #map1}, {transform_indices = #map1}, {transform_indices = #map2}]} {
    %mul3A = arith.constant 16 : i32
    %mul3A_0 = arith.muli %arg0, %mul3A : i32
    %add3A = arith.addi %mul3A_0, %arg1 : i32
    %mul3A_1 = arith.constant 10000 : i32
    %mul3A_2 = arith.muli %add3A, %mul3A_1 : i32
    %add3A_3 = arith.constant 0 : i32
    %add3A_4 = arith.addi %mul3A_2, %add3A_3 : i32
    %dma_start3A = tpu.memref_slice %arg3[%add3A_4] : memref<320000xi32, #tpu.memory_space<hbm>> -> memref<80xi32, #tpu.memory_space<hbm>>
    %dma_start3A_5 = tpu.memref_slice %arg3[%add3A_4] : memref<320000xi32, #tpu.memory_space<hbm>> -> memref<80xi32, #tpu.memory_space<hbm>>
    tpu.enqueue_dma source(%dma_start3A_5 : memref<80xi32, #tpu.memory_space<hbm>>) target(%arg7 : memref<80xi32, #tpu.memory_space<vmem>>) target_semaphore(%arg28 : memref<!tpu.dma_semaphore, #tpu.memory_space<semaphore_mem>>)
    %add3A_6 = arith.constant 0 : i32
    %add3A_7 = arith.addi %mul3A_2, %add3A_6 : i32
    %dma_start3A_8 = tpu.memref_slice %arg4[%add3A_7] : memref<320000xi32, #tpu.memory_space<hbm>> -> memref<80xi32, #tpu.memory_space<hbm>>
    %dma_start3A_9 = tpu.memref_slice %arg4[%add3A_7] : memref<320000xi32, #tpu.memory_space<hbm>> -> memref<80xi32, #tpu.memory_space<hbm>>
    tpu.enqueue_dma source(%dma_start3A_9 : memref<80xi32, #tpu.memory_space<hbm>>) target(%arg13 : memref<80xi32, #tpu.memory_space<vmem>>) target_semaphore(%arg34 : memref<!tpu.dma_semaphore, #tpu.memory_space<semaphore_mem>>)
    %add3A_10 = arith.constant 0 : i32
    %add3A_11 = arith.addi %mul3A_2, %add3A_10 : i32
    %dma_start3A_12 = tpu.memref_slice %arg5[%add3A_11] : memref<320000xf32, #tpu.memory_space<hbm>> -> memref<80xf32, #tpu.memory_space<hbm>>
    %dma_start3A_13 = tpu.memref_slice %arg5[%add3A_11] : memref<320000xf32, #tpu.memory_space<hbm>> -> memref<80xf32, #tpu.memory_space<hbm>>
    tpu.enqueue_dma source(%dma_start3A_13 : memref<80xf32, #tpu.memory_space<hbm>>) target(%arg19 : memref<80xf32, #tpu.memory_space<vmem>>) target_semaphore(%arg40 : memref<!tpu.dma_semaphore, #tpu.memory_space<semaphore_mem>>)
    %add3A_14 = arith.constant 80 : i32
    %add3A_15 = arith.addi %mul3A_2, %add3A_14 : i32
    %dma_start3A_16 = tpu.memref_slice %arg3[%add3A_15] : memref<320000xi32, #tpu.memory_space<hbm>> -> memref<80xi32, #tpu.memory_space<hbm>>
    %dma_start3A_17 = tpu.memref_slice %arg3[%add3A_15] : memref<320000xi32, #tpu.memory_space<hbm>> -> memref<80xi32, #tpu.memory_space<hbm>>
    tpu.enqueue_dma source(%dma_start3A_17 : memref<80xi32, #tpu.memory_space<hbm>>) target(%arg8 : memref<80xi32, #tpu.memory_space<vmem>>) target_semaphore(%arg29 : memref<!tpu.dma_semaphore, #tpu.memory_space<semaphore_mem>>)
    %add3A_18 = arith.constant 80 : i32
    %add3A_19 = arith.addi %mul3A_2, %add3A_18 : i32
    %dma_start3A_20 = tpu.memref_slice %arg4[%add3A_19] : memref<320000xi32, #tpu.memory_space<hbm>> -> memref<80xi32, #tpu.memory_space<hbm>>
    %dma_start3A_21 = tpu.memref_slice %arg4[%add3A_19] : memref<320000xi32, #tpu.memory_space<hbm>> -> memref<80xi32, #tpu.memory_space<hbm>>
    tpu.enqueue_dma source(%dma_start3A_21 : memref<80xi32, #tpu.memory_space<hbm>>) target(%arg14 : memref<80xi32, #tpu.memory_space<vmem>>) target_semaphore(%arg35 : memref<!tpu.dma_semaphore, #tpu.memory_space<semaphore_mem>>)
    %add3A_22 = arith.constant 80 : i32
    %add3A_23 = arith.addi %mul3A_2, %add3A_22 : i32
    %dma_start3A_24 = tpu.memref_slice %arg5[%add3A_23] : memref<320000xf32, #tpu.memory_space<hbm>> -> memref<80xf32, #tpu.memory_space<hbm>>
    %dma_start3A_25 = tpu.memref_slice %arg5[%add3A_23] : memref<320000xf32, #tpu.memory_space<hbm>> -> memref<80xf32, #tpu.memory_space<hbm>>
    tpu.enqueue_dma source(%dma_start3A_25 : memref<80xf32, #tpu.memory_space<hbm>>) target(%arg20 : memref<80xf32, #tpu.memory_space<vmem>>) target_semaphore(%arg41 : memref<!tpu.dma_semaphore, #tpu.memory_space<semaphore_mem>>)
    %add3A_26 = arith.constant 160 : i32
    %add3A_27 = arith.addi %mul3A_2, %add3A_26 : i32
    %dma_start3A_28 = tpu.memref_slice %arg3[%add3A_27] : memref<320000xi32, #tpu.memory_space<hbm>> -> memref<80xi32, #tpu.memory_space<hbm>>
    %dma_start3A_29 = tpu.memref_slice %arg3[%add3A_27] : memref<320000xi32, #tpu.memory_space<hbm>> -> memref<80xi32, #tpu.memory_space<hbm>>
    tpu.enqueue_dma source(%dma_start3A_29 : memref<80xi32, #tpu.memory_space<hbm>>) target(%arg9 : memref<80xi32, #tpu.memory_space<vmem>>) target_semaphore(%arg30 : memref<!tpu.dma_semaphore, #tpu.memory_space<semaphore_mem>>)
    %add3A_30 = arith.constant 160 : i32
    %add3A_31 = arith.addi %mul3A_2, %add3A_30 : i32
    %dma_start3A_32 = tpu.memref_slice %arg4[%add3A_31] : memref<320000xi32, #tpu.memory_space<hbm>> -> memref<80xi32, #tpu.memory_space<hbm>>
    %dma_start3A_33 = tpu.memref_slice %arg4[%add3A_31] : memref<320000xi32, #tpu.memory_space<hbm>> -> memref<80xi32, #tpu.memory_space<hbm>>
    tpu.enqueue_dma source(%dma_start3A_33 : memref<80xi32, #tpu.memory_space<hbm>>) target(%arg15 : memref<80xi32, #tpu.memory_space<vmem>>) target_semaphore(%arg36 : memref<!tpu.dma_semaphore, #tpu.memory_space<semaphore_mem>>)
    %add3A_34 = arith.constant 160 : i32
    %add3A_35 = arith.addi %mul3A_2, %add3A_34 : i32
    %dma_start3A_36 = tpu.memref_slice %arg5[%add3A_35] : memref<320000xf32, #tpu.memory_space<hbm>> -> memref<80xf32, #tpu.memory_space<hbm>>
    %dma_start3A_37 = tpu.memref_slice %arg5[%add3A_35] : memref<320000xf32, #tpu.memory_space<hbm>> -> memref<80xf32, #tpu.memory_space<hbm>>
    tpu.enqueue_dma source(%dma_start3A_37 : memref<80xf32, #tpu.memory_space<hbm>>) target(%arg21 : memref<80xf32, #tpu.memory_space<vmem>>) target_semaphore(%arg42 : memref<!tpu.dma_semaphore, #tpu.memory_space<semaphore_mem>>)
    %add3A_38 = arith.constant 240 : i32
    %add3A_39 = arith.addi %mul3A_2, %add3A_38 : i32
    %dma_start3A_40 = tpu.memref_slice %arg3[%add3A_39] : memref<320000xi32, #tpu.memory_space<hbm>> -> memref<80xi32, #tpu.memory_space<hbm>>
    %dma_start3A_41 = tpu.memref_slice %arg3[%add3A_39] : memref<320000xi32, #tpu.memory_space<hbm>> -> memref<80xi32, #tpu.memory_space<hbm>>
    tpu.enqueue_dma source(%dma_start3A_41 : memref<80xi32, #tpu.memory_space<hbm>>) target(%arg10 : memref<80xi32, #tpu.memory_space<vmem>>) target_semaphore(%arg31 : memref<!tpu.dma_semaphore, #tpu.memory_space<semaphore_mem>>)
    %add3A_42 = arith.constant 240 : i32
    %add3A_43 = arith.addi %mul3A_2, %add3A_42 : i32
    %dma_start3A_44 = tpu.memref_slice %arg4[%add3A_43] : memref<320000xi32, #tpu.memory_space<hbm>> -> memref<80xi32, #tpu.memory_space<hbm>>
    %dma_start3A_45 = tpu.memref_slice %arg4[%add3A_43] : memref<320000xi32, #tpu.memory_space<hbm>> -> memref<80xi32, #tpu.memory_space<hbm>>
    tpu.enqueue_dma source(%dma_start3A_45 : memref<80xi32, #tpu.memory_space<hbm>>) target(%arg16 : memref<80xi32, #tpu.memory_space<vmem>>) target_semaphore(%arg37 : memref<!tpu.dma_semaphore, #tpu.memory_space<semaphore_mem>>)
    %add3A_46 = arith.constant 240 : i32
    %add3A_47 = arith.addi %mul3A_2, %add3A_46 : i32
    %dma_start3A_48 = tpu.memref_slice %arg5[%add3A_47] : memref<320000xf32, #tpu.memory_space<hbm>> -> memref<80xf32, #tpu.memory_space<hbm>>
    %dma_start3A_49 = tpu.memref_slice %arg5[%add3A_47] : memref<320000xf32, #tpu.memory_space<hbm>> -> memref<80xf32, #tpu.memory_space<hbm>>
    tpu.enqueue_dma source(%dma_start3A_49 : memref<80xf32, #tpu.memory_space<hbm>>) target(%arg22 : memref<80xf32, #tpu.memory_space<vmem>>) target_semaphore(%arg43 : memref<!tpu.dma_semaphore, #tpu.memory_space<semaphore_mem>>)
    %add3A_50 = arith.constant 320 : i32
    %add3A_51 = arith.addi %mul3A_2, %add3A_50 : i32
    %dma_start3A_52 = tpu.memref_slice %arg3[%add3A_51] : memref<320000xi32, #tpu.memory_space<hbm>> -> memref<80xi32, #tpu.memory_space<hbm>>
    %dma_start3A_53 = tpu.memref_slice %arg3[%add3A_51] : memref<320000xi32, #tpu.memory_space<hbm>> -> memref<80xi32, #tpu.memory_space<hbm>>
    tpu.enqueue_dma source(%dma_start3A_53 : memref<80xi32, #tpu.memory_space<hbm>>) target(%arg11 : memref<80xi32, #tpu.memory_space<vmem>>) target_semaphore(%arg32 : memref<!tpu.dma_semaphore, #tpu.memory_space<semaphore_mem>>)
    %add3A_54 = arith.constant 320 : i32
    %add3A_55 = arith.addi %mul3A_2, %add3A_54 : i32
    %dma_start3A_56 = tpu.memref_slice %arg4[%add3A_55] : memref<320000xi32, #tpu.memory_space<hbm>> -> memref<80xi32, #tpu.memory_space<hbm>>
    %dma_start3A_57 = tpu.memref_slice %arg4[%add3A_55] : memref<320000xi32, #tpu.memory_space<hbm>> -> memref<80xi32, #tpu.memory_space<hbm>>
    tpu.enqueue_dma source(%dma_start3A_57 : memref<80xi32, #tpu.memory_space<hbm>>) target(%arg17 : memref<80xi32, #tpu.memory_space<vmem>>) target_semaphore(%arg38 : memref<!tpu.dma_semaphore, #tpu.memory_space<semaphore_mem>>)
    %add3A_58 = arith.constant 320 : i32
    %add3A_59 = arith.addi %mul3A_2, %add3A_58 : i32
    %dma_start3A_60 = tpu.memref_slice %arg5[%add3A_59] : memref<320000xf32, #tpu.memory_space<hbm>> -> memref<80xf32, #tpu.memory_space<hbm>>
    %dma_start3A_61 = tpu.memref_slice %arg5[%add3A_59] : memref<320000xf32, #tpu.memory_space<hbm>> -> memref<80xf32, #tpu.memory_space<hbm>>
    tpu.enqueue_dma source(%dma_start3A_61 : memref<80xf32, #tpu.memory_space<hbm>>) target(%arg23 : memref<80xf32, #tpu.memory_space<vmem>>) target_semaphore(%arg44 : memref<!tpu.dma_semaphore, #tpu.memory_space<semaphore_mem>>)
    %add3A_62 = arith.constant 400 : i32
    %add3A_63 = arith.addi %mul3A_2, %add3A_62 : i32
    %dma_start3A_64 = tpu.memref_slice %arg3[%add3A_63] : memref<320000xi32, #tpu.memory_space<hbm>> -> memref<80xi32, #tpu.memory_space<hbm>>
    %dma_start3A_65 = tpu.memref_slice %arg3[%add3A_63] : memref<320000xi32, #tpu.memory_space<hbm>> -> memref<80xi32, #tpu.memory_space<hbm>>
    tpu.enqueue_dma source(%dma_start3A_65 : memref<80xi32, #tpu.memory_space<hbm>>) target(%arg12 : memref<80xi32, #tpu.memory_space<vmem>>) target_semaphore(%arg33 : memref<!tpu.dma_semaphore, #tpu.memory_space<semaphore_mem>>)
    %add3A_66 = arith.constant 400 : i32
    %add3A_67 = arith.addi %mul3A_2, %add3A_66 : i32
    %dma_start3A_68 = tpu.memref_slice %arg4[%add3A_67] : memref<320000xi32, #tpu.memory_space<hbm>> -> memref<80xi32, #tpu.memory_space<hbm>>
    %dma_start3A_69 = tpu.memref_slice %arg4[%add3A_67] : memref<320000xi32, #tpu.memory_space<hbm>> -> memref<80xi32, #tpu.memory_space<hbm>>
    tpu.enqueue_dma source(%dma_start3A_69 : memref<80xi32, #tpu.memory_space<hbm>>) target(%arg18 : memref<80xi32, #tpu.memory_space<vmem>>) target_semaphore(%arg39 : memref<!tpu.dma_semaphore, #tpu.memory_space<semaphore_mem>>)
    %add3A_70 = arith.constant 400 : i32
    %add3A_71 = arith.addi %mul3A_2, %add3A_70 : i32
    %dma_start3A_72 = tpu.memref_slice %arg5[%add3A_71] : memref<320000xf32, #tpu.memory_space<hbm>> -> memref<80xf32, #tpu.memory_space<hbm>>
    %dma_start3A_73 = tpu.memref_slice %arg5[%add3A_71] : memref<320000xf32, #tpu.memory_space<hbm>> -> memref<80xf32, #tpu.memory_space<hbm>>
    tpu.enqueue_dma source(%dma_start3A_73 : memref<80xf32, #tpu.memory_space<hbm>>) target(%arg24 : memref<80xf32, #tpu.memory_space<vmem>>) target_semaphore(%arg45 : memref<!tpu.dma_semaphore, #tpu.memory_space<semaphore_mem>>)
    %mul3A_74 = arith.constant 624 : i32
    %mul3A_75 = arith.muli %arg1, %mul3A_74 : i32
    %scan3A = arith.constant 0 : i32
    %scan3A_76 = arith.constant 80 : i32
    %scan3A_77 = arith.addi %scan3A, %scan3A_76 : i32
    %scan3A_78 = arith.constant 1 : i32
    scf.for %scan3A_291 = %scan3A to %scan3A_77 step %scan3A_78  : i32 {
      %mul3A_292 = arith.constant 1 : i32
      %mul3A_293 = arith.muli %scan3A_291, %mul3A_292 : i32
      %add3A_294 = arith.constant 0 : i32
      %add3A_295 = arith.addi %add3A_294, %mul3A_293 : i32
      %broadcast_in_dim3A = arith.constant 0.000000e+00 : f32
      %broadcast_in_dim3A_296 = vector.broadcast %broadcast_in_dim3A : f32 to vector<16xf32>
      %swap3A = arith.index_cast %add3A_295 : i32 to index
      %swap3A_297 = arith.constant 0 : index
      %swap3A_298 = tpu.vector_load %arg25[%swap3A, %swap3A_297] {strides = array<i32>} : memref<80x128xf32, #tpu.memory_space<vmem>>, vector<16xf32>,
      tpu.vector_store %arg25[%swap3A, %swap3A_297], %broadcast_in_dim3A_296 {strides = array<i32>} : memref<80x128xf32, #tpu.memory_space<vmem>>, vector<16xf32>,
      %broadcast_in_dim3A_299 = arith.constant 0.000000e+00 : f32
      %broadcast_in_dim3A_300 = vector.broadcast %broadcast_in_dim3A_299 : f32 to vector<16xf32>
      %swap3A_301 = arith.index_cast %add3A_295 : i32 to index
      %swap3A_302 = arith.constant 16 : index
      %swap3A_303 = tpu.vector_load %arg25[%swap3A_301, %swap3A_302] {strides = array<i32>} : memref<80x128xf32, #tpu.memory_space<vmem>>, vector<16xf32>,
      tpu.vector_store %arg25[%swap3A_301, %swap3A_302], %broadcast_in_dim3A_300 {strides = array<i32>} : memref<80x128xf32, #tpu.memory_space<vmem>>, vector<16xf32>,
      %broadcast_in_dim3A_304 = arith.constant 0.000000e+00 : f32
      %broadcast_in_dim3A_305 = vector.broadcast %broadcast_in_dim3A_304 : f32 to vector<16xf32>
      %swap3A_306 = arith.index_cast %add3A_295 : i32 to index
      %swap3A_307 = arith.constant 32 : index
      %swap3A_308 = tpu.vector_load %arg25[%swap3A_306, %swap3A_307] {strides = array<i32>} : memref<80x128xf32, #tpu.memory_space<vmem>>, vector<16xf32>,
      tpu.vector_store %arg25[%swap3A_306, %swap3A_307], %broadcast_in_dim3A_305 {strides = array<i32>} : memref<80x128xf32, #tpu.memory_space<vmem>>, vector<16xf32>,
      %broadcast_in_dim3A_309 = arith.constant 0.000000e+00 : f32
      %broadcast_in_dim3A_310 = vector.broadcast %broadcast_in_dim3A_309 : f32 to vector<16xf32>
      %swap3A_311 = arith.index_cast %add3A_295 : i32 to index
      %swap3A_312 = arith.constant 48 : index
      %swap3A_313 = tpu.vector_load %arg25[%swap3A_311, %swap3A_312] {strides = array<i32>} : memref<80x128xf32, #tpu.memory_space<vmem>>, vector<16xf32>,
      tpu.vector_store %arg25[%swap3A_311, %swap3A_312], %broadcast_in_dim3A_310 {strides = array<i32>} : memref<80x128xf32, #tpu.memory_space<vmem>>, vector<16xf32>,
      %broadcast_in_dim3A_314 = arith.constant 0.000000e+00 : f32
      %broadcast_in_dim3A_315 = vector.broadcast %broadcast_in_dim3A_314 : f32 to vector<16xf32>
      %swap3A_316 = arith.index_cast %add3A_295 : i32 to index
      %swap3A_317 = arith.constant 64 : index
      %swap3A_318 = tpu.vector_load %arg25[%swap3A_316, %swap3A_317] {strides = array<i32>} : memref<80x128xf32, #tpu.memory_space<vmem>>, vector<16xf32>,
      tpu.vector_store %arg25[%swap3A_316, %swap3A_317], %broadcast_in_dim3A_315 {strides = array<i32>} : memref<80x128xf32, #tpu.memory_space<vmem>>, vector<16xf32>,
      %broadcast_in_dim3A_319 = arith.constant 0.000000e+00 : f32
      %broadcast_in_dim3A_320 = vector.broadcast %broadcast_in_dim3A_319 : f32 to vector<16xf32>
      %swap3A_321 = arith.index_cast %add3A_295 : i32 to index
      %swap3A_322 = arith.constant 80 : index
      %swap3A_323 = tpu.vector_load %arg25[%swap3A_321, %swap3A_322] {strides = array<i32>} : memref<80x128xf32, #tpu.memory_space<vmem>>, vector<16xf32>,
      tpu.vector_store %arg25[%swap3A_321, %swap3A_322], %broadcast_in_dim3A_320 {strides = array<i32>} : memref<80x128xf32, #tpu.memory_space<vmem>>, vector<16xf32>,
      %broadcast_in_dim3A_324 = arith.constant 0.000000e+00 : f32
      %broadcast_in_dim3A_325 = vector.broadcast %broadcast_in_dim3A_324 : f32 to vector<16xf32>
      %swap3A_326 = arith.index_cast %add3A_295 : i32 to index
      %swap3A_327 = arith.constant 96 : index
      %swap3A_328 = tpu.vector_load %arg25[%swap3A_326, %swap3A_327] {strides = array<i32>} : memref<80x128xf32, #tpu.memory_space<vmem>>, vector<16xf32>,
      tpu.vector_store %arg25[%swap3A_326, %swap3A_327], %broadcast_in_dim3A_325 {strides = array<i32>} : memref<80x128xf32, #tpu.memory_space<vmem>>, vector<16xf32>,
      %broadcast_in_dim3A_329 = arith.constant 0.000000e+00 : f32
      %broadcast_in_dim3A_330 = vector.broadcast %broadcast_in_dim3A_329 : f32 to vector<16xf32>
      %swap3A_331 = arith.index_cast %add3A_295 : i32 to index
      %swap3A_332 = arith.constant 112 : index
      %swap3A_333 = tpu.vector_load %arg25[%swap3A_331, %swap3A_332] {strides = array<i32>} : memref<80x128xf32, #tpu.memory_space<vmem>>, vector<16xf32>,
      tpu.vector_store %arg25[%swap3A_331, %swap3A_332], %broadcast_in_dim3A_330 {strides = array<i32>} : memref<80x128xf32, #tpu.memory_space<vmem>>, vector<16xf32>,
    }
    %scan3A_79 = arith.constant 80 : i32
    %add3A_80 = arith.constant 0 : i32
    %add3A_81 = arith.addi %mul3A_75, %add3A_80 : i32
    %dma_start3A_82 = arith.constant 0 : i32
    %dma_start3A_83 = tpu.memref_slice %arg52[%add3A_81, %dma_start3A_82] : memref<10000x128xf32, #tpu.memory_space<vmem_shared>> -> memref<80x128xf32, #tpu.memory_space<vmem_shared>>
    %dma_start3A_84 = arith.constant 0 : i32
    %dma_start3A_85 = tpu.memref_slice %arg52[%add3A_81, %dma_start3A_84] : memref<10000x128xf32, #tpu.memory_space<vmem_shared>> -> memref<80x128xf32, #tpu.memory_space<vmem_shared>>
    tpu.enqueue_dma source(%arg25 : memref<80x128xf32, #tpu.memory_space<vmem>>) target(%dma_start3A_85 : memref<80x128xf32, #tpu.memory_space<vmem_shared>>) target_semaphore(%arg49 : memref<!tpu.dma_semaphore, #tpu.memory_space<semaphore_mem>>)
    %add3A_86 = arith.constant 80 : i32
    %add3A_87 = arith.addi %mul3A_75, %add3A_86 : i32
    %dma_start3A_88 = arith.constant 0 : i32
    %dma_start3A_89 = tpu.memref_slice %arg52[%add3A_87, %dma_start3A_88] : memref<10000x128xf32, #tpu.memory_space<vmem_shared>> -> memref<80x128xf32, #tpu.memory_space<vmem_shared>>
    %dma_start3A_90 = arith.constant 0 : i32
    %dma_start3A_91 = tpu.memref_slice %arg52[%add3A_87, %dma_start3A_90] : memref<10000x128xf32, #tpu.memory_space<vmem_shared>> -> memref<80x128xf32, #tpu.memory_space<vmem_shared>>
    tpu.enqueue_dma source(%arg25 : memref<80x128xf32, #tpu.memory_space<vmem>>) target(%dma_start3A_91 : memref<80x128xf32, #tpu.memory_space<vmem_shared>>) target_semaphore(%arg49 : memref<!tpu.dma_semaphore, #tpu.memory_space<semaphore_mem>>)
    %add3A_92 = arith.constant 160 : i32
    %add3A_93 = arith.addi %mul3A_75, %add3A_92 : i32
    %dma_start3A_94 = arith.constant 0 : i32
    %dma_start3A_95 = tpu.memref_slice %arg52[%add3A_93, %dma_start3A_94] : memref<10000x128xf32, #tpu.memory_space<vmem_shared>> -> memref<80x128xf32, #tpu.memory_space<vmem_shared>>
    %dma_start3A_96 = arith.constant 0 : i32
    %dma_start3A_97 = tpu.memref_slice %arg52[%add3A_93, %dma_start3A_96] : memref<10000x128xf32, #tpu.memory_space<vmem_shared>> -> memref<80x128xf32, #tpu.memory_space<vmem_shared>>
    tpu.enqueue_dma source(%arg25 : memref<80x128xf32, #tpu.memory_space<vmem>>) target(%dma_start3A_97 : memref<80x128xf32, #tpu.memory_space<vmem_shared>>) target_semaphore(%arg49 : memref<!tpu.dma_semaphore, #tpu.memory_space<semaphore_mem>>)
    %add3A_98 = arith.constant 240 : i32
    %add3A_99 = arith.addi %mul3A_75, %add3A_98 : i32
    %dma_start3A_100 = arith.constant 0 : i32
    %dma_start3A_101 = tpu.memref_slice %arg52[%add3A_99, %dma_start3A_100] : memref<10000x128xf32, #tpu.memory_space<vmem_shared>> -> memref<80x128xf32, #tpu.memory_space<vmem_shared>>
    %dma_start3A_102 = arith.constant 0 : i32
    %dma_start3A_103 = tpu.memref_slice %arg52[%add3A_99, %dma_start3A_102] : memref<10000x128xf32, #tpu.memory_space<vmem_shared>> -> memref<80x128xf32, #tpu.memory_space<vmem_shared>>
    tpu.enqueue_dma source(%arg25 : memref<80x128xf32, #tpu.memory_space<vmem>>) target(%dma_start3A_103 : memref<80x128xf32, #tpu.memory_space<vmem_shared>>) target_semaphore(%arg49 : memref<!tpu.dma_semaphore, #tpu.memory_space<semaphore_mem>>)
    %add3A_104 = arith.constant 320 : i32
    %add3A_105 = arith.addi %mul3A_75, %add3A_104 : i32
    %dma_start3A_106 = arith.constant 0 : i32
    %dma_start3A_107 = tpu.memref_slice %arg52[%add3A_105, %dma_start3A_106] : memref<10000x128xf32, #tpu.memory_space<vmem_shared>> -> memref<80x128xf32, #tpu.memory_space<vmem_shared>>
    %dma_start3A_108 = arith.constant 0 : i32
    %dma_start3A_109 = tpu.memref_slice %arg52[%add3A_105, %dma_start3A_108] : memref<10000x128xf32, #tpu.memory_space<vmem_shared>> -> memref<80x128xf32, #tpu.memory_space<vmem_shared>>
    tpu.enqueue_dma source(%arg25 : memref<80x128xf32, #tpu.memory_space<vmem>>) target(%dma_start3A_109 : memref<80x128xf32, #tpu.memory_space<vmem_shared>>) target_semaphore(%arg49 : memref<!tpu.dma_semaphore, #tpu.memory_space<semaphore_mem>>)
    %add3A_110 = arith.constant 400 : i32
    %add3A_111 = arith.addi %mul3A_75, %add3A_110 : i32
    %dma_start3A_112 = arith.constant 0 : i32
    %dma_start3A_113 = tpu.memref_slice %arg52[%add3A_111, %dma_start3A_112] : memref<10000x128xf32, #tpu.memory_space<vmem_shared>> -> memref<80x128xf32, #tpu.memory_space<vmem_shared>>
    %dma_start3A_114 = arith.constant 0 : i32
    %dma_start3A_115 = tpu.memref_slice %arg52[%add3A_111, %dma_start3A_114] : memref<10000x128xf32, #tpu.memory_space<vmem_shared>> -> memref<80x128xf32, #tpu.memory_space<vmem_shared>>
    tpu.enqueue_dma source(%arg25 : memref<80x128xf32, #tpu.memory_space<vmem>>) target(%dma_start3A_115 : memref<80x128xf32, #tpu.memory_space<vmem_shared>>) target_semaphore(%arg49 : memref<!tpu.dma_semaphore, #tpu.memory_space<semaphore_mem>>)
    %add3A_116 = arith.constant 480 : i32
    %add3A_117 = arith.addi %mul3A_75, %add3A_116 : i32
    %dma_start3A_118 = arith.constant 0 : i32
    %dma_start3A_119 = tpu.memref_slice %arg52[%add3A_117, %dma_start3A_118] : memref<10000x128xf32, #tpu.memory_space<vmem_shared>> -> memref<80x128xf32, #tpu.memory_space<vmem_shared>>
    %dma_start3A_120 = arith.constant 0 : i32
    %dma_start3A_121 = tpu.memref_slice %arg52[%add3A_117, %dma_start3A_120] : memref<10000x128xf32, #tpu.memory_space<vmem_shared>> -> memref<80x128xf32, #tpu.memory_space<vmem_shared>>
    tpu.enqueue_dma source(%arg25 : memref<80x128xf32, #tpu.memory_space<vmem>>) target(%dma_start3A_121 : memref<80x128xf32, #tpu.memory_space<vmem_shared>>) target_semaphore(%arg49 : memref<!tpu.dma_semaphore, #tpu.memory_space<semaphore_mem>>)
    %add3A_122 = arith.constant 560 : i32
    %add3A_123 = arith.addi %mul3A_75, %add3A_122 : i32
    %dma_start3A_124 = arith.constant 0 : i32
    %dma_start3A_125 = arith.constant 0 : i32
    %dma_start3A_126 = tpu.memref_slice %arg25[%dma_start3A_124, %dma_start3A_125] : memref<80x128xf32, #tpu.memory_space<vmem>> -> memref<64x128xf32, #tpu.memory_space<vmem>>
    %dma_start3A_127 = arith.constant 0 : i32
    %dma_start3A_128 = tpu.memref_slice %arg52[%add3A_123, %dma_start3A_127] : memref<10000x128xf32, #tpu.memory_space<vmem_shared>> -> memref<64x128xf32, #tpu.memory_space<vmem_shared>>
    %dma_start3A_129 = arith.constant 0 : i32
    %dma_start3A_130 = tpu.memref_slice %arg52[%add3A_123, %dma_start3A_129] : memref<10000x128xf32, #tpu.memory_space<vmem_shared>> -> memref<64x128xf32, #tpu.memory_space<vmem_shared>>
    %dma_start3A_131 = arith.constant 0 : i32
    %dma_start3A_132 = arith.constant 0 : i32
    %dma_start3A_133 = tpu.memref_slice %arg25[%dma_start3A_131, %dma_start3A_132] : memref<80x128xf32, #tpu.memory_space<vmem>> -> memref<64x128xf32, #tpu.memory_space<vmem>>
    tpu.enqueue_dma source(%dma_start3A_133 : memref<64x128xf32, #tpu.memory_space<vmem>>) target(%dma_start3A_130 : memref<64x128xf32, #tpu.memory_space<vmem_shared>>) target_semaphore(%arg49 : memref<!tpu.dma_semaphore, #tpu.memory_space<semaphore_mem>>)
    %dma_wait3A = arith.constant 0 : i32
    %dma_wait3A_134 = tpu.memref_slice %arg52[%add3A_81, %dma_wait3A] : memref<10000x128xf32, #tpu.memory_space<vmem_shared>> -> memref<80x128xf32, #tpu.memory_space<vmem_shared>>
    %dma_wait3A_135 = arith.constant 0 : i32
    %dma_wait3A_136 = tpu.memref_slice %arg52[%add3A_81, %dma_wait3A_135] : memref<10000x128xf32, #tpu.memory_space<vmem_shared>> -> memref<80x128xf32, #tpu.memory_space<vmem_shared>>
    tpu.wait_dma2 semaphore(%arg49 : memref<!tpu.dma_semaphore, #tpu.memory_space<semaphore_mem>>) src(%arg25 : memref<80x128xf32, #tpu.memory_space<vmem>>) dst(%dma_wait3A_136 : memref<80x128xf32, #tpu.memory_space<vmem_shared>>)
    %dma_wait3A_137 = arith.constant 0 : i32
    %dma_wait3A_138 = tpu.memref_slice %arg52[%add3A_87, %dma_wait3A_137] : memref<10000x128xf32, #tpu.memory_space<vmem_shared>> -> memref<80x128xf32, #tpu.memory_space<vmem_shared>>
    %dma_wait3A_139 = arith.constant 0 : i32
    %dma_wait3A_140 = tpu.memref_slice %arg52[%add3A_87, %dma_wait3A_139] : memref<10000x128xf32, #tpu.memory_space<vmem_shared>> -> memref<80x128xf32, #tpu.memory_space<vmem_shared>>
    tpu.wait_dma2 semaphore(%arg49 : memref<!tpu.dma_semaphore, #tpu.memory_space<semaphore_mem>>) src(%arg25 : memref<80x128xf32, #tpu.memory_space<vmem>>) dst(%dma_wait3A_140 : memref<80x128xf32, #tpu.memory_space<vmem_shared>>)
    %dma_wait3A_141 = arith.constant 0 : i32
    %dma_wait3A_142 = tpu.memref_slice %arg52[%add3A_93, %dma_wait3A_141] : memref<10000x128xf32, #tpu.memory_space<vmem_shared>> -> memref<80x128xf32, #tpu.memory_space<vmem_shared>>
    %dma_wait3A_143 = arith.constant 0 : i32
    %dma_wait3A_144 = tpu.memref_slice %arg52[%add3A_93, %dma_wait3A_143] : memref<10000x128xf32, #tpu.memory_space<vmem_shared>> -> memref<80x128xf32, #tpu.memory_space<vmem_shared>>
    tpu.wait_dma2 semaphore(%arg49 : memref<!tpu.dma_semaphore, #tpu.memory_space<semaphore_mem>>) src(%arg25 : memref<80x128xf32, #tpu.memory_space<vmem>>) dst(%dma_wait3A_144 : memref<80x128xf32, #tpu.memory_space<vmem_shared>>)
    %dma_wait3A_145 = arith.constant 0 : i32
    %dma_wait3A_146 = tpu.memref_slice %arg52[%add3A_99, %dma_wait3A_145] : memref<10000x128xf32, #tpu.memory_space<vmem_shared>> -> memref<80x128xf32, #tpu.memory_space<vmem_shared>>
    %dma_wait3A_147 = arith.constant 0 : i32
    %dma_wait3A_148 = tpu.memref_slice %arg52[%add3A_99, %dma_wait3A_147] : memref<10000x128xf32, #tpu.memory_space<vmem_shared>> -> memref<80x128xf32, #tpu.memory_space<vmem_shared>>
    tpu.wait_dma2 semaphore(%arg49 : memref<!tpu.dma_semaphore, #tpu.memory_space<semaphore_mem>>) src(%arg25 : memref<80x128xf32, #tpu.memory_space<vmem>>) dst(%dma_wait3A_148 : memref<80x128xf32, #tpu.memory_space<vmem_shared>>)
    %dma_wait3A_149 = arith.constant 0 : i32
    %dma_wait3A_150 = tpu.memref_slice %arg52[%add3A_105, %dma_wait3A_149] : memref<10000x128xf32, #tpu.memory_space<vmem_shared>> -> memref<80x128xf32, #tpu.memory_space<vmem_shared>>
    %dma_wait3A_151 = arith.constant 0 : i32
    %dma_wait3A_152 = tpu.memref_slice %arg52[%add3A_105, %dma_wait3A_151] : memref<10000x128xf32, #tpu.memory_space<vmem_shared>> -> memref<80x128xf32, #tpu.memory_space<vmem_shared>>
    tpu.wait_dma2 semaphore(%arg49 : memref<!tpu.dma_semaphore, #tpu.memory_space<semaphore_mem>>) src(%arg25 : memref<80x128xf32, #tpu.memory_space<vmem>>) dst(%dma_wait3A_152 : memref<80x128xf32, #tpu.memory_space<vmem_shared>>)
    %dma_wait3A_153 = arith.constant 0 : i32
    %dma_wait3A_154 = tpu.memref_slice %arg52[%add3A_111, %dma_wait3A_153] : memref<10000x128xf32, #tpu.memory_space<vmem_shared>> -> memref<80x128xf32, #tpu.memory_space<vmem_shared>>
    %dma_wait3A_155 = arith.constant 0 : i32
    %dma_wait3A_156 = tpu.memref_slice %arg52[%add3A_111, %dma_wait3A_155] : memref<10000x128xf32, #tpu.memory_space<vmem_shared>> -> memref<80x128xf32, #tpu.memory_space<vmem_shared>>
    tpu.wait_dma2 semaphore(%arg49 : memref<!tpu.dma_semaphore, #tpu.memory_space<semaphore_mem>>) src(%arg25 : memref<80x128xf32, #tpu.memory_space<vmem>>) dst(%dma_wait3A_156 : memref<80x128xf32, #tpu.memory_space<vmem_shared>>)
    %dma_wait3A_157 = arith.constant 0 : i32
    %dma_wait3A_158 = tpu.memref_slice %arg52[%add3A_117, %dma_wait3A_157] : memref<10000x128xf32, #tpu.memory_space<vmem_shared>> -> memref<80x128xf32, #tpu.memory_space<vmem_shared>>
    %dma_wait3A_159 = arith.constant 0 : i32
    %dma_wait3A_160 = tpu.memref_slice %arg52[%add3A_117, %dma_wait3A_159] : memref<10000x128xf32, #tpu.memory_space<vmem_shared>> -> memref<80x128xf32, #tpu.memory_space<vmem_shared>>
    tpu.wait_dma2 semaphore(%arg49 : memref<!tpu.dma_semaphore, #tpu.memory_space<semaphore_mem>>) src(%arg25 : memref<80x128xf32, #tpu.memory_space<vmem>>) dst(%dma_wait3A_160 : memref<80x128xf32, #tpu.memory_space<vmem_shared>>)
    %dma_wait3A_161 = arith.constant 0 : i32
    %dma_wait3A_162 = arith.constant 0 : i32
    %dma_wait3A_163 = tpu.memref_slice %arg25[%dma_wait3A_161, %dma_wait3A_162] : memref<80x128xf32, #tpu.memory_space<vmem>> -> memref<64x128xf32, #tpu.memory_space<vmem>>
    %dma_wait3A_164 = arith.constant 0 : i32
    %dma_wait3A_165 = tpu.memref_slice %arg52[%add3A_123, %dma_wait3A_164] : memref<10000x128xf32, #tpu.memory_space<vmem_shared>> -> memref<64x128xf32, #tpu.memory_space<vmem_shared>>
    %dma_wait3A_166 = arith.constant 0 : i32
    %dma_wait3A_167 = tpu.memref_slice %arg52[%add3A_123, %dma_wait3A_166] : memref<10000x128xf32, #tpu.memory_space<vmem_shared>> -> memref<64x128xf32, #tpu.memory_space<vmem_shared>>
    %dma_wait3A_168 = arith.constant 0 : i32
    %dma_wait3A_169 = arith.constant 0 : i32
    %dma_wait3A_170 = tpu.memref_slice %arg25[%dma_wait3A_168, %dma_wait3A_169] : memref<80x128xf32, #tpu.memory_space<vmem>> -> memref<64x128xf32, #tpu.memory_space<vmem>>
    tpu.wait_dma2 semaphore(%arg49 : memref<!tpu.dma_semaphore, #tpu.memory_space<semaphore_mem>>) src(%dma_wait3A_170 : memref<64x128xf32, #tpu.memory_space<vmem>>) dst(%dma_wait3A_167 : memref<64x128xf32, #tpu.memory_space<vmem_shared>>)
    %eq3A = arith.constant 15 : i32
    %eq3A_171 = arith.cmpi eq, %arg1, %eq3A : i32
    %convert_element_type3A = arith.extui %eq3A_171 : i1 to i32
    %cond3A = arith.constant 0 : i32
    %cond3A_172 = arith.cmpi ne, %convert_element_type3A, %cond3A : i32
    scf.if %cond3A_172 {
      "tpu.region"() ({
        %run_scoped3A = tpu.sem_alloc : memref<!tpu.dma_semaphore, #tpu.memory_space<semaphore_mem>>
        %dma_start3A_291 = arith.constant 0 : i32
        %dma_start3A_292 = arith.constant 0 : i32
        %dma_start3A_293 = tpu.memref_slice %arg25[%dma_start3A_291, %dma_start3A_292] : memref<80x128xf32, #tpu.memory_space<vmem>> -> memref<16x128xf32, #tpu.memory_space<vmem>>
        %dma_start3A_294 = arith.constant 9984 : i32
        %dma_start3A_295 = arith.constant 0 : i32
        %dma_start3A_296 = tpu.memref_slice %arg52[%dma_start3A_294, %dma_start3A_295] : memref<10000x128xf32, #tpu.memory_space<vmem_shared>> -> memref<16x128xf32, #tpu.memory_space<vmem_shared>>
        %dma_start3A_297 = arith.constant 9984 : i32
        %dma_start3A_298 = arith.constant 0 : i32
        %dma_start3A_299 = tpu.memref_slice %arg52[%dma_start3A_297, %dma_start3A_298] : memref<10000x128xf32, #tpu.memory_space<vmem_shared>> -> memref<16x128xf32, #tpu.memory_space<vmem_shared>>
        %dma_start3A_300 = arith.constant 0 : i32
        %dma_start3A_301 = arith.constant 0 : i32
        %dma_start3A_302 = tpu.memref_slice %arg25[%dma_start3A_300, %dma_start3A_301] : memref<80x128xf32, #tpu.memory_space<vmem>> -> memref<16x128xf32, #tpu.memory_space<vmem>>
        tpu.enqueue_dma source(%dma_start3A_302 : memref<16x128xf32, #tpu.memory_space<vmem>>) target(%dma_start3A_299 : memref<16x128xf32, #tpu.memory_space<vmem_shared>>) target_semaphore(%run_scoped3A : memref<!tpu.dma_semaphore, #tpu.memory_space<semaphore_mem>>)
        %dma_wait3A_303 = arith.constant 0 : i32
        %dma_wait3A_304 = arith.constant 0 : i32
        %dma_wait3A_305 = tpu.memref_slice %arg25[%dma_wait3A_303, %dma_wait3A_304] : memref<80x128xf32, #tpu.memory_space<vmem>> -> memref<16x128xf32, #tpu.memory_space<vmem>>
        %dma_wait3A_306 = arith.constant 9984 : i32
        %dma_wait3A_307 = arith.constant 0 : i32
        %dma_wait3A_308 = tpu.memref_slice %arg52[%dma_wait3A_306, %dma_wait3A_307] : memref<10000x128xf32, #tpu.memory_space<vmem_shared>> -> memref<16x128xf32, #tpu.memory_space<vmem_shared>>
        %dma_wait3A_309 = arith.constant 9984 : i32
        %dma_wait3A_310 = arith.constant 0 : i32
        %dma_wait3A_311 = tpu.memref_slice %arg52[%dma_wait3A_309, %dma_wait3A_310] : memref<10000x128xf32, #tpu.memory_space<vmem_shared>> -> memref<16x128xf32, #tpu.memory_space<vmem_shared>>
        %dma_wait3A_312 = arith.constant 0 : i32
        %dma_wait3A_313 = arith.constant 0 : i32
        %dma_wait3A_314 = tpu.memref_slice %arg25[%dma_wait3A_312, %dma_wait3A_313] : memref<80x128xf32, #tpu.memory_space<vmem>> -> memref<16x128xf32, #tpu.memory_space<vmem>>
        tpu.wait_dma2 semaphore(%run_scoped3A : memref<!tpu.dma_semaphore, #tpu.memory_space<semaphore_mem>>) src(%dma_wait3A_314 : memref<16x128xf32, #tpu.memory_space<vmem>>) dst(%dma_wait3A_311 : memref<16x128xf32, #tpu.memory_space<vmem_shared>>)
        tpu.yield
      }) : () -> ()
    } else {
    }
    %barrier3A = arith.constant 0 : index
    tpu.barrier barrier_id(%barrier3A)
    %dma_wait3A_173 = tpu.memref_slice %arg3[%mul3A_2] : memref<320000xi32, #tpu.memory_space<hbm>> -> memref<80xi32, #tpu.memory_space<hbm>>
    %dma_wait3A_174 = tpu.memref_slice %arg3[%mul3A_2] : memref<320000xi32, #tpu.memory_space<hbm>> -> memref<80xi32, #tpu.memory_space<hbm>>
    tpu.wait_dma2 semaphore(%arg28 : memref<!tpu.dma_semaphore, #tpu.memory_space<semaphore_mem>>) src(%dma_wait3A_174 : memref<80xi32, #tpu.memory_space<hbm>>) dst(%arg7 : memref<80xi32, #tpu.memory_space<vmem>>)
    %dma_start3A_175 = arith.constant 0 : i32
    %dma_start3A_176 = arith.constant 0 : i32
    %dma_start3A_177 = tpu.memref_slice %arg2[%dma_start3A_175, %dma_start3A_176] : memref<10000x128xf32, #tpu.memory_space<hbm>> -> memref<10000x128xf32, #tpu.memory_space<hbm>>
    tpu.enqueue_indirect_dma source(%dma_start3A_177 : memref<10000x128xf32, #tpu.memory_space<hbm>>) target(%arg25 : memref<80x128xf32, #tpu.memory_space<vmem>>) offsets(%arg7 : memref<80xi32, #tpu.memory_space<vmem>>) semaphore(%arg46 : memref<!tpu.dma_semaphore, #tpu.memory_space<semaphore_mem>>)
    %dma_wait3A_178 = tpu.memref_slice %arg3[%mul3A_2] : memref<320000xi32, #tpu.memory_space<hbm>> -> memref<80xi32, #tpu.memory_space<hbm>>
    %dma_wait3A_179 = tpu.memref_slice %arg3[%mul3A_2] : memref<320000xi32, #tpu.memory_space<hbm>> -> memref<80xi32, #tpu.memory_space<hbm>>
    tpu.wait_dma2 semaphore(%arg29 : memref<!tpu.dma_semaphore, #tpu.memory_space<semaphore_mem>>) src(%dma_wait3A_179 : memref<80xi32, #tpu.memory_space<hbm>>) dst(%arg8 : memref<80xi32, #tpu.memory_space<vmem>>)
    %dma_start3A_180 = arith.constant 0 : i32
    %dma_start3A_181 = arith.constant 0 : i32
    %dma_start3A_182 = tpu.memref_slice %arg2[%dma_start3A_180, %dma_start3A_181] : memref<10000x128xf32, #tpu.memory_space<hbm>> -> memref<10000x128xf32, #tpu.memory_space<hbm>>
    tpu.enqueue_indirect_dma source(%dma_start3A_182 : memref<10000x128xf32, #tpu.memory_space<hbm>>) target(%arg26 : memref<80x128xf32, #tpu.memory_space<vmem>>) offsets(%arg8 : memref<80xi32, #tpu.memory_space<vmem>>) semaphore(%arg47 : memref<!tpu.dma_semaphore, #tpu.memory_space<semaphore_mem>>)
    %scan3A_183 = arith.constant 0 : i32
    %scan3A_184 = arith.constant 20 : i32
    %scan3A_185 = arith.addi %scan3A_183, %scan3A_184 : i32
    %scan3A_186 = arith.constant 1 : i32
    scf.for %scan3A_291 = %scan3A_183 to %scan3A_185 step %scan3A_186  : i32 {
      %mul3A_292 = arith.constant 1 : i32
      %mul3A_293 = arith.muli %scan3A_291, %mul3A_292 : i32
      %add3A_294 = arith.constant 0 : i32
      %add3A_295 = arith.addi %add3A_294, %mul3A_293 : i32
      %mul3A_296 = arith.constant 6 : i32
      %mul3A_297 = arith.muli %add3A_295, %mul3A_296 : i32
      %add3A_298 = arith.constant 0 : i32
      %add3A_299 = arith.addi %mul3A_297, %add3A_298 : i32
      %dma_wait3A_300 = arith.constant 0 : i32
      %dma_wait3A_301 = arith.constant 0 : i32
      %dma_wait3A_302 = tpu.memref_slice %arg2[%dma_wait3A_300, %dma_wait3A_301] : memref<10000x128xf32, #tpu.memory_space<hbm>> -> memref<10000x128xf32, #tpu.memory_space<hbm>>
      tpu.wait_indirect_dma semaphore(%arg46 : memref<!tpu.dma_semaphore, #tpu.memory_space<semaphore_mem>>) src(%dma_wait3A_302 : memref<10000x128xf32, #tpu.memory_space<hbm>>) dst(%arg25 : memref<80x128xf32, #tpu.memory_space<vmem>>)
      %dma_wait3A_303 = tpu.memref_slice %arg5[%mul3A_2] : memref<320000xf32, #tpu.memory_space<hbm>> -> memref<80xf32, #tpu.memory_space<hbm>>
      %dma_wait3A_304 = tpu.memref_slice %arg5[%mul3A_2] : memref<320000xf32, #tpu.memory_space<hbm>> -> memref<80xf32, #tpu.memory_space<hbm>>
      tpu.wait_dma2 semaphore(%arg40 : memref<!tpu.dma_semaphore, #tpu.memory_space<semaphore_mem>>) src(%dma_wait3A_304 : memref<80xf32, #tpu.memory_space<hbm>>) dst(%arg19 : memref<80xf32, #tpu.memory_space<vmem>>)
      %parallel_loop3A_305 = arith.constant 0 : i32
      %parallel_loop3A_306 = arith.constant 80 : i32
      %parallel_loop3A_307 = arith.constant 1 : i32
      scf.for %parallel_loop3A_540 = %parallel_loop3A_305 to %parallel_loop3A_306 step %parallel_loop3A_307  : i32 {
        %parallel_loop3A_541 = vector.broadcast %parallel_loop3A_540 : i32 to vector<16xi32>
        %parallel_loop3A_542 = tpu.vector_load_idx %arg19[%parallel_loop3A_541] : memref<80xf32, #tpu.memory_space<vmem>>[vector<16xi32>], vector<16xf32>,
        %parallel_loop3A_543 = arith.index_cast %parallel_loop3A_540 : i32 to index
        %parallel_loop3A_544 = arith.constant 0 : index
        %parallel_loop3A_545 = tpu.vector_load %arg25[%parallel_loop3A_543, %parallel_loop3A_544] {strides = array<i32>} : memref<80x128xf32, #tpu.memory_space<vmem>>, vector<16xf32>,
        %parallel_loop3A_546 = arith.mulf %parallel_loop3A_545, %parallel_loop3A_542 : vector<16xf32>
        %parallel_loop3A_547 = arith.index_cast %parallel_loop3A_540 : i32 to index
        %parallel_loop3A_548 = arith.constant 0 : index
        %parallel_loop3A_549 = tpu.vector_load %arg25[%parallel_loop3A_547, %parallel_loop3A_548] {strides = array<i32>} : memref<80x128xf32, #tpu.memory_space<vmem>>, vector<16xf32>,
        tpu.vector_store %arg25[%parallel_loop3A_547, %parallel_loop3A_548], %parallel_loop3A_546 {strides = array<i32>} : memref<80x128xf32, #tpu.memory_space<vmem>>, vector<16xf32>,
        %parallel_loop3A_550 = arith.index_cast %parallel_loop3A_540 : i32 to index
        %parallel_loop3A_551 = arith.constant 16 : index
        %parallel_loop3A_552 = tpu.vector_load %arg25[%parallel_loop3A_550, %parallel_loop3A_551] {strides = array<i32>} : memref<80x128xf32, #tpu.memory_space<vmem>>, vector<16xf32>,
        %parallel_loop3A_553 = arith.mulf %parallel_loop3A_552, %parallel_loop3A_542 : vector<16xf32>
        %parallel_loop3A_554 = arith.index_cast %parallel_loop3A_540 : i32 to index
        %parallel_loop3A_555 = arith.constant 16 : index
        %parallel_loop3A_556 = tpu.vector_load %arg25[%parallel_loop3A_554, %parallel_loop3A_555] {strides = array<i32>} : memref<80x128xf32, #tpu.memory_space<vmem>>, vector<16xf32>,
        tpu.vector_store %arg25[%parallel_loop3A_554, %parallel_loop3A_555], %parallel_loop3A_553 {strides = array<i32>} : memref<80x128xf32, #tpu.memory_space<vmem>>, vector<16xf32>,
        %parallel_loop3A_557 = arith.index_cast %parallel_loop3A_540 : i32 to index
        %parallel_loop3A_558 = arith.constant 32 : index
        %parallel_loop3A_559 = tpu.vector_load %arg25[%parallel_loop3A_557, %parallel_loop3A_558] {strides = array<i32>} : memref<80x128xf32, #tpu.memory_space<vmem>>, vector<16xf32>,
        %parallel_loop3A_560 = arith.mulf %parallel_loop3A_559, %parallel_loop3A_542 : vector<16xf32>
        %parallel_loop3A_561 = arith.index_cast %parallel_loop3A_540 : i32 to index
        %parallel_loop3A_562 = arith.constant 32 : index
        %parallel_loop3A_563 = tpu.vector_load %arg25[%parallel_loop3A_561, %parallel_loop3A_562] {strides = array<i32>} : memref<80x128xf32, #tpu.memory_space<vmem>>, vector<16xf32>,
        tpu.vector_store %arg25[%parallel_loop3A_561, %parallel_loop3A_562], %parallel_loop3A_560 {strides = array<i32>} : memref<80x128xf32, #tpu.memory_space<vmem>>, vector<16xf32>,
        %parallel_loop3A_564 = arith.index_cast %parallel_loop3A_540 : i32 to index
        %parallel_loop3A_565 = arith.constant 48 : index
        %parallel_loop3A_566 = tpu.vector_load %arg25[%parallel_loop3A_564, %parallel_loop3A_565] {strides = array<i32>} : memref<80x128xf32, #tpu.memory_space<vmem>>, vector<16xf32>,
        %parallel_loop3A_567 = arith.mulf %parallel_loop3A_566, %parallel_loop3A_542 : vector<16xf32>
        %parallel_loop3A_568 = arith.index_cast %parallel_loop3A_540 : i32 to index
        %parallel_loop3A_569 = arith.constant 48 : index
        %parallel_loop3A_570 = tpu.vector_load %arg25[%parallel_loop3A_568, %parallel_loop3A_569] {strides = array<i32>} : memref<80x128xf32, #tpu.memory_space<vmem>>, vector<16xf32>,
        tpu.vector_store %arg25[%parallel_loop3A_568, %parallel_loop3A_569], %parallel_loop3A_567 {strides = array<i32>} : memref<80x128xf32, #tpu.memory_space<vmem>>, vector<16xf32>,
        %parallel_loop3A_571 = arith.index_cast %parallel_loop3A_540 : i32 to index
        %parallel_loop3A_572 = arith.constant 64 : index
        %parallel_loop3A_573 = tpu.vector_load %arg25[%parallel_loop3A_571, %parallel_loop3A_572] {strides = array<i32>} : memref<80x128xf32, #tpu.memory_space<vmem>>, vector<16xf32>,
        %parallel_loop3A_574 = arith.mulf %parallel_loop3A_573, %parallel_loop3A_542 : vector<16xf32>
        %parallel_loop3A_575 = arith.index_cast %parallel_loop3A_540 : i32 to index
        %parallel_loop3A_576 = arith.constant 64 : index
        %parallel_loop3A_577 = tpu.vector_load %arg25[%parallel_loop3A_575, %parallel_loop3A_576] {strides = array<i32>} : memref<80x128xf32, #tpu.memory_space<vmem>>, vector<16xf32>,
        tpu.vector_store %arg25[%parallel_loop3A_575, %parallel_loop3A_576], %parallel_loop3A_574 {strides = array<i32>} : memref<80x128xf32, #tpu.memory_space<vmem>>, vector<16xf32>,
        %parallel_loop3A_578 = arith.index_cast %parallel_loop3A_540 : i32 to index
        %parallel_loop3A_579 = arith.constant 80 : index
        %parallel_loop3A_580 = tpu.vector_load %arg25[%parallel_loop3A_578, %parallel_loop3A_579] {strides = array<i32>} : memref<80x128xf32, #tpu.memory_space<vmem>>, vector<16xf32>,
        %parallel_loop3A_581 = arith.mulf %parallel_loop3A_580, %parallel_loop3A_542 : vector<16xf32>
        %parallel_loop3A_582 = arith.index_cast %parallel_loop3A_540 : i32 to index
        %parallel_loop3A_583 = arith.constant 80 : index
        %parallel_loop3A_584 = tpu.vector_load %arg25[%parallel_loop3A_582, %parallel_loop3A_583] {strides = array<i32>} : memref<80x128xf32, #tpu.memory_space<vmem>>, vector<16xf32>,
        tpu.vector_store %arg25[%parallel_loop3A_582, %parallel_loop3A_583], %parallel_loop3A_581 {strides = array<i32>} : memref<80x128xf32, #tpu.memory_space<vmem>>, vector<16xf32>,
        %parallel_loop3A_585 = arith.index_cast %parallel_loop3A_540 : i32 to index
        %parallel_loop3A_586 = arith.constant 96 : index
        %parallel_loop3A_587 = tpu.vector_load %arg25[%parallel_loop3A_585, %parallel_loop3A_586] {strides = array<i32>} : memref<80x128xf32, #tpu.memory_space<vmem>>, vector<16xf32>,
        %parallel_loop3A_588 = arith.mulf %parallel_loop3A_587, %parallel_loop3A_542 : vector<16xf32>
        %parallel_loop3A_589 = arith.index_cast %parallel_loop3A_540 : i32 to index
        %parallel_loop3A_590 = arith.constant 96 : index
        %parallel_loop3A_591 = tpu.vector_load %arg25[%parallel_loop3A_589, %parallel_loop3A_590] {strides = array<i32>} : memref<80x128xf32, #tpu.memory_space<vmem>>, vector<16xf32>,
        tpu.vector_store %arg25[%parallel_loop3A_589, %parallel_loop3A_590], %parallel_loop3A_588 {strides = array<i32>} : memref<80x128xf32, #tpu.memory_space<vmem>>, vector<16xf32>,
        %parallel_loop3A_592 = arith.index_cast %parallel_loop3A_540 : i32 to index
        %parallel_loop3A_593 = arith.constant 112 : index
        %parallel_loop3A_594 = tpu.vector_load %arg25[%parallel_loop3A_592, %parallel_loop3A_593] {strides = array<i32>} : memref<80x128xf32, #tpu.memory_space<vmem>>, vector<16xf32>,
        %parallel_loop3A_595 = arith.mulf %parallel_loop3A_594, %parallel_loop3A_542 : vector<16xf32>
        %parallel_loop3A_596 = arith.index_cast %parallel_loop3A_540 : i32 to index
        %parallel_loop3A_597 = arith.constant 112 : index
        %parallel_loop3A_598 = tpu.vector_load %arg25[%parallel_loop3A_596, %parallel_loop3A_597] {strides = array<i32>} : memref<80x128xf32, #tpu.memory_space<vmem>>, vector<16xf32>,
        tpu.vector_store %arg25[%parallel_loop3A_596, %parallel_loop3A_597], %parallel_loop3A_595 {strides = array<i32>} : memref<80x128xf32, #tpu.memory_space<vmem>>, vector<16xf32>,
      } {sc.loop_unroll_factor = 4 : i64, sc.parallel_access}
      %dma_wait3A_308 = tpu.memref_slice %arg4[%mul3A_2] : memref<320000xi32, #tpu.memory_space<hbm>> -> memref<80xi32, #tpu.memory_space<hbm>>
      %dma_wait3A_309 = tpu.memref_slice %arg4[%mul3A_2] : memref<320000xi32, #tpu.memory_space<hbm>> -> memref<80xi32, #tpu.memory_space<hbm>>
      tpu.wait_dma2 semaphore(%arg34 : memref<!tpu.dma_semaphore, #tpu.memory_space<semaphore_mem>>) src(%dma_wait3A_309 : memref<80xi32, #tpu.memory_space<hbm>>) dst(%arg13 : memref<80xi32, #tpu.memory_space<vmem>>)
      %dma_start3A_310 = arith.constant 0 : i32
      %dma_start3A_311 = arith.constant 0 : i32
      %dma_start3A_312 = tpu.memref_slice %arg52[%dma_start3A_310, %dma_start3A_311] : memref<10000x128xf32, #tpu.memory_space<vmem_shared>> -> memref<10000x128xf32, #tpu.memory_space<vmem_shared>>
      tpu.enqueue_indirect_dma source(%arg25 : memref<80x128xf32, #tpu.memory_space<vmem>>) target(%dma_start3A_312 : memref<10000x128xf32, #tpu.memory_space<vmem_shared>>) offsets(%arg13 : memref<80xi32, #tpu.memory_space<vmem>>) semaphore(%arg49 : memref<!tpu.dma_semaphore, #tpu.memory_space<semaphore_mem>>) {add = true}
      %ge3A = arith.constant 1 : i32
      %ge3A_313 = arith.cmpi sge, %add3A_299, %ge3A : i32
      %convert_element_type3A_314 = arith.extui %ge3A_313 : i1 to i32
      %cond3A_315 = arith.constant 0 : i32
      %cond3A_316 = arith.cmpi ne, %convert_element_type3A_314, %cond3A_315 : i32
      scf.if %cond3A_316 {
        %dma_wait3A_540 = arith.constant 0 : i32
        %dma_wait3A_541 = arith.constant 0 : i32
        %dma_wait3A_542 = tpu.memref_slice %arg52[%dma_wait3A_540, %dma_wait3A_541] : memref<10000x128xf32, #tpu.memory_space<vmem_shared>> -> memref<10000x128xf32, #tpu.memory_space<vmem_shared>>
        tpu.wait_indirect_dma semaphore(%arg51 : memref<!tpu.dma_semaphore, #tpu.memory_space<semaphore_mem>>) src(%arg27 : memref<80x128xf32, #tpu.memory_space<vmem>>) dst(%dma_wait3A_542 : memref<10000x128xf32, #tpu.memory_space<vmem_shared>>)
      } else {
      }
      %ge3A_317 = arith.constant 1 : i32
      %ge3A_318 = arith.cmpi sge, %add3A_299, %ge3A_317 : i32
      %add3A_319 = arith.constant 6 : i32
      %add3A_320 = arith.addi %add3A_299, %add3A_319 : i32
      %sub3A = arith.constant 1 : i32
      %sub3A_321 = arith.subi %add3A_320, %sub3A : i32
      %lt3A = arith.constant 125 : i32
      %lt3A_322 = arith.cmpi slt, %sub3A_321, %lt3A : i32
      %and3A = arith.andi %ge3A_318, %lt3A_322 : i1
      %convert_element_type3A_323 = arith.extui %and3A : i1 to i32
      %cond3A_324 = arith.constant 0 : i32
      %cond3A_325 = arith.cmpi ne, %convert_element_type3A_323, %cond3A_324 : i32
      scf.if %cond3A_325 {
        %add3A_540 = arith.constant 6 : i32
        %add3A_541 = arith.addi %add3A_299, %add3A_540 : i32
        %sub3A_542 = arith.constant 1 : i32
        %sub3A_543 = arith.subi %add3A_541, %sub3A_542 : i32
        %mul3A_544 = arith.constant 80 : i32
        %mul3A_545 = arith.muli %sub3A_543, %mul3A_544 : i32
        %add3A_546 = arith.addi %mul3A_2, %mul3A_545 : i32
        %dma_start3A_547 = tpu.memref_slice %arg3[%add3A_546] : memref<320000xi32, #tpu.memory_space<hbm>> -> memref<80xi32, #tpu.memory_space<hbm>>
        %dma_start3A_548 = tpu.memref_slice %arg3[%add3A_546] : memref<320000xi32, #tpu.memory_space<hbm>> -> memref<80xi32, #tpu.memory_space<hbm>>
        tpu.enqueue_dma source(%dma_start3A_548 : memref<80xi32, #tpu.memory_space<hbm>>) target(%arg12 : memref<80xi32, #tpu.memory_space<vmem>>) target_semaphore(%arg33 : memref<!tpu.dma_semaphore, #tpu.memory_space<semaphore_mem>>)
        %add3A_549 = arith.addi %mul3A_2, %mul3A_545 : i32
        %dma_start3A_550 = tpu.memref_slice %arg4[%add3A_549] : memref<320000xi32, #tpu.memory_space<hbm>> -> memref<80xi32, #tpu.memory_space<hbm>>
        %dma_start3A_551 = tpu.memref_slice %arg4[%add3A_549] : memref<320000xi32, #tpu.memory_space<hbm>> -> memref<80xi32, #tpu.memory_space<hbm>>
        tpu.enqueue_dma source(%dma_start3A_551 : memref<80xi32, #tpu.memory_space<hbm>>) target(%arg18 : memref<80xi32, #tpu.memory_space<vmem>>) target_semaphore(%arg39 : memref<!tpu.dma_semaphore, #tpu.memory_space<semaphore_mem>>)
        %add3A_552 = arith.addi %mul3A_2, %mul3A_545 : i32
        %dma_start3A_553 = tpu.memref_slice %arg5[%add3A_552] : memref<320000xf32, #tpu.memory_space<hbm>> -> memref<80xf32, #tpu.memory_space<hbm>>
        %dma_start3A_554 = tpu.memref_slice %arg5[%add3A_552] : memref<320000xf32, #tpu.memory_space<hbm>> -> memref<80xf32, #tpu.memory_space<hbm>>
        tpu.enqueue_dma source(%dma_start3A_554 : memref<80xf32, #tpu.memory_space<hbm>>) target(%arg24 : memref<80xf32, #tpu.memory_space<vmem>>) target_semaphore(%arg45 : memref<!tpu.dma_semaphore, #tpu.memory_space<semaphore_mem>>)
      } else {
      }
      %add3A_326 = arith.constant 3 : i32
      %add3A_327 = arith.addi %add3A_299, %add3A_326 : i32
      %sub3A_328 = arith.constant 1 : i32
      %sub3A_329 = arith.subi %add3A_327, %sub3A_328 : i32
      %lt3A_330 = arith.constant 125 : i32
      %lt3A_331 = arith.cmpi slt, %sub3A_329, %lt3A_330 : i32
      %convert_element_type3A_332 = arith.extui %lt3A_331 : i1 to i32
      %cond3A_333 = arith.constant 0 : i32
      %cond3A_334 = arith.cmpi ne, %convert_element_type3A_332, %cond3A_333 : i32
      scf.if %cond3A_334 {
        %dma_wait3A_540 = tpu.memref_slice %arg3[%mul3A_2] : memref<320000xi32, #tpu.memory_space<hbm>> -> memref<80xi32, #tpu.memory_space<hbm>>
        %dma_wait3A_541 = tpu.memref_slice %arg3[%mul3A_2] : memref<320000xi32, #tpu.memory_space<hbm>> -> memref<80xi32, #tpu.memory_space<hbm>>
        tpu.wait_dma2 semaphore(%arg30 : memref<!tpu.dma_semaphore, #tpu.memory_space<semaphore_mem>>) src(%dma_wait3A_541 : memref<80xi32, #tpu.memory_space<hbm>>) dst(%arg9 : memref<80xi32, #tpu.memory_space<vmem>>)
        %dma_start3A_542 = arith.constant 0 : i32
        %dma_start3A_543 = arith.constant 0 : i32
        %dma_start3A_544 = tpu.memref_slice %arg2[%dma_start3A_542, %dma_start3A_543] : memref<10000x128xf32, #tpu.memory_space<hbm>> -> memref<10000x128xf32, #tpu.memory_space<hbm>>
        tpu.enqueue_indirect_dma source(%dma_start3A_544 : memref<10000x128xf32, #tpu.memory_space<hbm>>) target(%arg27 : memref<80x128xf32, #tpu.memory_space<vmem>>) offsets(%arg9 : memref<80xi32, #tpu.memory_space<vmem>>) semaphore(%arg48 : memref<!tpu.dma_semaphore, #tpu.memory_space<semaphore_mem>>)
      } else {
      }
      %add3A_335 = arith.constant 1 : i32
      %add3A_336 = arith.addi %mul3A_297, %add3A_335 : i32
      %dma_wait3A_337 = arith.constant 0 : i32
      %dma_wait3A_338 = arith.constant 0 : i32
      %dma_wait3A_339 = tpu.memref_slice %arg2[%dma_wait3A_337, %dma_wait3A_338] : memref<10000x128xf32, #tpu.memory_space<hbm>> -> memref<10000x128xf32, #tpu.memory_space<hbm>>
      tpu.wait_indirect_dma semaphore(%arg47 : memref<!tpu.dma_semaphore, #tpu.memory_space<semaphore_mem>>) src(%dma_wait3A_339 : memref<10000x128xf32, #tpu.memory_space<hbm>>) dst(%arg26 : memref<80x128xf32, #tpu.memory_space<vmem>>)
      %dma_wait3A_340 = tpu.memref_slice %arg5[%mul3A_2] : memref<320000xf32, #tpu.memory_space<hbm>> -> memref<80xf32, #tpu.memory_space<hbm>>
      %dma_wait3A_341 = tpu.memref_slice %arg5[%mul3A_2] : memref<320000xf32, #tpu.memory_space<hbm>> -> memref<80xf32, #tpu.memory_space<hbm>>
      tpu.wait_dma2 semaphore(%arg41 : memref<!tpu.dma_semaphore, #tpu.memory_space<semaphore_mem>>) src(%dma_wait3A_341 : memref<80xf32, #tpu.memory_space<hbm>>) dst(%arg20 : memref<80xf32, #tpu.memory_space<vmem>>)
      %parallel_loop3A_342 = arith.constant 0 : i32
      %parallel_loop3A_343 = arith.constant 80 : i32
      %parallel_loop3A_344 = arith.constant 1 : i32
      scf.for %parallel_loop3A_540 = %parallel_loop3A_342 to %parallel_loop3A_343 step %parallel_loop3A_344  : i32 {
        %parallel_loop3A_541 = vector.broadcast %parallel_loop3A_540 : i32 to vector<16xi32>
        %parallel_loop3A_542 = tpu.vector_load_idx %arg20[%parallel_loop3A_541] : memref<80xf32, #tpu.memory_space<vmem>>[vector<16xi32>], vector<16xf32>,
        %parallel_loop3A_543 = arith.index_cast %parallel_loop3A_540 : i32 to index
        %parallel_loop3A_544 = arith.constant 0 : index
        %parallel_loop3A_545 = tpu.vector_load %arg26[%parallel_loop3A_543, %parallel_loop3A_544] {strides = array<i32>} : memref<80x128xf32, #tpu.memory_space<vmem>>, vector<16xf32>,
        %parallel_loop3A_546 = arith.mulf %parallel_loop3A_545, %parallel_loop3A_542 : vector<16xf32>
        %parallel_loop3A_547 = arith.index_cast %parallel_loop3A_540 : i32 to index
        %parallel_loop3A_548 = arith.constant 0 : index
        %parallel_loop3A_549 = tpu.vector_load %arg26[%parallel_loop3A_547, %parallel_loop3A_548] {strides = array<i32>} : memref<80x128xf32, #tpu.memory_space<vmem>>, vector<16xf32>,
        tpu.vector_store %arg26[%parallel_loop3A_547, %parallel_loop3A_548], %parallel_loop3A_546 {strides = array<i32>} : memref<80x128xf32, #tpu.memory_space<vmem>>, vector<16xf32>,
        %parallel_loop3A_550 = arith.index_cast %parallel_loop3A_540 : i32 to index
        %parallel_loop3A_551 = arith.constant 16 : index
        %parallel_loop3A_552 = tpu.vector_load %arg26[%parallel_loop3A_550, %parallel_loop3A_551] {strides = array<i32>} : memref<80x128xf32, #tpu.memory_space<vmem>>, vector<16xf32>,
        %parallel_loop3A_553 = arith.mulf %parallel_loop3A_552, %parallel_loop3A_542 : vector<16xf32>
        %parallel_loop3A_554 = arith.index_cast %parallel_loop3A_540 : i32 to index
        %parallel_loop3A_555 = arith.constant 16 : index
        %parallel_loop3A_556 = tpu.vector_load %arg26[%parallel_loop3A_554, %parallel_loop3A_555] {strides = array<i32>} : memref<80x128xf32, #tpu.memory_space<vmem>>, vector<16xf32>,
        tpu.vector_store %arg26[%parallel_loop3A_554, %parallel_loop3A_555], %parallel_loop3A_553 {strides = array<i32>} : memref<80x128xf32, #tpu.memory_space<vmem>>, vector<16xf32>,
        %parallel_loop3A_557 = arith.index_cast %parallel_loop3A_540 : i32 to index
        %parallel_loop3A_558 = arith.constant 32 : index
        %parallel_loop3A_559 = tpu.vector_load %arg26[%parallel_loop3A_557, %parallel_loop3A_558] {strides = array<i32>} : memref<80x128xf32, #tpu.memory_space<vmem>>, vector<16xf32>,
        %parallel_loop3A_560 = arith.mulf %parallel_loop3A_559, %parallel_loop3A_542 : vector<16xf32>
        %parallel_loop3A_561 = arith.index_cast %parallel_loop3A_540 : i32 to index
        %parallel_loop3A_562 = arith.constant 32 : index
        %parallel_loop3A_563 = tpu.vector_load %arg26[%parallel_loop3A_561, %parallel_loop3A_562] {strides = array<i32>} : memref<80x128xf32, #tpu.memory_space<vmem>>, vector<16xf32>,
        tpu.vector_store %arg26[%parallel_loop3A_561, %parallel_loop3A_562], %parallel_loop3A_560 {strides = array<i32>} : memref<80x128xf32, #tpu.memory_space<vmem>>, vector<16xf32>,
        %parallel_loop3A_564 = arith.index_cast %parallel_loop3A_540 : i32 to index
        %parallel_loop3A_565 = arith.constant 48 : index
        %parallel_loop3A_566 = tpu.vector_load %arg26[%parallel_loop3A_564, %parallel_loop3A_565] {strides = array<i32>} : memref<80x128xf32, #tpu.memory_space<vmem>>, vector<16xf32>,
        %parallel_loop3A_567 = arith.mulf %parallel_loop3A_566, %parallel_loop3A_542 : vector<16xf32>
        %parallel_loop3A_568 = arith.index_cast %parallel_loop3A_540 : i32 to index
        %parallel_loop3A_569 = arith.constant 48 : index
        %parallel_loop3A_570 = tpu.vector_load %arg26[%parallel_loop3A_568, %parallel_loop3A_569] {strides = array<i32>} : memref<80x128xf32, #tpu.memory_space<vmem>>, vector<16xf32>,
        tpu.vector_store %arg26[%parallel_loop3A_568, %parallel_loop3A_569], %parallel_loop3A_567 {strides = array<i32>} : memref<80x128xf32, #tpu.memory_space<vmem>>, vector<16xf32>,
        %parallel_loop3A_571 = arith.index_cast %parallel_loop3A_540 : i32 to index
        %parallel_loop3A_572 = arith.constant 64 : index
        %parallel_loop3A_573 = tpu.vector_load %arg26[%parallel_loop3A_571, %parallel_loop3A_572] {strides = array<i32>} : memref<80x128xf32, #tpu.memory_space<vmem>>, vector<16xf32>,
        %parallel_loop3A_574 = arith.mulf %parallel_loop3A_573, %parallel_loop3A_542 : vector<16xf32>
        %parallel_loop3A_575 = arith.index_cast %parallel_loop3A_540 : i32 to index
        %parallel_loop3A_576 = arith.constant 64 : index
        %parallel_loop3A_577 = tpu.vector_load %arg26[%parallel_loop3A_575, %parallel_loop3A_576] {strides = array<i32>} : memref<80x128xf32, #tpu.memory_space<vmem>>, vector<16xf32>,
        tpu.vector_store %arg26[%parallel_loop3A_575, %parallel_loop3A_576], %parallel_loop3A_574 {strides = array<i32>} : memref<80x128xf32, #tpu.memory_space<vmem>>, vector<16xf32>,
        %parallel_loop3A_578 = arith.index_cast %parallel_loop3A_540 : i32 to index
        %parallel_loop3A_579 = arith.constant 80 : index
        %parallel_loop3A_580 = tpu.vector_load %arg26[%parallel_loop3A_578, %parallel_loop3A_579] {strides = array<i32>} : memref<80x128xf32, #tpu.memory_space<vmem>>, vector<16xf32>,
        %parallel_loop3A_581 = arith.mulf %parallel_loop3A_580, %parallel_loop3A_542 : vector<16xf32>
        %parallel_loop3A_582 = arith.index_cast %parallel_loop3A_540 : i32 to index
        %parallel_loop3A_583 = arith.constant 80 : index
        %parallel_loop3A_584 = tpu.vector_load %arg26[%parallel_loop3A_582, %parallel_loop3A_583] {strides = array<i32>} : memref<80x128xf32, #tpu.memory_space<vmem>>, vector<16xf32>,
        tpu.vector_store %arg26[%parallel_loop3A_582, %parallel_loop3A_583], %parallel_loop3A_581 {strides = array<i32>} : memref<80x128xf32, #tpu.memory_space<vmem>>, vector<16xf32>,
        %parallel_loop3A_585 = arith.index_cast %parallel_loop3A_540 : i32 to index
        %parallel_loop3A_586 = arith.constant 96 : index
        %parallel_loop3A_587 = tpu.vector_load %arg26[%parallel_loop3A_585, %parallel_loop3A_586] {strides = array<i32>} : memref<80x128xf32, #tpu.memory_space<vmem>>, vector<16xf32>,
        %parallel_loop3A_588 = arith.mulf %parallel_loop3A_587, %parallel_loop3A_542 : vector<16xf32>
        %parallel_loop3A_589 = arith.index_cast %parallel_loop3A_540 : i32 to index
        %parallel_loop3A_590 = arith.constant 96 : index
        %parallel_loop3A_591 = tpu.vector_load %arg26[%parallel_loop3A_589, %parallel_loop3A_590] {strides = array<i32>} : memref<80x128xf32, #tpu.memory_space<vmem>>, vector<16xf32>,
        tpu.vector_store %arg26[%parallel_loop3A_589, %parallel_loop3A_590], %parallel_loop3A_588 {strides = array<i32>} : memref<80x128xf32, #tpu.memory_space<vmem>>, vector<16xf32>,
        %parallel_loop3A_592 = arith.index_cast %parallel_loop3A_540 : i32 to index
        %parallel_loop3A_593 = arith.constant 112 : index
        %parallel_loop3A_594 = tpu.vector_load %arg26[%parallel_loop3A_592, %parallel_loop3A_593] {strides = array<i32>} : memref<80x128xf32, #tpu.memory_space<vmem>>, vector<16xf32>,
        %parallel_loop3A_595 = arith.mulf %parallel_loop3A_594, %parallel_loop3A_542 : vector<16xf32>
        %parallel_loop3A_596 = arith.index_cast %parallel_loop3A_540 : i32 to index
        %parallel_loop3A_597 = arith.constant 112 : index
        %parallel_loop3A_598 = tpu.vector_load %arg26[%parallel_loop3A_596, %parallel_loop3A_597] {strides = array<i32>} : memref<80x128xf32, #tpu.memory_space<vmem>>, vector<16xf32>,
        tpu.vector_store %arg26[%parallel_loop3A_596, %parallel_loop3A_597], %parallel_loop3A_595 {strides = array<i32>} : memref<80x128xf32, #tpu.memory_space<vmem>>, vector<16xf32>,
      } {sc.loop_unroll_factor = 4 : i64, sc.parallel_access}
      %dma_wait3A_345 = tpu.memref_slice %arg4[%mul3A_2] : memref<320000xi32, #tpu.memory_space<hbm>> -> memref<80xi32, #tpu.memory_space<hbm>>
      %dma_wait3A_346 = tpu.memref_slice %arg4[%mul3A_2] : memref<320000xi32, #tpu.memory_space<hbm>> -> memref<80xi32, #tpu.memory_space<hbm>>
      tpu.wait_dma2 semaphore(%arg35 : memref<!tpu.dma_semaphore, #tpu.memory_space<semaphore_mem>>) src(%dma_wait3A_346 : memref<80xi32, #tpu.memory_space<hbm>>) dst(%arg14 : memref<80xi32, #tpu.memory_space<vmem>>)
      %dma_start3A_347 = arith.constant 0 : i32
      %dma_start3A_348 = arith.constant 0 : i32
      %dma_start3A_349 = tpu.memref_slice %arg52[%dma_start3A_347, %dma_start3A_348] : memref<10000x128xf32, #tpu.memory_space<vmem_shared>> -> memref<10000x128xf32, #tpu.memory_space<vmem_shared>>
      tpu.enqueue_indirect_dma source(%arg26 : memref<80x128xf32, #tpu.memory_space<vmem>>) target(%dma_start3A_349 : memref<10000x128xf32, #tpu.memory_space<vmem_shared>>) offsets(%arg14 : memref<80xi32, #tpu.memory_space<vmem>>) semaphore(%arg50 : memref<!tpu.dma_semaphore, #tpu.memory_space<semaphore_mem>>) {add = true}
      %ge3A_350 = arith.constant 1 : i32
      %ge3A_351 = arith.cmpi sge, %add3A_336, %ge3A_350 : i32
      %convert_element_type3A_352 = arith.extui %ge3A_351 : i1 to i32
      %cond3A_353 = arith.constant 0 : i32
      %cond3A_354 = arith.cmpi ne, %convert_element_type3A_352, %cond3A_353 : i32
      scf.if %cond3A_354 {
        %dma_wait3A_540 = arith.constant 0 : i32
        %dma_wait3A_541 = arith.constant 0 : i32
        %dma_wait3A_542 = tpu.memref_slice %arg52[%dma_wait3A_540, %dma_wait3A_541] : memref<10000x128xf32, #tpu.memory_space<vmem_shared>> -> memref<10000x128xf32, #tpu.memory_space<vmem_shared>>
        tpu.wait_indirect_dma semaphore(%arg49 : memref<!tpu.dma_semaphore, #tpu.memory_space<semaphore_mem>>) src(%arg25 : memref<80x128xf32, #tpu.memory_space<vmem>>) dst(%dma_wait3A_542 : memref<10000x128xf32, #tpu.memory_space<vmem_shared>>)
      } else {
      }
      %ge3A_355 = arith.constant 1 : i32
      %ge3A_356 = arith.cmpi sge, %add3A_336, %ge3A_355 : i32
      %add3A_357 = arith.constant 6 : i32
      %add3A_358 = arith.addi %add3A_336, %add3A_357 : i32
      %sub3A_359 = arith.constant 1 : i32
      %sub3A_360 = arith.subi %add3A_358, %sub3A_359 : i32
      %lt3A_361 = arith.constant 125 : i32
      %lt3A_362 = arith.cmpi slt, %sub3A_360, %lt3A_361 : i32
      %and3A_363 = arith.andi %ge3A_356, %lt3A_362 : i1
      %convert_element_type3A_364 = arith.extui %and3A_363 : i1 to i32
      %cond3A_365 = arith.constant 0 : i32
      %cond3A_366 = arith.cmpi ne, %convert_element_type3A_364, %cond3A_365 : i32
      scf.if %cond3A_366 {
        %add3A_540 = arith.constant 6 : i32
        %add3A_541 = arith.addi %add3A_336, %add3A_540 : i32
        %sub3A_542 = arith.constant 1 : i32
        %sub3A_543 = arith.subi %add3A_541, %sub3A_542 : i32
        %mul3A_544 = arith.constant 80 : i32
        %mul3A_545 = arith.muli %sub3A_543, %mul3A_544 : i32
        %add3A_546 = arith.addi %mul3A_2, %mul3A_545 : i32
        %dma_start3A_547 = tpu.memref_slice %arg3[%add3A_546] : memref<320000xi32, #tpu.memory_space<hbm>> -> memref<80xi32, #tpu.memory_space<hbm>>
        %dma_start3A_548 = tpu.memref_slice %arg3[%add3A_546] : memref<320000xi32, #tpu.memory_space<hbm>> -> memref<80xi32, #tpu.memory_space<hbm>>
        tpu.enqueue_dma source(%dma_start3A_548 : memref<80xi32, #tpu.memory_space<hbm>>) target(%arg7 : memref<80xi32, #tpu.memory_space<vmem>>) target_semaphore(%arg28 : memref<!tpu.dma_semaphore, #tpu.memory_space<semaphore_mem>>)
        %add3A_549 = arith.addi %mul3A_2, %mul3A_545 : i32
        %dma_start3A_550 = tpu.memref_slice %arg4[%add3A_549] : memref<320000xi32, #tpu.memory_space<hbm>> -> memref<80xi32, #tpu.memory_space<hbm>>
        %dma_start3A_551 = tpu.memref_slice %arg4[%add3A_549] : memref<320000xi32, #tpu.memory_space<hbm>> -> memref<80xi32, #tpu.memory_space<hbm>>
        tpu.enqueue_dma source(%dma_start3A_551 : memref<80xi32, #tpu.memory_space<hbm>>) target(%arg13 : memref<80xi32, #tpu.memory_space<vmem>>) target_semaphore(%arg34 : memref<!tpu.dma_semaphore, #tpu.memory_space<semaphore_mem>>)
        %add3A_552 = arith.addi %mul3A_2, %mul3A_545 : i32
        %dma_start3A_553 = tpu.memref_slice %arg5[%add3A_552] : memref<320000xf32, #tpu.memory_space<hbm>> -> memref<80xf32, #tpu.memory_space<hbm>>
        %dma_start3A_554 = tpu.memref_slice %arg5[%add3A_552] : memref<320000xf32, #tpu.memory_space<hbm>> -> memref<80xf32, #tpu.memory_space<hbm>>
        tpu.enqueue_dma source(%dma_start3A_554 : memref<80xf32, #tpu.memory_space<hbm>>) target(%arg19 : memref<80xf32, #tpu.memory_space<vmem>>) target_semaphore(%arg40 : memref<!tpu.dma_semaphore, #tpu.memory_space<semaphore_mem>>)
      } else {
      }
      %add3A_367 = arith.constant 3 : i32
      %add3A_368 = arith.addi %add3A_336, %add3A_367 : i32
      %sub3A_369 = arith.constant 1 : i32
      %sub3A_370 = arith.subi %add3A_368, %sub3A_369 : i32
      %lt3A_371 = arith.constant 125 : i32
      %lt3A_372 = arith.cmpi slt, %sub3A_370, %lt3A_371 : i32
      %convert_element_type3A_373 = arith.extui %lt3A_372 : i1 to i32
      %cond3A_374 = arith.constant 0 : i32
      %cond3A_375 = arith.cmpi ne, %convert_element_type3A_373, %cond3A_374 : i32
      scf.if %cond3A_375 {
        %dma_wait3A_540 = tpu.memref_slice %arg3[%mul3A_2] : memref<320000xi32, #tpu.memory_space<hbm>> -> memref<80xi32, #tpu.memory_space<hbm>>
        %dma_wait3A_541 = tpu.memref_slice %arg3[%mul3A_2] : memref<320000xi32, #tpu.memory_space<hbm>> -> memref<80xi32, #tpu.memory_space<hbm>>
        tpu.wait_dma2 semaphore(%arg31 : memref<!tpu.dma_semaphore, #tpu.memory_space<semaphore_mem>>) src(%dma_wait3A_541 : memref<80xi32, #tpu.memory_space<hbm>>) dst(%arg10 : memref<80xi32, #tpu.memory_space<vmem>>)
        %dma_start3A_542 = arith.constant 0 : i32
        %dma_start3A_543 = arith.constant 0 : i32
        %dma_start3A_544 = tpu.memref_slice %arg2[%dma_start3A_542, %dma_start3A_543] : memref<10000x128xf32, #tpu.memory_space<hbm>> -> memref<10000x128xf32, #tpu.memory_space<hbm>>
        tpu.enqueue_indirect_dma source(%dma_start3A_544 : memref<10000x128xf32, #tpu.memory_space<hbm>>) target(%arg25 : memref<80x128xf32, #tpu.memory_space<vmem>>) offsets(%arg10 : memref<80xi32, #tpu.memory_space<vmem>>) semaphore(%arg46 : memref<!tpu.dma_semaphore, #tpu.memory_space<semaphore_mem>>)
      } else {
      }
      %add3A_376 = arith.constant 2 : i32
      %add3A_377 = arith.addi %mul3A_297, %add3A_376 : i32
      %dma_wait3A_378 = arith.constant 0 : i32
      %dma_wait3A_379 = arith.constant 0 : i32
      %dma_wait3A_380 = tpu.memref_slice %arg2[%dma_wait3A_378, %dma_wait3A_379] : memref<10000x128xf32, #tpu.memory_space<hbm>> -> memref<10000x128xf32, #tpu.memory_space<hbm>>
      tpu.wait_indirect_dma semaphore(%arg48 : memref<!tpu.dma_semaphore, #tpu.memory_space<semaphore_mem>>) src(%dma_wait3A_380 : memref<10000x128xf32, #tpu.memory_space<hbm>>) dst(%arg27 : memref<80x128xf32, #tpu.memory_space<vmem>>)
      %dma_wait3A_381 = tpu.memref_slice %arg5[%mul3A_2] : memref<320000xf32, #tpu.memory_space<hbm>> -> memref<80xf32, #tpu.memory_space<hbm>>
      %dma_wait3A_382 = tpu.memref_slice %arg5[%mul3A_2] : memref<320000xf32, #tpu.memory_space<hbm>> -> memref<80xf32, #tpu.memory_space<hbm>>
      tpu.wait_dma2 semaphore(%arg42 : memref<!tpu.dma_semaphore, #tpu.memory_space<semaphore_mem>>) src(%dma_wait3A_382 : memref<80xf32, #tpu.memory_space<hbm>>) dst(%arg21 : memref<80xf32, #tpu.memory_space<vmem>>)
      %parallel_loop3A_383 = arith.constant 0 : i32
      %parallel_loop3A_384 = arith.constant 80 : i32
      %parallel_loop3A_385 = arith.constant 1 : i32
      scf.for %parallel_loop3A_540 = %parallel_loop3A_383 to %parallel_loop3A_384 step %parallel_loop3A_385  : i32 {
        %parallel_loop3A_541 = vector.broadcast %parallel_loop3A_540 : i32 to vector<16xi32>
        %parallel_loop3A_542 = tpu.vector_load_idx %arg21[%parallel_loop3A_541] : memref<80xf32, #tpu.memory_space<vmem>>[vector<16xi32>], vector<16xf32>,
        %parallel_loop3A_543 = arith.index_cast %parallel_loop3A_540 : i32 to index
        %parallel_loop3A_544 = arith.constant 0 : index
        %parallel_loop3A_545 = tpu.vector_load %arg27[%parallel_loop3A_543, %parallel_loop3A_544] {strides = array<i32>} : memref<80x128xf32, #tpu.memory_space<vmem>>, vector<16xf32>,
        %parallel_loop3A_546 = arith.mulf %parallel_loop3A_545, %parallel_loop3A_542 : vector<16xf32>
        %parallel_loop3A_547 = arith.index_cast %parallel_loop3A_540 : i32 to index
        %parallel_loop3A_548 = arith.constant 0 : index
        %parallel_loop3A_549 = tpu.vector_load %arg27[%parallel_loop3A_547, %parallel_loop3A_548] {strides = array<i32>} : memref<80x128xf32, #tpu.memory_space<vmem>>, vector<16xf32>,
        tpu.vector_store %arg27[%parallel_loop3A_547, %parallel_loop3A_548], %parallel_loop3A_546 {strides = array<i32>} : memref<80x128xf32, #tpu.memory_space<vmem>>, vector<16xf32>,
        %parallel_loop3A_550 = arith.index_cast %parallel_loop3A_540 : i32 to index
        %parallel_loop3A_551 = arith.constant 16 : index
        %parallel_loop3A_552 = tpu.vector_load %arg27[%parallel_loop3A_550, %parallel_loop3A_551] {strides = array<i32>} : memref<80x128xf32, #tpu.memory_space<vmem>>, vector<16xf32>,
        %parallel_loop3A_553 = arith.mulf %parallel_loop3A_552, %parallel_loop3A_542 : vector<16xf32>
        %parallel_loop3A_554 = arith.index_cast %parallel_loop3A_540 : i32 to index
        %parallel_loop3A_555 = arith.constant 16 : index
        %parallel_loop3A_556 = tpu.vector_load %arg27[%parallel_loop3A_554, %parallel_loop3A_555] {strides = array<i32>} : memref<80x128xf32, #tpu.memory_space<vmem>>, vector<16xf32>,
        tpu.vector_store %arg27[%parallel_loop3A_554, %parallel_loop3A_555], %parallel_loop3A_553 {strides = array<i32>} : memref<80x128xf32, #tpu.memory_space<vmem>>, vector<16xf32>,
        %parallel_loop3A_557 = arith.index_cast %parallel_loop3A_540 : i32 to index
        %parallel_loop3A_558 = arith.constant 32 : index
        %parallel_loop3A_559 = tpu.vector_load %arg27[%parallel_loop3A_557, %parallel_loop3A_558] {strides = array<i32>} : memref<80x128xf32, #tpu.memory_space<vmem>>, vector<16xf32>,
        %parallel_loop3A_560 = arith.mulf %parallel_loop3A_559, %parallel_loop3A_542 : vector<16xf32>
        %parallel_loop3A_561 = arith.index_cast %parallel_loop3A_540 : i32 to index
        %parallel_loop3A_562 = arith.constant 32 : index
        %parallel_loop3A_563 = tpu.vector_load %arg27[%parallel_loop3A_561, %parallel_loop3A_562] {strides = array<i32>} : memref<80x128xf32, #tpu.memory_space<vmem>>, vector<16xf32>,
        tpu.vector_store %arg27[%parallel_loop3A_561, %parallel_loop3A_562], %parallel_loop3A_560 {strides = array<i32>} : memref<80x128xf32, #tpu.memory_space<vmem>>, vector<16xf32>,
        %parallel_loop3A_564 = arith.index_cast %parallel_loop3A_540 : i32 to index
        %parallel_loop3A_565 = arith.constant 48 : index
        %parallel_loop3A_566 = tpu.vector_load %arg27[%parallel_loop3A_564, %parallel_loop3A_565] {strides = array<i32>} : memref<80x128xf32, #tpu.memory_space<vmem>>, vector<16xf32>,
        %parallel_loop3A_567 = arith.mulf %parallel_loop3A_566, %parallel_loop3A_542 : vector<16xf32>
        %parallel_loop3A_568 = arith.index_cast %parallel_loop3A_540 : i32 to index
        %parallel_loop3A_569 = arith.constant 48 : index
        %parallel_loop3A_570 = tpu.vector_load %arg27[%parallel_loop3A_568, %parallel_loop3A_569] {strides = array<i32>} : memref<80x128xf32, #tpu.memory_space<vmem>>, vector<16xf32>,
        tpu.vector_store %arg27[%parallel_loop3A_568, %parallel_loop3A_569], %parallel_loop3A_567 {strides = array<i32>} : memref<80x128xf32, #tpu.memory_space<vmem>>, vector<16xf32>,
        %parallel_loop3A_571 = arith.index_cast %parallel_loop3A_540 : i32 to index
        %parallel_loop3A_572 = arith.constant 64 : index
        %parallel_loop3A_573 = tpu.vector_load %arg27[%parallel_loop3A_571, %parallel_loop3A_572] {strides = array<i32>} : memref<80x128xf32, #tpu.memory_space<vmem>>, vector<16xf32>,
        %parallel_loop3A_574 = arith.mulf %parallel_loop3A_573, %parallel_loop3A_542 : vector<16xf32>
        %parallel_loop3A_575 = arith.index_cast %parallel_loop3A_540 : i32 to index
        %parallel_loop3A_576 = arith.constant 64 : index
        %parallel_loop3A_577 = tpu.vector_load %arg27[%parallel_loop3A_575, %parallel_loop3A_576] {strides = array<i32>} : memref<80x128xf32, #tpu.memory_space<vmem>>, vector<16xf32>,
        tpu.vector_store %arg27[%parallel_loop3A_575, %parallel_loop3A_576], %parallel_loop3A_574 {strides = array<i32>} : memref<80x128xf32, #tpu.memory_space<vmem>>, vector<16xf32>,
        %parallel_loop3A_578 = arith.index_cast %parallel_loop3A_540 : i32 to index
        %parallel_loop3A_579 = arith.constant 80 : index
        %parallel_loop3A_580 = tpu.vector_load %arg27[%parallel_loop3A_578, %parallel_loop3A_579] {strides = array<i32>} : memref<80x128xf32, #tpu.memory_space<vmem>>, vector<16xf32>,
        %parallel_loop3A_581 = arith.mulf %parallel_loop3A_580, %parallel_loop3A_542 : vector<16xf32>
        %parallel_loop3A_582 = arith.index_cast %parallel_loop3A_540 : i32 to index
        %parallel_loop3A_583 = arith.constant 80 : index
        %parallel_loop3A_584 = tpu.vector_load %arg27[%parallel_loop3A_582, %parallel_loop3A_583] {strides = array<i32>} : memref<80x128xf32, #tpu.memory_space<vmem>>, vector<16xf32>,
        tpu.vector_store %arg27[%parallel_loop3A_582, %parallel_loop3A_583], %parallel_loop3A_581 {strides = array<i32>} : memref<80x128xf32, #tpu.memory_space<vmem>>, vector<16xf32>,
        %parallel_loop3A_585 = arith.index_cast %parallel_loop3A_540 : i32 to index
        %parallel_loop3A_586 = arith.constant 96 : index
        %parallel_loop3A_587 = tpu.vector_load %arg27[%parallel_loop3A_585, %parallel_loop3A_586] {strides = array<i32>} : memref<80x128xf32, #tpu.memory_space<vmem>>, vector<16xf32>,
        %parallel_loop3A_588 = arith.mulf %parallel_loop3A_587, %parallel_loop3A_542 : vector<16xf32>
        %parallel_loop3A_589 = arith.index_cast %parallel_loop3A_540 : i32 to index
        %parallel_loop3A_590 = arith.constant 96 : index
        %parallel_loop3A_591 = tpu.vector_load %arg27[%parallel_loop3A_589, %parallel_loop3A_590] {strides = array<i32>} : memref<80x128xf32, #tpu.memory_space<vmem>>, vector<16xf32>,
        tpu.vector_store %arg27[%parallel_loop3A_589, %parallel_loop3A_590], %parallel_loop3A_588 {strides = array<i32>} : memref<80x128xf32, #tpu.memory_space<vmem>>, vector<16xf32>,
        %parallel_loop3A_592 = arith.index_cast %parallel_loop3A_540 : i32 to index
        %parallel_loop3A_593 = arith.constant 112 : index
        %parallel_loop3A_594 = tpu.vector_load %arg27[%parallel_loop3A_592, %parallel_loop3A_593] {strides = array<i32>} : memref<80x128xf32, #tpu.memory_space<vmem>>, vector<16xf32>,
        %parallel_loop3A_595 = arith.mulf %parallel_loop3A_594, %parallel_loop3A_542 : vector<16xf32>
        %parallel_loop3A_596 = arith.index_cast %parallel_loop3A_540 : i32 to index
        %parallel_loop3A_597 = arith.constant 112 : index
        %parallel_loop3A_598 = tpu.vector_load %arg27[%parallel_loop3A_596, %parallel_loop3A_597] {strides = array<i32>} : memref<80x128xf32, #tpu.memory_space<vmem>>, vector<16xf32>,
        tpu.vector_store %arg27[%parallel_loop3A_596, %parallel_loop3A_597], %parallel_loop3A_595 {strides = array<i32>} : memref<80x128xf32, #tpu.memory_space<vmem>>, vector<16xf32>,
      } {sc.loop_unroll_factor = 4 : i64, sc.parallel_access}
      %dma_wait3A_386 = tpu.memref_slice %arg4[%mul3A_2] : memref<320000xi32, #tpu.memory_space<hbm>> -> memref<80xi32, #tpu.memory_space<hbm>>
      %dma_wait3A_387 = tpu.memref_slice %arg4[%mul3A_2] : memref<320000xi32, #tpu.memory_space<hbm>> -> memref<80xi32, #tpu.memory_space<hbm>>
      tpu.wait_dma2 semaphore(%arg36 : memref<!tpu.dma_semaphore, #tpu.memory_space<semaphore_mem>>) src(%dma_wait3A_387 : memref<80xi32, #tpu.memory_space<hbm>>) dst(%arg15 : memref<80xi32, #tpu.memory_space<vmem>>)
      %dma_start3A_388 = arith.constant 0 : i32
      %dma_start3A_389 = arith.constant 0 : i32
      %dma_start3A_390 = tpu.memref_slice %arg52[%dma_start3A_388, %dma_start3A_389] : memref<10000x128xf32, #tpu.memory_space<vmem_shared>> -> memref<10000x128xf32, #tpu.memory_space<vmem_shared>>
      tpu.enqueue_indirect_dma source(%arg27 : memref<80x128xf32, #tpu.memory_space<vmem>>) target(%dma_start3A_390 : memref<10000x128xf32, #tpu.memory_space<vmem_shared>>) offsets(%arg15 : memref<80xi32, #tpu.memory_space<vmem>>) semaphore(%arg51 : memref<!tpu.dma_semaphore, #tpu.memory_space<semaphore_mem>>) {add = true}
      %ge3A_391 = arith.constant 1 : i32
      %ge3A_392 = arith.cmpi sge, %add3A_377, %ge3A_391 : i32
      %convert_element_type3A_393 = arith.extui %ge3A_392 : i1 to i32
      %cond3A_394 = arith.constant 0 : i32
      %cond3A_395 = arith.cmpi ne, %convert_element_type3A_393, %cond3A_394 : i32
      scf.if %cond3A_395 {
        %dma_wait3A_540 = arith.constant 0 : i32
        %dma_wait3A_541 = arith.constant 0 : i32
        %dma_wait3A_542 = tpu.memref_slice %arg52[%dma_wait3A_540, %dma_wait3A_541] : memref<10000x128xf32, #tpu.memory_space<vmem_shared>> -> memref<10000x128xf32, #tpu.memory_space<vmem_shared>>
        tpu.wait_indirect_dma semaphore(%arg50 : memref<!tpu.dma_semaphore, #tpu.memory_space<semaphore_mem>>) src(%arg26 : memref<80x128xf32, #tpu.memory_space<vmem>>) dst(%dma_wait3A_542 : memref<10000x128xf32, #tpu.memory_space<vmem_shared>>)
      } else {
      }
      %ge3A_396 = arith.constant 1 : i32
      %ge3A_397 = arith.cmpi sge, %add3A_377, %ge3A_396 : i32
      %add3A_398 = arith.constant 6 : i32
      %add3A_399 = arith.addi %add3A_377, %add3A_398 : i32
      %sub3A_400 = arith.constant 1 : i32
      %sub3A_401 = arith.subi %add3A_399, %sub3A_400 : i32
      %lt3A_402 = arith.constant 125 : i32
      %lt3A_403 = arith.cmpi slt, %sub3A_401, %lt3A_402 : i32
      %and3A_404 = arith.andi %ge3A_397, %lt3A_403 : i1
      %convert_element_type3A_405 = arith.extui %and3A_404 : i1 to i32
      %cond3A_406 = arith.constant 0 : i32
      %cond3A_407 = arith.cmpi ne, %convert_element_type3A_405, %cond3A_406 : i32
      scf.if %cond3A_407 {
        %add3A_540 = arith.constant 6 : i32
        %add3A_541 = arith.addi %add3A_377, %add3A_540 : i32
        %sub3A_542 = arith.constant 1 : i32
        %sub3A_543 = arith.subi %add3A_541, %sub3A_542 : i32
        %mul3A_544 = arith.constant 80 : i32
        %mul3A_545 = arith.muli %sub3A_543, %mul3A_544 : i32
        %add3A_546 = arith.addi %mul3A_2, %mul3A_545 : i32
        %dma_start3A_547 = tpu.memref_slice %arg3[%add3A_546] : memref<320000xi32, #tpu.memory_space<hbm>> -> memref<80xi32, #tpu.memory_space<hbm>>
        %dma_start3A_548 = tpu.memref_slice %arg3[%add3A_546] : memref<320000xi32, #tpu.memory_space<hbm>> -> memref<80xi32, #tpu.memory_space<hbm>>
        tpu.enqueue_dma source(%dma_start3A_548 : memref<80xi32, #tpu.memory_space<hbm>>) target(%arg8 : memref<80xi32, #tpu.memory_space<vmem>>) target_semaphore(%arg29 : memref<!tpu.dma_semaphore, #tpu.memory_space<semaphore_mem>>)
        %add3A_549 = arith.addi %mul3A_2, %mul3A_545 : i32
        %dma_start3A_550 = tpu.memref_slice %arg4[%add3A_549] : memref<320000xi32, #tpu.memory_space<hbm>> -> memref<80xi32, #tpu.memory_space<hbm>>
        %dma_start3A_551 = tpu.memref_slice %arg4[%add3A_549] : memref<320000xi32, #tpu.memory_space<hbm>> -> memref<80xi32, #tpu.memory_space<hbm>>
        tpu.enqueue_dma source(%dma_start3A_551 : memref<80xi32, #tpu.memory_space<hbm>>) target(%arg14 : memref<80xi32, #tpu.memory_space<vmem>>) target_semaphore(%arg35 : memref<!tpu.dma_semaphore, #tpu.memory_space<semaphore_mem>>)
        %add3A_552 = arith.addi %mul3A_2, %mul3A_545 : i32
        %dma_start3A_553 = tpu.memref_slice %arg5[%add3A_552] : memref<320000xf32, #tpu.memory_space<hbm>> -> memref<80xf32, #tpu.memory_space<hbm>>
        %dma_start3A_554 = tpu.memref_slice %arg5[%add3A_552] : memref<320000xf32, #tpu.memory_space<hbm>> -> memref<80xf32, #tpu.memory_space<hbm>>
        tpu.enqueue_dma source(%dma_start3A_554 : memref<80xf32, #tpu.memory_space<hbm>>) target(%arg20 : memref<80xf32, #tpu.memory_space<vmem>>) target_semaphore(%arg41 : memref<!tpu.dma_semaphore, #tpu.memory_space<semaphore_mem>>)
      } else {
      }
      %add3A_408 = arith.constant 3 : i32
      %add3A_409 = arith.addi %add3A_377, %add3A_408 : i32
      %sub3A_410 = arith.constant 1 : i32
      %sub3A_411 = arith.subi %add3A_409, %sub3A_410 : i32
      %lt3A_412 = arith.constant 125 : i32
      %lt3A_413 = arith.cmpi slt, %sub3A_411, %lt3A_412 : i32
      %convert_element_type3A_414 = arith.extui %lt3A_413 : i1 to i32
      %cond3A_415 = arith.constant 0 : i32
      %cond3A_416 = arith.cmpi ne, %convert_element_type3A_414, %cond3A_415 : i32
      scf.if %cond3A_416 {
        %dma_wait3A_540 = tpu.memref_slice %arg3[%mul3A_2] : memref<320000xi32, #tpu.memory_space<hbm>> -> memref<80xi32, #tpu.memory_space<hbm>>
        %dma_wait3A_541 = tpu.memref_slice %arg3[%mul3A_2] : memref<320000xi32, #tpu.memory_space<hbm>> -> memref<80xi32, #tpu.memory_space<hbm>>
        tpu.wait_dma2 semaphore(%arg32 : memref<!tpu.dma_semaphore, #tpu.memory_space<semaphore_mem>>) src(%dma_wait3A_541 : memref<80xi32, #tpu.memory_space<hbm>>) dst(%arg11 : memref<80xi32, #tpu.memory_space<vmem>>)
        %dma_start3A_542 = arith.constant 0 : i32
        %dma_start3A_543 = arith.constant 0 : i32
        %dma_start3A_544 = tpu.memref_slice %arg2[%dma_start3A_542, %dma_start3A_543] : memref<10000x128xf32, #tpu.memory_space<hbm>> -> memref<10000x128xf32, #tpu.memory_space<hbm>>
        tpu.enqueue_indirect_dma source(%dma_start3A_544 : memref<10000x128xf32, #tpu.memory_space<hbm>>) target(%arg26 : memref<80x128xf32, #tpu.memory_space<vmem>>) offsets(%arg11 : memref<80xi32, #tpu.memory_space<vmem>>) semaphore(%arg47 : memref<!tpu.dma_semaphore, #tpu.memory_space<semaphore_mem>>)
      } else {
      }
      %add3A_417 = arith.constant 3 : i32
      %add3A_418 = arith.addi %mul3A_297, %add3A_417 : i32
      %dma_wait3A_419 = arith.constant 0 : i32
      %dma_wait3A_420 = arith.constant 0 : i32
      %dma_wait3A_421 = tpu.memref_slice %arg2[%dma_wait3A_419, %dma_wait3A_420] : memref<10000x128xf32, #tpu.memory_space<hbm>> -> memref<10000x128xf32, #tpu.memory_space<hbm>>
      tpu.wait_indirect_dma semaphore(%arg46 : memref<!tpu.dma_semaphore, #tpu.memory_space<semaphore_mem>>) src(%dma_wait3A_421 : memref<10000x128xf32, #tpu.memory_space<hbm>>) dst(%arg25 : memref<80x128xf32, #tpu.memory_space<vmem>>)
      %dma_wait3A_422 = tpu.memref_slice %arg5[%mul3A_2] : memref<320000xf32, #tpu.memory_space<hbm>> -> memref<80xf32, #tpu.memory_space<hbm>>
      %dma_wait3A_423 = tpu.memref_slice %arg5[%mul3A_2] : memref<320000xf32, #tpu.memory_space<hbm>> -> memref<80xf32, #tpu.memory_space<hbm>>
      tpu.wait_dma2 semaphore(%arg43 : memref<!tpu.dma_semaphore, #tpu.memory_space<semaphore_mem>>) src(%dma_wait3A_423 : memref<80xf32, #tpu.memory_space<hbm>>) dst(%arg22 : memref<80xf32, #tpu.memory_space<vmem>>)
      %parallel_loop3A_424 = arith.constant 0 : i32
      %parallel_loop3A_425 = arith.constant 80 : i32
      %parallel_loop3A_426 = arith.constant 1 : i32
      scf.for %parallel_loop3A_540 = %parallel_loop3A_424 to %parallel_loop3A_425 step %parallel_loop3A_426  : i32 {
        %parallel_loop3A_541 = vector.broadcast %parallel_loop3A_540 : i32 to vector<16xi32>
        %parallel_loop3A_542 = tpu.vector_load_idx %arg22[%parallel_loop3A_541] : memref<80xf32, #tpu.memory_space<vmem>>[vector<16xi32>], vector<16xf32>,
        %parallel_loop3A_543 = arith.index_cast %parallel_loop3A_540 : i32 to index
        %parallel_loop3A_544 = arith.constant 0 : index
        %parallel_loop3A_545 = tpu.vector_load %arg25[%parallel_loop3A_543, %parallel_loop3A_544] {strides = array<i32>} : memref<80x128xf32, #tpu.memory_space<vmem>>, vector<16xf32>,
        %parallel_loop3A_546 = arith.mulf %parallel_loop3A_545, %parallel_loop3A_542 : vector<16xf32>
        %parallel_loop3A_547 = arith.index_cast %parallel_loop3A_540 : i32 to index
        %parallel_loop3A_548 = arith.constant 0 : index
        %parallel_loop3A_549 = tpu.vector_load %arg25[%parallel_loop3A_547, %parallel_loop3A_548] {strides = array<i32>} : memref<80x128xf32, #tpu.memory_space<vmem>>, vector<16xf32>,
        tpu.vector_store %arg25[%parallel_loop3A_547, %parallel_loop3A_548], %parallel_loop3A_546 {strides = array<i32>} : memref<80x128xf32, #tpu.memory_space<vmem>>, vector<16xf32>,
        %parallel_loop3A_550 = arith.index_cast %parallel_loop3A_540 : i32 to index
        %parallel_loop3A_551 = arith.constant 16 : index
        %parallel_loop3A_552 = tpu.vector_load %arg25[%parallel_loop3A_550, %parallel_loop3A_551] {strides = array<i32>} : memref<80x128xf32, #tpu.memory_space<vmem>>, vector<16xf32>,
        %parallel_loop3A_553 = arith.mulf %parallel_loop3A_552, %parallel_loop3A_542 : vector<16xf32>
        %parallel_loop3A_554 = arith.index_cast %parallel_loop3A_540 : i32 to index
        %parallel_loop3A_555 = arith.constant 16 : index
        %parallel_loop3A_556 = tpu.vector_load %arg25[%parallel_loop3A_554, %parallel_loop3A_555] {strides = array<i32>} : memref<80x128xf32, #tpu.memory_space<vmem>>, vector<16xf32>,
        tpu.vector_store %arg25[%parallel_loop3A_554, %parallel_loop3A_555], %parallel_loop3A_553 {strides = array<i32>} : memref<80x128xf32, #tpu.memory_space<vmem>>, vector<16xf32>,
        %parallel_loop3A_557 = arith.index_cast %parallel_loop3A_540 : i32 to index
        %parallel_loop3A_558 = arith.constant 32 : index
        %parallel_loop3A_559 = tpu.vector_load %arg25[%parallel_loop3A_557, %parallel_loop3A_558] {strides = array<i32>} : memref<80x128xf32, #tpu.memory_space<vmem>>, vector<16xf32>,
        %parallel_loop3A_560 = arith.mulf %parallel_loop3A_559, %parallel_loop3A_542 : vector<16xf32>
        %parallel_loop3A_561 = arith.index_cast %parallel_loop3A_540 : i32 to index
        %parallel_loop3A_562 = arith.constant 32 : index
        %parallel_loop3A_563 = tpu.vector_load %arg25[%parallel_loop3A_561, %parallel_loop3A_562] {strides = array<i32>} : memref<80x128xf32, #tpu.memory_space<vmem>>, vector<16xf32>,
        tpu.vector_store %arg25[%parallel_loop3A_561, %parallel_loop3A_562], %parallel_loop3A_560 {strides = array<i32>} : memref<80x128xf32, #tpu.memory_space<vmem>>, vector<16xf32>,
        %parallel_loop3A_564 = arith.index_cast %parallel_loop3A_540 : i32 to index
        %parallel_loop3A_565 = arith.constant 48 : index
        %parallel_loop3A_566 = tpu.vector_load %arg25[%parallel_loop3A_564, %parallel_loop3A_565] {strides = array<i32>} : memref<80x128xf32, #tpu.memory_space<vmem>>, vector<16xf32>,
        %parallel_loop3A_567 = arith.mulf %parallel_loop3A_566, %parallel_loop3A_542 : vector<16xf32>
        %parallel_loop3A_568 = arith.index_cast %parallel_loop3A_540 : i32 to index
        %parallel_loop3A_569 = arith.constant 48 : index
        %parallel_loop3A_570 = tpu.vector_load %arg25[%parallel_loop3A_568, %parallel_loop3A_569] {strides = array<i32>} : memref<80x128xf32, #tpu.memory_space<vmem>>, vector<16xf32>,
        tpu.vector_store %arg25[%parallel_loop3A_568, %parallel_loop3A_569], %parallel_loop3A_567 {strides = array<i32>} : memref<80x128xf32, #tpu.memory_space<vmem>>, vector<16xf32>,
        %parallel_loop3A_571 = arith.index_cast %parallel_loop3A_540 : i32 to index
        %parallel_loop3A_572 = arith.constant 64 : index
        %parallel_loop3A_573 = tpu.vector_load %arg25[%parallel_loop3A_571, %parallel_loop3A_572] {strides = array<i32>} : memref<80x128xf32, #tpu.memory_space<vmem>>, vector<16xf32>,
        %parallel_loop3A_574 = arith.mulf %parallel_loop3A_573, %parallel_loop3A_542 : vector<16xf32>
        %parallel_loop3A_575 = arith.index_cast %parallel_loop3A_540 : i32 to index
        %parallel_loop3A_576 = arith.constant 64 : index
        %parallel_loop3A_577 = tpu.vector_load %arg25[%parallel_loop3A_575, %parallel_loop3A_576] {strides = array<i32>} : memref<80x128xf32, #tpu.memory_space<vmem>>, vector<16xf32>,
        tpu.vector_store %arg25[%parallel_loop3A_575, %parallel_loop3A_576], %parallel_loop3A_574 {strides = array<i32>} : memref<80x128xf32, #tpu.memory_space<vmem>>, vector<16xf32>,
        %parallel_loop3A_578 = arith.index_cast %parallel_loop3A_540 : i32 to index
        %parallel_loop3A_579 = arith.constant 80 : index
        %parallel_loop3A_580 = tpu.vector_load %arg25[%parallel_loop3A_578, %parallel_loop3A_579] {strides = array<i32>} : memref<80x128xf32, #tpu.memory_space<vmem>>, vector<16xf32>,
        %parallel_loop3A_581 = arith.mulf %parallel_loop3A_580, %parallel_loop3A_542 : vector<16xf32>
        %parallel_loop3A_582 = arith.index_cast %parallel_loop3A_540 : i32 to index
        %parallel_loop3A_583 = arith.constant 80 : index
        %parallel_loop3A_584 = tpu.vector_load %arg25[%parallel_loop3A_582, %parallel_loop3A_583] {strides = array<i32>} : memref<80x128xf32, #tpu.memory_space<vmem>>, vector<16xf32>,
        tpu.vector_store %arg25[%parallel_loop3A_582, %parallel_loop3A_583], %parallel_loop3A_581 {strides = array<i32>} : memref<80x128xf32, #tpu.memory_space<vmem>>, vector<16xf32>,
        %parallel_loop3A_585 = arith.index_cast %parallel_loop3A_540 : i32 to index
        %parallel_loop3A_586 = arith.constant 96 : index
        %parallel_loop3A_587 = tpu.vector_load %arg25[%parallel_loop3A_585, %parallel_loop3A_586] {strides = array<i32>} : memref<80x128xf32, #tpu.memory_space<vmem>>, vector<16xf32>,
        %parallel_loop3A_588 = arith.mulf %parallel_loop3A_587, %parallel_loop3A_542 : vector<16xf32>
        %parallel_loop3A_589 = arith.index_cast %parallel_loop3A_540 : i32 to index
        %parallel_loop3A_590 = arith.constant 96 : index
        %parallel_loop3A_591 = tpu.vector_load %arg25[%parallel_loop3A_589, %parallel_loop3A_590] {strides = array<i32>} : memref<80x128xf32, #tpu.memory_space<vmem>>, vector<16xf32>,
        tpu.vector_store %arg25[%parallel_loop3A_589, %parallel_loop3A_590], %parallel_loop3A_588 {strides = array<i32>} : memref<80x128xf32, #tpu.memory_space<vmem>>, vector<16xf32>,
        %parallel_loop3A_592 = arith.index_cast %parallel_loop3A_540 : i32 to index
        %parallel_loop3A_593 = arith.constant 112 : index
        %parallel_loop3A_594 = tpu.vector_load %arg25[%parallel_loop3A_592, %parallel_loop3A_593] {strides = array<i32>} : memref<80x128xf32, #tpu.memory_space<vmem>>, vector<16xf32>,
        %parallel_loop3A_595 = arith.mulf %parallel_loop3A_594, %parallel_loop3A_542 : vector<16xf32>
        %parallel_loop3A_596 = arith.index_cast %parallel_loop3A_540 : i32 to index
        %parallel_loop3A_597 = arith.constant 112 : index
        %parallel_loop3A_598 = tpu.vector_load %arg25[%parallel_loop3A_596, %parallel_loop3A_597] {strides = array<i32>} : memref<80x128xf32, #tpu.memory_space<vmem>>, vector<16xf32>,
        tpu.vector_store %arg25[%parallel_loop3A_596, %parallel_loop3A_597], %parallel_loop3A_595 {strides = array<i32>} : memref<80x128xf32, #tpu.memory_space<vmem>>, vector<16xf32>,
      } {sc.loop_unroll_factor = 4 : i64, sc.parallel_access}
      %dma_wait3A_427 = tpu.memref_slice %arg4[%mul3A_2] : memref<320000xi32, #tpu.memory_space<hbm>> -> memref<80xi32, #tpu.memory_space<hbm>>
      %dma_wait3A_428 = tpu.memref_slice %arg4[%mul3A_2] : memref<320000xi32, #tpu.memory_space<hbm>> -> memref<80xi32, #tpu.memory_space<hbm>>
      tpu.wait_dma2 semaphore(%arg37 : memref<!tpu.dma_semaphore, #tpu.memory_space<semaphore_mem>>) src(%dma_wait3A_428 : memref<80xi32, #tpu.memory_space<hbm>>) dst(%arg16 : memref<80xi32, #tpu.memory_space<vmem>>)
      %dma_start3A_429 = arith.constant 0 : i32
      %dma_start3A_430 = arith.constant 0 : i32
      %dma_start3A_431 = tpu.memref_slice %arg52[%dma_start3A_429, %dma_start3A_430] : memref<10000x128xf32, #tpu.memory_space<vmem_shared>> -> memref<10000x128xf32, #tpu.memory_space<vmem_shared>>
      tpu.enqueue_indirect_dma source(%arg25 : memref<80x128xf32, #tpu.memory_space<vmem>>) target(%dma_start3A_431 : memref<10000x128xf32, #tpu.memory_space<vmem_shared>>) offsets(%arg16 : memref<80xi32, #tpu.memory_space<vmem>>) semaphore(%arg49 : memref<!tpu.dma_semaphore, #tpu.memory_space<semaphore_mem>>) {add = true}
      %ge3A_432 = arith.constant 1 : i32
      %ge3A_433 = arith.cmpi sge, %add3A_418, %ge3A_432 : i32
      %convert_element_type3A_434 = arith.extui %ge3A_433 : i1 to i32
      %cond3A_435 = arith.constant 0 : i32
      %cond3A_436 = arith.cmpi ne, %convert_element_type3A_434, %cond3A_435 : i32
      scf.if %cond3A_436 {
        %dma_wait3A_540 = arith.constant 0 : i32
        %dma_wait3A_541 = arith.constant 0 : i32
        %dma_wait3A_542 = tpu.memref_slice %arg52[%dma_wait3A_540, %dma_wait3A_541] : memref<10000x128xf32, #tpu.memory_space<vmem_shared>> -> memref<10000x128xf32, #tpu.memory_space<vmem_shared>>
        tpu.wait_indirect_dma semaphore(%arg51 : memref<!tpu.dma_semaphore, #tpu.memory_space<semaphore_mem>>) src(%arg27 : memref<80x128xf32, #tpu.memory_space<vmem>>) dst(%dma_wait3A_542 : memref<10000x128xf32, #tpu.memory_space<vmem_shared>>)
      } else {
      }
      %ge3A_437 = arith.constant 1 : i32
      %ge3A_438 = arith.cmpi sge, %add3A_418, %ge3A_437 : i32
      %add3A_439 = arith.constant 6 : i32
      %add3A_440 = arith.addi %add3A_418, %add3A_439 : i32
      %sub3A_441 = arith.constant 1 : i32
      %sub3A_442 = arith.subi %add3A_440, %sub3A_441 : i32
      %lt3A_443 = arith.constant 125 : i32
      %lt3A_444 = arith.cmpi slt, %sub3A_442, %lt3A_443 : i32
      %and3A_445 = arith.andi %ge3A_438, %lt3A_444 : i1
      %convert_element_type3A_446 = arith.extui %and3A_445 : i1 to i32
      %cond3A_447 = arith.constant 0 : i32
      %cond3A_448 = arith.cmpi ne, %convert_element_type3A_446, %cond3A_447 : i32
      scf.if %cond3A_448 {
        %add3A_540 = arith.constant 6 : i32
        %add3A_541 = arith.addi %add3A_418, %add3A_540 : i32
        %sub3A_542 = arith.constant 1 : i32
        %sub3A_543 = arith.subi %add3A_541, %sub3A_542 : i32
        %mul3A_544 = arith.constant 80 : i32
        %mul3A_545 = arith.muli %sub3A_543, %mul3A_544 : i32
        %add3A_546 = arith.addi %mul3A_2, %mul3A_545 : i32
        %dma_start3A_547 = tpu.memref_slice %arg3[%add3A_546] : memref<320000xi32, #tpu.memory_space<hbm>> -> memref<80xi32, #tpu.memory_space<hbm>>
        %dma_start3A_548 = tpu.memref_slice %arg3[%add3A_546] : memref<320000xi32, #tpu.memory_space<hbm>> -> memref<80xi32, #tpu.memory_space<hbm>>
        tpu.enqueue_dma source(%dma_start3A_548 : memref<80xi32, #tpu.memory_space<hbm>>) target(%arg9 : memref<80xi32, #tpu.memory_space<vmem>>) target_semaphore(%arg30 : memref<!tpu.dma_semaphore, #tpu.memory_space<semaphore_mem>>)
        %add3A_549 = arith.addi %mul3A_2, %mul3A_545 : i32
        %dma_start3A_550 = tpu.memref_slice %arg4[%add3A_549] : memref<320000xi32, #tpu.memory_space<hbm>> -> memref<80xi32, #tpu.memory_space<hbm>>
        %dma_start3A_551 = tpu.memref_slice %arg4[%add3A_549] : memref<320000xi32, #tpu.memory_space<hbm>> -> memref<80xi32, #tpu.memory_space<hbm>>
        tpu.enqueue_dma source(%dma_start3A_551 : memref<80xi32, #tpu.memory_space<hbm>>) target(%arg15 : memref<80xi32, #tpu.memory_space<vmem>>) target_semaphore(%arg36 : memref<!tpu.dma_semaphore, #tpu.memory_space<semaphore_mem>>)
        %add3A_552 = arith.addi %mul3A_2, %mul3A_545 : i32
        %dma_start3A_553 = tpu.memref_slice %arg5[%add3A_552] : memref<320000xf32, #tpu.memory_space<hbm>> -> memref<80xf32, #tpu.memory_space<hbm>>
        %dma_start3A_554 = tpu.memref_slice %arg5[%add3A_552] : memref<320000xf32, #tpu.memory_space<hbm>> -> memref<80xf32, #tpu.memory_space<hbm>>
        tpu.enqueue_dma source(%dma_start3A_554 : memref<80xf32, #tpu.memory_space<hbm>>) target(%arg21 : memref<80xf32, #tpu.memory_space<vmem>>) target_semaphore(%arg42 : memref<!tpu.dma_semaphore, #tpu.memory_space<semaphore_mem>>)
      } else {
      }
      %add3A_449 = arith.constant 3 : i32
      %add3A_450 = arith.addi %add3A_418, %add3A_449 : i32
      %sub3A_451 = arith.constant 1 : i32
      %sub3A_452 = arith.subi %add3A_450, %sub3A_451 : i32
      %lt3A_453 = arith.constant 125 : i32
      %lt3A_454 = arith.cmpi slt, %sub3A_452, %lt3A_453 : i32
      %convert_element_type3A_455 = arith.extui %lt3A_454 : i1 to i32
      %cond3A_456 = arith.constant 0 : i32
      %cond3A_457 = arith.cmpi ne, %convert_element_type3A_455, %cond3A_456 : i32
      scf.if %cond3A_457 {
        %dma_wait3A_540 = tpu.memref_slice %arg3[%mul3A_2] : memref<320000xi32, #tpu.memory_space<hbm>> -> memref<80xi32, #tpu.memory_space<hbm>>
        %dma_wait3A_541 = tpu.memref_slice %arg3[%mul3A_2] : memref<320000xi32, #tpu.memory_space<hbm>> -> memref<80xi32, #tpu.memory_space<hbm>>
        tpu.wait_dma2 semaphore(%arg33 : memref<!tpu.dma_semaphore, #tpu.memory_space<semaphore_mem>>) src(%dma_wait3A_541 : memref<80xi32, #tpu.memory_space<hbm>>) dst(%arg12 : memref<80xi32, #tpu.memory_space<vmem>>)
        %dma_start3A_542 = arith.constant 0 : i32
        %dma_start3A_543 = arith.constant 0 : i32
        %dma_start3A_544 = tpu.memref_slice %arg2[%dma_start3A_542, %dma_start3A_543] : memref<10000x128xf32, #tpu.memory_space<hbm>> -> memref<10000x128xf32, #tpu.memory_space<hbm>>
        tpu.enqueue_indirect_dma source(%dma_start3A_544 : memref<10000x128xf32, #tpu.memory_space<hbm>>) target(%arg27 : memref<80x128xf32, #tpu.memory_space<vmem>>) offsets(%arg12 : memref<80xi32, #tpu.memory_space<vmem>>) semaphore(%arg48 : memref<!tpu.dma_semaphore, #tpu.memory_space<semaphore_mem>>)
      } else {
      }
      %add3A_458 = arith.constant 4 : i32
      %add3A_459 = arith.addi %mul3A_297, %add3A_458 : i32
      %dma_wait3A_460 = arith.constant 0 : i32
      %dma_wait3A_461 = arith.constant 0 : i32
      %dma_wait3A_462 = tpu.memref_slice %arg2[%dma_wait3A_460, %dma_wait3A_461] : memref<10000x128xf32, #tpu.memory_space<hbm>> -> memref<10000x128xf32, #tpu.memory_space<hbm>>
      tpu.wait_indirect_dma semaphore(%arg47 : memref<!tpu.dma_semaphore, #tpu.memory_space<semaphore_mem>>) src(%dma_wait3A_462 : memref<10000x128xf32, #tpu.memory_space<hbm>>) dst(%arg26 : memref<80x128xf32, #tpu.memory_space<vmem>>)
      %dma_wait3A_463 = tpu.memref_slice %arg5[%mul3A_2] : memref<320000xf32, #tpu.memory_space<hbm>> -> memref<80xf32, #tpu.memory_space<hbm>>
      %dma_wait3A_464 = tpu.memref_slice %arg5[%mul3A_2] : memref<320000xf32, #tpu.memory_space<hbm>> -> memref<80xf32, #tpu.memory_space<hbm>>
      tpu.wait_dma2 semaphore(%arg44 : memref<!tpu.dma_semaphore, #tpu.memory_space<semaphore_mem>>) src(%dma_wait3A_464 : memref<80xf32, #tpu.memory_space<hbm>>) dst(%arg23 : memref<80xf32, #tpu.memory_space<vmem>>)
      %parallel_loop3A_465 = arith.constant 0 : i32
      %parallel_loop3A_466 = arith.constant 80 : i32
      %parallel_loop3A_467 = arith.constant 1 : i32
      scf.for %parallel_loop3A_540 = %parallel_loop3A_465 to %parallel_loop3A_466 step %parallel_loop3A_467  : i32 {
        %parallel_loop3A_541 = vector.broadcast %parallel_loop3A_540 : i32 to vector<16xi32>
        %parallel_loop3A_542 = tpu.vector_load_idx %arg23[%parallel_loop3A_541] : memref<80xf32, #tpu.memory_space<vmem>>[vector<16xi32>], vector<16xf32>,
        %parallel_loop3A_543 = arith.index_cast %parallel_loop3A_540 : i32 to index
        %parallel_loop3A_544 = arith.constant 0 : index
        %parallel_loop3A_545 = tpu.vector_load %arg26[%parallel_loop3A_543, %parallel_loop3A_544] {strides = array<i32>} : memref<80x128xf32, #tpu.memory_space<vmem>>, vector<16xf32>,
        %parallel_loop3A_546 = arith.mulf %parallel_loop3A_545, %parallel_loop3A_542 : vector<16xf32>
        %parallel_loop3A_547 = arith.index_cast %parallel_loop3A_540 : i32 to index
        %parallel_loop3A_548 = arith.constant 0 : index
        %parallel_loop3A_549 = tpu.vector_load %arg26[%parallel_loop3A_547, %parallel_loop3A_548] {strides = array<i32>} : memref<80x128xf32, #tpu.memory_space<vmem>>, vector<16xf32>,
        tpu.vector_store %arg26[%parallel_loop3A_547, %parallel_loop3A_548], %parallel_loop3A_546 {strides = array<i32>} : memref<80x128xf32, #tpu.memory_space<vmem>>, vector<16xf32>,
        %parallel_loop3A_550 = arith.index_cast %parallel_loop3A_540 : i32 to index
        %parallel_loop3A_551 = arith.constant 16 : index
        %parallel_loop3A_552 = tpu.vector_load %arg26[%parallel_loop3A_550, %parallel_loop3A_551] {strides = array<i32>} : memref<80x128xf32, #tpu.memory_space<vmem>>, vector<16xf32>,
        %parallel_loop3A_553 = arith.mulf %parallel_loop3A_552, %parallel_loop3A_542 : vector<16xf32>
        %parallel_loop3A_554 = arith.index_cast %parallel_loop3A_540 : i32 to index
        %parallel_loop3A_555 = arith.constant 16 : index
        %parallel_loop3A_556 = tpu.vector_load %arg26[%parallel_loop3A_554, %parallel_loop3A_555] {strides = array<i32>} : memref<80x128xf32, #tpu.memory_space<vmem>>, vector<16xf32>,
        tpu.vector_store %arg26[%parallel_loop3A_554, %parallel_loop3A_555], %parallel_loop3A_553 {strides = array<i32>} : memref<80x128xf32, #tpu.memory_space<vmem>>, vector<16xf32>,
        %parallel_loop3A_557 = arith.index_cast %parallel_loop3A_540 : i32 to index
        %parallel_loop3A_558 = arith.constant 32 : index
        %parallel_loop3A_559 = tpu.vector_load %arg26[%parallel_loop3A_557, %parallel_loop3A_558] {strides = array<i32>} : memref<80x128xf32, #tpu.memory_space<vmem>>, vector<16xf32>,
        %parallel_loop3A_560 = arith.mulf %parallel_loop3A_559, %parallel_loop3A_542 : vector<16xf32>
        %parallel_loop3A_561 = arith.index_cast %parallel_loop3A_540 : i32 to index
        %parallel_loop3A_562 = arith.constant 32 : index
        %parallel_loop3A_563 = tpu.vector_load %arg26[%parallel_loop3A_561, %parallel_loop3A_562] {strides = array<i32>} : memref<80x128xf32, #tpu.memory_space<vmem>>, vector<16xf32>,
        tpu.vector_store %arg26[%parallel_loop3A_561, %parallel_loop3A_562], %parallel_loop3A_560 {strides = array<i32>} : memref<80x128xf32, #tpu.memory_space<vmem>>, vector<16xf32>,
        %parallel_loop3A_564 = arith.index_cast %parallel_loop3A_540 : i32 to index
        %parallel_loop3A_565 = arith.constant 48 : index
        %parallel_loop3A_566 = tpu.vector_load %arg26[%parallel_loop3A_564, %parallel_loop3A_565] {strides = array<i32>} : memref<80x128xf32, #tpu.memory_space<vmem>>, vector<16xf32>,
        %parallel_loop3A_567 = arith.mulf %parallel_loop3A_566, %parallel_loop3A_542 : vector<16xf32>
        %parallel_loop3A_568 = arith.index_cast %parallel_loop3A_540 : i32 to index
        %parallel_loop3A_569 = arith.constant 48 : index
        %parallel_loop3A_570 = tpu.vector_load %arg26[%parallel_loop3A_568, %parallel_loop3A_569] {strides = array<i32>} : memref<80x128xf32, #tpu.memory_space<vmem>>, vector<16xf32>,
        tpu.vector_store %arg26[%parallel_loop3A_568, %parallel_loop3A_569], %parallel_loop3A_567 {strides = array<i32>} : memref<80x128xf32, #tpu.memory_space<vmem>>, vector<16xf32>,
        %parallel_loop3A_571 = arith.index_cast %parallel_loop3A_540 : i32 to index
        %parallel_loop3A_572 = arith.constant 64 : index
        %parallel_loop3A_573 = tpu.vector_load %arg26[%parallel_loop3A_571, %parallel_loop3A_572] {strides = array<i32>} : memref<80x128xf32, #tpu.memory_space<vmem>>, vector<16xf32>,
        %parallel_loop3A_574 = arith.mulf %parallel_loop3A_573, %parallel_loop3A_542 : vector<16xf32>
        %parallel_loop3A_575 = arith.index_cast %parallel_loop3A_540 : i32 to index
        %parallel_loop3A_576 = arith.constant 64 : index
        %parallel_loop3A_577 = tpu.vector_load %arg26[%parallel_loop3A_575, %parallel_loop3A_576] {strides = array<i32>} : memref<80x128xf32, #tpu.memory_space<vmem>>, vector<16xf32>,
        tpu.vector_store %arg26[%parallel_loop3A_575, %parallel_loop3A_576], %parallel_loop3A_574 {strides = array<i32>} : memref<80x128xf32, #tpu.memory_space<vmem>>, vector<16xf32>,
        %parallel_loop3A_578 = arith.index_cast %parallel_loop3A_540 : i32 to index
        %parallel_loop3A_579 = arith.constant 80 : index
        %parallel_loop3A_580 = tpu.vector_load %arg26[%parallel_loop3A_578, %parallel_loop3A_579] {strides = array<i32>} : memref<80x128xf32, #tpu.memory_space<vmem>>, vector<16xf32>,
        %parallel_loop3A_581 = arith.mulf %parallel_loop3A_580, %parallel_loop3A_542 : vector<16xf32>
        %parallel_loop3A_582 = arith.index_cast %parallel_loop3A_540 : i32 to index
        %parallel_loop3A_583 = arith.constant 80 : index
        %parallel_loop3A_584 = tpu.vector_load %arg26[%parallel_loop3A_582, %parallel_loop3A_583] {strides = array<i32>} : memref<80x128xf32, #tpu.memory_space<vmem>>, vector<16xf32>,
        tpu.vector_store %arg26[%parallel_loop3A_582, %parallel_loop3A_583], %parallel_loop3A_581 {strides = array<i32>} : memref<80x128xf32, #tpu.memory_space<vmem>>, vector<16xf32>,
        %parallel_loop3A_585 = arith.index_cast %parallel_loop3A_540 : i32 to index
        %parallel_loop3A_586 = arith.constant 96 : index
        %parallel_loop3A_587 = tpu.vector_load %arg26[%parallel_loop3A_585, %parallel_loop3A_586] {strides = array<i32>} : memref<80x128xf32, #tpu.memory_space<vmem>>, vector<16xf32>,
        %parallel_loop3A_588 = arith.mulf %parallel_loop3A_587, %parallel_loop3A_542 : vector<16xf32>
        %parallel_loop3A_589 = arith.index_cast %parallel_loop3A_540 : i32 to index
        %parallel_loop3A_590 = arith.constant 96 : index
        %parallel_loop3A_591 = tpu.vector_load %arg26[%parallel_loop3A_589, %parallel_loop3A_590] {strides = array<i32>} : memref<80x128xf32, #tpu.memory_space<vmem>>, vector<16xf32>,
        tpu.vector_store %arg26[%parallel_loop3A_589, %parallel_loop3A_590], %parallel_loop3A_588 {strides = array<i32>} : memref<80x128xf32, #tpu.memory_space<vmem>>, vector<16xf32>,
        %parallel_loop3A_592 = arith.index_cast %parallel_loop3A_540 : i32 to index
        %parallel_loop3A_593 = arith.constant 112 : index
        %parallel_loop3A_594 = tpu.vector_load %arg26[%parallel_loop3A_592, %parallel_loop3A_593] {strides = array<i32>} : memref<80x128xf32, #tpu.memory_space<vmem>>, vector<16xf32>,
        %parallel_loop3A_595 = arith.mulf %parallel_loop3A_594, %parallel_loop3A_542 : vector<16xf32>
        %parallel_loop3A_596 = arith.index_cast %parallel_loop3A_540 : i32 to index
        %parallel_loop3A_597 = arith.constant 112 : index
        %parallel_loop3A_598 = tpu.vector_load %arg26[%parallel_loop3A_596, %parallel_loop3A_597] {strides = array<i32>} : memref<80x128xf32, #tpu.memory_space<vmem>>, vector<16xf32>,
        tpu.vector_store %arg26[%parallel_loop3A_596, %parallel_loop3A_597], %parallel_loop3A_595 {strides = array<i32>} : memref<80x128xf32, #tpu.memory_space<vmem>>, vector<16xf32>,
      } {sc.loop_unroll_factor = 4 : i64, sc.parallel_access}
      %dma_wait3A_468 = tpu.memref_slice %arg4[%mul3A_2] : memref<320000xi32, #tpu.memory_space<hbm>> -> memref<80xi32, #tpu.memory_space<hbm>>
      %dma_wait3A_469 = tpu.memref_slice %arg4[%mul3A_2] : memref<320000xi32, #tpu.memory_space<hbm>> -> memref<80xi32, #tpu.memory_space<hbm>>
      tpu.wait_dma2 semaphore(%arg38 : memref<!tpu.dma_semaphore, #tpu.memory_space<semaphore_mem>>) src(%dma_wait3A_469 : memref<80xi32, #tpu.memory_space<hbm>>) dst(%arg17 : memref<80xi32, #tpu.memory_space<vmem>>)
      %dma_start3A_470 = arith.constant 0 : i32
      %dma_start3A_471 = arith.constant 0 : i32
      %dma_start3A_472 = tpu.memref_slice %arg52[%dma_start3A_470, %dma_start3A_471] : memref<10000x128xf32, #tpu.memory_space<vmem_shared>> -> memref<10000x128xf32, #tpu.memory_space<vmem_shared>>
      tpu.enqueue_indirect_dma source(%arg26 : memref<80x128xf32, #tpu.memory_space<vmem>>) target(%dma_start3A_472 : memref<10000x128xf32, #tpu.memory_space<vmem_shared>>) offsets(%arg17 : memref<80xi32, #tpu.memory_space<vmem>>) semaphore(%arg50 : memref<!tpu.dma_semaphore, #tpu.memory_space<semaphore_mem>>) {add = true}
      %ge3A_473 = arith.constant 1 : i32
      %ge3A_474 = arith.cmpi sge, %add3A_459, %ge3A_473 : i32
      %convert_element_type3A_475 = arith.extui %ge3A_474 : i1 to i32
      %cond3A_476 = arith.constant 0 : i32
      %cond3A_477 = arith.cmpi ne, %convert_element_type3A_475, %cond3A_476 : i32
      scf.if %cond3A_477 {
        %dma_wait3A_540 = arith.constant 0 : i32
        %dma_wait3A_541 = arith.constant 0 : i32
        %dma_wait3A_542 = tpu.memref_slice %arg52[%dma_wait3A_540, %dma_wait3A_541] : memref<10000x128xf32, #tpu.memory_space<vmem_shared>> -> memref<10000x128xf32, #tpu.memory_space<vmem_shared>>
        tpu.wait_indirect_dma semaphore(%arg49 : memref<!tpu.dma_semaphore, #tpu.memory_space<semaphore_mem>>) src(%arg25 : memref<80x128xf32, #tpu.memory_space<vmem>>) dst(%dma_wait3A_542 : memref<10000x128xf32, #tpu.memory_space<vmem_shared>>)
      } else {
      }
      %ge3A_478 = arith.constant 1 : i32
      %ge3A_479 = arith.cmpi sge, %add3A_459, %ge3A_478 : i32
      %add3A_480 = arith.constant 6 : i32
      %add3A_481 = arith.addi %add3A_459, %add3A_480 : i32
      %sub3A_482 = arith.constant 1 : i32
      %sub3A_483 = arith.subi %add3A_481, %sub3A_482 : i32
      %lt3A_484 = arith.constant 125 : i32
      %lt3A_485 = arith.cmpi slt, %sub3A_483, %lt3A_484 : i32
      %and3A_486 = arith.andi %ge3A_479, %lt3A_485 : i1
      %convert_element_type3A_487 = arith.extui %and3A_486 : i1 to i32
      %cond3A_488 = arith.constant 0 : i32
      %cond3A_489 = arith.cmpi ne, %convert_element_type3A_487, %cond3A_488 : i32
      scf.if %cond3A_489 {
        %add3A_540 = arith.constant 6 : i32
        %add3A_541 = arith.addi %add3A_459, %add3A_540 : i32
        %sub3A_542 = arith.constant 1 : i32
        %sub3A_543 = arith.subi %add3A_541, %sub3A_542 : i32
        %mul3A_544 = arith.constant 80 : i32
        %mul3A_545 = arith.muli %sub3A_543, %mul3A_544 : i32
        %add3A_546 = arith.addi %mul3A_2, %mul3A_545 : i32
        %dma_start3A_547 = tpu.memref_slice %arg3[%add3A_546] : memref<320000xi32, #tpu.memory_space<hbm>> -> memref<80xi32, #tpu.memory_space<hbm>>
        %dma_start3A_548 = tpu.memref_slice %arg3[%add3A_546] : memref<320000xi32, #tpu.memory_space<hbm>> -> memref<80xi32, #tpu.memory_space<hbm>>
        tpu.enqueue_dma source(%dma_start3A_548 : memref<80xi32, #tpu.memory_space<hbm>>) target(%arg10 : memref<80xi32, #tpu.memory_space<vmem>>) target_semaphore(%arg31 : memref<!tpu.dma_semaphore, #tpu.memory_space<semaphore_mem>>)
        %add3A_549 = arith.addi %mul3A_2, %mul3A_545 : i32
        %dma_start3A_550 = tpu.memref_slice %arg4[%add3A_549] : memref<320000xi32, #tpu.memory_space<hbm>> -> memref<80xi32, #tpu.memory_space<hbm>>
        %dma_start3A_551 = tpu.memref_slice %arg4[%add3A_549] : memref<320000xi32, #tpu.memory_space<hbm>> -> memref<80xi32, #tpu.memory_space<hbm>>
        tpu.enqueue_dma source(%dma_start3A_551 : memref<80xi32, #tpu.memory_space<hbm>>) target(%arg16 : memref<80xi32, #tpu.memory_space<vmem>>) target_semaphore(%arg37 : memref<!tpu.dma_semaphore, #tpu.memory_space<semaphore_mem>>)
        %add3A_552 = arith.addi %mul3A_2, %mul3A_545 : i32
        %dma_start3A_553 = tpu.memref_slice %arg5[%add3A_552] : memref<320000xf32, #tpu.memory_space<hbm>> -> memref<80xf32, #tpu.memory_space<hbm>>
        %dma_start3A_554 = tpu.memref_slice %arg5[%add3A_552] : memref<320000xf32, #tpu.memory_space<hbm>> -> memref<80xf32, #tpu.memory_space<hbm>>
        tpu.enqueue_dma source(%dma_start3A_554 : memref<80xf32, #tpu.memory_space<hbm>>) target(%arg22 : memref<80xf32, #tpu.memory_space<vmem>>) target_semaphore(%arg43 : memref<!tpu.dma_semaphore, #tpu.memory_space<semaphore_mem>>)
      } else {
      }
      %add3A_490 = arith.constant 3 : i32
      %add3A_491 = arith.addi %add3A_459, %add3A_490 : i32
      %sub3A_492 = arith.constant 1 : i32
      %sub3A_493 = arith.subi %add3A_491, %sub3A_492 : i32
      %lt3A_494 = arith.constant 125 : i32
      %lt3A_495 = arith.cmpi slt, %sub3A_493, %lt3A_494 : i32
      %convert_element_type3A_496 = arith.extui %lt3A_495 : i1 to i32
      %cond3A_497 = arith.constant 0 : i32
      %cond3A_498 = arith.cmpi ne, %convert_element_type3A_496, %cond3A_497 : i32
      scf.if %cond3A_498 {
        %dma_wait3A_540 = tpu.memref_slice %arg3[%mul3A_2] : memref<320000xi32, #tpu.memory_space<hbm>> -> memref<80xi32, #tpu.memory_space<hbm>>
        %dma_wait3A_541 = tpu.memref_slice %arg3[%mul3A_2] : memref<320000xi32, #tpu.memory_space<hbm>> -> memref<80xi32, #tpu.memory_space<hbm>>
        tpu.wait_dma2 semaphore(%arg28 : memref<!tpu.dma_semaphore, #tpu.memory_space<semaphore_mem>>) src(%dma_wait3A_541 : memref<80xi32, #tpu.memory_space<hbm>>) dst(%arg7 : memref<80xi32, #tpu.memory_space<vmem>>)
        %dma_start3A_542 = arith.constant 0 : i32
        %dma_start3A_543 = arith.constant 0 : i32
        %dma_start3A_544 = tpu.memref_slice %arg2[%dma_start3A_542, %dma_start3A_543] : memref<10000x128xf32, #tpu.memory_space<hbm>> -> memref<10000x128xf32, #tpu.memory_space<hbm>>
        tpu.enqueue_indirect_dma source(%dma_start3A_544 : memref<10000x128xf32, #tpu.memory_space<hbm>>) target(%arg25 : memref<80x128xf32, #tpu.memory_space<vmem>>) offsets(%arg7 : memref<80xi32, #tpu.memory_space<vmem>>) semaphore(%arg46 : memref<!tpu.dma_semaphore, #tpu.memory_space<semaphore_mem>>)
      } else {
      }
      %add3A_499 = arith.constant 5 : i32
      %add3A_500 = arith.addi %mul3A_297, %add3A_499 : i32
      %dma_wait3A_501 = arith.constant 0 : i32
      %dma_wait3A_502 = arith.constant 0 : i32
      %dma_wait3A_503 = tpu.memref_slice %arg2[%dma_wait3A_501, %dma_wait3A_502] : memref<10000x128xf32, #tpu.memory_space<hbm>> -> memref<10000x128xf32, #tpu.memory_space<hbm>>
      tpu.wait_indirect_dma semaphore(%arg48 : memref<!tpu.dma_semaphore, #tpu.memory_space<semaphore_mem>>) src(%dma_wait3A_503 : memref<10000x128xf32, #tpu.memory_space<hbm>>) dst(%arg27 : memref<80x128xf32, #tpu.memory_space<vmem>>)
      %dma_wait3A_504 = tpu.memref_slice %arg5[%mul3A_2] : memref<320000xf32, #tpu.memory_space<hbm>> -> memref<80xf32, #tpu.memory_space<hbm>>
      %dma_wait3A_505 = tpu.memref_slice %arg5[%mul3A_2] : memref<320000xf32, #tpu.memory_space<hbm>> -> memref<80xf32, #tpu.memory_space<hbm>>
      tpu.wait_dma2 semaphore(%arg45 : memref<!tpu.dma_semaphore, #tpu.memory_space<semaphore_mem>>) src(%dma_wait3A_505 : memref<80xf32, #tpu.memory_space<hbm>>) dst(%arg24 : memref<80xf32, #tpu.memory_space<vmem>>)
      %parallel_loop3A_506 = arith.constant 0 : i32
      %parallel_loop3A_507 = arith.constant 80 : i32
      %parallel_loop3A_508 = arith.constant 1 : i32
      scf.for %parallel_loop3A_540 = %parallel_loop3A_506 to %parallel_loop3A_507 step %parallel_loop3A_508  : i32 {
        %parallel_loop3A_541 = vector.broadcast %parallel_loop3A_540 : i32 to vector<16xi32>
        %parallel_loop3A_542 = tpu.vector_load_idx %arg24[%parallel_loop3A_541] : memref<80xf32, #tpu.memory_space<vmem>>[vector<16xi32>], vector<16xf32>,
        %parallel_loop3A_543 = arith.index_cast %parallel_loop3A_540 : i32 to index
        %parallel_loop3A_544 = arith.constant 0 : index
        %parallel_loop3A_545 = tpu.vector_load %arg27[%parallel_loop3A_543, %parallel_loop3A_544] {strides = array<i32>} : memref<80x128xf32, #tpu.memory_space<vmem>>, vector<16xf32>,
        %parallel_loop3A_546 = arith.mulf %parallel_loop3A_545, %parallel_loop3A_542 : vector<16xf32>
        %parallel_loop3A_547 = arith.index_cast %parallel_loop3A_540 : i32 to index
        %parallel_loop3A_548 = arith.constant 0 : index
        %parallel_loop3A_549 = tpu.vector_load %arg27[%parallel_loop3A_547, %parallel_loop3A_548] {strides = array<i32>} : memref<80x128xf32, #tpu.memory_space<vmem>>, vector<16xf32>,
        tpu.vector_store %arg27[%parallel_loop3A_547, %parallel_loop3A_548], %parallel_loop3A_546 {strides = array<i32>} : memref<80x128xf32, #tpu.memory_space<vmem>>, vector<16xf32>,
        %parallel_loop3A_550 = arith.index_cast %parallel_loop3A_540 : i32 to index
        %parallel_loop3A_551 = arith.constant 16 : index
        %parallel_loop3A_552 = tpu.vector_load %arg27[%parallel_loop3A_550, %parallel_loop3A_551] {strides = array<i32>} : memref<80x128xf32, #tpu.memory_space<vmem>>, vector<16xf32>,
        %parallel_loop3A_553 = arith.mulf %parallel_loop3A_552, %parallel_loop3A_542 : vector<16xf32>
        %parallel_loop3A_554 = arith.index_cast %parallel_loop3A_540 : i32 to index
        %parallel_loop3A_555 = arith.constant 16 : index
        %parallel_loop3A_556 = tpu.vector_load %arg27[%parallel_loop3A_554, %parallel_loop3A_555] {strides = array<i32>} : memref<80x128xf32, #tpu.memory_space<vmem>>, vector<16xf32>,
        tpu.vector_store %arg27[%parallel_loop3A_554, %parallel_loop3A_555], %parallel_loop3A_553 {strides = array<i32>} : memref<80x128xf32, #tpu.memory_space<vmem>>, vector<16xf32>,
        %parallel_loop3A_557 = arith.index_cast %parallel_loop3A_540 : i32 to index
        %parallel_loop3A_558 = arith.constant 32 : index
        %parallel_loop3A_559 = tpu.vector_load %arg27[%parallel_loop3A_557, %parallel_loop3A_558] {strides = array<i32>} : memref<80x128xf32, #tpu.memory_space<vmem>>, vector<16xf32>,
        %parallel_loop3A_560 = arith.mulf %parallel_loop3A_559, %parallel_loop3A_542 : vector<16xf32>
        %parallel_loop3A_561 = arith.index_cast %parallel_loop3A_540 : i32 to index
        %parallel_loop3A_562 = arith.constant 32 : index
        %parallel_loop3A_563 = tpu.vector_load %arg27[%parallel_loop3A_561, %parallel_loop3A_562] {strides = array<i32>} : memref<80x128xf32, #tpu.memory_space<vmem>>, vector<16xf32>,
        tpu.vector_store %arg27[%parallel_loop3A_561, %parallel_loop3A_562], %parallel_loop3A_560 {strides = array<i32>} : memref<80x128xf32, #tpu.memory_space<vmem>>, vector<16xf32>,
        %parallel_loop3A_564 = arith.index_cast %parallel_loop3A_540 : i32 to index
        %parallel_loop3A_565 = arith.constant 48 : index
        %parallel_loop3A_566 = tpu.vector_load %arg27[%parallel_loop3A_564, %parallel_loop3A_565] {strides = array<i32>} : memref<80x128xf32, #tpu.memory_space<vmem>>, vector<16xf32>,
        %parallel_loop3A_567 = arith.mulf %parallel_loop3A_566, %parallel_loop3A_542 : vector<16xf32>
        %parallel_loop3A_568 = arith.index_cast %parallel_loop3A_540 : i32 to index
        %parallel_loop3A_569 = arith.constant 48 : index
        %parallel_loop3A_570 = tpu.vector_load %arg27[%parallel_loop3A_568, %parallel_loop3A_569] {strides = array<i32>} : memref<80x128xf32, #tpu.memory_space<vmem>>, vector<16xf32>,
        tpu.vector_store %arg27[%parallel_loop3A_568, %parallel_loop3A_569], %parallel_loop3A_567 {strides = array<i32>} : memref<80x128xf32, #tpu.memory_space<vmem>>, vector<16xf32>,
        %parallel_loop3A_571 = arith.index_cast %parallel_loop3A_540 : i32 to index
        %parallel_loop3A_572 = arith.constant 64 : index
        %parallel_loop3A_573 = tpu.vector_load %arg27[%parallel_loop3A_571, %parallel_loop3A_572] {strides = array<i32>} : memref<80x128xf32, #tpu.memory_space<vmem>>, vector<16xf32>,
        %parallel_loop3A_574 = arith.mulf %parallel_loop3A_573, %parallel_loop3A_542 : vector<16xf32>
        %parallel_loop3A_575 = arith.index_cast %parallel_loop3A_540 : i32 to index
        %parallel_loop3A_576 = arith.constant 64 : index
        %parallel_loop3A_577 = tpu.vector_load %arg27[%parallel_loop3A_575, %parallel_loop3A_576] {strides = array<i32>} : memref<80x128xf32, #tpu.memory_space<vmem>>, vector<16xf32>,
        tpu.vector_store %arg27[%parallel_loop3A_575, %parallel_loop3A_576], %parallel_loop3A_574 {strides = array<i32>} : memref<80x128xf32, #tpu.memory_space<vmem>>, vector<16xf32>,
        %parallel_loop3A_578 = arith.index_cast %parallel_loop3A_540 : i32 to index
        %parallel_loop3A_579 = arith.constant 80 : index
        %parallel_loop3A_580 = tpu.vector_load %arg27[%parallel_loop3A_578, %parallel_loop3A_579] {strides = array<i32>} : memref<80x128xf32, #tpu.memory_space<vmem>>, vector<16xf32>,
        %parallel_loop3A_581 = arith.mulf %parallel_loop3A_580, %parallel_loop3A_542 : vector<16xf32>
        %parallel_loop3A_582 = arith.index_cast %parallel_loop3A_540 : i32 to index
        %parallel_loop3A_583 = arith.constant 80 : index
        %parallel_loop3A_584 = tpu.vector_load %arg27[%parallel_loop3A_582, %parallel_loop3A_583] {strides = array<i32>} : memref<80x128xf32, #tpu.memory_space<vmem>>, vector<16xf32>,
        tpu.vector_store %arg27[%parallel_loop3A_582, %parallel_loop3A_583], %parallel_loop3A_581 {strides = array<i32>} : memref<80x128xf32, #tpu.memory_space<vmem>>, vector<16xf32>,
        %parallel_loop3A_585 = arith.index_cast %parallel_loop3A_540 : i32 to index
        %parallel_loop3A_586 = arith.constant 96 : index
        %parallel_loop3A_587 = tpu.vector_load %arg27[%parallel_loop3A_585, %parallel_loop3A_586] {strides = array<i32>} : memref<80x128xf32, #tpu.memory_space<vmem>>, vector<16xf32>,
        %parallel_loop3A_588 = arith.mulf %parallel_loop3A_587, %parallel_loop3A_542 : vector<16xf32>
        %parallel_loop3A_589 = arith.index_cast %parallel_loop3A_540 : i32 to index
        %parallel_loop3A_590 = arith.constant 96 : index
        %parallel_loop3A_591 = tpu.vector_load %arg27[%parallel_loop3A_589, %parallel_loop3A_590] {strides = array<i32>} : memref<80x128xf32, #tpu.memory_space<vmem>>, vector<16xf32>,
        tpu.vector_store %arg27[%parallel_loop3A_589, %parallel_loop3A_590], %parallel_loop3A_588 {strides = array<i32>} : memref<80x128xf32, #tpu.memory_space<vmem>>, vector<16xf32>,
        %parallel_loop3A_592 = arith.index_cast %parallel_loop3A_540 : i32 to index
        %parallel_loop3A_593 = arith.constant 112 : index
        %parallel_loop3A_594 = tpu.vector_load %arg27[%parallel_loop3A_592, %parallel_loop3A_593] {strides = array<i32>} : memref<80x128xf32, #tpu.memory_space<vmem>>, vector<16xf32>,
        %parallel_loop3A_595 = arith.mulf %parallel_loop3A_594, %parallel_loop3A_542 : vector<16xf32>
        %parallel_loop3A_596 = arith.index_cast %parallel_loop3A_540 : i32 to index
        %parallel_loop3A_597 = arith.constant 112 : index
        %parallel_loop3A_598 = tpu.vector_load %arg27[%parallel_loop3A_596, %parallel_loop3A_597] {strides = array<i32>} : memref<80x128xf32, #tpu.memory_space<vmem>>, vector<16xf32>,
        tpu.vector_store %arg27[%parallel_loop3A_596, %parallel_loop3A_597], %parallel_loop3A_595 {strides = array<i32>} : memref<80x128xf32, #tpu.memory_space<vmem>>, vector<16xf32>,
      } {sc.loop_unroll_factor = 4 : i64, sc.parallel_access}
      %dma_wait3A_509 = tpu.memref_slice %arg4[%mul3A_2] : memref<320000xi32, #tpu.memory_space<hbm>> -> memref<80xi32, #tpu.memory_space<hbm>>
      %dma_wait3A_510 = tpu.memref_slice %arg4[%mul3A_2] : memref<320000xi32, #tpu.memory_space<hbm>> -> memref<80xi32, #tpu.memory_space<hbm>>
      tpu.wait_dma2 semaphore(%arg39 : memref<!tpu.dma_semaphore, #tpu.memory_space<semaphore_mem>>) src(%dma_wait3A_510 : memref<80xi32, #tpu.memory_space<hbm>>) dst(%arg18 : memref<80xi32, #tpu.memory_space<vmem>>)
      %dma_start3A_511 = arith.constant 0 : i32
      %dma_start3A_512 = arith.constant 0 : i32
      %dma_start3A_513 = tpu.memref_slice %arg52[%dma_start3A_511, %dma_start3A_512] : memref<10000x128xf32, #tpu.memory_space<vmem_shared>> -> memref<10000x128xf32, #tpu.memory_space<vmem_shared>>
      tpu.enqueue_indirect_dma source(%arg27 : memref<80x128xf32, #tpu.memory_space<vmem>>) target(%dma_start3A_513 : memref<10000x128xf32, #tpu.memory_space<vmem_shared>>) offsets(%arg18 : memref<80xi32, #tpu.memory_space<vmem>>) semaphore(%arg51 : memref<!tpu.dma_semaphore, #tpu.memory_space<semaphore_mem>>) {add = true}
      %ge3A_514 = arith.constant 1 : i32
      %ge3A_515 = arith.cmpi sge, %add3A_500, %ge3A_514 : i32
      %convert_element_type3A_516 = arith.extui %ge3A_515 : i1 to i32
      %cond3A_517 = arith.constant 0 : i32
      %cond3A_518 = arith.cmpi ne, %convert_element_type3A_516, %cond3A_517 : i32
      scf.if %cond3A_518 {
        %dma_wait3A_540 = arith.constant 0 : i32
        %dma_wait3A_541 = arith.constant 0 : i32
        %dma_wait3A_542 = tpu.memref_slice %arg52[%dma_wait3A_540, %dma_wait3A_541] : memref<10000x128xf32, #tpu.memory_space<vmem_shared>> -> memref<10000x128xf32, #tpu.memory_space<vmem_shared>>
        tpu.wait_indirect_dma semaphore(%arg50 : memref<!tpu.dma_semaphore, #tpu.memory_space<semaphore_mem>>) src(%arg26 : memref<80x128xf32, #tpu.memory_space<vmem>>) dst(%dma_wait3A_542 : memref<10000x128xf32, #tpu.memory_space<vmem_shared>>)
      } else {
      }
      %ge3A_519 = arith.constant 1 : i32
      %ge3A_520 = arith.cmpi sge, %add3A_500, %ge3A_519 : i32
      %add3A_521 = arith.constant 6 : i32
      %add3A_522 = arith.addi %add3A_500, %add3A_521 : i32
      %sub3A_523 = arith.constant 1 : i32
      %sub3A_524 = arith.subi %add3A_522, %sub3A_523 : i32
      %lt3A_525 = arith.constant 125 : i32
      %lt3A_526 = arith.cmpi slt, %sub3A_524, %lt3A_525 : i32
      %and3A_527 = arith.andi %ge3A_520, %lt3A_526 : i1
      %convert_element_type3A_528 = arith.extui %and3A_527 : i1 to i32
      %cond3A_529 = arith.constant 0 : i32
      %cond3A_530 = arith.cmpi ne, %convert_element_type3A_528, %cond3A_529 : i32
      scf.if %cond3A_530 {
        %add3A_540 = arith.constant 6 : i32
        %add3A_541 = arith.addi %add3A_500, %add3A_540 : i32
        %sub3A_542 = arith.constant 1 : i32
        %sub3A_543 = arith.subi %add3A_541, %sub3A_542 : i32
        %mul3A_544 = arith.constant 80 : i32
        %mul3A_545 = arith.muli %sub3A_543, %mul3A_544 : i32
        %add3A_546 = arith.addi %mul3A_2, %mul3A_545 : i32
        %dma_start3A_547 = tpu.memref_slice %arg3[%add3A_546] : memref<320000xi32, #tpu.memory_space<hbm>> -> memref<80xi32, #tpu.memory_space<hbm>>
        %dma_start3A_548 = tpu.memref_slice %arg3[%add3A_546] : memref<320000xi32, #tpu.memory_space<hbm>> -> memref<80xi32, #tpu.memory_space<hbm>>
        tpu.enqueue_dma source(%dma_start3A_548 : memref<80xi32, #tpu.memory_space<hbm>>) target(%arg11 : memref<80xi32, #tpu.memory_space<vmem>>) target_semaphore(%arg32 : memref<!tpu.dma_semaphore, #tpu.memory_space<semaphore_mem>>)
        %add3A_549 = arith.addi %mul3A_2, %mul3A_545 : i32
        %dma_start3A_550 = tpu.memref_slice %arg4[%add3A_549] : memref<320000xi32, #tpu.memory_space<hbm>> -> memref<80xi32, #tpu.memory_space<hbm>>
        %dma_start3A_551 = tpu.memref_slice %arg4[%add3A_549] : memref<320000xi32, #tpu.memory_space<hbm>> -> memref<80xi32, #tpu.memory_space<hbm>>
        tpu.enqueue_dma source(%dma_start3A_551 : memref<80xi32, #tpu.memory_space<hbm>>) target(%arg17 : memref<80xi32, #tpu.memory_space<vmem>>) target_semaphore(%arg38 : memref<!tpu.dma_semaphore, #tpu.memory_space<semaphore_mem>>)
        %add3A_552 = arith.addi %mul3A_2, %mul3A_545 : i32
        %dma_start3A_553 = tpu.memref_slice %arg5[%add3A_552] : memref<320000xf32, #tpu.memory_space<hbm>> -> memref<80xf32, #tpu.memory_space<hbm>>
        %dma_start3A_554 = tpu.memref_slice %arg5[%add3A_552] : memref<320000xf32, #tpu.memory_space<hbm>> -> memref<80xf32, #tpu.memory_space<hbm>>
        tpu.enqueue_dma source(%dma_start3A_554 : memref<80xf32, #tpu.memory_space<hbm>>) target(%arg23 : memref<80xf32, #tpu.memory_space<vmem>>) target_semaphore(%arg44 : memref<!tpu.dma_semaphore, #tpu.memory_space<semaphore_mem>>)
      } else {
      }
      %add3A_531 = arith.constant 3 : i32
      %add3A_532 = arith.addi %add3A_500, %add3A_531 : i32
      %sub3A_533 = arith.constant 1 : i32
      %sub3A_534 = arith.subi %add3A_532, %sub3A_533 : i32
      %lt3A_535 = arith.constant 125 : i32
      %lt3A_536 = arith.cmpi slt, %sub3A_534, %lt3A_535 : i32
      %convert_element_type3A_537 = arith.extui %lt3A_536 : i1 to i32
      %cond3A_538 = arith.constant 0 : i32
      %cond3A_539 = arith.cmpi ne, %convert_element_type3A_537, %cond3A_538 : i32
      scf.if %cond3A_539 {
        %dma_wait3A_540 = tpu.memref_slice %arg3[%mul3A_2] : memref<320000xi32, #tpu.memory_space<hbm>> -> memref<80xi32, #tpu.memory_space<hbm>>
        %dma_wait3A_541 = tpu.memref_slice %arg3[%mul3A_2] : memref<320000xi32, #tpu.memory_space<hbm>> -> memref<80xi32, #tpu.memory_space<hbm>>
        tpu.wait_dma2 semaphore(%arg29 : memref<!tpu.dma_semaphore, #tpu.memory_space<semaphore_mem>>) src(%dma_wait3A_541 : memref<80xi32, #tpu.memory_space<hbm>>) dst(%arg8 : memref<80xi32, #tpu.memory_space<vmem>>)
        %dma_start3A_542 = arith.constant 0 : i32
        %dma_start3A_543 = arith.constant 0 : i32
        %dma_start3A_544 = tpu.memref_slice %arg2[%dma_start3A_542, %dma_start3A_543] : memref<10000x128xf32, #tpu.memory_space<hbm>> -> memref<10000x128xf32, #tpu.memory_space<hbm>>
        tpu.enqueue_indirect_dma source(%dma_start3A_544 : memref<10000x128xf32, #tpu.memory_space<hbm>>) target(%arg26 : memref<80x128xf32, #tpu.memory_space<vmem>>) offsets(%arg8 : memref<80xi32, #tpu.memory_space<vmem>>) semaphore(%arg47 : memref<!tpu.dma_semaphore, #tpu.memory_space<semaphore_mem>>)
      } else {
      }
    }
    %scan3A_187 = arith.constant 20 : i32
    %dma_wait3A_188 = arith.constant 0 : i32
    %dma_wait3A_189 = arith.constant 0 : i32
    %dma_wait3A_190 = tpu.memref_slice %arg2[%dma_wait3A_188, %dma_wait3A_189] : memref<10000x128xf32, #tpu.memory_space<hbm>> -> memref<10000x128xf32, #tpu.memory_space<hbm>>
    tpu.wait_indirect_dma semaphore(%arg46 : memref<!tpu.dma_semaphore, #tpu.memory_space<semaphore_mem>>) src(%dma_wait3A_190 : memref<10000x128xf32, #tpu.memory_space<hbm>>) dst(%arg25 : memref<80x128xf32, #tpu.memory_space<vmem>>)
    %dma_wait3A_191 = tpu.memref_slice %arg5[%mul3A_2] : memref<320000xf32, #tpu.memory_space<hbm>> -> memref<80xf32, #tpu.memory_space<hbm>>
    %dma_wait3A_192 = tpu.memref_slice %arg5[%mul3A_2] : memref<320000xf32, #tpu.memory_space<hbm>> -> memref<80xf32, #tpu.memory_space<hbm>>
    tpu.wait_dma2 semaphore(%arg40 : memref<!tpu.dma_semaphore, #tpu.memory_space<semaphore_mem>>) src(%dma_wait3A_192 : memref<80xf32, #tpu.memory_space<hbm>>) dst(%arg19 : memref<80xf32, #tpu.memory_space<vmem>>)
    %parallel_loop3A = arith.constant 0 : i32
    %parallel_loop3A_193 = arith.constant 80 : i32
    %parallel_loop3A_194 = arith.constant 1 : i32
    scf.for %parallel_loop3A_291 = %parallel_loop3A to %parallel_loop3A_193 step %parallel_loop3A_194  : i32 {
      %parallel_loop3A_292 = vector.broadcast %parallel_loop3A_291 : i32 to vector<16xi32>
      %parallel_loop3A_293 = tpu.vector_load_idx %arg19[%parallel_loop3A_292] : memref<80xf32, #tpu.memory_space<vmem>>[vector<16xi32>], vector<16xf32>,
      %parallel_loop3A_294 = arith.index_cast %parallel_loop3A_291 : i32 to index
      %parallel_loop3A_295 = arith.constant 0 : index
      %parallel_loop3A_296 = tpu.vector_load %arg25[%parallel_loop3A_294, %parallel_loop3A_295] {strides = array<i32>} : memref<80x128xf32, #tpu.memory_space<vmem>>, vector<16xf32>,
      %parallel_loop3A_297 = arith.mulf %parallel_loop3A_296, %parallel_loop3A_293 : vector<16xf32>
      %parallel_loop3A_298 = arith.index_cast %parallel_loop3A_291 : i32 to index
      %parallel_loop3A_299 = arith.constant 0 : index
      %parallel_loop3A_300 = tpu.vector_load %arg25[%parallel_loop3A_298, %parallel_loop3A_299] {strides = array<i32>} : memref<80x128xf32, #tpu.memory_space<vmem>>, vector<16xf32>,
      tpu.vector_store %arg25[%parallel_loop3A_298, %parallel_loop3A_299], %parallel_loop3A_297 {strides = array<i32>} : memref<80x128xf32, #tpu.memory_space<vmem>>, vector<16xf32>,
      %parallel_loop3A_301 = arith.index_cast %parallel_loop3A_291 : i32 to index
      %parallel_loop3A_302 = arith.constant 16 : index
      %parallel_loop3A_303 = tpu.vector_load %arg25[%parallel_loop3A_301, %parallel_loop3A_302] {strides = array<i32>} : memref<80x128xf32, #tpu.memory_space<vmem>>, vector<16xf32>,
      %parallel_loop3A_304 = arith.mulf %parallel_loop3A_303, %parallel_loop3A_293 : vector<16xf32>
      %parallel_loop3A_305 = arith.index_cast %parallel_loop3A_291 : i32 to index
      %parallel_loop3A_306 = arith.constant 16 : index
      %parallel_loop3A_307 = tpu.vector_load %arg25[%parallel_loop3A_305, %parallel_loop3A_306] {strides = array<i32>} : memref<80x128xf32, #tpu.memory_space<vmem>>, vector<16xf32>,
      tpu.vector_store %arg25[%parallel_loop3A_305, %parallel_loop3A_306], %parallel_loop3A_304 {strides = array<i32>} : memref<80x128xf32, #tpu.memory_space<vmem>>, vector<16xf32>,
      %parallel_loop3A_308 = arith.index_cast %parallel_loop3A_291 : i32 to index
      %parallel_loop3A_309 = arith.constant 32 : index
      %parallel_loop3A_310 = tpu.vector_load %arg25[%parallel_loop3A_308, %parallel_loop3A_309] {strides = array<i32>} : memref<80x128xf32, #tpu.memory_space<vmem>>, vector<16xf32>,
      %parallel_loop3A_311 = arith.mulf %parallel_loop3A_310, %parallel_loop3A_293 : vector<16xf32>
      %parallel_loop3A_312 = arith.index_cast %parallel_loop3A_291 : i32 to index
      %parallel_loop3A_313 = arith.constant 32 : index
      %parallel_loop3A_314 = tpu.vector_load %arg25[%parallel_loop3A_312, %parallel_loop3A_313] {strides = array<i32>} : memref<80x128xf32, #tpu.memory_space<vmem>>, vector<16xf32>,
      tpu.vector_store %arg25[%parallel_loop3A_312, %parallel_loop3A_313], %parallel_loop3A_311 {strides = array<i32>} : memref<80x128xf32, #tpu.memory_space<vmem>>, vector<16xf32>,
      %parallel_loop3A_315 = arith.index_cast %parallel_loop3A_291 : i32 to index
      %parallel_loop3A_316 = arith.constant 48 : index
      %parallel_loop3A_317 = tpu.vector_load %arg25[%parallel_loop3A_315, %parallel_loop3A_316] {strides = array<i32>} : memref<80x128xf32, #tpu.memory_space<vmem>>, vector<16xf32>,
      %parallel_loop3A_318 = arith.mulf %parallel_loop3A_317, %parallel_loop3A_293 : vector<16xf32>
      %parallel_loop3A_319 = arith.index_cast %parallel_loop3A_291 : i32 to index
      %parallel_loop3A_320 = arith.constant 48 : index
      %parallel_loop3A_321 = tpu.vector_load %arg25[%parallel_loop3A_319, %parallel_loop3A_320] {strides = array<i32>} : memref<80x128xf32, #tpu.memory_space<vmem>>, vector<16xf32>,
      tpu.vector_store %arg25[%parallel_loop3A_319, %parallel_loop3A_320], %parallel_loop3A_318 {strides = array<i32>} : memref<80x128xf32, #tpu.memory_space<vmem>>, vector<16xf32>,
      %parallel_loop3A_322 = arith.index_cast %parallel_loop3A_291 : i32 to index
      %parallel_loop3A_323 = arith.constant 64 : index
      %parallel_loop3A_324 = tpu.vector_load %arg25[%parallel_loop3A_322, %parallel_loop3A_323] {strides = array<i32>} : memref<80x128xf32, #tpu.memory_space<vmem>>, vector<16xf32>,
      %parallel_loop3A_325 = arith.mulf %parallel_loop3A_324, %parallel_loop3A_293 : vector<16xf32>
      %parallel_loop3A_326 = arith.index_cast %parallel_loop3A_291 : i32 to index
      %parallel_loop3A_327 = arith.constant 64 : index
      %parallel_loop3A_328 = tpu.vector_load %arg25[%parallel_loop3A_326, %parallel_loop3A_327] {strides = array<i32>} : memref<80x128xf32, #tpu.memory_space<vmem>>, vector<16xf32>,
      tpu.vector_store %arg25[%parallel_loop3A_326, %parallel_loop3A_327], %parallel_loop3A_325 {strides = array<i32>} : memref<80x128xf32, #tpu.memory_space<vmem>>, vector<16xf32>,
      %parallel_loop3A_329 = arith.index_cast %parallel_loop3A_291 : i32 to index
      %parallel_loop3A_330 = arith.constant 80 : index
      %parallel_loop3A_331 = tpu.vector_load %arg25[%parallel_loop3A_329, %parallel_loop3A_330] {strides = array<i32>} : memref<80x128xf32, #tpu.memory_space<vmem>>, vector<16xf32>,
      %parallel_loop3A_332 = arith.mulf %parallel_loop3A_331, %parallel_loop3A_293 : vector<16xf32>
      %parallel_loop3A_333 = arith.index_cast %parallel_loop3A_291 : i32 to index
      %parallel_loop3A_334 = arith.constant 80 : index
      %parallel_loop3A_335 = tpu.vector_load %arg25[%parallel_loop3A_333, %parallel_loop3A_334] {strides = array<i32>} : memref<80x128xf32, #tpu.memory_space<vmem>>, vector<16xf32>,
      tpu.vector_store %arg25[%parallel_loop3A_333, %parallel_loop3A_334], %parallel_loop3A_332 {strides = array<i32>} : memref<80x128xf32, #tpu.memory_space<vmem>>, vector<16xf32>,
      %parallel_loop3A_336 = arith.index_cast %parallel_loop3A_291 : i32 to index
      %parallel_loop3A_337 = arith.constant 96 : index
      %parallel_loop3A_338 = tpu.vector_load %arg25[%parallel_loop3A_336, %parallel_loop3A_337] {strides = array<i32>} : memref<80x128xf32, #tpu.memory_space<vmem>>, vector<16xf32>,
      %parallel_loop3A_339 = arith.mulf %parallel_loop3A_338, %parallel_loop3A_293 : vector<16xf32>
      %parallel_loop3A_340 = arith.index_cast %parallel_loop3A_291 : i32 to index
      %parallel_loop3A_341 = arith.constant 96 : index
      %parallel_loop3A_342 = tpu.vector_load %arg25[%parallel_loop3A_340, %parallel_loop3A_341] {strides = array<i32>} : memref<80x128xf32, #tpu.memory_space<vmem>>, vector<16xf32>,
      tpu.vector_store %arg25[%parallel_loop3A_340, %parallel_loop3A_341], %parallel_loop3A_339 {strides = array<i32>} : memref<80x128xf32, #tpu.memory_space<vmem>>, vector<16xf32>,
      %parallel_loop3A_343 = arith.index_cast %parallel_loop3A_291 : i32 to index
      %parallel_loop3A_344 = arith.constant 112 : index
      %parallel_loop3A_345 = tpu.vector_load %arg25[%parallel_loop3A_343, %parallel_loop3A_344] {strides = array<i32>} : memref<80x128xf32, #tpu.memory_space<vmem>>, vector<16xf32>,
      %parallel_loop3A_346 = arith.mulf %parallel_loop3A_345, %parallel_loop3A_293 : vector<16xf32>
      %parallel_loop3A_347 = arith.index_cast %parallel_loop3A_291 : i32 to index
      %parallel_loop3A_348 = arith.constant 112 : index
      %parallel_loop3A_349 = tpu.vector_load %arg25[%parallel_loop3A_347, %parallel_loop3A_348] {strides = array<i32>} : memref<80x128xf32, #tpu.memory_space<vmem>>, vector<16xf32>,
      tpu.vector_store %arg25[%parallel_loop3A_347, %parallel_loop3A_348], %parallel_loop3A_346 {strides = array<i32>} : memref<80x128xf32, #tpu.memory_space<vmem>>, vector<16xf32>,
    } {sc.loop_unroll_factor = 4 : i64, sc.parallel_access}
    %dma_wait3A_195 = tpu.memref_slice %arg4[%mul3A_2] : memref<320000xi32, #tpu.memory_space<hbm>> -> memref<80xi32, #tpu.memory_space<hbm>>
    %dma_wait3A_196 = tpu.memref_slice %arg4[%mul3A_2] : memref<320000xi32, #tpu.memory_space<hbm>> -> memref<80xi32, #tpu.memory_space<hbm>>
    tpu.wait_dma2 semaphore(%arg34 : memref<!tpu.dma_semaphore, #tpu.memory_space<semaphore_mem>>) src(%dma_wait3A_196 : memref<80xi32, #tpu.memory_space<hbm>>) dst(%arg13 : memref<80xi32, #tpu.memory_space<vmem>>)
    %dma_start3A_197 = arith.constant 0 : i32
    %dma_start3A_198 = arith.constant 0 : i32
    %dma_start3A_199 = tpu.memref_slice %arg52[%dma_start3A_197, %dma_start3A_198] : memref<10000x128xf32, #tpu.memory_space<vmem_shared>> -> memref<10000x128xf32, #tpu.memory_space<vmem_shared>>
    tpu.enqueue_indirect_dma source(%arg25 : memref<80x128xf32, #tpu.memory_space<vmem>>) target(%dma_start3A_199 : memref<10000x128xf32, #tpu.memory_space<vmem_shared>>) offsets(%arg13 : memref<80xi32, #tpu.memory_space<vmem>>) semaphore(%arg49 : memref<!tpu.dma_semaphore, #tpu.memory_space<semaphore_mem>>) {add = true}
    %dma_wait3A_200 = arith.constant 0 : i32
    %dma_wait3A_201 = arith.constant 0 : i32
    %dma_wait3A_202 = tpu.memref_slice %arg52[%dma_wait3A_200, %dma_wait3A_201] : memref<10000x128xf32, #tpu.memory_space<vmem_shared>> -> memref<10000x128xf32, #tpu.memory_space<vmem_shared>>
    tpu.wait_indirect_dma semaphore(%arg51 : memref<!tpu.dma_semaphore, #tpu.memory_space<semaphore_mem>>) src(%arg27 : memref<80x128xf32, #tpu.memory_space<vmem>>) dst(%dma_wait3A_202 : memref<10000x128xf32, #tpu.memory_space<vmem_shared>>)
    %dma_wait3A_203 = tpu.memref_slice %arg3[%mul3A_2] : memref<320000xi32, #tpu.memory_space<hbm>> -> memref<80xi32, #tpu.memory_space<hbm>>
    %dma_wait3A_204 = tpu.memref_slice %arg3[%mul3A_2] : memref<320000xi32, #tpu.memory_space<hbm>> -> memref<80xi32, #tpu.memory_space<hbm>>
    tpu.wait_dma2 semaphore(%arg30 : memref<!tpu.dma_semaphore, #tpu.memory_space<semaphore_mem>>) src(%dma_wait3A_204 : memref<80xi32, #tpu.memory_space<hbm>>) dst(%arg9 : memref<80xi32, #tpu.memory_space<vmem>>)
    %dma_start3A_205 = arith.constant 0 : i32
    %dma_start3A_206 = arith.constant 0 : i32
    %dma_start3A_207 = tpu.memref_slice %arg2[%dma_start3A_205, %dma_start3A_206] : memref<10000x128xf32, #tpu.memory_space<hbm>> -> memref<10000x128xf32, #tpu.memory_space<hbm>>
    tpu.enqueue_indirect_dma source(%dma_start3A_207 : memref<10000x128xf32, #tpu.memory_space<hbm>>) target(%arg27 : memref<80x128xf32, #tpu.memory_space<vmem>>) offsets(%arg9 : memref<80xi32, #tpu.memory_space<vmem>>) semaphore(%arg48 : memref<!tpu.dma_semaphore, #tpu.memory_space<semaphore_mem>>)
    %dma_wait3A_208 = arith.constant 0 : i32
    %dma_wait3A_209 = arith.constant 0 : i32
    %dma_wait3A_210 = tpu.memref_slice %arg2[%dma_wait3A_208, %dma_wait3A_209] : memref<10000x128xf32, #tpu.memory_space<hbm>> -> memref<10000x128xf32, #tpu.memory_space<hbm>>
    tpu.wait_indirect_dma semaphore(%arg47 : memref<!tpu.dma_semaphore, #tpu.memory_space<semaphore_mem>>) src(%dma_wait3A_210 : memref<10000x128xf32, #tpu.memory_space<hbm>>) dst(%arg26 : memref<80x128xf32, #tpu.memory_space<vmem>>)
    %dma_wait3A_211 = tpu.memref_slice %arg5[%mul3A_2] : memref<320000xf32, #tpu.memory_space<hbm>> -> memref<80xf32, #tpu.memory_space<hbm>>
    %dma_wait3A_212 = tpu.memref_slice %arg5[%mul3A_2] : memref<320000xf32, #tpu.memory_space<hbm>> -> memref<80xf32, #tpu.memory_space<hbm>>
    tpu.wait_dma2 semaphore(%arg41 : memref<!tpu.dma_semaphore, #tpu.memory_space<semaphore_mem>>) src(%dma_wait3A_212 : memref<80xf32, #tpu.memory_space<hbm>>) dst(%arg20 : memref<80xf32, #tpu.memory_space<vmem>>)
    %parallel_loop3A_213 = arith.constant 0 : i32
    %parallel_loop3A_214 = arith.constant 80 : i32
    %parallel_loop3A_215 = arith.constant 1 : i32
    scf.for %parallel_loop3A_291 = %parallel_loop3A_213 to %parallel_loop3A_214 step %parallel_loop3A_215  : i32 {
      %parallel_loop3A_292 = vector.broadcast %parallel_loop3A_291 : i32 to vector<16xi32>
      %parallel_loop3A_293 = tpu.vector_load_idx %arg20[%parallel_loop3A_292] : memref<80xf32, #tpu.memory_space<vmem>>[vector<16xi32>], vector<16xf32>,
      %parallel_loop3A_294 = arith.index_cast %parallel_loop3A_291 : i32 to index
      %parallel_loop3A_295 = arith.constant 0 : index
      %parallel_loop3A_296 = tpu.vector_load %arg26[%parallel_loop3A_294, %parallel_loop3A_295] {strides = array<i32>} : memref<80x128xf32, #tpu.memory_space<vmem>>, vector<16xf32>,
      %parallel_loop3A_297 = arith.mulf %parallel_loop3A_296, %parallel_loop3A_293 : vector<16xf32>
      %parallel_loop3A_298 = arith.index_cast %parallel_loop3A_291 : i32 to index
      %parallel_loop3A_299 = arith.constant 0 : index
      %parallel_loop3A_300 = tpu.vector_load %arg26[%parallel_loop3A_298, %parallel_loop3A_299] {strides = array<i32>} : memref<80x128xf32, #tpu.memory_space<vmem>>, vector<16xf32>,
      tpu.vector_store %arg26[%parallel_loop3A_298, %parallel_loop3A_299], %parallel_loop3A_297 {strides = array<i32>} : memref<80x128xf32, #tpu.memory_space<vmem>>, vector<16xf32>,
      %parallel_loop3A_301 = arith.index_cast %parallel_loop3A_291 : i32 to index
      %parallel_loop3A_302 = arith.constant 16 : index
      %parallel_loop3A_303 = tpu.vector_load %arg26[%parallel_loop3A_301, %parallel_loop3A_302] {strides = array<i32>} : memref<80x128xf32, #tpu.memory_space<vmem>>, vector<16xf32>,
      %parallel_loop3A_304 = arith.mulf %parallel_loop3A_303, %parallel_loop3A_293 : vector<16xf32>
      %parallel_loop3A_305 = arith.index_cast %parallel_loop3A_291 : i32 to index
      %parallel_loop3A_306 = arith.constant 16 : index
      %parallel_loop3A_307 = tpu.vector_load %arg26[%parallel_loop3A_305, %parallel_loop3A_306] {strides = array<i32>} : memref<80x128xf32, #tpu.memory_space<vmem>>, vector<16xf32>,
      tpu.vector_store %arg26[%parallel_loop3A_305, %parallel_loop3A_306], %parallel_loop3A_304 {strides = array<i32>} : memref<80x128xf32, #tpu.memory_space<vmem>>, vector<16xf32>,
      %parallel_loop3A_308 = arith.index_cast %parallel_loop3A_291 : i32 to index
      %parallel_loop3A_309 = arith.constant 32 : index
      %parallel_loop3A_310 = tpu.vector_load %arg26[%parallel_loop3A_308, %parallel_loop3A_309] {strides = array<i32>} : memref<80x128xf32, #tpu.memory_space<vmem>>, vector<16xf32>,
      %parallel_loop3A_311 = arith.mulf %parallel_loop3A_310, %parallel_loop3A_293 : vector<16xf32>
      %parallel_loop3A_312 = arith.index_cast %parallel_loop3A_291 : i32 to index
      %parallel_loop3A_313 = arith.constant 32 : index
      %parallel_loop3A_314 = tpu.vector_load %arg26[%parallel_loop3A_312, %parallel_loop3A_313] {strides = array<i32>} : memref<80x128xf32, #tpu.memory_space<vmem>>, vector<16xf32>,
      tpu.vector_store %arg26[%parallel_loop3A_312, %parallel_loop3A_313], %parallel_loop3A_311 {strides = array<i32>} : memref<80x128xf32, #tpu.memory_space<vmem>>, vector<16xf32>,
      %parallel_loop3A_315 = arith.index_cast %parallel_loop3A_291 : i32 to index
      %parallel_loop3A_316 = arith.constant 48 : index
      %parallel_loop3A_317 = tpu.vector_load %arg26[%parallel_loop3A_315, %parallel_loop3A_316] {strides = array<i32>} : memref<80x128xf32, #tpu.memory_space<vmem>>, vector<16xf32>,
      %parallel_loop3A_318 = arith.mulf %parallel_loop3A_317, %parallel_loop3A_293 : vector<16xf32>
      %parallel_loop3A_319 = arith.index_cast %parallel_loop3A_291 : i32 to index
      %parallel_loop3A_320 = arith.constant 48 : index
      %parallel_loop3A_321 = tpu.vector_load %arg26[%parallel_loop3A_319, %parallel_loop3A_320] {strides = array<i32>} : memref<80x128xf32, #tpu.memory_space<vmem>>, vector<16xf32>,
      tpu.vector_store %arg26[%parallel_loop3A_319, %parallel_loop3A_320], %parallel_loop3A_318 {strides = array<i32>} : memref<80x128xf32, #tpu.memory_space<vmem>>, vector<16xf32>,
      %parallel_loop3A_322 = arith.index_cast %parallel_loop3A_291 : i32 to index
      %parallel_loop3A_323 = arith.constant 64 : index
      %parallel_loop3A_324 = tpu.vector_load %arg26[%parallel_loop3A_322, %parallel_loop3A_323] {strides = array<i32>} : memref<80x128xf32, #tpu.memory_space<vmem>>, vector<16xf32>,
      %parallel_loop3A_325 = arith.mulf %parallel_loop3A_324, %parallel_loop3A_293 : vector<16xf32>
      %parallel_loop3A_326 = arith.index_cast %parallel_loop3A_291 : i32 to index
      %parallel_loop3A_327 = arith.constant 64 : index
      %parallel_loop3A_328 = tpu.vector_load %arg26[%parallel_loop3A_326, %parallel_loop3A_327] {strides = array<i32>} : memref<80x128xf32, #tpu.memory_space<vmem>>, vector<16xf32>,
      tpu.vector_store %arg26[%parallel_loop3A_326, %parallel_loop3A_327], %parallel_loop3A_325 {strides = array<i32>} : memref<80x128xf32, #tpu.memory_space<vmem>>, vector<16xf32>,
      %parallel_loop3A_329 = arith.index_cast %parallel_loop3A_291 : i32 to index
      %parallel_loop3A_330 = arith.constant 80 : index
      %parallel_loop3A_331 = tpu.vector_load %arg26[%parallel_loop3A_329, %parallel_loop3A_330] {strides = array<i32>} : memref<80x128xf32, #tpu.memory_space<vmem>>, vector<16xf32>,
      %parallel_loop3A_332 = arith.mulf %parallel_loop3A_331, %parallel_loop3A_293 : vector<16xf32>
      %parallel_loop3A_333 = arith.index_cast %parallel_loop3A_291 : i32 to index
      %parallel_loop3A_334 = arith.constant 80 : index
      %parallel_loop3A_335 = tpu.vector_load %arg26[%parallel_loop3A_333, %parallel_loop3A_334] {strides = array<i32>} : memref<80x128xf32, #tpu.memory_space<vmem>>, vector<16xf32>,
      tpu.vector_store %arg26[%parallel_loop3A_333, %parallel_loop3A_334], %parallel_loop3A_332 {strides = array<i32>} : memref<80x128xf32, #tpu.memory_space<vmem>>, vector<16xf32>,
      %parallel_loop3A_336 = arith.index_cast %parallel_loop3A_291 : i32 to index
      %parallel_loop3A_337 = arith.constant 96 : index
      %parallel_loop3A_338 = tpu.vector_load %arg26[%parallel_loop3A_336, %parallel_loop3A_337] {strides = array<i32>} : memref<80x128xf32, #tpu.memory_space<vmem>>, vector<16xf32>,
      %parallel_loop3A_339 = arith.mulf %parallel_loop3A_338, %parallel_loop3A_293 : vector<16xf32>
      %parallel_loop3A_340 = arith.index_cast %parallel_loop3A_291 : i32 to index
      %parallel_loop3A_341 = arith.constant 96 : index
      %parallel_loop3A_342 = tpu.vector_load %arg26[%parallel_loop3A_340, %parallel_loop3A_341] {strides = array<i32>} : memref<80x128xf32, #tpu.memory_space<vmem>>, vector<16xf32>,
      tpu.vector_store %arg26[%parallel_loop3A_340, %parallel_loop3A_341], %parallel_loop3A_339 {strides = array<i32>} : memref<80x128xf32, #tpu.memory_space<vmem>>, vector<16xf32>,
      %parallel_loop3A_343 = arith.index_cast %parallel_loop3A_291 : i32 to index
      %parallel_loop3A_344 = arith.constant 112 : index
      %parallel_loop3A_345 = tpu.vector_load %arg26[%parallel_loop3A_343, %parallel_loop3A_344] {strides = array<i32>} : memref<80x128xf32, #tpu.memory_space<vmem>>, vector<16xf32>,
      %parallel_loop3A_346 = arith.mulf %parallel_loop3A_345, %parallel_loop3A_293 : vector<16xf32>
      %parallel_loop3A_347 = arith.index_cast %parallel_loop3A_291 : i32 to index
      %parallel_loop3A_348 = arith.constant 112 : index
      %parallel_loop3A_349 = tpu.vector_load %arg26[%parallel_loop3A_347, %parallel_loop3A_348] {strides = array<i32>} : memref<80x128xf32, #tpu.memory_space<vmem>>, vector<16xf32>,
      tpu.vector_store %arg26[%parallel_loop3A_347, %parallel_loop3A_348], %parallel_loop3A_346 {strides = array<i32>} : memref<80x128xf32, #tpu.memory_space<vmem>>, vector<16xf32>,
    } {sc.loop_unroll_factor = 4 : i64, sc.parallel_access}
    %dma_wait3A_216 = tpu.memref_slice %arg4[%mul3A_2] : memref<320000xi32, #tpu.memory_space<hbm>> -> memref<80xi32, #tpu.memory_space<hbm>>
    %dma_wait3A_217 = tpu.memref_slice %arg4[%mul3A_2] : memref<320000xi32, #tpu.memory_space<hbm>> -> memref<80xi32, #tpu.memory_space<hbm>>
    tpu.wait_dma2 semaphore(%arg35 : memref<!tpu.dma_semaphore, #tpu.memory_space<semaphore_mem>>) src(%dma_wait3A_217 : memref<80xi32, #tpu.memory_space<hbm>>) dst(%arg14 : memref<80xi32, #tpu.memory_space<vmem>>)
    %dma_start3A_218 = arith.constant 0 : i32
    %dma_start3A_219 = arith.constant 0 : i32
    %dma_start3A_220 = tpu.memref_slice %arg52[%dma_start3A_218, %dma_start3A_219] : memref<10000x128xf32, #tpu.memory_space<vmem_shared>> -> memref<10000x128xf32, #tpu.memory_space<vmem_shared>>
    tpu.enqueue_indirect_dma source(%arg26 : memref<80x128xf32, #tpu.memory_space<vmem>>) target(%dma_start3A_220 : memref<10000x128xf32, #tpu.memory_space<vmem_shared>>) offsets(%arg14 : memref<80xi32, #tpu.memory_space<vmem>>) semaphore(%arg50 : memref<!tpu.dma_semaphore, #tpu.memory_space<semaphore_mem>>) {add = true}
    %dma_wait3A_221 = arith.constant 0 : i32
    %dma_wait3A_222 = arith.constant 0 : i32
    %dma_wait3A_223 = tpu.memref_slice %arg52[%dma_wait3A_221, %dma_wait3A_222] : memref<10000x128xf32, #tpu.memory_space<vmem_shared>> -> memref<10000x128xf32, #tpu.memory_space<vmem_shared>>
    tpu.wait_indirect_dma semaphore(%arg49 : memref<!tpu.dma_semaphore, #tpu.memory_space<semaphore_mem>>) src(%arg25 : memref<80x128xf32, #tpu.memory_space<vmem>>) dst(%dma_wait3A_223 : memref<10000x128xf32, #tpu.memory_space<vmem_shared>>)
    %dma_wait3A_224 = tpu.memref_slice %arg3[%mul3A_2] : memref<320000xi32, #tpu.memory_space<hbm>> -> memref<80xi32, #tpu.memory_space<hbm>>
    %dma_wait3A_225 = tpu.memref_slice %arg3[%mul3A_2] : memref<320000xi32, #tpu.memory_space<hbm>> -> memref<80xi32, #tpu.memory_space<hbm>>
    tpu.wait_dma2 semaphore(%arg31 : memref<!tpu.dma_semaphore, #tpu.memory_space<semaphore_mem>>) src(%dma_wait3A_225 : memref<80xi32, #tpu.memory_space<hbm>>) dst(%arg10 : memref<80xi32, #tpu.memory_space<vmem>>)
    %dma_start3A_226 = arith.constant 0 : i32
    %dma_start3A_227 = arith.constant 0 : i32
    %dma_start3A_228 = tpu.memref_slice %arg2[%dma_start3A_226, %dma_start3A_227] : memref<10000x128xf32, #tpu.memory_space<hbm>> -> memref<10000x128xf32, #tpu.memory_space<hbm>>
    tpu.enqueue_indirect_dma source(%dma_start3A_228 : memref<10000x128xf32, #tpu.memory_space<hbm>>) target(%arg25 : memref<80x128xf32, #tpu.memory_space<vmem>>) offsets(%arg10 : memref<80xi32, #tpu.memory_space<vmem>>) semaphore(%arg46 : memref<!tpu.dma_semaphore, #tpu.memory_space<semaphore_mem>>)
    %dma_wait3A_229 = arith.constant 0 : i32
    %dma_wait3A_230 = arith.constant 0 : i32
    %dma_wait3A_231 = tpu.memref_slice %arg2[%dma_wait3A_229, %dma_wait3A_230] : memref<10000x128xf32, #tpu.memory_space<hbm>> -> memref<10000x128xf32, #tpu.memory_space<hbm>>
    tpu.wait_indirect_dma semaphore(%arg48 : memref<!tpu.dma_semaphore, #tpu.memory_space<semaphore_mem>>) src(%dma_wait3A_231 : memref<10000x128xf32, #tpu.memory_space<hbm>>) dst(%arg27 : memref<80x128xf32, #tpu.memory_space<vmem>>)
    %dma_wait3A_232 = tpu.memref_slice %arg5[%mul3A_2] : memref<320000xf32, #tpu.memory_space<hbm>> -> memref<80xf32, #tpu.memory_space<hbm>>
    %dma_wait3A_233 = tpu.memref_slice %arg5[%mul3A_2] : memref<320000xf32, #tpu.memory_space<hbm>> -> memref<80xf32, #tpu.memory_space<hbm>>
    tpu.wait_dma2 semaphore(%arg42 : memref<!tpu.dma_semaphore, #tpu.memory_space<semaphore_mem>>) src(%dma_wait3A_233 : memref<80xf32, #tpu.memory_space<hbm>>) dst(%arg21 : memref<80xf32, #tpu.memory_space<vmem>>)
    %parallel_loop3A_234 = arith.constant 0 : i32
    %parallel_loop3A_235 = arith.constant 80 : i32
    %parallel_loop3A_236 = arith.constant 1 : i32
    scf.for %parallel_loop3A_291 = %parallel_loop3A_234 to %parallel_loop3A_235 step %parallel_loop3A_236  : i32 {
      %parallel_loop3A_292 = vector.broadcast %parallel_loop3A_291 : i32 to vector<16xi32>
      %parallel_loop3A_293 = tpu.vector_load_idx %arg21[%parallel_loop3A_292] : memref<80xf32, #tpu.memory_space<vmem>>[vector<16xi32>], vector<16xf32>,
      %parallel_loop3A_294 = arith.index_cast %parallel_loop3A_291 : i32 to index
      %parallel_loop3A_295 = arith.constant 0 : index
      %parallel_loop3A_296 = tpu.vector_load %arg27[%parallel_loop3A_294, %parallel_loop3A_295] {strides = array<i32>} : memref<80x128xf32, #tpu.memory_space<vmem>>, vector<16xf32>,
      %parallel_loop3A_297 = arith.mulf %parallel_loop3A_296, %parallel_loop3A_293 : vector<16xf32>
      %parallel_loop3A_298 = arith.index_cast %parallel_loop3A_291 : i32 to index
      %parallel_loop3A_299 = arith.constant 0 : index
      %parallel_loop3A_300 = tpu.vector_load %arg27[%parallel_loop3A_298, %parallel_loop3A_299] {strides = array<i32>} : memref<80x128xf32, #tpu.memory_space<vmem>>, vector<16xf32>,
      tpu.vector_store %arg27[%parallel_loop3A_298, %parallel_loop3A_299], %parallel_loop3A_297 {strides = array<i32>} : memref<80x128xf32, #tpu.memory_space<vmem>>, vector<16xf32>,
      %parallel_loop3A_301 = arith.index_cast %parallel_loop3A_291 : i32 to index
      %parallel_loop3A_302 = arith.constant 16 : index
      %parallel_loop3A_303 = tpu.vector_load %arg27[%parallel_loop3A_301, %parallel_loop3A_302] {strides = array<i32>} : memref<80x128xf32, #tpu.memory_space<vmem>>, vector<16xf32>,
      %parallel_loop3A_304 = arith.mulf %parallel_loop3A_303, %parallel_loop3A_293 : vector<16xf32>
      %parallel_loop3A_305 = arith.index_cast %parallel_loop3A_291 : i32 to index
      %parallel_loop3A_306 = arith.constant 16 : index
      %parallel_loop3A_307 = tpu.vector_load %arg27[%parallel_loop3A_305, %parallel_loop3A_306] {strides = array<i32>} : memref<80x128xf32, #tpu.memory_space<vmem>>, vector<16xf32>,
      tpu.vector_store %arg27[%parallel_loop3A_305, %parallel_loop3A_306], %parallel_loop3A_304 {strides = array<i32>} : memref<80x128xf32, #tpu.memory_space<vmem>>, vector<16xf32>,
      %parallel_loop3A_308 = arith.index_cast %parallel_loop3A_291 : i32 to index
      %parallel_loop3A_309 = arith.constant 32 : index
      %parallel_loop3A_310 = tpu.vector_load %arg27[%parallel_loop3A_308, %parallel_loop3A_309] {strides = array<i32>} : memref<80x128xf32, #tpu.memory_space<vmem>>, vector<16xf32>,
      %parallel_loop3A_311 = arith.mulf %parallel_loop3A_310, %parallel_loop3A_293 : vector<16xf32>
      %parallel_loop3A_312 = arith.index_cast %parallel_loop3A_291 : i32 to index
      %parallel_loop3A_313 = arith.constant 32 : index
      %parallel_loop3A_314 = tpu.vector_load %arg27[%parallel_loop3A_312, %parallel_loop3A_313] {strides = array<i32>} : memref<80x128xf32, #tpu.memory_space<vmem>>, vector<16xf32>,
      tpu.vector_store %arg27[%parallel_loop3A_312, %parallel_loop3A_313], %parallel_loop3A_311 {strides = array<i32>} : memref<80x128xf32, #tpu.memory_space<vmem>>, vector<16xf32>,
      %parallel_loop3A_315 = arith.index_cast %parallel_loop3A_291 : i32 to index
      %parallel_loop3A_316 = arith.constant 48 : index
      %parallel_loop3A_317 = tpu.vector_load %arg27[%parallel_loop3A_315, %parallel_loop3A_316] {strides = array<i32>} : memref<80x128xf32, #tpu.memory_space<vmem>>, vector<16xf32>,
      %parallel_loop3A_318 = arith.mulf %parallel_loop3A_317, %parallel_loop3A_293 : vector<16xf32>
      %parallel_loop3A_319 = arith.index_cast %parallel_loop3A_291 : i32 to index
      %parallel_loop3A_320 = arith.constant 48 : index
      %parallel_loop3A_321 = tpu.vector_load %arg27[%parallel_loop3A_319, %parallel_loop3A_320] {strides = array<i32>} : memref<80x128xf32, #tpu.memory_space<vmem>>, vector<16xf32>,
      tpu.vector_store %arg27[%parallel_loop3A_319, %parallel_loop3A_320], %parallel_loop3A_318 {strides = array<i32>} : memref<80x128xf32, #tpu.memory_space<vmem>>, vector<16xf32>,
      %parallel_loop3A_322 = arith.index_cast %parallel_loop3A_291 : i32 to index
      %parallel_loop3A_323 = arith.constant 64 : index
      %parallel_loop3A_324 = tpu.vector_load %arg27[%parallel_loop3A_322, %parallel_loop3A_323] {strides = array<i32>} : memref<80x128xf32, #tpu.memory_space<vmem>>, vector<16xf32>,
      %parallel_loop3A_325 = arith.mulf %parallel_loop3A_324, %parallel_loop3A_293 : vector<16xf32>
      %parallel_loop3A_326 = arith.index_cast %parallel_loop3A_291 : i32 to index
      %parallel_loop3A_327 = arith.constant 64 : index
      %parallel_loop3A_328 = tpu.vector_load %arg27[%parallel_loop3A_326, %parallel_loop3A_327] {strides = array<i32>} : memref<80x128xf32, #tpu.memory_space<vmem>>, vector<16xf32>,
      tpu.vector_store %arg27[%parallel_loop3A_326, %parallel_loop3A_327], %parallel_loop3A_325 {strides = array<i32>} : memref<80x128xf32, #tpu.memory_space<vmem>>, vector<16xf32>,
      %parallel_loop3A_329 = arith.index_cast %parallel_loop3A_291 : i32 to index
      %parallel_loop3A_330 = arith.constant 80 : index
      %parallel_loop3A_331 = tpu.vector_load %arg27[%parallel_loop3A_329, %parallel_loop3A_330] {strides = array<i32>} : memref<80x128xf32, #tpu.memory_space<vmem>>, vector<16xf32>,
      %parallel_loop3A_332 = arith.mulf %parallel_loop3A_331, %parallel_loop3A_293 : vector<16xf32>
      %parallel_loop3A_333 = arith.index_cast %parallel_loop3A_291 : i32 to index
      %parallel_loop3A_334 = arith.constant 80 : index
      %parallel_loop3A_335 = tpu.vector_load %arg27[%parallel_loop3A_333, %parallel_loop3A_334] {strides = array<i32>} : memref<80x128xf32, #tpu.memory_space<vmem>>, vector<16xf32>,
      tpu.vector_store %arg27[%parallel_loop3A_333, %parallel_loop3A_334], %parallel_loop3A_332 {strides = array<i32>} : memref<80x128xf32, #tpu.memory_space<vmem>>, vector<16xf32>,
      %parallel_loop3A_336 = arith.index_cast %parallel_loop3A_291 : i32 to index
      %parallel_loop3A_337 = arith.constant 96 : index
      %parallel_loop3A_338 = tpu.vector_load %arg27[%parallel_loop3A_336, %parallel_loop3A_337] {strides = array<i32>} : memref<80x128xf32, #tpu.memory_space<vmem>>, vector<16xf32>,
      %parallel_loop3A_339 = arith.mulf %parallel_loop3A_338, %parallel_loop3A_293 : vector<16xf32>
      %parallel_loop3A_340 = arith.index_cast %parallel_loop3A_291 : i32 to index
      %parallel_loop3A_341 = arith.constant 96 : index
      %parallel_loop3A_342 = tpu.vector_load %arg27[%parallel_loop3A_340, %parallel_loop3A_341] {strides = array<i32>} : memref<80x128xf32, #tpu.memory_space<vmem>>, vector<16xf32>,
      tpu.vector_store %arg27[%parallel_loop3A_340, %parallel_loop3A_341], %parallel_loop3A_339 {strides = array<i32>} : memref<80x128xf32, #tpu.memory_space<vmem>>, vector<16xf32>,
      %parallel_loop3A_343 = arith.index_cast %parallel_loop3A_291 : i32 to index
      %parallel_loop3A_344 = arith.constant 112 : index
      %parallel_loop3A_345 = tpu.vector_load %arg27[%parallel_loop3A_343, %parallel_loop3A_344] {strides = array<i32>} : memref<80x128xf32, #tpu.memory_space<vmem>>, vector<16xf32>,
      %parallel_loop3A_346 = arith.mulf %parallel_loop3A_345, %parallel_loop3A_293 : vector<16xf32>
      %parallel_loop3A_347 = arith.index_cast %parallel_loop3A_291 : i32 to index
      %parallel_loop3A_348 = arith.constant 112 : index
      %parallel_loop3A_349 = tpu.vector_load %arg27[%parallel_loop3A_347, %parallel_loop3A_348] {strides = array<i32>} : memref<80x128xf32, #tpu.memory_space<vmem>>, vector<16xf32>,
      tpu.vector_store %arg27[%parallel_loop3A_347, %parallel_loop3A_348], %parallel_loop3A_346 {strides = array<i32>} : memref<80x128xf32, #tpu.memory_space<vmem>>, vector<16xf32>,
    } {sc.loop_unroll_factor = 4 : i64, sc.parallel_access}
    %dma_wait3A_237 = tpu.memref_slice %arg4[%mul3A_2] : memref<320000xi32, #tpu.memory_space<hbm>> -> memref<80xi32, #tpu.memory_space<hbm>>
    %dma_wait3A_238 = tpu.memref_slice %arg4[%mul3A_2] : memref<320000xi32, #tpu.memory_space<hbm>> -> memref<80xi32, #tpu.memory_space<hbm>>
    tpu.wait_dma2 semaphore(%arg36 : memref<!tpu.dma_semaphore, #tpu.memory_space<semaphore_mem>>) src(%dma_wait3A_238 : memref<80xi32, #tpu.memory_space<hbm>>) dst(%arg15 : memref<80xi32, #tpu.memory_space<vmem>>)
    %dma_start3A_239 = arith.constant 0 : i32
    %dma_start3A_240 = arith.constant 0 : i32
    %dma_start3A_241 = tpu.memref_slice %arg52[%dma_start3A_239, %dma_start3A_240] : memref<10000x128xf32, #tpu.memory_space<vmem_shared>> -> memref<10000x128xf32, #tpu.memory_space<vmem_shared>>
    tpu.enqueue_indirect_dma source(%arg27 : memref<80x128xf32, #tpu.memory_space<vmem>>) target(%dma_start3A_241 : memref<10000x128xf32, #tpu.memory_space<vmem_shared>>) offsets(%arg15 : memref<80xi32, #tpu.memory_space<vmem>>) semaphore(%arg51 : memref<!tpu.dma_semaphore, #tpu.memory_space<semaphore_mem>>) {add = true}
    %dma_wait3A_242 = arith.constant 0 : i32
    %dma_wait3A_243 = arith.constant 0 : i32
    %dma_wait3A_244 = tpu.memref_slice %arg52[%dma_wait3A_242, %dma_wait3A_243] : memref<10000x128xf32, #tpu.memory_space<vmem_shared>> -> memref<10000x128xf32, #tpu.memory_space<vmem_shared>>
    tpu.wait_indirect_dma semaphore(%arg50 : memref<!tpu.dma_semaphore, #tpu.memory_space<semaphore_mem>>) src(%arg26 : memref<80x128xf32, #tpu.memory_space<vmem>>) dst(%dma_wait3A_244 : memref<10000x128xf32, #tpu.memory_space<vmem_shared>>)
    %dma_wait3A_245 = tpu.memref_slice %arg3[%mul3A_2] : memref<320000xi32, #tpu.memory_space<hbm>> -> memref<80xi32, #tpu.memory_space<hbm>>
    %dma_wait3A_246 = tpu.memref_slice %arg3[%mul3A_2] : memref<320000xi32, #tpu.memory_space<hbm>> -> memref<80xi32, #tpu.memory_space<hbm>>
    tpu.wait_dma2 semaphore(%arg32 : memref<!tpu.dma_semaphore, #tpu.memory_space<semaphore_mem>>) src(%dma_wait3A_246 : memref<80xi32, #tpu.memory_space<hbm>>) dst(%arg11 : memref<80xi32, #tpu.memory_space<vmem>>)
    %dma_start3A_247 = arith.constant 0 : i32
    %dma_start3A_248 = arith.constant 0 : i32
    %dma_start3A_249 = tpu.memref_slice %arg2[%dma_start3A_247, %dma_start3A_248] : memref<10000x128xf32, #tpu.memory_space<hbm>> -> memref<10000x128xf32, #tpu.memory_space<hbm>>
    tpu.enqueue_indirect_dma source(%dma_start3A_249 : memref<10000x128xf32, #tpu.memory_space<hbm>>) target(%arg26 : memref<80x128xf32, #tpu.memory_space<vmem>>) offsets(%arg11 : memref<80xi32, #tpu.memory_space<vmem>>) semaphore(%arg47 : memref<!tpu.dma_semaphore, #tpu.memory_space<semaphore_mem>>)
    %dma_wait3A_250 = arith.constant 0 : i32
    %dma_wait3A_251 = arith.constant 0 : i32
    %dma_wait3A_252 = tpu.memref_slice %arg2[%dma_wait3A_250, %dma_wait3A_251] : memref<10000x128xf32, #tpu.memory_space<hbm>> -> memref<10000x128xf32, #tpu.memory_space<hbm>>
    tpu.wait_indirect_dma semaphore(%arg46 : memref<!tpu.dma_semaphore, #tpu.memory_space<semaphore_mem>>) src(%dma_wait3A_252 : memref<10000x128xf32, #tpu.memory_space<hbm>>) dst(%arg25 : memref<80x128xf32, #tpu.memory_space<vmem>>)
    %dma_wait3A_253 = tpu.memref_slice %arg5[%mul3A_2] : memref<320000xf32, #tpu.memory_space<hbm>> -> memref<80xf32, #tpu.memory_space<hbm>>
    %dma_wait3A_254 = tpu.memref_slice %arg5[%mul3A_2] : memref<320000xf32, #tpu.memory_space<hbm>> -> memref<80xf32, #tpu.memory_space<hbm>>
    tpu.wait_dma2 semaphore(%arg43 : memref<!tpu.dma_semaphore, #tpu.memory_space<semaphore_mem>>) src(%dma_wait3A_254 : memref<80xf32, #tpu.memory_space<hbm>>) dst(%arg22 : memref<80xf32, #tpu.memory_space<vmem>>)
    %parallel_loop3A_255 = arith.constant 0 : i32
    %parallel_loop3A_256 = arith.constant 80 : i32
    %parallel_loop3A_257 = arith.constant 1 : i32
    scf.for %parallel_loop3A_291 = %parallel_loop3A_255 to %parallel_loop3A_256 step %parallel_loop3A_257  : i32 {
      %parallel_loop3A_292 = vector.broadcast %parallel_loop3A_291 : i32 to vector<16xi32>
      %parallel_loop3A_293 = tpu.vector_load_idx %arg22[%parallel_loop3A_292] : memref<80xf32, #tpu.memory_space<vmem>>[vector<16xi32>], vector<16xf32>,
      %parallel_loop3A_294 = arith.index_cast %parallel_loop3A_291 : i32 to index
      %parallel_loop3A_295 = arith.constant 0 : index
      %parallel_loop3A_296 = tpu.vector_load %arg25[%parallel_loop3A_294, %parallel_loop3A_295] {strides = array<i32>} : memref<80x128xf32, #tpu.memory_space<vmem>>, vector<16xf32>,
      %parallel_loop3A_297 = arith.mulf %parallel_loop3A_296, %parallel_loop3A_293 : vector<16xf32>
      %parallel_loop3A_298 = arith.index_cast %parallel_loop3A_291 : i32 to index
      %parallel_loop3A_299 = arith.constant 0 : index
      %parallel_loop3A_300 = tpu.vector_load %arg25[%parallel_loop3A_298, %parallel_loop3A_299] {strides = array<i32>} : memref<80x128xf32, #tpu.memory_space<vmem>>, vector<16xf32>,
      tpu.vector_store %arg25[%parallel_loop3A_298, %parallel_loop3A_299], %parallel_loop3A_297 {strides = array<i32>} : memref<80x128xf32, #tpu.memory_space<vmem>>, vector<16xf32>,
      %parallel_loop3A_301 = arith.index_cast %parallel_loop3A_291 : i32 to index
      %parallel_loop3A_302 = arith.constant 16 : index
      %parallel_loop3A_303 = tpu.vector_load %arg25[%parallel_loop3A_301, %parallel_loop3A_302] {strides = array<i32>} : memref<80x128xf32, #tpu.memory_space<vmem>>, vector<16xf32>,
      %parallel_loop3A_304 = arith.mulf %parallel_loop3A_303, %parallel_loop3A_293 : vector<16xf32>
      %parallel_loop3A_305 = arith.index_cast %parallel_loop3A_291 : i32 to index
      %parallel_loop3A_306 = arith.constant 16 : index
      %parallel_loop3A_307 = tpu.vector_load %arg25[%parallel_loop3A_305, %parallel_loop3A_306] {strides = array<i32>} : memref<80x128xf32, #tpu.memory_space<vmem>>, vector<16xf32>,
      tpu.vector_store %arg25[%parallel_loop3A_305, %parallel_loop3A_306], %parallel_loop3A_304 {strides = array<i32>} : memref<80x128xf32, #tpu.memory_space<vmem>>, vector<16xf32>,
      %parallel_loop3A_308 = arith.index_cast %parallel_loop3A_291 : i32 to index
      %parallel_loop3A_309 = arith.constant 32 : index
      %parallel_loop3A_310 = tpu.vector_load %arg25[%parallel_loop3A_308, %parallel_loop3A_309] {strides = array<i32>} : memref<80x128xf32, #tpu.memory_space<vmem>>, vector<16xf32>,
      %parallel_loop3A_311 = arith.mulf %parallel_loop3A_310, %parallel_loop3A_293 : vector<16xf32>
      %parallel_loop3A_312 = arith.index_cast %parallel_loop3A_291 : i32 to index
      %parallel_loop3A_313 = arith.constant 32 : index
      %parallel_loop3A_314 = tpu.vector_load %arg25[%parallel_loop3A_312, %parallel_loop3A_313] {strides = array<i32>} : memref<80x128xf32, #tpu.memory_space<vmem>>, vector<16xf32>,
      tpu.vector_store %arg25[%parallel_loop3A_312, %parallel_loop3A_313], %parallel_loop3A_311 {strides = array<i32>} : memref<80x128xf32, #tpu.memory_space<vmem>>, vector<16xf32>,
      %parallel_loop3A_315 = arith.index_cast %parallel_loop3A_291 : i32 to index
      %parallel_loop3A_316 = arith.constant 48 : index
      %parallel_loop3A_317 = tpu.vector_load %arg25[%parallel_loop3A_315, %parallel_loop3A_316] {strides = array<i32>} : memref<80x128xf32, #tpu.memory_space<vmem>>, vector<16xf32>,
      %parallel_loop3A_318 = arith.mulf %parallel_loop3A_317, %parallel_loop3A_293 : vector<16xf32>
      %parallel_loop3A_319 = arith.index_cast %parallel_loop3A_291 : i32 to index
      %parallel_loop3A_320 = arith.constant 48 : index
      %parallel_loop3A_321 = tpu.vector_load %arg25[%parallel_loop3A_319, %parallel_loop3A_320] {strides = array<i32>} : memref<80x128xf32, #tpu.memory_space<vmem>>, vector<16xf32>,
      tpu.vector_store %arg25[%parallel_loop3A_319, %parallel_loop3A_320], %parallel_loop3A_318 {strides = array<i32>} : memref<80x128xf32, #tpu.memory_space<vmem>>, vector<16xf32>,
      %parallel_loop3A_322 = arith.index_cast %parallel_loop3A_291 : i32 to index
      %parallel_loop3A_323 = arith.constant 64 : index
      %parallel_loop3A_324 = tpu.vector_load %arg25[%parallel_loop3A_322, %parallel_loop3A_323] {strides = array<i32>} : memref<80x128xf32, #tpu.memory_space<vmem>>, vector<16xf32>,
      %parallel_loop3A_325 = arith.mulf %parallel_loop3A_324, %parallel_loop3A_293 : vector<16xf32>
      %parallel_loop3A_326 = arith.index_cast %parallel_loop3A_291 : i32 to index
      %parallel_loop3A_327 = arith.constant 64 : index
      %parallel_loop3A_328 = tpu.vector_load %arg25[%parallel_loop3A_326, %parallel_loop3A_327] {strides = array<i32>} : memref<80x128xf32, #tpu.memory_space<vmem>>, vector<16xf32>,
      tpu.vector_store %arg25[%parallel_loop3A_326, %parallel_loop3A_327], %parallel_loop3A_325 {strides = array<i32>} : memref<80x128xf32, #tpu.memory_space<vmem>>, vector<16xf32>,
      %parallel_loop3A_329 = arith.index_cast %parallel_loop3A_291 : i32 to index
      %parallel_loop3A_330 = arith.constant 80 : index
      %parallel_loop3A_331 = tpu.vector_load %arg25[%parallel_loop3A_329, %parallel_loop3A_330] {strides = array<i32>} : memref<80x128xf32, #tpu.memory_space<vmem>>, vector<16xf32>,
      %parallel_loop3A_332 = arith.mulf %parallel_loop3A_331, %parallel_loop3A_293 : vector<16xf32>
      %parallel_loop3A_333 = arith.index_cast %parallel_loop3A_291 : i32 to index
      %parallel_loop3A_334 = arith.constant 80 : index
      %parallel_loop3A_335 = tpu.vector_load %arg25[%parallel_loop3A_333, %parallel_loop3A_334] {strides = array<i32>} : memref<80x128xf32, #tpu.memory_space<vmem>>, vector<16xf32>,
      tpu.vector_store %arg25[%parallel_loop3A_333, %parallel_loop3A_334], %parallel_loop3A_332 {strides = array<i32>} : memref<80x128xf32, #tpu.memory_space<vmem>>, vector<16xf32>,
      %parallel_loop3A_336 = arith.index_cast %parallel_loop3A_291 : i32 to index
      %parallel_loop3A_337 = arith.constant 96 : index
      %parallel_loop3A_338 = tpu.vector_load %arg25[%parallel_loop3A_336, %parallel_loop3A_337] {strides = array<i32>} : memref<80x128xf32, #tpu.memory_space<vmem>>, vector<16xf32>,
      %parallel_loop3A_339 = arith.mulf %parallel_loop3A_338, %parallel_loop3A_293 : vector<16xf32>
      %parallel_loop3A_340 = arith.index_cast %parallel_loop3A_291 : i32 to index
      %parallel_loop3A_341 = arith.constant 96 : index
      %parallel_loop3A_342 = tpu.vector_load %arg25[%parallel_loop3A_340, %parallel_loop3A_341] {strides = array<i32>} : memref<80x128xf32, #tpu.memory_space<vmem>>, vector<16xf32>,
      tpu.vector_store %arg25[%parallel_loop3A_340, %parallel_loop3A_341], %parallel_loop3A_339 {strides = array<i32>} : memref<80x128xf32, #tpu.memory_space<vmem>>, vector<16xf32>,
      %parallel_loop3A_343 = arith.index_cast %parallel_loop3A_291 : i32 to index
      %parallel_loop3A_344 = arith.constant 112 : index
      %parallel_loop3A_345 = tpu.vector_load %arg25[%parallel_loop3A_343, %parallel_loop3A_344] {strides = array<i32>} : memref<80x128xf32, #tpu.memory_space<vmem>>, vector<16xf32>,
      %parallel_loop3A_346 = arith.mulf %parallel_loop3A_345, %parallel_loop3A_293 : vector<16xf32>
      %parallel_loop3A_347 = arith.index_cast %parallel_loop3A_291 : i32 to index
      %parallel_loop3A_348 = arith.constant 112 : index
      %parallel_loop3A_349 = tpu.vector_load %arg25[%parallel_loop3A_347, %parallel_loop3A_348] {strides = array<i32>} : memref<80x128xf32, #tpu.memory_space<vmem>>, vector<16xf32>,
      tpu.vector_store %arg25[%parallel_loop3A_347, %parallel_loop3A_348], %parallel_loop3A_346 {strides = array<i32>} : memref<80x128xf32, #tpu.memory_space<vmem>>, vector<16xf32>,
    } {sc.loop_unroll_factor = 4 : i64, sc.parallel_access}
    %dma_wait3A_258 = tpu.memref_slice %arg4[%mul3A_2] : memref<320000xi32, #tpu.memory_space<hbm>> -> memref<80xi32, #tpu.memory_space<hbm>>
    %dma_wait3A_259 = tpu.memref_slice %arg4[%mul3A_2] : memref<320000xi32, #tpu.memory_space<hbm>> -> memref<80xi32, #tpu.memory_space<hbm>>
    tpu.wait_dma2 semaphore(%arg37 : memref<!tpu.dma_semaphore, #tpu.memory_space<semaphore_mem>>) src(%dma_wait3A_259 : memref<80xi32, #tpu.memory_space<hbm>>) dst(%arg16 : memref<80xi32, #tpu.memory_space<vmem>>)
    %dma_start3A_260 = arith.constant 0 : i32
    %dma_start3A_261 = arith.constant 0 : i32
    %dma_start3A_262 = tpu.memref_slice %arg52[%dma_start3A_260, %dma_start3A_261] : memref<10000x128xf32, #tpu.memory_space<vmem_shared>> -> memref<10000x128xf32, #tpu.memory_space<vmem_shared>>
    tpu.enqueue_indirect_dma source(%arg25 : memref<80x128xf32, #tpu.memory_space<vmem>>) target(%dma_start3A_262 : memref<10000x128xf32, #tpu.memory_space<vmem_shared>>) offsets(%arg16 : memref<80xi32, #tpu.memory_space<vmem>>) semaphore(%arg49 : memref<!tpu.dma_semaphore, #tpu.memory_space<semaphore_mem>>) {add = true}
    %dma_wait3A_263 = arith.constant 0 : i32
    %dma_wait3A_264 = arith.constant 0 : i32
    %dma_wait3A_265 = tpu.memref_slice %arg52[%dma_wait3A_263, %dma_wait3A_264] : memref<10000x128xf32, #tpu.memory_space<vmem_shared>> -> memref<10000x128xf32, #tpu.memory_space<vmem_shared>>
    tpu.wait_indirect_dma semaphore(%arg51 : memref<!tpu.dma_semaphore, #tpu.memory_space<semaphore_mem>>) src(%arg27 : memref<80x128xf32, #tpu.memory_space<vmem>>) dst(%dma_wait3A_265 : memref<10000x128xf32, #tpu.memory_space<vmem_shared>>)
    %dma_wait3A_266 = arith.constant 0 : i32
    %dma_wait3A_267 = arith.constant 0 : i32
    %dma_wait3A_268 = tpu.memref_slice %arg2[%dma_wait3A_266, %dma_wait3A_267] : memref<10000x128xf32, #tpu.memory_space<hbm>> -> memref<10000x128xf32, #tpu.memory_space<hbm>>
    tpu.wait_indirect_dma semaphore(%arg47 : memref<!tpu.dma_semaphore, #tpu.memory_space<semaphore_mem>>) src(%dma_wait3A_268 : memref<10000x128xf32, #tpu.memory_space<hbm>>) dst(%arg26 : memref<80x128xf32, #tpu.memory_space<vmem>>)
    %dma_wait3A_269 = tpu.memref_slice %arg5[%mul3A_2] : memref<320000xf32, #tpu.memory_space<hbm>> -> memref<80xf32, #tpu.memory_space<hbm>>
    %dma_wait3A_270 = tpu.memref_slice %arg5[%mul3A_2] : memref<320000xf32, #tpu.memory_space<hbm>> -> memref<80xf32, #tpu.memory_space<hbm>>
    tpu.wait_dma2 semaphore(%arg44 : memref<!tpu.dma_semaphore, #tpu.memory_space<semaphore_mem>>) src(%dma_wait3A_270 : memref<80xf32, #tpu.memory_space<hbm>>) dst(%arg23 : memref<80xf32, #tpu.memory_space<vmem>>)
    %parallel_loop3A_271 = arith.constant 0 : i32
    %parallel_loop3A_272 = arith.constant 80 : i32
    %parallel_loop3A_273 = arith.constant 1 : i32
    scf.for %parallel_loop3A_291 = %parallel_loop3A_271 to %parallel_loop3A_272 step %parallel_loop3A_273  : i32 {
      %parallel_loop3A_292 = vector.broadcast %parallel_loop3A_291 : i32 to vector<16xi32>
      %parallel_loop3A_293 = tpu.vector_load_idx %arg23[%parallel_loop3A_292] : memref<80xf32, #tpu.memory_space<vmem>>[vector<16xi32>], vector<16xf32>,
      %parallel_loop3A_294 = arith.index_cast %parallel_loop3A_291 : i32 to index
      %parallel_loop3A_295 = arith.constant 0 : index
      %parallel_loop3A_296 = tpu.vector_load %arg26[%parallel_loop3A_294, %parallel_loop3A_295] {strides = array<i32>} : memref<80x128xf32, #tpu.memory_space<vmem>>, vector<16xf32>,
      %parallel_loop3A_297 = arith.mulf %parallel_loop3A_296, %parallel_loop3A_293 : vector<16xf32>
      %parallel_loop3A_298 = arith.index_cast %parallel_loop3A_291 : i32 to index
      %parallel_loop3A_299 = arith.constant 0 : index
      %parallel_loop3A_300 = tpu.vector_load %arg26[%parallel_loop3A_298, %parallel_loop3A_299] {strides = array<i32>} : memref<80x128xf32, #tpu.memory_space<vmem>>, vector<16xf32>,
      tpu.vector_store %arg26[%parallel_loop3A_298, %parallel_loop3A_299], %parallel_loop3A_297 {strides = array<i32>} : memref<80x128xf32, #tpu.memory_space<vmem>>, vector<16xf32>,
      %parallel_loop3A_301 = arith.index_cast %parallel_loop3A_291 : i32 to index
      %parallel_loop3A_302 = arith.constant 16 : index
      %parallel_loop3A_303 = tpu.vector_load %arg26[%parallel_loop3A_301, %parallel_loop3A_302] {strides = array<i32>} : memref<80x128xf32, #tpu.memory_space<vmem>>, vector<16xf32>,
      %parallel_loop3A_304 = arith.mulf %parallel_loop3A_303, %parallel_loop3A_293 : vector<16xf32>
      %parallel_loop3A_305 = arith.index_cast %parallel_loop3A_291 : i32 to index
      %parallel_loop3A_306 = arith.constant 16 : index
      %parallel_loop3A_307 = tpu.vector_load %arg26[%parallel_loop3A_305, %parallel_loop3A_306] {strides = array<i32>} : memref<80x128xf32, #tpu.memory_space<vmem>>, vector<16xf32>,
      tpu.vector_store %arg26[%parallel_loop3A_305, %parallel_loop3A_306], %parallel_loop3A_304 {strides = array<i32>} : memref<80x128xf32, #tpu.memory_space<vmem>>, vector<16xf32>,
      %parallel_loop3A_308 = arith.index_cast %parallel_loop3A_291 : i32 to index
      %parallel_loop3A_309 = arith.constant 32 : index
      %parallel_loop3A_310 = tpu.vector_load %arg26[%parallel_loop3A_308, %parallel_loop3A_309] {strides = array<i32>} : memref<80x128xf32, #tpu.memory_space<vmem>>, vector<16xf32>,
      %parallel_loop3A_311 = arith.mulf %parallel_loop3A_310, %parallel_loop3A_293 : vector<16xf32>
      %parallel_loop3A_312 = arith.index_cast %parallel_loop3A_291 : i32 to index
      %parallel_loop3A_313 = arith.constant 32 : index
      %parallel_loop3A_314 = tpu.vector_load %arg26[%parallel_loop3A_312, %parallel_loop3A_313] {strides = array<i32>} : memref<80x128xf32, #tpu.memory_space<vmem>>, vector<16xf32>,
      tpu.vector_store %arg26[%parallel_loop3A_312, %parallel_loop3A_313], %parallel_loop3A_311 {strides = array<i32>} : memref<80x128xf32, #tpu.memory_space<vmem>>, vector<16xf32>,
      %parallel_loop3A_315 = arith.index_cast %parallel_loop3A_291 : i32 to index
      %parallel_loop3A_316 = arith.constant 48 : index
      %parallel_loop3A_317 = tpu.vector_load %arg26[%parallel_loop3A_315, %parallel_loop3A_316] {strides = array<i32>} : memref<80x128xf32, #tpu.memory_space<vmem>>, vector<16xf32>,
      %parallel_loop3A_318 = arith.mulf %parallel_loop3A_317, %parallel_loop3A_293 : vector<16xf32>
      %parallel_loop3A_319 = arith.index_cast %parallel_loop3A_291 : i32 to index
      %parallel_loop3A_320 = arith.constant 48 : index
      %parallel_loop3A_321 = tpu.vector_load %arg26[%parallel_loop3A_319, %parallel_loop3A_320] {strides = array<i32>} : memref<80x128xf32, #tpu.memory_space<vmem>>, vector<16xf32>,
      tpu.vector_store %arg26[%parallel_loop3A_319, %parallel_loop3A_320], %parallel_loop3A_318 {strides = array<i32>} : memref<80x128xf32, #tpu.memory_space<vmem>>, vector<16xf32>,
      %parallel_loop3A_322 = arith.index_cast %parallel_loop3A_291 : i32 to index
      %parallel_loop3A_323 = arith.constant 64 : index
      %parallel_loop3A_324 = tpu.vector_load %arg26[%parallel_loop3A_322, %parallel_loop3A_323] {strides = array<i32>} : memref<80x128xf32, #tpu.memory_space<vmem>>, vector<16xf32>,
      %parallel_loop3A_325 = arith.mulf %parallel_loop3A_324, %parallel_loop3A_293 : vector<16xf32>
      %parallel_loop3A_326 = arith.index_cast %parallel_loop3A_291 : i32 to index
      %parallel_loop3A_327 = arith.constant 64 : index
      %parallel_loop3A_328 = tpu.vector_load %arg26[%parallel_loop3A_326, %parallel_loop3A_327] {strides = array<i32>} : memref<80x128xf32, #tpu.memory_space<vmem>>, vector<16xf32>,
      tpu.vector_store %arg26[%parallel_loop3A_326, %parallel_loop3A_327], %parallel_loop3A_325 {strides = array<i32>} : memref<80x128xf32, #tpu.memory_space<vmem>>, vector<16xf32>,
      %parallel_loop3A_329 = arith.index_cast %parallel_loop3A_291 : i32 to index
      %parallel_loop3A_330 = arith.constant 80 : index
      %parallel_loop3A_331 = tpu.vector_load %arg26[%parallel_loop3A_329, %parallel_loop3A_330] {strides = array<i32>} : memref<80x128xf32, #tpu.memory_space<vmem>>, vector<16xf32>,
      %parallel_loop3A_332 = arith.mulf %parallel_loop3A_331, %parallel_loop3A_293 : vector<16xf32>
      %parallel_loop3A_333 = arith.index_cast %parallel_loop3A_291 : i32 to index
      %parallel_loop3A_334 = arith.constant 80 : index
      %parallel_loop3A_335 = tpu.vector_load %arg26[%parallel_loop3A_333, %parallel_loop3A_334] {strides = array<i32>} : memref<80x128xf32, #tpu.memory_space<vmem>>, vector<16xf32>,
      tpu.vector_store %arg26[%parallel_loop3A_333, %parallel_loop3A_334], %parallel_loop3A_332 {strides = array<i32>} : memref<80x128xf32, #tpu.memory_space<vmem>>, vector<16xf32>,
      %parallel_loop3A_336 = arith.index_cast %parallel_loop3A_291 : i32 to index
      %parallel_loop3A_337 = arith.constant 96 : index
      %parallel_loop3A_338 = tpu.vector_load %arg26[%parallel_loop3A_336, %parallel_loop3A_337] {strides = array<i32>} : memref<80x128xf32, #tpu.memory_space<vmem>>, vector<16xf32>,
      %parallel_loop3A_339 = arith.mulf %parallel_loop3A_338, %parallel_loop3A_293 : vector<16xf32>
      %parallel_loop3A_340 = arith.index_cast %parallel_loop3A_291 : i32 to index
      %parallel_loop3A_341 = arith.constant 96 : index
      %parallel_loop3A_342 = tpu.vector_load %arg26[%parallel_loop3A_340, %parallel_loop3A_341] {strides = array<i32>} : memref<80x128xf32, #tpu.memory_space<vmem>>, vector<16xf32>,
      tpu.vector_store %arg26[%parallel_loop3A_340, %parallel_loop3A_341], %parallel_loop3A_339 {strides = array<i32>} : memref<80x128xf32, #tpu.memory_space<vmem>>, vector<16xf32>,
      %parallel_loop3A_343 = arith.index_cast %parallel_loop3A_291 : i32 to index
      %parallel_loop3A_344 = arith.constant 112 : index
      %parallel_loop3A_345 = tpu.vector_load %arg26[%parallel_loop3A_343, %parallel_loop3A_344] {strides = array<i32>} : memref<80x128xf32, #tpu.memory_space<vmem>>, vector<16xf32>,
      %parallel_loop3A_346 = arith.mulf %parallel_loop3A_345, %parallel_loop3A_293 : vector<16xf32>
      %parallel_loop3A_347 = arith.index_cast %parallel_loop3A_291 : i32 to index
      %parallel_loop3A_348 = arith.constant 112 : index
      %parallel_loop3A_349 = tpu.vector_load %arg26[%parallel_loop3A_347, %parallel_loop3A_348] {strides = array<i32>} : memref<80x128xf32, #tpu.memory_space<vmem>>, vector<16xf32>,
      tpu.vector_store %arg26[%parallel_loop3A_347, %parallel_loop3A_348], %parallel_loop3A_346 {strides = array<i32>} : memref<80x128xf32, #tpu.memory_space<vmem>>, vector<16xf32>,
    } {sc.loop_unroll_factor = 4 : i64, sc.parallel_access}
    %dma_wait3A_274 = tpu.memref_slice %arg4[%mul3A_2] : memref<320000xi32, #tpu.memory_space<hbm>> -> memref<80xi32, #tpu.memory_space<hbm>>
    %dma_wait3A_275 = tpu.memref_slice %arg4[%mul3A_2] : memref<320000xi32, #tpu.memory_space<hbm>> -> memref<80xi32, #tpu.memory_space<hbm>>
    tpu.wait_dma2 semaphore(%arg38 : memref<!tpu.dma_semaphore, #tpu.memory_space<semaphore_mem>>) src(%dma_wait3A_275 : memref<80xi32, #tpu.memory_space<hbm>>) dst(%arg17 : memref<80xi32, #tpu.memory_space<vmem>>)
    %dma_start3A_276 = arith.constant 0 : i32
    %dma_start3A_277 = arith.constant 0 : i32
    %dma_start3A_278 = tpu.memref_slice %arg52[%dma_start3A_276, %dma_start3A_277] : memref<10000x128xf32, #tpu.memory_space<vmem_shared>> -> memref<10000x128xf32, #tpu.memory_space<vmem_shared>>
    tpu.enqueue_indirect_dma source(%arg26 : memref<80x128xf32, #tpu.memory_space<vmem>>) target(%dma_start3A_278 : memref<10000x128xf32, #tpu.memory_space<vmem_shared>>) offsets(%arg17 : memref<80xi32, #tpu.memory_space<vmem>>) semaphore(%arg50 : memref<!tpu.dma_semaphore, #tpu.memory_space<semaphore_mem>>) {add = true}
    %dma_wait3A_279 = arith.constant 0 : i32
    %dma_wait3A_280 = arith.constant 0 : i32
    %dma_wait3A_281 = tpu.memref_slice %arg52[%dma_wait3A_279, %dma_wait3A_280] : memref<10000x128xf32, #tpu.memory_space<vmem_shared>> -> memref<10000x128xf32, #tpu.memory_space<vmem_shared>>
    tpu.wait_indirect_dma semaphore(%arg49 : memref<!tpu.dma_semaphore, #tpu.memory_space<semaphore_mem>>) src(%arg25 : memref<80x128xf32, #tpu.memory_space<vmem>>) dst(%dma_wait3A_281 : memref<10000x128xf32, #tpu.memory_space<vmem_shared>>)
    %dma_wait3A_282 = arith.constant 0 : i32
    %dma_wait3A_283 = arith.constant 0 : i32
    %dma_wait3A_284 = tpu.memref_slice %arg52[%dma_wait3A_282, %dma_wait3A_283] : memref<10000x128xf32, #tpu.memory_space<vmem_shared>> -> memref<10000x128xf32, #tpu.memory_space<vmem_shared>>
    tpu.wait_indirect_dma semaphore(%arg50 : memref<!tpu.dma_semaphore, #tpu.memory_space<semaphore_mem>>) src(%arg26 : memref<80x128xf32, #tpu.memory_space<vmem>>) dst(%dma_wait3A_284 : memref<10000x128xf32, #tpu.memory_space<vmem_shared>>)
    %barrier3A_285 = arith.constant 0 : index
    tpu.barrier barrier_id(%barrier3A_285)
    "tpu.region"() ({
      %run_scoped3A = tpu.sem_alloc : memref<!tpu.dma_semaphore, #tpu.memory_space<semaphore_mem>>
      %dma_start3A_291 = arith.constant 0 : i32
      %dma_start3A_292 = arith.constant 0 : i32
      %dma_start3A_293 = tpu.memref_slice %arg6[%arg0, %dma_start3A_291, %dma_start3A_292] : memref<2x10000x128xf32, #tpu.memory_space<hbm>> -> memref<1x10000x128xf32, #tpu.memory_space<hbm>>
      %dma_start3A_294 = tpu.memref_squeeze %dma_start3A_293 : memref<1x10000x128xf32, #tpu.memory_space<hbm>> -> memref<10000x128xf32, #tpu.memory_space<hbm>>
      %dma_start3A_295 = arith.constant 0 : i32
      %dma_start3A_296 = tpu.memref_slice %dma_start3A_294[%mul3A_75, %dma_start3A_295] : memref<10000x128xf32, #tpu.memory_space<hbm>> -> memref<624x128xf32, #tpu.memory_space<hbm>>
      %dma_start3A_297 = arith.constant 0 : i32
      %dma_start3A_298 = tpu.memref_slice %arg52[%mul3A_75, %dma_start3A_297] : memref<10000x128xf32, #tpu.memory_space<vmem_shared>> -> memref<624x128xf32, #tpu.memory_space<vmem_shared>>
      tpu.enqueue_dma source(%dma_start3A_298 : memref<624x128xf32, #tpu.memory_space<vmem_shared>>) target(%dma_start3A_296 : memref<624x128xf32, #tpu.memory_space<hbm>>) target_semaphore(%run_scoped3A : memref<!tpu.dma_semaphore, #tpu.memory_space<semaphore_mem>>)
      %dma_wait3A_299 = arith.constant 0 : i32
      %dma_wait3A_300 = arith.constant 0 : i32
      %dma_wait3A_301 = tpu.memref_slice %arg6[%arg0, %dma_wait3A_299, %dma_wait3A_300] : memref<2x10000x128xf32, #tpu.memory_space<hbm>> -> memref<1x10000x128xf32, #tpu.memory_space<hbm>>
      %dma_wait3A_302 = tpu.memref_squeeze %dma_wait3A_301 : memref<1x10000x128xf32, #tpu.memory_space<hbm>> -> memref<10000x128xf32, #tpu.memory_space<hbm>>
      %dma_wait3A_303 = arith.constant 0 : i32
      %dma_wait3A_304 = tpu.memref_slice %dma_wait3A_302[%mul3A_75, %dma_wait3A_303] : memref<10000x128xf32, #tpu.memory_space<hbm>> -> memref<624x128xf32, #tpu.memory_space<hbm>>
      %dma_wait3A_305 = arith.constant 0 : i32
      %dma_wait3A_306 = tpu.memref_slice %arg52[%mul3A_75, %dma_wait3A_305] : memref<10000x128xf32, #tpu.memory_space<vmem_shared>> -> memref<624x128xf32, #tpu.memory_space<vmem_shared>>
      tpu.wait_dma2 semaphore(%run_scoped3A : memref<!tpu.dma_semaphore, #tpu.memory_space<semaphore_mem>>) src(%dma_wait3A_306 : memref<624x128xf32, #tpu.memory_space<vmem_shared>>) dst(%dma_wait3A_304 : memref<624x128xf32, #tpu.memory_space<hbm>>)
      tpu.yield
    }) : () -> ()
    %eq3A_286 = arith.constant 15 : i32
    %eq3A_287 = arith.cmpi eq, %arg1, %eq3A_286 : i32
    %convert_element_type3A_288 = arith.extui %eq3A_287 : i1 to i32
    %cond3A_289 = arith.constant 0 : i32
    %cond3A_290 = arith.cmpi ne, %convert_element_type3A_288, %cond3A_289 : i32
    scf.if %cond3A_290 {
      "tpu.region"() ({
        %run_scoped3A = tpu.sem_alloc : memref<!tpu.dma_semaphore, #tpu.memory_space<semaphore_mem>>
        %dma_start3A_291 = arith.constant 0 : i32
        %dma_start3A_292 = arith.constant 0 : i32
        %dma_start3A_293 = tpu.memref_slice %arg6[%arg0, %dma_start3A_291, %dma_start3A_292] : memref<2x10000x128xf32, #tpu.memory_space<hbm>> -> memref<1x10000x128xf32, #tpu.memory_space<hbm>>
        %dma_start3A_294 = tpu.memref_squeeze %dma_start3A_293 : memref<1x10000x128xf32, #tpu.memory_space<hbm>> -> memref<10000x128xf32, #tpu.memory_space<hbm>>
        %dma_start3A_295 = arith.constant 9984 : i32
        %dma_start3A_296 = arith.constant 0 : i32
        %dma_start3A_297 = tpu.memref_slice %dma_start3A_294[%dma_start3A_295, %dma_start3A_296] : memref<10000x128xf32, #tpu.memory_space<hbm>> -> memref<16x128xf32, #tpu.memory_space<hbm>>
        %dma_start3A_298 = arith.constant 9984 : i32
        %dma_start3A_299 = arith.constant 0 : i32
        %dma_start3A_300 = tpu.memref_slice %arg52[%dma_start3A_298, %dma_start3A_299] : memref<10000x128xf32, #tpu.memory_space<vmem_shared>> -> memref<16x128xf32, #tpu.memory_space<vmem_shared>>
        tpu.enqueue_dma source(%dma_start3A_300 : memref<16x128xf32, #tpu.memory_space<vmem_shared>>) target(%dma_start3A_297 : memref<16x128xf32, #tpu.memory_space<hbm>>) target_semaphore(%run_scoped3A : memref<!tpu.dma_semaphore, #tpu.memory_space<semaphore_mem>>)
        %dma_wait3A_301 = arith.constant 0 : i32
        %dma_wait3A_302 = arith.constant 0 : i32
        %dma_wait3A_303 = tpu.memref_slice %arg6[%arg0, %dma_wait3A_301, %dma_wait3A_302] : memref<2x10000x128xf32, #tpu.memory_space<hbm>> -> memref<1x10000x128xf32, #tpu.memory_space<hbm>>
        %dma_wait3A_304 = tpu.memref_squeeze %dma_wait3A_303 : memref<1x10000x128xf32, #tpu.memory_space<hbm>> -> memref<10000x128xf32, #tpu.memory_space<hbm>>
        %dma_wait3A_305 = arith.constant 9984 : i32
        %dma_wait3A_306 = arith.constant 0 : i32
        %dma_wait3A_307 = tpu.memref_slice %dma_wait3A_304[%dma_wait3A_305, %dma_wait3A_306] : memref<10000x128xf32, #tpu.memory_space<hbm>> -> memref<16x128xf32, #tpu.memory_space<hbm>>
        %dma_wait3A_308 = arith.constant 9984 : i32
        %dma_wait3A_309 = arith.constant 0 : i32
        %dma_wait3A_310 = tpu.memref_slice %arg52[%dma_wait3A_308, %dma_wait3A_309] : memref<10000x128xf32, #tpu.memory_space<vmem_shared>> -> memref<16x128xf32, #tpu.memory_space<vmem_shared>>
        tpu.wait_dma2 semaphore(%run_scoped3A : memref<!tpu.dma_semaphore, #tpu.memory_space<semaphore_mem>>) src(%dma_wait3A_310 : memref<16x128xf32, #tpu.memory_space<vmem_shared>>) dst(%dma_wait3A_307 : memref<16x128xf32, #tpu.memory_space<hbm>>)
        tpu.yield
      }) : () -> ()
    } else {
    }
    return
  }
}

module attributes {stable_mosaic.version = 14 : i64} {
  func.func @_tc_mlp_body(%arg0: memref<2x10000x128xf32, #tpu.memory_space<vmem>>, %arg1: memref<10000x128xf32, #tpu.memory_space<vmem>>, %arg2: memref<128x128xf32, #tpu.memory_space<vmem>>, %arg3: memref<128xf32, #tpu.memory_space<vmem>>, %arg4: memref<128xf32, #tpu.memory_space<vmem>>, %arg5: memref<128xf32, #tpu.memory_space<vmem>>, %arg6: memref<128x128xf32, #tpu.memory_space<vmem>>, %arg7: memref<128xf32, #tpu.memory_space<vmem>>, %arg8: memref<10000x128xf32, #tpu.memory_space<vmem>>) attributes {dimension_semantics = [], scalar_prefetch = 0 : i64, scratch_operands = 0 : i64, tpu.core_type = #tpu.core_type<tc>} {
    %get3A = arith.constant 0 : index
    %get3A_0 = arith.constant 0 : index
    %get3A_1 = arith.constant 0 : index
    %get3A_2 = vector.load %arg0[%get3A, %get3A_0, %get3A_1] : memref<2x10000x128xf32, #tpu.memory_space<vmem>>, vector<1x10000x128xf32>
    %get3A_3 = vector.shape_cast %get3A_2 : vector<1x10000x128xf32> to vector<10000x128xf32>
    %get3A_4 = arith.constant 1 : index
    %get3A_5 = arith.constant 0 : index
    %get3A_6 = arith.constant 0 : index
    %get3A_7 = vector.load %arg0[%get3A_4, %get3A_5, %get3A_6] : memref<2x10000x128xf32, #tpu.memory_space<vmem>>, vector<1x10000x128xf32>
    %get3A_8 = vector.shape_cast %get3A_7 : vector<1x10000x128xf32> to vector<10000x128xf32>
    %add3A = arith.addf %get3A_3, %get3A_8 : vector<10000x128xf32>
    %get3A_9 = arith.constant 0 : index
    %get3A_10 = arith.constant 0 : index
    %get3A_11 = vector.load %arg1[%get3A_9, %get3A_10] : memref<10000x128xf32, #tpu.memory_space<vmem>>, vector<10000x128xf32>
    %add3A_12 = arith.addf %add3A, %get3A_11 : vector<10000x128xf32>
    %get3A_13 = arith.constant 0 : index
    %get3A_14 = arith.constant 0 : index
    %get3A_15 = vector.load %arg2[%get3A_13, %get3A_14] : memref<128x128xf32, #tpu.memory_space<vmem>>, vector<128x128xf32>
    %dot_general3A = arith.constant dense<0.000000e+00> : vector<10000x128xf32>
    %dot_general3A_16 = tpu.matmul %add3A_12, %get3A_15, %dot_general3A {dimension_numbers = #tpu.dot_dimension_numbers<[1], [1], [0], [0], [0, 0, 1, 0], [], []>, transpose_lhs_hint = false} : vector<10000x128xf32>, vector<128x128xf32>, vector<10000x128xf32> -> vector<10000x128xf32>
    %get3A_17 = arith.constant 0 : index
    %get3A_18 = vector.load %arg3[%get3A_17] : memref<128xf32, #tpu.memory_space<vmem>>, vector<128xf32>
    %broadcast_in_dim3A = vector.shape_cast %get3A_18 : vector<128xf32> to vector<1x128xf32>
    %add3A_19 = vector.broadcast %broadcast_in_dim3A : vector<1x128xf32> to vector<10000x128xf32>
    %add3A_20 = arith.addf %dot_general3A_16, %add3A_19 : vector<10000x128xf32>
    %reduce_sum3A = arith.constant dense<0.000000e+00> : vector<128xf32>
    %reduce_sum3A_21 = vector.multi_reduction <add>, %add3A_20, %reduce_sum3A [0] : vector<10000x128xf32> to vector<128xf32>
    %broadcast_in_dim3A_22 = vector.shape_cast %reduce_sum3A_21 : vector<128xf32> to vector<1x128xf32>
    %div3A = arith.constant 1.000000e+04 : f32
    %div3A_23 = vector.broadcast %div3A : f32 to vector<1x128xf32>
    %div3A_24 = arith.divf %broadcast_in_dim3A_22, %div3A_23 : vector<1x128xf32>
    %sub3A = vector.broadcast %div3A_24 : vector<1x128xf32> to vector<10000x128xf32>
    %sub3A_25 = arith.subf %add3A_20, %sub3A : vector<10000x128xf32>
    %mul3A = arith.mulf %sub3A_25, %sub3A_25 : vector<10000x128xf32>
    %reduce_sum3A_26 = arith.constant dense<0.000000e+00> : vector<128xf32>
    %reduce_sum3A_27 = vector.multi_reduction <add>, %mul3A, %reduce_sum3A_26 [0] : vector<10000x128xf32> to vector<128xf32>
    %broadcast_in_dim3A_28 = vector.shape_cast %reduce_sum3A_27 : vector<128xf32> to vector<1x128xf32>
    %div3A_29 = arith.constant 1.000000e+04 : f32
    %div3A_30 = vector.broadcast %div3A_29 : f32 to vector<1x128xf32>
    %div3A_31 = arith.divf %broadcast_in_dim3A_28, %div3A_30 : vector<1x128xf32>
    %add3A_32 = arith.constant 9.99999974E-6 : f32
    %add3A_33 = vector.broadcast %add3A_32 : f32 to vector<1x128xf32>
    %add3A_34 = arith.addf %div3A_31, %add3A_33 : vector<1x128xf32>
    %rsqrt3A = math.rsqrt %add3A_34 : vector<1x128xf32>
    %mul3A_35 = vector.broadcast %rsqrt3A : vector<1x128xf32> to vector<10000x128xf32>
    %mul3A_36 = arith.mulf %sub3A_25, %mul3A_35 : vector<10000x128xf32>
    %get3A_37 = arith.constant 0 : index
    %get3A_38 = vector.load %arg4[%get3A_37] : memref<128xf32, #tpu.memory_space<vmem>>, vector<128xf32>
    %broadcast_in_dim3A_39 = vector.shape_cast %get3A_38 : vector<128xf32> to vector<1x128xf32>
    %mul3A_40 = vector.broadcast %broadcast_in_dim3A_39 : vector<1x128xf32> to vector<10000x128xf32>
    %mul3A_41 = arith.mulf %mul3A_36, %mul3A_40 : vector<10000x128xf32>
    %get3A_42 = arith.constant 0 : index
    %get3A_43 = vector.load %arg5[%get3A_42] : memref<128xf32, #tpu.memory_space<vmem>>, vector<128xf32>
    %broadcast_in_dim3A_44 = vector.shape_cast %get3A_43 : vector<128xf32> to vector<1x128xf32>
    %add3A_45 = vector.broadcast %broadcast_in_dim3A_44 : vector<1x128xf32> to vector<10000x128xf32>
    %add3A_46 = arith.addf %mul3A_41, %add3A_45 : vector<10000x128xf32>
    %max3A = arith.constant 0.000000e+00 : f32
    %max3A_47 = vector.broadcast %max3A : f32 to vector<10000x128xf32>
    %max3A_48 = arith.maximumf %add3A_46, %max3A_47 : vector<10000x128xf32>
    %get3A_49 = arith.constant 0 : index
    %get3A_50 = arith.constant 0 : index
    %get3A_51 = vector.load %arg6[%get3A_49, %get3A_50] : memref<128x128xf32, #tpu.memory_space<vmem>>, vector<128x128xf32>
    %dot_general3A_52 = arith.constant dense<0.000000e+00> : vector<10000x128xf32>
    %dot_general3A_53 = tpu.matmul %max3A_48, %get3A_51, %dot_general3A_52 {dimension_numbers = #tpu.dot_dimension_numbers<[1], [1], [0], [0], [0, 0, 1, 0], [], []>, transpose_lhs_hint = false} : vector<10000x128xf32>, vector<128x128xf32>, vector<10000x128xf32> -> vector<10000x128xf32>
    %get3A_54 = arith.constant 0 : index
    %get3A_55 = vector.load %arg7[%get3A_54] : memref<128xf32, #tpu.memory_space<vmem>>, vector<128xf32>
    %broadcast_in_dim3A_56 = vector.shape_cast %get3A_55 : vector<128xf32> to vector<1x128xf32>
    %add3A_57 = vector.broadcast %broadcast_in_dim3A_56 : vector<1x128xf32> to vector<10000x128xf32>
    %add3A_58 = arith.addf %dot_general3A_53, %add3A_57 : vector<10000x128xf32>
    %swap3A = arith.constant 0 : index
    %swap3A_59 = arith.constant 0 : index
    %swap3A_60 = vector.load %arg8[%swap3A, %swap3A_59] : memref<10000x128xf32, #tpu.memory_space<vmem>>, vector<10000x128xf32>
    tpu.vector_store %arg8[%swap3A, %swap3A_59], %add3A_58 {strides = array<i32>} : memref<10000x128xf32, #tpu.memory_space<vmem>>, vector<10000x128xf32>,
    return
  }
}

</mosaic_0001>

<sc_bundles>
// kernel: kernel.4.cloned.1.call-start
scs
__scs_entry_jumppad:
0x0: {  	(pc) =	sbr.rel $0x88, $3  }
0x1: {  	(tag) =	ssettag $0x0;
	lr =	simm.s32 $0x1  }
0x2: {  	[smem:$0x3F98] =	sst lr;
	_ =	strace $0xD0000000  }
0x3: {  	_ = 	snop  }
0x4: {  	_ = 	snop  }
0x5: {  	_ = 	snop  }
0x6: {  	_ = 	snop  }
0x7: {  	_ = 	snop  }
__scs_overlays_trampoline_lowered:
0x8: {  	[smem:$0x3FA7] =	sst s0  }
0x9: {  	[smem:$0x3FA8] =	sst s1  }
0xa: {  	[smem:$0x3FA9] =	sst s2  }
0xb: {  	[smem:$0x3FAA] =	sst s3  }
0xc: {  	[smem:$0x3FAB] =	sst s4  }
0xd: {  	[smem:$0x3FAC] =	sst s5  }
0xe: {  	[smem:$0x3FAD] =	sst s6  }
0xf: {  	[smem:$0x3FAE] =	sst s7  }
0x10: {  	[smem:$0x3FAF] =	sst s8  }
0x11: {  	[smem:$0x3FB0] =	sst s9;
	s0 =	simm.s32 @!p0 $0x0  }
0x12: {  	s1 =	sld [smem:$0x3F96];
	s0 =	simm.s32 @p0 $0x1  }
0x13: {  	[smem:$0x3FB1] =	sst s0;
	s0 =	simm.s32 @!p1 $0x0  }
0x14: {  	s2 =	sld [smem:$0x3F95];
	s0 =	simm.s32 @p1 $0x1  }
0x15: {  	[smem:$0x3FB2] =	sst s0;
	s0 =	simm.s32 @!p2 $0x0  }
0x16: {  	s3 =	sld [smem:$0x3FDB];
	s0 =	simm.s32 @p2 $0x1  }
0x17: {  	s4 =	simm.s32 $0x1BF5;
	[smem:$0x3FB4] =	sst s0  }
0x18: {  	s0 =	sld [smem:$0x3F97];
	_ =	swait.ge [sflag:s4], $0x0  }
0x19: {  	s7 =	sld [smem:$0x3F98]  }
0x1a: {  	s8 =	sadd.s32 $0xFFFFE003, lr  }
0x1b: {  	s9 =	sadd.s32 $0xFFFFFEF7, lr;
	s5 =	simm.s32 $0xFFFFFFFF;
	p2 =	slt.u32 s8, $0xFFFFF086  }
0x1c: {  	p1 =	slt.u32 s9, $0xF7A;
	s5 =	simm.s32 @!p2 $0x0  }
0x1d: {  	s5 =	simm.s32 @p1 $0x1;
	p0 =	seq.s32 s7, s2  }
0x1e: {  	s7 =	smul.u32 @!p0 $0xF7A, s2;
	p2 =	seq.s32 @!p0 s5, $0x0  }
0x1f: {  	s9 =	smul.u32 $0xF7A, s1;
	s8 =	simm.s32 @!p0 $0x1BF5;
	p2 =	por !p2, p0  }
0x20: {  	[sflag:s8] =	ssyncset.s32 @!p0 $0xFFFFF086;
	s6 =	sadd.s32 @!p0 s3, s7;
	s7 =	simm.s32 @!p0 $0x108  }
0x21: {  	s3 =	sadd.s32 s3, s9;
	s6 =	sadd.s32 @!p0 $0x88, s6;
	s7 =	simm.s32 @p2 $0x1082  }
0x22: {  	[simem:s7], [sflag:s8] =	dma.local @!p0 [hbm:s6], $0xF7A  }
0x23: {  	s9 =	sor.u32 $0xD0000000, s2;
	s6 =	simm.s32 $0x108;
	_ =	swait.ge @!p0 [sflag:s8], $0x0  }
0x24: {  	s3 =	sadd.s32 $0x88, s3;
	s6 =	simm.s32 @!p1 $0x1082;
	[sflag:s4] =	ssyncset.s32 $0xFFFFF086  }
0x25: {  	[simem:s6], [sflag:s4] =	dma.local [hbm:s3], $0xF7A  }
0x26: {  	[smem:$0x3F98] =	sst s1;
	(tag) =	ssettag s2;
	_ =	strace s9  }
0x27: {  	s1 =	sld [smem:$0x3FA8]  }
0x28: {  	s2 =	sld [smem:$0x3FA9]  }
0x29: {  	s4 =	sld [smem:$0x3FAB]  }
0x2a: {  	p0 =	seq.s32 s5, $0x0;
	s5 =	sld [smem:$0x3FAC]  }
0x2b: {  	s6 =	sld [smem:$0x3FAD]  }
0x2c: {  	s7 =	sld [smem:$0x3FAE]  }
0x2d: {  	s3 =	simm.s32 $0x108;
	s8 =	sld [smem:$0x3FAF]  }
0x2e: {  	s3 =	simm.s32 @!p0 $0x1082;
	s9 =	sld [smem:$0x3FB0]  }
0x2f: {  	lr =	sadd.s32 s0, s3;
	s0 =	sld [smem:$0x3FA7]  }
0x30: {  	s3 =	sld [smem:$0x3FAA]  }
0x31: {  	[smem:$0x3FB3] =	sst s10  }
0x32: {  	s10 =	sld [smem:$0x3FB1];
	_ =	sdelay $0x3  }
0x33: {  	p0 =	seq.s32 s10, $0x1;
	s10 =	sld [smem:$0x3FB3];
	_ =	sdelay $0x3  }
0x34: {  	[smem:$0x3FB3] =	sst s10  }
0x35: {  	s10 =	sld [smem:$0x3FB2];
	_ =	sdelay $0x3  }
0x36: {  	p1 =	seq.s32 s10, $0x1;
	s10 =	sld [smem:$0x3FB3];
	_ =	sdelay $0x3  }
0x37: {  	[smem:$0x3FB3] =	sst s10  }
0x38: {  	s10 =	sld [smem:$0x3FB4]  }
0x39: {  	_ = 	snop;
	(pc) =	sbr.ind lr, $3  }
0x3a: {  	_ = 	snop  }
0x3b: {  	_ = 	snop  }
0x3c: {  	p2 =	seq.s32 s10, $0x1;
	s10 =	sld [smem:$0x3FB3]  }
0x3d: {  	_ =	shalt  }
0x3e: {  	_ =	shalt  }
0x3f: {  	_ =	shalt  }
0x40: {  	_ =	shalt  }
0x41: {  	_ =	shalt  }
0x42: {  	_ =	shalt  }
0x43: {  	_ =	shalt  }
0x44: {  	_ =	shalt  }
0x45: {  	_ =	shalt  }
0x46: {  	_ =	shalt  }
0x47: {  	_ =	shalt  }
0x48: {  	_ =	shalt  }
0x49: {  	_ =	shalt  }
0x4a: {  	_ =	shalt  }
0x4b: {  	_ =	shalt  }
0x4c: {  	_ =	shalt  }
0x4d: {  	_ =	shalt  }
0x4e: {  	_ =	shalt  }
0x4f: {  	_ =	shalt  }
0x50: {  	_ =	shalt  }
0x51: {  	_ =	shalt  }
0x52: {  	_ =	shalt  }
0x53: {  	_ =	shalt  }
0x54: {  	_ =	shalt  }
0x55: {  	_ =	shalt  }
0x56: {  	_ =	shalt  }
0x57: {  	_ =	shalt  }
0x58: {  	_ =	shalt  }
0x59: {  	_ =	shalt  }
0x5a: {  	_ =	shalt  }
0x5b: {  	_ =	shalt  }
0x5c: {  	_ =	shalt  }
0x5d: {  	_ =	shalt  }
0x5e: {  	_ =	shalt  }
0x5f: {  	_ =	shalt  }
0x60: {  	_ =	shalt  }
0x61: {  	_ =	shalt  }
0x62: {  	_ =	shalt  }
0x63: {  	_ =	shalt  }
0x64: {  	_ =	shalt  }
0x65: {  	_ =	shalt  }
0x66: {  	_ =	shalt  }
0x67: {  	_ =	shalt  }
0x68: {  	_ =	shalt  }
0x69: {  	_ =	shalt  }
0x6a: {  	_ =	shalt  }
0x6b: {  	_ =	shalt  }
0x6c: {  	_ =	shalt  }
0x6d: {  	_ =	shalt  }
0x6e: {  	_ =	shalt  }
0x6f: {  	_ =	shalt  }
0x70: {  	_ =	shalt  }
0x71: {  	_ =	shalt  }
0x72: {  	_ =	shalt  }
0x73: {  	_ =	shalt  }
0x74: {  	_ =	shalt  }
0x75: {  	_ =	shalt  }
0x76: {  	_ =	shalt  }
0x77: {  	_ =	shalt  }
0x78: {  	_ =	shalt  }
0x79: {  	_ =	shalt  }
0x7a: {  	_ =	shalt  }
0x7b: {  	_ =	shalt  }
0x7c: {  	_ =	shalt  }
0x7d: {  	_ =	shalt  }
0x7e: {  	_ =	shalt  }
0x7f: {  	_ =	shalt  }
0x80: {  	_ =	shalt  }
0x81: {  	_ =	shalt  }
0x82: {  	_ =	shalt  }
0x83: {  	_ =	shalt  }
0x84: {  	_ =	shalt  }
0x85: {  	_ =	shalt  }
0x86: {  	_ =	shalt  }
0x87: {  	_ =	shalt  }
.Lfunc_end0:
.L_simem_size_0:
called_computation_lowered:
.L_overlay_start_0:
0x88: {  	s2 =	sld [smem:$0x3FD9]  }
0x89: {  	s3 =	sld [smem:$0x3FFE];
	_ =	sdelay $0x1  }
0x8a: {  	s1 =	srdreg.scid  }
0x8b: {  	s0 =	sand.u32 $0x1, s1  }
0x8c: {  	s17 =	sshll.u32 s0, $0xA;
	s2 =	sadd.s32 s3, s2  }
0x8d: {  	s2 =	sadd.s32 s2, s17  }
0x8e: {  	[smem:$0x3FBF] =	sst s2  }
0x8f: {  	_ = 	snop  }
0x90: {  	s2 =	sld [smem:$0x3FC9]  }
0x91: {  	s18 =	sld [smem:$0x3FC7]  }
0x92: {  	s4 =	sld [smem:$0x3FD0];
	(tm) =	ssettm $0x1  }
0x93: {  	s5 =	sld [smem:$0x3FFB];
	_ =	sdelay $0x3  }
0x94: {  	_ =	strace s5  }
0x95: {  	s5 =	sld [smem:$0x3FFC];
	_ =	sdelay $0x3  }
0x96: {  	_ =	strace s5  }
0x97: {  	s5 =	sld [smem:$0x3FFD];
	_ =	sdelay $0x3  }
0x98: {  	_ =	strace s5  }
0x99: {  	_ =	strace $0x8FFFFFFF  }
0x9a: {  	s19 =	sld [smem:$0x3FDB];
	_ =	sdelay $0x1  }
0x9b: {  	s6 =	simm.s32 $_scs_section_size  }
0x9c: {  	s7 =	simm.s32 $_size__tile_overlayer_lowered;
	s8 =	simm.s32 $_tile_overlayer_lowered  }
0x9d: {  	s22 =	simm.s32 $0x1BFF;
	s21 =	sshll.u32 s8, $0x1;
	s5 =	sadd.s32 s6, s19  }
0x9e: {  	s9 =	simm.s32 $0x0;
	s20 =	sshll.u32 s7, $0x1;
	s7 =	sadd.s32 s21, s5  }
0x9f: {  	[timem:s9], [sflag:s22] =	dma.local [hbm:s7], s20  }
0xa0: {  	_ =	swait.ge [sflag:s22], s20  }
0xa1: {  	s6 =	ssub.s32 $0x0, s20;
	[sflag:s22] =	ssyncset.done $0x0  }
0xa2: {  	[sflag:s22] =	ssyncadd.s32 s6;
	_ =	sdelay $0x1  }
0xa3: {  	s23 =	simm.s32 $0x1B8B  }
0xa4: {  	_ =	swait.ge [sflag:s23], $0x1  }
0xa5: {  	[sflag:s23] =	ssyncset.done $0x0  }
0xa6: {  	s25 =	simm.s32 $0x1B8E;
	s24 =	sld [smem:$0x3FFE];
	[sflag:s23] =	ssyncadd.s32 $0xFFFFFFFF  }
0xa7: {  	s26 =	simm.s32 $execute0_lowered;
	[smem:$0x3FD2] =	sst s25  }
0xa8: {  	s7 =	sshll.u32 s26, $0x1;
	_ =	strace $0x80000046;
	[dreg:$0x1] =	wrdreg $0xFFFFFFFF  }
0xa9: {  	s28 =	simm.s32 $_size_execute0_lowered;
	s5 =	sadd.s32 s5, s7;
	[dreg:$0x0] =	wrdreg $0x0  }
0xaa: {  	s7 =	sshll.u32 s28, $0x1;
	[dreg:$0x2] =	wrdreg s5  }
0xab: {  	[dreg:$0x3] =	wrdreg s7  }
0xac: {  	[dreg:$0x4] =	wrdreg $0xC0  }
0xad: {  	_ =	task [dreg:s9], $0x5FFFF  }
0xae: {  	[dreg:$0x1] =	wrdreg $0xFFFFFFFF  }
0xaf: {  	[dreg:$0x0] =	wrdreg $0x60  }
0xb0: {  	[dreg:$0x2] =	wrdreg s2  }
0xb1: {  	[dreg:$0x3] =	wrdreg s24  }
0xb2: {  	[dreg:$0x4] =	wrdreg s4  }
0xb3: {  	[dreg:$0x5] =	wrdreg s18  }
0xb4: {  	[dreg:$0x6] =	wrdreg $0x81000  }
0xb5: {  	[dreg:$0x7] =	wrdreg $0x9  }
0xb6: {  	_ =	task.clear_ibuf [dreg:s9], $0x8FFFF;
	_ =	strace $0x90000046  }
0xb7: {  	s29 =	simm.s32 $0x9;
	_ =	strace $0x80000048  }
0xb8: {  	_ =	swait.ge [sflag:s29], $0x1  }
0xb9: {  	[sflag:s29] =	ssyncadd.s32 $0xFFFFFFFF  }
0xba: {  	_ =	strace $0x90000048  }
0xbb: {  	_ =	sfence  }
0xbc: {  	s30 =	sld [smem:$0x0];
	_ =	sdelay $0x2  }
0xbd: {  	s31 =	sshll.u32 s1, $0xD;
	s1 =	sshrl.u32 s1, $0x2  }
0xbe: {  	s3 =	sand.u32 $0x4000, s31;
	s1 =	sadd.s32 s1, s30  }
0xbf: {  	s0 =	sor.u32 s3, s0;
	s1 =	sshll.u32 s1, $0x11  }
0xc0: {  	s0 =	sor.u32 s1, s0  }
0xc1: {  	s0 =	sadd.s32 $0x8F2B, s0  }
0xc2: {  	[sflag:s0] =	ssyncadd.remote.s32 $0x1  }
0xc3: {  	_ =	sfence.sel $0xFFFF  }
0xc4: {  	[dreg:$0x0] =	wrdreg $0xFFFFFFFF;
	(pc) =	sbr.abs _section_cstart, $3  }
0xc5: {  	[dreg:$0x1] =	wrdreg $0xFFFFFFFF  }
0xc6: {  	_ =	task.clear_ibuf [dreg:s9], $0x2FFFF;
	_ =	strace $0x9FFFFFFF  }
0xc7: {  	(tm) =	ssettm $0x7FFFFFFF  }
tec
execute0_lowered:
.L_overlay_start_1:
0x0: {  	(tag) =	ssettag $0x1  }
0x1: {  	s0 =	rddreg [dreg:$0x0]  }
0x2: {  	s1 =	rddreg [dreg:$0x1]  }
0x3: {  	s2 =	rddreg [dreg:$0x2]  }
0x4: {  	s3 =	rddreg [dreg:$0x3];
	s4 =	srdreg.scid  }
0x5: {  	s5 =	rddreg [dreg:$0x4];
	s12 =	stileid.u32;
	s4 =	sand.u32 $0x1, s4  }
0x6: {  	s7 =	sshll.u32 s4, $0x4;
	s8 =	smul.u32 $0x27100, s4;
	s4 =	ssub.s32 $0x2, s4  }
0x7: {  	s6 =	simm.s32 $0x0;
	s7 =	sor.u32 s12, s7;
	s22 =	sshrl.u32 s4, $0x1  }
0x8: {  	[smem:$0x7FF] =	sst s6;
	s9 =	smul.u32 $0x2710, s7;
	s4 =	ssub.s32 s4, s22  }
0x9: {  	s7 =	sadd.s32 $0x1200, s1;
	s1 =	sadd.s32 s8, s1;
	s4 =	smax.u32 s4, $0x1  }
0xa: {  	_ =	strace $0x80000047;
	s1 =	sadd.s32 $0xB000, s1;
	[smem:$0x7F4] =	sst s4  }
0xb: {  	s10 =	sshrl.u32 s9, $0x3;
	s22 =	sadd.s32 $0x190, s9;
	[dreg:$0x1f] =	wrdreg s1  }
0xc: {  	s23 =	sadd.s32 s7, s10;
	[dreg:$0x12] =	wrdreg s22  }
0xd: {  	s11 =	sadd.s32 s2, s10;
	[dreg:$0x6] =	wrdreg s23  }
0xe: {  	s24 =	sadd.s32 $0xA, s10;
	s25 =	sadd.s32 s3, s10;
	[dreg:$0x7] =	wrdreg s11  }
0xf: {  	[dreg:$0x8] =	wrdreg s25;
	s26 =	sadd.s32 s7, s24  }
0x10: {  	s13 =	sadd.s32 s2, s24;
	[dreg:$0x9] =	wrdreg s26  }
0x11: {  	s14 =	sadd.s32 $0x14, s10;
	s8 =	sadd.s32 s3, s24;
	[dreg:$0xa] =	wrdreg s13  }
0x12: {  	s15 =	sadd.s32 s7, s14;
	[dreg:$0xb] =	wrdreg s8  }
0x13: {  	s17 =	sadd.s32 $0x1E, s10;
	s16 =	sadd.s32 s2, s14;
	[dreg:$0xc] =	wrdreg s15  }
0x14: {  	s18 =	sadd.s32 s7, s17;
	[dreg:$0xd] =	wrdreg s16  }
0x15: {  	s19 =	sadd.s32 s2, s17;
	[dreg:$0xf] =	wrdreg s18  }
0x16: {  	s21 =	sadd.s32 $0x28, s10;
	s20 =	sadd.s32 s3, s17;
	[dreg:$0x10] =	wrdreg s19  }
0x17: {  	s10 =	sshrl.u32 s22, $0x3;
	s23 =	sadd.s32 s7, s21;
	[dreg:$0x11] =	wrdreg s20  }
0x18: {  	s25 =	sadd.s32 s7, s10;
	[dreg:$0x13] =	wrdreg s23  }
0x19: {  	s17 =	sadd.s32 $0x2D0, s9;
	[dreg:$0x16] =	wrdreg s25  }
0x1a: {  	s31 =	simm.s32 $0x300;
	s8 =	sadd.s32 s3, s14;
	[dreg:$0x1d] =	wrdreg s17  }
0x1b: {  	s28 =	simm.s32 $0x16;
	s13 =	sadd.s32 s2, s21;
	[dreg:$0xe] =	wrdreg s8  }
0x1c: {  	s29 =	simm.s32 $0x3100;
	s26 =	sadd.s32 s2, s10;
	[dreg:$0x14] =	wrdreg s13  }
0x1d: {  	s30 =	simm.s32 $0x13;
	s10 =	sadd.s32 s3, s10;
	[dreg:$0x17] =	wrdreg s26  }
0x1e: {  	p0 =	sne.s32 s12, $0xF;
	s14 =	sadd.s32 $0x1E0, s9;
	[dreg:$0x18] =	wrdreg s10  }
0x1f: {  	s4 =	simm.s32 $0x0;
	s15 =	sadd.s32 $0x230, s9;
	[dreg:$0x1a] =	wrdreg s14  }
0x20: {  	s24 =	smul.u32 $0x4E000, s12;
	s16 =	sadd.s32 $0x280, s9;
	[dreg:$0x1b] =	wrdreg s15  }
0x21: {  	s18 =	smul.u32 $0x2700, s12;
	s9 =	sadd.s32 $0x320, s9;
	[dreg:$0x1c] =	wrdreg s16  }
0x22: {  	s12 =	simm.s32 $0x780;
	s8 =	sadd.s32 s3, s21;
	[dreg:$0x1e] =	wrdreg s9  }
0x23: {  	s13 =	sshrl.u32 s24, $0x2;
	[dreg:$0x15] =	wrdreg s8;
	s1 =	sadd.s32 s18, s1  }
0x24: {  	s17 =	simm.s32 $0x50;
	s20 =	sadd.s32 s13, s5;
	[smem:$0x7F5] =	sst s1  }
0x25: {  	s9 =	simm.s32 $0x700;
	s19 =	sadd.s32 $0x2800, s20;
	[dreg:$0x19] =	wrdreg s20  }
0x26: {  	s15 =	simm.s32 $0x800;
	s21 =	sadd.s32 $0x5000, s20;
	[smem:$0x7F6] =	sst s19  }
0x27: {  	s10 =	simm.s32 $0x15;
	s22 =	sadd.s32 $0x7800, s20;
	[smem:$0x7F7] =	sst s21  }
0x28: {  	s14 =	simm.s32 $0x17;
	s23 =	sadd.s32 $0xA000, s20;
	[smem:$0x7F8] =	sst s22  }
0x29: {  	s8 =	simm.s32 $0x880;
	s24 =	sadd.s32 $0xC800, s20;
	[smem:$0x7F9] =	sst s23  }
0x2a: {  	s18 =	simm.s32 $0x900;
	s25 =	sadd.s32 $0xF000, s20;
	[smem:$0x7FA] =	sst s24  }
0x2b: {  	s26 =	sadd.s32 $0x11800, s20;
	s1 =	simm.s32 $0x18;
	[smem:$0x7FB] =	sst s25  }
0x2c: {  	[smem:$0x7FC] =	sst s26;
	s25 =	sadd.s32 $0x138000, s5;
	s21 =	simm.s32 $0x600  }
0x2d: {  	s24 =	simm.s32 $0x680;
	s26 =	simm.s32 $0x500;
	s19 =	simm.s32 $0x5900  }
0x2e: {  	v0 =	vimm.f32 $0.0e+00;
	s22 =	simm.s32 $0x14;
	s23 =	simm.s32 $0xB;
	[smem:$0x7FD] =	sst s25  }
.LBB2_1:
0x2f: {  	[smem:$0x7F3] =	sst s4  }
0x30: {  	s11 =	rddreg [dreg:$0x6]  }
0x31: {  	[tilespmem:s6], [sflag:$0x1] =	stream.linear.gather [hbm4b:s11+s6], $0x50, $0x38;
	[tilespmem:$0x1B980] =	vst v63  }
0x32: {  	s13 =	rddreg [dreg:$0x7]  }
0x33: {  	[tilespmem:s31], [sflag:$0x7] =	stream.linear.gather [hbm4b:s13+s6], $0x50, $0x38;
	[tilespmem:$0x1B980] =	vst v63  }
0x34: {  	s16 =	rddreg [dreg:$0x8]  }
0x35: {  	[tilespmem:s21], [sflag:$0xD] =	stream.linear.gather [hbm4b:s16+s6], $0x50, $0x38;
	[tilespmem:$0x1B980] =	vst v63  }
0x36: {  	s4 =	rddreg [dreg:$0x9];
	s13 =	simm.s32 $0x80  }
0x37: {  	[tilespmem:s13], [sflag:$0x2] =	stream.linear.gather [hbm4b:s4+s6], $0x50, $0x38;
	[tilespmem:$0x1B980] =	vst v63  }
0x38: {  	s16 =	rddreg [dreg:$0xa];
	s4 =	simm.s32 $0x380  }
0x39: {  	[tilespmem:s4], [sflag:$0x8] =	stream.linear.gather [hbm4b:s16+s6], $0x50, $0x38;
	[tilespmem:$0x1B980] =	vst v63  }
0x3a: {  	s13 =	rddreg [dreg:$0xb]  }
0x3b: {  	[tilespmem:s24], [sflag:$0xE] =	stream.linear.gather [hbm4b:s13+s6], $0x50, $0x38;
	[tilespmem:$0x1B980] =	vst v63  }
0x3c: {  	s16 =	rddreg [dreg:$0xc];
	s4 =	simm.s32 $0x100  }
0x3d: {  	[tilespmem:s4], [sflag:$0x3] =	stream.linear.gather [hbm4b:s16+s6], $0x50, $0x38;
	[tilespmem:$0x1B980] =	vst v63  }
0x3e: {  	s16 =	rddreg [dreg:$0xd];
	s4 =	simm.s32 $0x400  }
0x3f: {  	[tilespmem:s4], [sflag:$0x9] =	stream.linear.gather [hbm4b:s16+s6], $0x50, $0x38;
	[tilespmem:$0x1B980] =	vst v63  }
0x40: {  	s13 =	rddreg [dreg:$0xe]  }
0x41: {  	[tilespmem:s9], [sflag:$0xF] =	stream.linear.gather [hbm4b:s13+s6], $0x50, $0x38;
	[tilespmem:$0x1B980] =	vst v63  }
0x42: {  	s16 =	rddreg [dreg:$0xf];
	s4 =	simm.s32 $0x180  }
0x43: {  	[tilespmem:s4], [sflag:$0x4] =	stream.linear.gather [hbm4b:s16+s6], $0x50, $0x38;
	[tilespmem:$0x1B980] =	vst v63  }
0x44: {  	s13 =	rddreg [dreg:$0x10];
	s16 =	simm.s32 $0x480  }
0x45: {  	[tilespmem:s16], [sflag:$0xA] =	stream.linear.gather [hbm4b:s13+s6], $0x50, $0x38;
	[tilespmem:$0x1B980] =	vst v63  }
0x46: {  	s4 =	rddreg [dreg:$0x11]  }
0x47: {  	[tilespmem:s12], [sflag:$0x10] =	stream.linear.gather [hbm4b:s4+s6], $0x50, $0x38;
	[tilespmem:$0x1B980] =	vst v63  }
0x48: {  	s13 =	rddreg [dreg:$0x13];
	s16 =	simm.s32 $0x200  }
0x49: {  	[tilespmem:s16], [sflag:$0x5] =	stream.linear.gather [hbm4b:s13+s6], $0x50, $0x38;
	[tilespmem:$0x1B980] =	vst v63  }
0x4a: {  	s4 =	rddreg [dreg:$0x14]  }
0x4b: {  	[tilespmem:s26], [sflag:$0xB] =	stream.linear.gather [hbm4b:s4+s6], $0x50, $0x38;
	[tilespmem:$0x1B980] =	vst v63  }
0x4c: {  	s13 =	rddreg [dreg:$0x15]  }
0x4d: {  	[tilespmem:s15], [sflag:$0x11] =	stream.linear.gather [hbm4b:s13+s6], $0x50, $0x38;
	[tilespmem:$0x1B980] =	vst v63  }
0x4e: {  	s16 =	rddreg [dreg:$0x16];
	s26 =	simm.s32 $0x280  }
0x4f: {  	[tilespmem:s26], [sflag:$0x6] =	stream.linear.gather [hbm4b:s16+s6], $0x50, $0x38;
	[tilespmem:$0x1B980] =	vst v63  }
0x50: {  	s13 =	rddreg [dreg:$0x17];
	s16 =	simm.s32 $0x580  }
0x51: {  	[tilespmem:s16], [sflag:$0xC] =	stream.linear.gather [hbm4b:s13+s6], $0x50, $0x38;
	[tilespmem:$0x1B980] =	vst v63  }
0x52: {  	s11 =	simm.s32 $0x0;
	s26 =	rddreg [dreg:$0x18];
	s13 =	simm.s32 $0x200  }
0x53: {  	[tilespmem:s8], [sflag:$0x12] =	stream.linear.gather [hbm4b:s26+s6], $0x50, $0x38;
	[tilespmem:$0x1B980] =	vst v63  }
.LBB2_2:
0x54: {  	p1 =	sne.s32 s13, $0x9E00;
	[tilespmem:s11+$0x970] =	vst v0  }
0x55: {  	[tilespmem:s11+$0x900] =	vst v0  }
0x56: {  	[tilespmem:s11+$0x910] =	vst v0  }
.Ltmp0:
0x57: {  	[tilespmem:s11+$0x920] =	vst v0;
	(pc) =	sbr.rel @p1 .LBB2_2-.Ltmp0, $4  }
0x58: {  	[tilespmem:s11+$0x930] =	vst v0  }
0x59: {  	[tilespmem:s11+$0x940] =	vst v0  }
0x5a: {  	[tilespmem:s11+$0x950] =	vst v0  }
0x5b: {  	[tilespmem:s11+$0x960] =	vst v0;
	s11 =	sshra.s32 s13, $0x2;
	s13 =	sadd.s32 $0x200, s13  }
0x5c: {  	[tilespmem:s11+$0x970] =	vst v0  }
0x5d: {  	[tilespmem:s11+$0x900] =	vst v0  }
0x5e: {  	[tilespmem:s11+$0x910] =	vst v0  }
0x5f: {  	[tilespmem:s11+$0x920] =	vst v0  }
0x60: {  	[tilespmem:s11+$0x930] =	vst v0  }
0x61: {  	[tilespmem:s11+$0x940] =	vst v0  }
0x62: {  	[tilespmem:s11+$0x950] =	vst v0  }
0x63: {  	[tilespmem:s11+$0x960] =	vst v0;
	s13 =	sld [smem:$0x7F6]  }
0x64: {  	[spmem:s20] =	stream.linear.scatter [tilespmem:s18], [sflag:$0x16], $0x2800, $0x38;
	[tilespmem:$0x1B980] =	vst v63  }
0x65: {  	s16 =	sld [smem:$0x7F7]  }
0x66: {  	[spmem:s13] =	stream.linear.scatter [tilespmem:s18], [sflag:$0x16], $0x2800, $0x38;
	[tilespmem:$0x1B980] =	vst v63  }
0x67: {  	s20 =	sld [smem:$0x7F8]  }
0x68: {  	[spmem:s16] =	stream.linear.scatter [tilespmem:s18], [sflag:$0x16], $0x2800, $0x38;
	[tilespmem:$0x1B980] =	vst v63  }
0x69: {  	s26 =	sld [smem:$0x7F9]  }
0x6a: {  	[spmem:s20] =	stream.linear.scatter [tilespmem:s18], [sflag:$0x16], $0x2800, $0x38;
	[tilespmem:$0x1B980] =	vst v63  }
0x6b: {  	s4 =	sld [smem:$0x7FA]  }
0x6c: {  	[spmem:s26] =	stream.linear.scatter [tilespmem:s18], [sflag:$0x16], $0x2800, $0x38;
	[tilespmem:$0x1B980] =	vst v63  }
0x6d: {  	s13 =	sld [smem:$0x7FB]  }
0x6e: {  	[spmem:s4] =	stream.linear.scatter [tilespmem:s18], [sflag:$0x16], $0x2800, $0x38;
	[tilespmem:$0x1B980] =	vst v63  }
0x6f: {  	s16 =	sld [smem:$0x7FC]  }
0x70: {  	[spmem:s13] =	stream.linear.scatter [tilespmem:s18], [sflag:$0x16], $0x2800, $0x38;
	[tilespmem:$0x1B980] =	vst v63  }
0x71: {  	_ = 	snop  }
0x72: {  	[spmem:s16] =	stream.linear.scatter [tilespmem:s18], [sflag:$0x16], $0x2000, $0x38;
	[tilespmem:$0x1B980] =	vst v63  }
0x73: {  	_ =	swait.ge [sflag:s28], $0x2800  }
0x74: {  	[sflag:s28] =	ssyncset.done $0x0  }
0x75: {  	[sflag:s28] =	ssyncadd.s32 $0xFFFFD800  }
0x76: {  	_ =	swait.ge [sflag:s28], $0x2800  }
0x77: {  	[sflag:s28] =	ssyncset.done $0x0  }
0x78: {  	[sflag:s28] =	ssyncadd.s32 $0xFFFFD800  }
0x79: {  	_ =	swait.ge [sflag:s28], $0x2800  }
0x7a: {  	[sflag:s28] =	ssyncset.done $0x0  }
0x7b: {  	[sflag:s28] =	ssyncadd.s32 $0xFFFFD800  }
0x7c: {  	_ =	swait.ge [sflag:s28], $0x2800  }
0x7d: {  	[sflag:s28] =	ssyncset.done $0x0  }
0x7e: {  	[sflag:s28] =	ssyncadd.s32 $0xFFFFD800  }
0x7f: {  	_ =	swait.ge [sflag:s28], $0x2800  }
0x80: {  	[sflag:s28] =	ssyncset.done $0x0  }
0x81: {  	[sflag:s28] =	ssyncadd.s32 $0xFFFFD800  }
0x82: {  	_ =	swait.ge [sflag:s28], $0x2800  }
0x83: {  	[sflag:s28] =	ssyncset.done $0x0  }
0x84: {  	[sflag:s28] =	ssyncadd.s32 $0xFFFFD800  }
0x85: {  	_ =	swait.ge [sflag:s28], $0x2800  }
0x86: {  	[sflag:s28] =	ssyncset.done $0x0  }
0x87: {  	[sflag:s28] =	ssyncadd.s32 $0xFFFFD800  }
0x88: {  	_ =	swait.ge [sflag:s28], $0x2000  }
0x89: {  	[sflag:s28] =	ssyncset.done $0x0  }
0x8a: {  	s11 =	simm.s32 @!p0 $0x900;
	[sflag:s28] =	ssyncadd.s32 $0xFFFFE000  }
0x8b: {  	[spmem:s25] =	stream.linear.scatter @!p0 [tilespmem:s11], [sflag:$0x19], $0x800, $0x38;
	[tilespmem:$0x1B980] =	vst v63  }
0x8c: {  	s11 =	simm.s32 @!p0 $0x19  }
0x8d: {  	_ =	swait.ge @!p0 [sflag:s11], $0x800  }
0x8e: {  	[sflag:s11] =	ssyncset.done @!p0 $0x0  }
0x8f: {  	[sflag:s11] =	ssyncadd.s32 @!p0 $0xFFFFF800  }
0x90: {  	s4 =	simm.s32 $0x1;
	[bflag:$0x0] =	sbarrier.arrive $0xFFFF  }
0x91: {  	_ =	swait.ge [sflag:s4], $0x50  }
0x92: {  	[sflag:s4] =	ssyncset.done $0x0  }
0x93: {  	s20 =	simm.s32 $0x0;
	s25 =	simm.s32 $0x2;
	[sflag:s4] =	ssyncadd.s32 $0xFFFFFFB0  }
0x94: {  	[tilespmem:s18], [sflag:$0x13] =	stream.indirect.gather [hbm4b:s0+s17], $0x80, s20, s17, $0xb8;
	[tilespmem:$0x1B980] =	vst v63  }
0x95: {  	_ =	swait.ge [sflag:s25], $0x50  }
0x96: {  	[sflag:s25] =	ssyncset.done $0x0  }
0x97: {  	s26 =	simm.s32 $0x80;
	[sflag:s25] =	ssyncadd.s32 $0xFFFFFFB0;
	s25 =	simm.s32 $0x0  }
0x98: {  	[tilespmem:s29], [sflag:$0x14] =	stream.indirect.gather [hbm4b:s0+s17], $0x80, s26, s17, $0xb8;
	[tilespmem:$0x1B980] =	vst v63  }
.LBB2_4:
0x99: {  	_ =	swait.ge [sflag:s30], $0x2800  }
0x9a: {  	s11 =	simm.s32 $0x0;
	[sflag:s30] =	ssyncset.done $0x0  }
0x9b: {  	s13 =	simm.s32 $0x2;
	s16 =	simm.s32 $0xD;
	v1 =	vmov s11;
	[sflag:s30] =	ssyncadd.s32 $0xFFFFD800  }
0x9c: {  	v2 =	vmov s13;
	v1 =	vand.u32 $0xFFFFFFFC, v1;
	_ =	swait.ge [sflag:s16], $0x50  }
0x9d: {  	v2 =	vand.u32 $0xFFFFFFFE, v2;
	v1 =	vbroadcast v1, $0x0;
	[sflag:s16] =	ssyncset.done $0x0  }
0x9e: {  	s26 =	simm.s32 $0xA00;
	v2 =	vbroadcast v2, $0x0;
	[sflag:s16] =	ssyncadd.s32 $0xFFFFFFB0  }
0x9f: {  	v4 =	vld [tilespmem:s26+$0x70]  }
0xa0: {  	v5 =	vld [tilespmem:s26+$0xFFFFFF00]  }
0xa1: {  	s20 =	simm.s32 $0x1;
	v6 =	vld [tilespmem:s26+$0xFFFFFF10]  }
0xa2: {  	v3 =	vmov s20;
	v7 =	vld [tilespmem:s26+$0xFFFFFF20]  }
0xa3: {  	v3 =	vand.u32 $0xFFFFFFFD, v3;
	v1 =	vld.idx.msk [tilespmem:v1+s21+$0x0], $0xffff  }
0xa4: {  	v3 =	vbroadcast v3, $0x0;
	v2 =	vld.idx.msk [tilespmem:v2+s21+$0x0], $0xffff  }
0xa5: {  	v8 =	vld [tilespmem:s26+$0xFFFFFF30]  }
0xa6: {  	v9 =	vld [tilespmem:s26+$0xFFFFFF40]  }
0xa7: {  	v10 =	vld [tilespmem:s26+$0xFFFFFF50]  }
0xa8: {  	v11 =	vld [tilespmem:s26+$0xFFFFFF60];
	v5 =	vmul.f32 v5, v1  }
0xa9: {  	v13 =	vld [tilespmem:s26+$0x40];
	v4 =	vmul.f32 v4, v2  }
0xaa: {  	v3 =	vld.idx.msk [tilespmem:v3+s21+$0x0], $0xffff;
	[tilespmem:s26+$0xFFFFFF00] =	vst v5;
	v5 =	vmul.f32 v6, v1  }
0xab: {  	v6 =	vld [tilespmem:s26+$0xFFFFFF70];
	[tilespmem:s26+$0x70] =	vst v4;
	v4 =	vmul.f32 v7, v1  }
0xac: {  	v7 =	vld [tilespmem:s26+$0xFFFFFF80];
	[tilespmem:s26+$0xFFFFFF10] =	vst v5;
	v5 =	vmul.f32 v8, v1  }
0xad: {  	v8 =	vld [tilespmem:s26+$0xFFFFFF90];
	[tilespmem:s26+$0xFFFFFF20] =	vst v4;
	v4 =	vmul.f32 v9, v1  }
0xae: {  	v9 =	vld [tilespmem:s26+$0xFFFFFFA0];
	[tilespmem:s26+$0xFFFFFF30] =	vst v5;
	v5 =	vmul.f32 v10, v1  }
0xaf: {  	v10 =	vld [tilespmem:s26+$0xFFFFFFB0];
	[tilespmem:s26+$0xFFFFFF40] =	vst v4;
	v4 =	vmul.f32 v11, v1  }
0xb0: {  	v11 =	vld [tilespmem:s26+$0xFFFFFFC0];
	v6 =	vmul.f32 v6, v1;
	[tilespmem:s26+$0xFFFFFF50] =	vst v5  }
0xb1: {  	v5 =	vmul.f32 v7, v3;
	v7 =	vld [tilespmem:s26+$0xFFFFFFD0];
	[tilespmem:s26+$0xFFFFFF60] =	vst v4  }
0xb2: {  	s13 =	simm.s32 $0x3;
	v4 =	vld [tilespmem:s26+$0xFFFFFFE0];
	v8 =	vmul.f32 v8, v3;
	[tilespmem:s26+$0xFFFFFF70] =	vst v6  }
0xb3: {  	v12 =	vmov s13;
	v6 =	vld [tilespmem:s26+$0xFFFFFFF0];
	[tilespmem:s26+$0xFFFFFF80] =	vst v5;
	v5 =	vmul.f32 v9, v3  }
0xb4: {  	v9 =	vld [tilespmem:s26+$0x0];
	[tilespmem:s26+$0xFFFFFF90] =	vst v8;
	v8 =	vmul.f32 v10, v3  }
0xb5: {  	v10 =	vld [tilespmem:s26+$0x10];
	[tilespmem:s26+$0xFFFFFFA0] =	vst v5;
	v5 =	vmul.f32 v11, v3  }
0xb6: {  	[tilespmem:s26+$0xFFFFFFB0] =	vst v8;
	v7 =	vmul.f32 v7, v3;
	v8 =	vld [tilespmem:s26+$0x20]  }
0xb7: {  	v11 =	vld [tilespmem:s26+$0x30];
	v4 =	vmul.f32 v4, v3;
	[tilespmem:s26+$0xFFFFFFC0] =	vst v5  }
0xb8: {  	v1 =	vld.idx.msk [tilespmem:v12+s21+$0x0], $0xffff;
	v3 =	vmul.f32 v6, v3;
	[tilespmem:s26+$0xFFFFFFD0] =	vst v7  }
0xb9: {  	[tilespmem:s26+$0xFFFFFFE0] =	vst v4;
	v5 =	vmul.f32 v9, v2;
	v4 =	vld [tilespmem:s26+$0x50]  }
0xba: {  	s16 =	simm.s32 $0x4;
	[tilespmem:s26+$0xFFFFFFF0] =	vst v3;
	v6 =	vmul.f32 v10, v2;
	v3 =	vld [tilespmem:s26+$0x60]  }
0xbb: {  	s20 =	simm.s32 $0x7;
	v7 =	vmov s16;
	[tilespmem:s26+$0x0] =	vst v5;
	v9 =	vmul.f32 v8, v2;
	v8 =	vld [tilespmem:s26+$0x80]  }
0xbc: {  	s4 =	simm.s32 $0x500;
	s13 =	simm.s32 $0x5;
	v12 =	vand.u32 $0xFFFFFFFC, v7;
	v7 =	vld [tilespmem:s26+$0x90];
	v5 =	vmov s20;
	v10 =	vmul.f32 v11, v2;
	[tilespmem:s26+$0x10] =	vst v6  }
0xbd: {  	s11 =	simm.s32 $0xA00;
	s16 =	simm.s32 $0x6;
	v11 =	vmul.f32 v13, v2;
	v6 =	vbroadcast v12, $0x0;
	v12 =	vmov s13;
	s13 =	simm.s32 $0x8;
	[tilespmem:s26+$0x20] =	vst v9;
	v9 =	vld [tilespmem:s26+$0xA0]  }
.LBB2_5:
0xbe: {  	p1 =	slt.u32 s13, $0x4C;
	v12 =	vand.u32 $0xFFFFFFFD, v12;
	v13 =	vmov s16;
	[tilespmem:s26+$0x30] =	vst v10;
	v4 =	vmul.f32 v4, v2;
	v10 =	vld [tilespmem:s26+$0xB0]  }
0xbf: {  	v12 =	vbroadcast v12, $0x0;
	v13 =	vand.u32 $0xFFFFFFFE, v13;
	[tilespmem:s26+$0x40] =	vst v11;
	v2 =	vmul.f32 v3, v2;
	v3 =	vld [tilespmem:s26+$0xC0]  }
0xc0: {  	v11 =	vbroadcast v13, $0x0;
	[tilespmem:s26+$0x50] =	vst v4;
	v4 =	vmul.f32 v8, v1;
	v8 =	vld [tilespmem:s26+$0xD0]  }
0xc1: {  	[tilespmem:s26+$0x60] =	vst v2;
	v2 =	vmul.f32 v7, v1;
	v7 =	vld [tilespmem:s26+$0xE0]  }
0xc2: {  	[tilespmem:s26+$0x80] =	vst v4;
	v4 =	vmul.f32 v9, v1;
	v9 =	vld [tilespmem:s26+$0xF0]  }
0xc3: {  	v5 =	vld.idx.msk [tilespmem:v5+s21+$0x0], $0xffff;
	[tilespmem:s26+$0x90] =	vst v2;
	v2 =	vmul.f32 v10, v1  }
0xc4: {  	v6 =	vld.idx.msk [tilespmem:v6+s21+$0x0], $0xffff;
	[tilespmem:s26+$0xA0] =	vst v4;
	v3 =	vmul.f32 v3, v1  }
0xc5: {  	v4 =	vld.idx.msk [tilespmem:v12+s21+$0x0], $0xffff;
	[tilespmem:s26+$0xB0] =	vst v2;
	v8 =	vmul.f32 v8, v1  }
0xc6: {  	s26 =	sadd.s32 $0x200, s26;
	v2 =	vld.idx.msk [tilespmem:v11+s21+$0x0], $0xffff;
	[tilespmem:s11+$0xC0] =	vst v3;
	v3 =	vmul.f32 v7, v1  }
0xc7: {  	v7 =	vld [tilespmem:s26+$0x70];
	[tilespmem:s11+$0xD0] =	vst v8;
	v9 =	vmul.f32 v9, v1  }
0xc8: {  	v8 =	vld [tilespmem:s26+$0xFFFFFF00];
	[tilespmem:s11+$0xE0] =	vst v3  }
0xc9: {  	v1 =	vmov v5;
	v3 =	vld [tilespmem:s26+$0xFFFFFF10];
	[tilespmem:s11+$0xF0] =	vst v9;
	s11 =	smov.u32 s26  }
0xca: {  	v5 =	vld [tilespmem:s26+$0xFFFFFF20]  }
0xcb: {  	v9 =	vld [tilespmem:s26+$0xFFFFFF30]  }
0xcc: {  	v10 =	vld [tilespmem:s26+$0xFFFFFF40];
	v7 =	vmul.f32 v7, v2  }
0xcd: {  	v8 =	vmul.f32 v8, v6;
	v11 =	vld [tilespmem:s26+$0xFFFFFF50]  }
0xce: {  	v3 =	vmul.f32 v3, v6;
	v12 =	vld [tilespmem:s26+$0xFFFFFF60];
	[tilespmem:s26+$0x70] =	vst v7  }
0xcf: {  	[tilespmem:s26+$0xFFFFFF00] =	vst v8;
	v5 =	vmul.f32 v5, v6;
	v7 =	vld [tilespmem:s26+$0xFFFFFF70]  }
0xd0: {  	[tilespmem:s26+$0xFFFFFF10] =	vst v3;
	v3 =	vmul.f32 v9, v6;
	v8 =	vld [tilespmem:s26+$0xFFFFFF80]  }
0xd1: {  	[tilespmem:s26+$0xFFFFFF20] =	vst v5;
	v5 =	vmul.f32 v10, v6;
	v9 =	vld [tilespmem:s26+$0xFFFFFF90]  }
0xd2: {  	[tilespmem:s26+$0xFFFFFF30] =	vst v3;
	v3 =	vmul.f32 v11, v6;
	v10 =	vld [tilespmem:s26+$0xFFFFFFA0]  }
0xd3: {  	[tilespmem:s26+$0xFFFFFF40] =	vst v5;
	v5 =	vmul.f32 v12, v6;
	v11 =	vld [tilespmem:s26+$0xFFFFFFB0]  }
0xd4: {  	[tilespmem:s26+$0xFFFFFF50] =	vst v3;
	v3 =	vmul.f32 v7, v6;
	v6 =	vld [tilespmem:s26+$0xFFFFFFC0]  }
0xd5: {  	[tilespmem:s26+$0xFFFFFF60] =	vst v5;
	v5 =	vmul.f32 v8, v4;
	v7 =	vld [tilespmem:s26+$0xFFFFFFD0]  }
0xd6: {  	[tilespmem:s26+$0xFFFFFF70] =	vst v3;
	v3 =	vmul.f32 v9, v4;
	v8 =	vld [tilespmem:s26+$0xFFFFFFE0]  }
0xd7: {  	[tilespmem:s26+$0xFFFFFF80] =	vst v5;
	v5 =	vmul.f32 v10, v4;
	v9 =	vld [tilespmem:s26+$0xFFFFFFF0]  }
0xd8: {  	[tilespmem:s26+$0xFFFFFF90] =	vst v3;
	v3 =	vmul.f32 v11, v4;
	v10 =	vld [tilespmem:s26+$0x0]  }
0xd9: {  	[tilespmem:s26+$0xFFFFFFA0] =	vst v5;
	v5 =	vmul.f32 v6, v4;
	v6 =	vld [tilespmem:s26+$0x10]  }
0xda: {  	[tilespmem:s26+$0xFFFFFFB0] =	vst v3;
	v3 =	vmul.f32 v7, v4;
	v7 =	vld [tilespmem:s26+$0x20]  }
0xdb: {  	[tilespmem:s26+$0xFFFFFFC0] =	vst v5;
	v5 =	vmul.f32 v8, v4;
	v11 =	vld [tilespmem:s26+$0x30]  }
0xdc: {  	[tilespmem:s26+$0xFFFFFFD0] =	vst v3;
	v3 =	vmul.f32 v9, v4;
	v9 =	vld [tilespmem:s26+$0x40]  }
.Ltmp1:
0xdd: {  	[tilespmem:s26+$0xFFFFFFE0] =	vst v5;
	v5 =	vmul.f32 v10, v2;
	v4 =	vld [tilespmem:s26+$0x50];
	(pc) =	sbr.rel @p1 .LBB2_5-.Ltmp1, $4  }
0xde: {  	[tilespmem:s26+$0xFFFFFFF0] =	vst v3;
	v6 =	vmul.f32 v6, v2;
	v3 =	vld [tilespmem:s26+$0x60]  }
0xdf: {  	s16 =	sadd.s32 $0x3, s13;
	v10 =	vmov s13;
	[tilespmem:s26+$0x0] =	vst v5;
	v13 =	vmul.f32 v7, v2;
	v8 =	vld [tilespmem:s26+$0x80]  }
0xe0: {  	s20 =	sadd.s32 $0x1, s13;
	v12 =	vand.u32 $0xFFFFFFFC, v10;
	v5 =	vmov s16;
	[tilespmem:s26+$0x10] =	vst v6;
	v10 =	vmul.f32 v11, v2;
	v7 =	vld [tilespmem:s26+$0x90]  }
0xe1: {  	s16 =	sadd.s32 $0x2, s13;
	s13 =	sadd.s32 $0x4, s13;
	v6 =	vbroadcast v12, $0x0;
	v12 =	vmov s20;
	[tilespmem:s26+$0x20] =	vst v13;
	v11 =	vmul.f32 v9, v2;
	v9 =	vld [tilespmem:s26+$0xA0]  }
0xe2: {  	v13 =	vld [tilespmem:s26+$0xB0]  }
0xe3: {  	v15 =	vld [tilespmem:s26+$0xC0]  }
0xe4: {  	v14 =	vmov s16;
	v16 =	vld [tilespmem:s26+$0xD0]  }
0xe5: {  	v17 =	vld [tilespmem:s26+$0xE0];
	[tilespmem:s26+$0x30] =	vst v10;
	v4 =	vmul.f32 v4, v2;
	v14 =	vand.u32 $0xFFFFFFFE, v14  }
0xe6: {  	v12 =	vand.u32 $0xFFFFFFFD, v12;
	v5 =	vld.idx.msk [tilespmem:v5+s21+$0x0], $0xffff;
	[tilespmem:s26+$0x40] =	vst v11;
	v2 =	vmul.f32 v3, v2;
	v14 =	vbroadcast v14, $0x0  }
0xe7: {  	s13 =	sadd.s32 $0x200, s26;
	v12 =	vbroadcast v12, $0x0;
	v3 =	vld.idx.msk [tilespmem:v6+s21+$0x0], $0xffff;
	v8 =	vmul.f32 v8, v1;
	[tilespmem:s26+$0x50] =	vst v4  }
0xe8: {  	v10 =	vld [tilespmem:s13+$0xFFFFFF00];
	v4 =	vmul.f32 v7, v1;
	[tilespmem:s26+$0x60] =	vst v2  }
0xe9: {  	[tilespmem:s26+$0x80] =	vst v8;
	v8 =	vld [tilespmem:s26+$0xF0];
	v2 =	vmul.f32 v9, v1  }
0xea: {  	v11 =	vld [tilespmem:s13+$0xFFFFFF10];
	[tilespmem:s26+$0x90] =	vst v4;
	v4 =	vmul.f32 v13, v1  }
0xeb: {  	v9 =	vld [tilespmem:s13+$0x70];
	[tilespmem:s26+$0xA0] =	vst v2;
	v2 =	vmul.f32 v15, v1  }
0xec: {  	[tilespmem:s26+$0xB0] =	vst v4;
	v4 =	vmul.f32 v16, v1;
	v7 =	vld.idx.msk [tilespmem:v14+s21+$0x0], $0xffff  }
0xed: {  	v6 =	vld.idx.msk [tilespmem:v12+s21+$0x0], $0xffff;
	[tilespmem:s11+$0xC0] =	vst v2;
	v2 =	vmul.f32 v17, v1  }
0xee: {  	v12 =	vld [tilespmem:s13+$0xFFFFFF20];
	[tilespmem:s11+$0xD0] =	vst v4;
	v1 =	vmul.f32 v8, v1  }
0xef: {  	v4 =	vld [tilespmem:s13+$0xFFFFFF30];
	[tilespmem:s11+$0xE0] =	vst v2  }
0xf0: {  	v2 =	vld [tilespmem:s13+$0xFFFFFF40];
	[tilespmem:s11+$0xF0] =	vst v1;
	v1 =	vmul.f32 v10, v3  }
0xf1: {  	v8 =	vmul.f32 v9, v7;
	v9 =	vld [tilespmem:s13+$0xFFFFFF50]  }
0xf2: {  	v10 =	vmul.f32 v11, v3;
	v11 =	vld [tilespmem:s13+$0xFFFFFF60];
	[tilespmem:s13+$0xFFFFFF00] =	vst v1  }
0xf3: {  	v1 =	vmul.f32 v12, v3;
	[tilespmem:s13+$0x70] =	vst v8;
	v8 =	vld [tilespmem:s13+$0xFFFFFF70]  }
0xf4: {  	[tilespmem:s13+$0xFFFFFF10] =	vst v10;
	v10 =	vld [tilespmem:s13+$0xFFFFFF80];
	v4 =	vmul.f32 v4, v3  }
0xf5: {  	[tilespmem:s13+$0xFFFFFF20] =	vst v1;
	v1 =	vmul.f32 v2, v3;
	v2 =	vld [tilespmem:s13+$0xFFFFFF90]  }
0xf6: {  	[tilespmem:s13+$0xFFFFFF30] =	vst v4;
	v4 =	vmul.f32 v9, v3;
	v9 =	vld [tilespmem:s13+$0xFFFFFFA0]  }
0xf7: {  	[tilespmem:s13+$0xFFFFFF40] =	vst v1;
	v1 =	vmul.f32 v11, v3;
	v11 =	vld [tilespmem:s13+$0xFFFFFFB0]  }
0xf8: {  	[tilespmem:s13+$0xFFFFFF50] =	vst v4;
	v3 =	vmul.f32 v8, v3;
	v4 =	vld [tilespmem:s13+$0xFFFFFFC0]  }
0xf9: {  	[tilespmem:s13+$0xFFFFFF60] =	vst v1;
	v1 =	vmul.f32 v10, v6;
	v8 =	vld [tilespmem:s13+$0xFFFFFFD0]  }
0xfa: {  	v2 =	vmul.f32 v2, v6;
	[tilespmem:s13+$0xFFFFFF70] =	vst v3;
	v3 =	vld [tilespmem:s13+$0xFFFFFFE0]  }
0xfb: {  	[tilespmem:s13+$0xFFFFFF80] =	vst v1;
	v1 =	vmul.f32 v9, v6;
	v9 =	vld [tilespmem:s13+$0xFFFFFFF0]  }
0xfc: {  	v10 =	vld [tilespmem:s13+$0x0];
	[tilespmem:s13+$0xFFFFFF90] =	vst v2;
	v2 =	vmul.f32 v11, v6  }
0xfd: {  	[tilespmem:s13+$0xFFFFFFA0] =	vst v1;
	v1 =	vmul.f32 v4, v6;
	v4 =	vld [tilespmem:s13+$0x10]  }
0xfe: {  	[tilespmem:s13+$0xFFFFFFB0] =	vst v2;
	v2 =	vmul.f32 v8, v6;
	v8 =	vld [tilespmem:s13+$0x20]  }
0xff: {  	[tilespmem:s13+$0xFFFFFFC0] =	vst v1;
	v1 =	vmul.f32 v3, v6;
	v3 =	vld [tilespmem:s13+$0x30]  }
0x100: {  	[tilespmem:s13+$0xFFFFFFD0] =	vst v2;
	v2 =	vmul.f32 v9, v6;
	v6 =	vld [tilespmem:s13+$0x40]  }
0x101: {  	v9 =	vld [tilespmem:s13+$0x50];
	[tilespmem:s13+$0xFFFFFFE0] =	vst v1;
	v1 =	vmul.f32 v10, v7  }
0x102: {  	[tilespmem:s13+$0xFFFFFFF0] =	vst v2;
	v2 =	vmul.f32 v4, v7;
	v4 =	vld [tilespmem:s13+$0x60]  }
0x103: {  	[tilespmem:s13+$0x0] =	vst v1;
	v1 =	vmul.f32 v8, v7;
	v8 =	vld [tilespmem:s13+$0x80]  }
0x104: {  	[tilespmem:s13+$0x10] =	vst v2;
	v2 =	vmul.f32 v3, v7;
	v3 =	vld [tilespmem:s13+$0x90]  }
0x105: {  	[tilespmem:s13+$0x20] =	vst v1;
	v1 =	vmul.f32 v6, v7;
	v6 =	vld [tilespmem:s13+$0xA0]  }
0x106: {  	[tilespmem:s13+$0x30] =	vst v2;
	v2 =	vmul.f32 v9, v7;
	v9 =	vld [tilespmem:s13+$0xB0]  }
0x107: {  	[tilespmem:s13+$0x40] =	vst v1;
	v1 =	vmul.f32 v4, v7;
	v4 =	vld [tilespmem:s13+$0xC0]  }
0x108: {  	v7 =	vld [tilespmem:s13+$0xD0];
	[tilespmem:s13+$0x50] =	vst v2;
	v2 =	vmul.f32 v8, v5  }
0x109: {  	[tilespmem:s13+$0x60] =	vst v1;
	v1 =	vmul.f32 v3, v5;
	v3 =	vld [tilespmem:s13+$0xE0]  }
0x10a: {  	[tilespmem:s13+$0x80] =	vst v2;
	v2 =	vmul.f32 v6, v5;
	v6 =	vld [tilespmem:s13+$0xF0]  }
0x10b: {  	[tilespmem:s13+$0x90] =	vst v1;
	v1 =	vmul.f32 v9, v5  }
0x10c: {  	[tilespmem:s13+$0xA0] =	vst v2;
	v2 =	vmul.f32 v4, v5  }
0x10d: {  	[tilespmem:s13+$0xB0] =	vst v1;
	v1 =	vmul.f32 v7, v5  }
0x10e: {  	[tilespmem:s13+$0xC0] =	vst v2;
	v2 =	vmul.f32 v3, v5  }
0x10f: {  	[tilespmem:s13+$0xD0] =	vst v1;
	v1 =	vmul.f32 v6, v5  }
0x110: {  	[tilespmem:s13+$0xE0] =	vst v2  }
0x111: {  	s26 =	simm.s32 $0x7;
	[tilespmem:s13+$0xF0] =	vst v1  }
0x112: {  	_ =	swait.ge [sflag:s26], $0x50  }
0x113: {  	p1 =	seq.s32 s25, $0x0;
	[sflag:s26] =	ssyncset.done $0x0  }
0x114: {  	s11 =	simm.s32 @!p1 $0x18;
	[sflag:s26] =	ssyncadd.s32 $0xFFFFFFB0  }
0x115: {  	[spmem:s5] =	stream.indirect.scatter.add.f32 [tilespmem:s18], [sflag:$0x16], $0x80, s31, s17, $0xb8;
	[tilespmem:$0x1B980] =	vst v63  }
0x116: {  	s13 =	smul.u32 @!p1 $0x1E0, s25;
	_ =	swait.ge @!p1 [sflag:s11], $0x2800  }
0x117: {  	s16 =	rddreg [dreg:$0x12]  }
0x118: {  	[sflag:s11] =	ssyncset.done @!p1 $0x0;
	s13 =	sadd.s32 @!p1 s13, s16  }
0x119: {  	[sflag:s11] =	ssyncadd.s32 @!p1 $0xFFFFD800;
	s11 =	sshrl.u32 @!p1 s13, $0x3  }
0x11a: {  	s20 =	simm.s32 @!p1 $0x280;
	s16 =	simm.s32 @!p1 $0x0;
	s13 =	sadd.s32 @!p1 s7, s11  }
0x11b: {  	[tilespmem:s20], [sflag:$0x6] =	stream.linear.gather @!p1 [hbm4b:s13+s16], $0x50, $0x38;
	[tilespmem:$0x1B980] =	vst v63  }
0x11c: {  	s13 =	sadd.s32 @!p1 s2, s11;
	s20 =	simm.s32 @!p1 $0x580  }
0x11d: {  	[tilespmem:s20], [sflag:$0xC] =	stream.linear.gather @!p1 [hbm4b:s13+s16], $0x50, $0x38;
	[tilespmem:$0x1B980] =	vst v63  }
0x11e: {  	s11 =	sadd.s32 @!p1 s3, s11;
	s13 =	simm.s32 @!p1 $0x880  }
0x11f: {  	[tilespmem:s13], [sflag:$0x12] =	stream.linear.gather @!p1 [hbm4b:s11+s16], $0x50, $0x38;
	[tilespmem:$0x1B980] =	vst v63  }
0x120: {  	s11 =	simm.s32 $0x3  }
0x121: {  	_ =	swait.ge [sflag:s11], $0x50  }
0x122: {  	s16 =	simm.s32 $0x0;
	[sflag:s11] =	ssyncset.done $0x0  }
0x123: {  	s26 =	simm.s32 $0x100;
	s20 =	simm.s32 $0x2;
	v1 =	vmov s16;
	[sflag:s11] =	ssyncadd.s32 $0xFFFFFFB0  }
0x124: {  	v2 =	vmov s20;
	v1 =	vand.u32 $0xFFFFFFFC, v1;
	[tilespmem:s19], [sflag:$0x15] =	stream.indirect.gather [hbm4b:s0+s17], $0x80, s26, s17, $0xb8;
	[tilespmem:$0x1B980] =	vst v63  }
0x125: {  	v2 =	vand.u32 $0xFFFFFFFE, v2;
	v1 =	vbroadcast v1, $0x0;
	_ =	swait.ge [sflag:s22], $0x2800  }
0x126: {  	v2 =	vbroadcast v2, $0x0;
	[sflag:s22] =	ssyncset.done $0x0  }
0x127: {  	s13 =	simm.s32 $0xE;
	[sflag:s22] =	ssyncadd.s32 $0xFFFFD800  }
0x128: {  	_ =	swait.ge [sflag:s13], $0x50  }
0x129: {  	[sflag:s13] =	ssyncset.done $0x0  }
0x12a: {  	[sflag:s13] =	ssyncadd.s32 $0xFFFFFFB0  }
0x12b: {  	v1 =	vld.idx.msk [tilespmem:v1+s24+$0x0], $0xffff  }
0x12c: {  	s16 =	simm.s32 $0x1;
	s26 =	simm.s32 $0x3200;
	v2 =	vld.idx.msk [tilespmem:v2+s24+$0x0], $0xffff  }
0x12d: {  	v3 =	vmov s16;
	v4 =	vld [tilespmem:s26+$0x70]  }
0x12e: {  	v3 =	vand.u32 $0xFFFFFFFD, v3;
	v5 =	vld [tilespmem:s26+$0xFFFFFF00]  }
0x12f: {  	v3 =	vbroadcast v3, $0x0;
	v6 =	vld [tilespmem:s26+$0xFFFFFF10]  }
0x130: {  	v7 =	vld [tilespmem:s26+$0xFFFFFF20]  }
0x131: {  	v8 =	vld [tilespmem:s26+$0xFFFFFF30]  }
0x132: {  	v9 =	vld [tilespmem:s26+$0xFFFFFF40]  }
0x133: {  	v10 =	vld [tilespmem:s26+$0xFFFFFF50]  }
0x134: {  	v11 =	vld [tilespmem:s26+$0xFFFFFF60];
	v5 =	vmul.f32 v5, v1  }
0x135: {  	v3 =	vld.idx.msk [tilespmem:v3+s24+$0x0], $0xffff;
	v4 =	vmul.f32 v4, v2  }
0x136: {  	v13 =	vld [tilespmem:s26+$0x40];
	[tilespmem:s26+$0xFFFFFF00] =	vst v5;
	v5 =	vmul.f32 v6, v1  }
0x137: {  	v6 =	vld [tilespmem:s26+$0xFFFFFF70];
	[tilespmem:s26+$0x70] =	vst v4;
	v4 =	vmul.f32 v7, v1  }
0x138: {  	v7 =	vld [tilespmem:s26+$0xFFFFFF80];
	[tilespmem:s26+$0xFFFFFF10] =	vst v5;
	v5 =	vmul.f32 v8, v1  }
0x139: {  	v8 =	vld [tilespmem:s26+$0xFFFFFF90];
	[tilespmem:s26+$0xFFFFFF20] =	vst v4;
	v4 =	vmul.f32 v9, v1  }
0x13a: {  	v9 =	vld [tilespmem:s26+$0xFFFFFFA0];
	[tilespmem:s26+$0xFFFFFF30] =	vst v5;
	v5 =	vmul.f32 v10, v1  }
0x13b: {  	v10 =	vld [tilespmem:s26+$0xFFFFFFB0];
	[tilespmem:s26+$0xFFFFFF40] =	vst v4;
	v4 =	vmul.f32 v11, v1  }
0x13c: {  	v11 =	vld [tilespmem:s26+$0xFFFFFFC0];
	v6 =	vmul.f32 v6, v1;
	[tilespmem:s26+$0xFFFFFF50] =	vst v5  }
0x13d: {  	v5 =	vmul.f32 v7, v3;
	v7 =	vld [tilespmem:s26+$0xFFFFFFD0];
	[tilespmem:s26+$0xFFFFFF60] =	vst v4  }
0x13e: {  	s20 =	simm.s32 $0x3;
	v4 =	vld [tilespmem:s26+$0xFFFFFFE0];
	v8 =	vmul.f32 v8, v3;
	[tilespmem:s26+$0xFFFFFF70] =	vst v6  }
0x13f: {  	v12 =	vmov s20;
	v6 =	vld [tilespmem:s26+$0xFFFFFFF0];
	[tilespmem:s26+$0xFFFFFF80] =	vst v5;
	v5 =	vmul.f32 v9, v3  }
0x140: {  	v9 =	vld [tilespmem:s26+$0x0];
	[tilespmem:s26+$0xFFFFFF90] =	vst v8;
	v8 =	vmul.f32 v10, v3  }
0x141: {  	v10 =	vld [tilespmem:s26+$0x10];
	[tilespmem:s26+$0xFFFFFFA0] =	vst v5;
	v5 =	vmul.f32 v11, v3  }
0x142: {  	[tilespmem:s26+$0xFFFFFFB0] =	vst v8;
	v7 =	vmul.f32 v7, v3;
	v8 =	vld [tilespmem:s26+$0x20]  }
0x143: {  	v11 =	vld [tilespmem:s26+$0x30];
	v4 =	vmul.f32 v4, v3;
	[tilespmem:s26+$0xFFFFFFC0] =	vst v5  }
0x144: {  	v1 =	vld.idx.msk [tilespmem:v12+s24+$0x0], $0xffff;
	v3 =	vmul.f32 v6, v3;
	[tilespmem:s26+$0xFFFFFFD0] =	vst v7  }
0x145: {  	[tilespmem:s26+$0xFFFFFFE0] =	vst v4;
	v5 =	vmul.f32 v9, v2;
	v4 =	vld [tilespmem:s26+$0x50]  }
0x146: {  	s13 =	simm.s32 $0x4;
	[tilespmem:s26+$0xFFFFFFF0] =	vst v3;
	v6 =	vmul.f32 v10, v2;
	v3 =	vld [tilespmem:s26+$0x60]  }
0x147: {  	s16 =	simm.s32 $0x7;
	v7 =	vmov s13;
	[tilespmem:s26+$0x0] =	vst v5;
	v9 =	vmul.f32 v8, v2;
	v8 =	vld [tilespmem:s26+$0x80]  }
0x148: {  	s20 =	simm.s32 $0x5;
	v12 =	vand.u32 $0xFFFFFFFC, v7;
	v7 =	vld [tilespmem:s26+$0x90];
	v5 =	vmov s16;
	v10 =	vmul.f32 v11, v2;
	[tilespmem:s26+$0x10] =	vst v6  }
0x149: {  	s11 =	simm.s32 $0x3200;
	s13 =	simm.s32 $0x8;
	s16 =	simm.s32 $0x6;
	v11 =	vmul.f32 v13, v2;
	v6 =	vbroadcast v12, $0x0;
	v12 =	vmov s20;
	[tilespmem:s26+$0x20] =	vst v9;
	v9 =	vld [tilespmem:s26+$0xA0]  }
.LBB2_7:
0x14a: {  	p1 =	slt.u32 s13, $0x4C;
	v12 =	vand.u32 $0xFFFFFFFD, v12;
	v13 =	vmov s16;
	[tilespmem:s26+$0x30] =	vst v10;
	v4 =	vmul.f32 v4, v2;
	v10 =	vld [tilespmem:s26+$0xB0]  }
0x14b: {  	v12 =	vbroadcast v12, $0x0;
	v13 =	vand.u32 $0xFFFFFFFE, v13;
	[tilespmem:s26+$0x40] =	vst v11;
	v2 =	vmul.f32 v3, v2;
	v3 =	vld [tilespmem:s26+$0xC0]  }
0x14c: {  	v11 =	vbroadcast v13, $0x0;
	[tilespmem:s26+$0x50] =	vst v4;
	v4 =	vmul.f32 v8, v1;
	v8 =	vld [tilespmem:s26+$0xD0]  }
0x14d: {  	[tilespmem:s26+$0x60] =	vst v2;
	v2 =	vmul.f32 v7, v1;
	v7 =	vld [tilespmem:s26+$0xE0]  }
0x14e: {  	[tilespmem:s26+$0x80] =	vst v4;
	v4 =	vmul.f32 v9, v1;
	v9 =	vld [tilespmem:s26+$0xF0]  }
0x14f: {  	v5 =	vld.idx.msk [tilespmem:v5+s24+$0x0], $0xffff;
	[tilespmem:s26+$0x90] =	vst v2;
	v2 =	vmul.f32 v10, v1  }
0x150: {  	v6 =	vld.idx.msk [tilespmem:v6+s24+$0x0], $0xffff;
	[tilespmem:s26+$0xA0] =	vst v4;
	v3 =	vmul.f32 v3, v1  }
0x151: {  	v4 =	vld.idx.msk [tilespmem:v12+s24+$0x0], $0xffff;
	[tilespmem:s26+$0xB0] =	vst v2;
	v8 =	vmul.f32 v8, v1  }
0x152: {  	s26 =	sadd.s32 $0x200, s26;
	v2 =	vld.idx.msk [tilespmem:v11+s24+$0x0], $0xffff;
	[tilespmem:s11+$0xC0] =	vst v3;
	v3 =	vmul.f32 v7, v1  }
0x153: {  	v7 =	vld [tilespmem:s26+$0x70];
	[tilespmem:s11+$0xD0] =	vst v8;
	v9 =	vmul.f32 v9, v1  }
0x154: {  	v8 =	vld [tilespmem:s26+$0xFFFFFF00];
	[tilespmem:s11+$0xE0] =	vst v3  }
0x155: {  	v1 =	vmov v5;
	v3 =	vld [tilespmem:s26+$0xFFFFFF10];
	[tilespmem:s11+$0xF0] =	vst v9;
	s11 =	smov.u32 s26  }
0x156: {  	v5 =	vld [tilespmem:s26+$0xFFFFFF20]  }
0x157: {  	v9 =	vld [tilespmem:s26+$0xFFFFFF30]  }
0x158: {  	v10 =	vld [tilespmem:s26+$0xFFFFFF40];
	v7 =	vmul.f32 v7, v2  }
0x159: {  	v8 =	vmul.f32 v8, v6;
	v11 =	vld [tilespmem:s26+$0xFFFFFF50]  }
0x15a: {  	v3 =	vmul.f32 v3, v6;
	v12 =	vld [tilespmem:s26+$0xFFFFFF60];
	[tilespmem:s26+$0x70] =	vst v7  }
0x15b: {  	[tilespmem:s26+$0xFFFFFF00] =	vst v8;
	v5 =	vmul.f32 v5, v6;
	v7 =	vld [tilespmem:s26+$0xFFFFFF70]  }
0x15c: {  	[tilespmem:s26+$0xFFFFFF10] =	vst v3;
	v3 =	vmul.f32 v9, v6;
	v8 =	vld [tilespmem:s26+$0xFFFFFF80]  }
0x15d: {  	[tilespmem:s26+$0xFFFFFF20] =	vst v5;
	v5 =	vmul.f32 v10, v6;
	v9 =	vld [tilespmem:s26+$0xFFFFFF90]  }
0x15e: {  	[tilespmem:s26+$0xFFFFFF30] =	vst v3;
	v3 =	vmul.f32 v11, v6;
	v10 =	vld [tilespmem:s26+$0xFFFFFFA0]  }
0x15f: {  	[tilespmem:s26+$0xFFFFFF40] =	vst v5;
	v5 =	vmul.f32 v12, v6;
	v11 =	vld [tilespmem:s26+$0xFFFFFFB0]  }
0x160: {  	[tilespmem:s26+$0xFFFFFF50] =	vst v3;
	v3 =	vmul.f32 v7, v6;
	v6 =	vld [tilespmem:s26+$0xFFFFFFC0]  }
0x161: {  	[tilespmem:s26+$0xFFFFFF60] =	vst v5;
	v5 =	vmul.f32 v8, v4;
	v7 =	vld [tilespmem:s26+$0xFFFFFFD0]  }
0x162: {  	[tilespmem:s26+$0xFFFFFF70] =	vst v3;
	v3 =	vmul.f32 v9, v4;
	v8 =	vld [tilespmem:s26+$0xFFFFFFE0]  }
0x163: {  	[tilespmem:s26+$0xFFFFFF80] =	vst v5;
	v5 =	vmul.f32 v10, v4;
	v9 =	vld [tilespmem:s26+$0xFFFFFFF0]  }
0x164: {  	[tilespmem:s26+$0xFFFFFF90] =	vst v3;
	v3 =	vmul.f32 v11, v4;
	v10 =	vld [tilespmem:s26+$0x0]  }
0x165: {  	[tilespmem:s26+$0xFFFFFFA0] =	vst v5;
	v5 =	vmul.f32 v6, v4;
	v6 =	vld [tilespmem:s26+$0x10]  }
0x166: {  	[tilespmem:s26+$0xFFFFFFB0] =	vst v3;
	v3 =	vmul.f32 v7, v4;
	v7 =	vld [tilespmem:s26+$0x20]  }
0x167: {  	[tilespmem:s26+$0xFFFFFFC0] =	vst v5;
	v5 =	vmul.f32 v8, v4;
	v11 =	vld [tilespmem:s26+$0x30]  }
0x168: {  	[tilespmem:s26+$0xFFFFFFD0] =	vst v3;
	v3 =	vmul.f32 v9, v4;
	v9 =	vld [tilespmem:s26+$0x40]  }
.Ltmp2:
0x169: {  	[tilespmem:s26+$0xFFFFFFE0] =	vst v5;
	v5 =	vmul.f32 v10, v2;
	v4 =	vld [tilespmem:s26+$0x50];
	(pc) =	sbr.rel @p1 .LBB2_7-.Ltmp2, $4  }
0x16a: {  	[tilespmem:s26+$0xFFFFFFF0] =	vst v3;
	v6 =	vmul.f32 v6, v2;
	v3 =	vld [tilespmem:s26+$0x60]  }
0x16b: {  	s16 =	sadd.s32 $0x3, s13;
	v10 =	vmov s13;
	[tilespmem:s26+$0x0] =	vst v5;
	v13 =	vmul.f32 v7, v2;
	v8 =	vld [tilespmem:s26+$0x80]  }
0x16c: {  	s20 =	sadd.s32 $0x1, s13;
	v12 =	vand.u32 $0xFFFFFFFC, v10;
	v5 =	vmov s16;
	[tilespmem:s26+$0x10] =	vst v6;
	v10 =	vmul.f32 v11, v2;
	v7 =	vld [tilespmem:s26+$0x90]  }
0x16d: {  	s16 =	sadd.s32 $0x2, s13;
	s13 =	sadd.s32 $0x4, s13;
	v6 =	vbroadcast v12, $0x0;
	v12 =	vmov s20;
	[tilespmem:s26+$0x20] =	vst v13;
	v11 =	vmul.f32 v9, v2;
	v9 =	vld [tilespmem:s26+$0xA0]  }
0x16e: {  	v13 =	vld [tilespmem:s26+$0xB0]  }
0x16f: {  	v15 =	vld [tilespmem:s26+$0xC0]  }
0x170: {  	v14 =	vmov s16;
	v16 =	vld [tilespmem:s26+$0xD0]  }
0x171: {  	v17 =	vld [tilespmem:s26+$0xE0];
	[tilespmem:s26+$0x30] =	vst v10;
	v4 =	vmul.f32 v4, v2;
	v14 =	vand.u32 $0xFFFFFFFE, v14  }
0x172: {  	v12 =	vand.u32 $0xFFFFFFFD, v12;
	v5 =	vld.idx.msk [tilespmem:v5+s24+$0x0], $0xffff;
	[tilespmem:s26+$0x40] =	vst v11;
	v2 =	vmul.f32 v3, v2;
	v14 =	vbroadcast v14, $0x0  }
0x173: {  	s13 =	sadd.s32 $0x200, s26;
	v12 =	vbroadcast v12, $0x0;
	v3 =	vld.idx.msk [tilespmem:v6+s24+$0x0], $0xffff;
	v8 =	vmul.f32 v8, v1;
	[tilespmem:s26+$0x50] =	vst v4  }
0x174: {  	v10 =	vld [tilespmem:s13+$0xFFFFFF00];
	v4 =	vmul.f32 v7, v1;
	[tilespmem:s26+$0x60] =	vst v2  }
0x175: {  	[tilespmem:s26+$0x80] =	vst v8;
	v8 =	vld [tilespmem:s26+$0xF0];
	v2 =	vmul.f32 v9, v1  }
0x176: {  	v11 =	vld [tilespmem:s13+$0xFFFFFF10];
	[tilespmem:s26+$0x90] =	vst v4;
	v4 =	vmul.f32 v13, v1  }
0x177: {  	v9 =	vld [tilespmem:s13+$0x70];
	[tilespmem:s26+$0xA0] =	vst v2;
	v2 =	vmul.f32 v15, v1  }
0x178: {  	[tilespmem:s26+$0xB0] =	vst v4;
	v4 =	vmul.f32 v16, v1;
	v7 =	vld.idx.msk [tilespmem:v14+s24+$0x0], $0xffff  }
0x179: {  	v6 =	vld.idx.msk [tilespmem:v12+s24+$0x0], $0xffff;
	[tilespmem:s11+$0xC0] =	vst v2;
	v2 =	vmul.f32 v17, v1  }
0x17a: {  	v12 =	vld [tilespmem:s13+$0xFFFFFF20];
	[tilespmem:s11+$0xD0] =	vst v4;
	v1 =	vmul.f32 v8, v1  }
0x17b: {  	v4 =	vld [tilespmem:s13+$0xFFFFFF30];
	[tilespmem:s11+$0xE0] =	vst v2  }
0x17c: {  	v2 =	vld [tilespmem:s13+$0xFFFFFF40];
	[tilespmem:s11+$0xF0] =	vst v1;
	v1 =	vmul.f32 v10, v3  }
0x17d: {  	v8 =	vmul.f32 v9, v7;
	v9 =	vld [tilespmem:s13+$0xFFFFFF50]  }
0x17e: {  	v10 =	vmul.f32 v11, v3;
	v11 =	vld [tilespmem:s13+$0xFFFFFF60];
	[tilespmem:s13+$0xFFFFFF00] =	vst v1  }
0x17f: {  	v1 =	vmul.f32 v12, v3;
	[tilespmem:s13+$0x70] =	vst v8;
	v8 =	vld [tilespmem:s13+$0xFFFFFF70]  }
0x180: {  	[tilespmem:s13+$0xFFFFFF10] =	vst v10;
	v10 =	vld [tilespmem:s13+$0xFFFFFF80];
	v4 =	vmul.f32 v4, v3  }
0x181: {  	[tilespmem:s13+$0xFFFFFF20] =	vst v1;
	v1 =	vmul.f32 v2, v3;
	v2 =	vld [tilespmem:s13+$0xFFFFFF90]  }
0x182: {  	[tilespmem:s13+$0xFFFFFF30] =	vst v4;
	v4 =	vmul.f32 v9, v3;
	v9 =	vld [tilespmem:s13+$0xFFFFFFA0]  }
0x183: {  	[tilespmem:s13+$0xFFFFFF40] =	vst v1;
	v1 =	vmul.f32 v11, v3;
	v11 =	vld [tilespmem:s13+$0xFFFFFFB0]  }
0x184: {  	[tilespmem:s13+$0xFFFFFF50] =	vst v4;
	v3 =	vmul.f32 v8, v3;
	v4 =	vld [tilespmem:s13+$0xFFFFFFC0]  }
0x185: {  	[tilespmem:s13+$0xFFFFFF60] =	vst v1;
	v1 =	vmul.f32 v10, v6;
	v8 =	vld [tilespmem:s13+$0xFFFFFFD0]  }
0x186: {  	v2 =	vmul.f32 v2, v6;
	[tilespmem:s13+$0xFFFFFF70] =	vst v3;
	v3 =	vld [tilespmem:s13+$0xFFFFFFE0]  }
0x187: {  	[tilespmem:s13+$0xFFFFFF80] =	vst v1;
	v1 =	vmul.f32 v9, v6;
	v9 =	vld [tilespmem:s13+$0xFFFFFFF0]  }
0x188: {  	v10 =	vld [tilespmem:s13+$0x0];
	[tilespmem:s13+$0xFFFFFF90] =	vst v2;
	v2 =	vmul.f32 v11, v6  }
0x189: {  	[tilespmem:s13+$0xFFFFFFA0] =	vst v1;
	v1 =	vmul.f32 v4, v6;
	v4 =	vld [tilespmem:s13+$0x10]  }
0x18a: {  	[tilespmem:s13+$0xFFFFFFB0] =	vst v2;
	v2 =	vmul.f32 v8, v6;
	v8 =	vld [tilespmem:s13+$0x20]  }
0x18b: {  	[tilespmem:s13+$0xFFFFFFC0] =	vst v1;
	v1 =	vmul.f32 v3, v6;
	v3 =	vld [tilespmem:s13+$0x30]  }
0x18c: {  	[tilespmem:s13+$0xFFFFFFD0] =	vst v2;
	v2 =	vmul.f32 v9, v6;
	v6 =	vld [tilespmem:s13+$0x40]  }
0x18d: {  	v9 =	vld [tilespmem:s13+$0x50];
	[tilespmem:s13+$0xFFFFFFE0] =	vst v1;
	v1 =	vmul.f32 v10, v7  }
0x18e: {  	[tilespmem:s13+$0xFFFFFFF0] =	vst v2;
	v2 =	vmul.f32 v4, v7;
	v4 =	vld [tilespmem:s13+$0x60]  }
0x18f: {  	[tilespmem:s13+$0x0] =	vst v1;
	v1 =	vmul.f32 v8, v7;
	v8 =	vld [tilespmem:s13+$0x80]  }
0x190: {  	[tilespmem:s13+$0x10] =	vst v2;
	v2 =	vmul.f32 v3, v7;
	v3 =	vld [tilespmem:s13+$0x90]  }
0x191: {  	[tilespmem:s13+$0x20] =	vst v1;
	v1 =	vmul.f32 v6, v7;
	v6 =	vld [tilespmem:s13+$0xA0]  }
0x192: {  	[tilespmem:s13+$0x30] =	vst v2;
	v2 =	vmul.f32 v9, v7;
	v9 =	vld [tilespmem:s13+$0xB0]  }
0x193: {  	[tilespmem:s13+$0x40] =	vst v1;
	v1 =	vmul.f32 v4, v7;
	v4 =	vld [tilespmem:s13+$0xC0]  }
0x194: {  	v7 =	vld [tilespmem:s13+$0xD0];
	[tilespmem:s13+$0x50] =	vst v2;
	v2 =	vmul.f32 v8, v5  }
0x195: {  	[tilespmem:s13+$0x60] =	vst v1;
	v1 =	vmul.f32 v3, v5;
	v3 =	vld [tilespmem:s13+$0xE0]  }
0x196: {  	[tilespmem:s13+$0x80] =	vst v2;
	v2 =	vmul.f32 v6, v5;
	v6 =	vld [tilespmem:s13+$0xF0]  }
0x197: {  	[tilespmem:s13+$0x90] =	vst v1;
	v1 =	vmul.f32 v9, v5  }
0x198: {  	[tilespmem:s13+$0xA0] =	vst v2;
	v2 =	vmul.f32 v4, v5  }
0x199: {  	[tilespmem:s13+$0xB0] =	vst v1;
	v1 =	vmul.f32 v7, v5  }
0x19a: {  	[tilespmem:s13+$0xC0] =	vst v2;
	v2 =	vmul.f32 v3, v5  }
0x19b: {  	[tilespmem:s13+$0xD0] =	vst v1;
	v1 =	vmul.f32 v6, v5  }
0x19c: {  	[tilespmem:s13+$0xE0] =	vst v2  }
0x19d: {  	s26 =	simm.s32 $0x8;
	[tilespmem:s13+$0xF0] =	vst v1  }
0x19e: {  	_ =	swait.ge [sflag:s26], $0x50  }
0x19f: {  	[sflag:s26] =	ssyncset.done $0x0  }
0x1a0: {  	s13 =	simm.s32 $0x380;
	[sflag:s26] =	ssyncadd.s32 $0xFFFFFFB0  }
0x1a1: {  	[spmem:s5] =	stream.indirect.scatter.add.f32 [tilespmem:s29], [sflag:$0x17], $0x80, s13, s17, $0xb8;
	[tilespmem:$0x1B980] =	vst v63  }
0x1a2: {  	s26 =	smul.u32 $0x1E0, s25;
	_ =	swait.ge [sflag:s28], $0x2800  }
0x1a3: {  	s16 =	rddreg [dreg:$0x1a]  }
0x1a4: {  	s11 =	sadd.s32 s26, s16  }
0x1a5: {  	[sflag:s28] =	ssyncset.done $0x0;
	s11 =	sshrl.u32 s11, $0x3  }
0x1a6: {  	[sflag:s28] =	ssyncadd.s32 $0xFFFFD800;
	s16 =	simm.s32 $0x0;
	s20 =	sadd.s32 s7, s11  }
0x1a7: {  	[tilespmem:s16], [sflag:$0x1] =	stream.linear.gather [hbm4b:s20+s16], $0x50, $0x38;
	[tilespmem:$0x1B980] =	vst v63  }
0x1a8: {  	s20 =	sadd.s32 s2, s11  }
0x1a9: {  	[tilespmem:s31], [sflag:$0x7] =	stream.linear.gather [hbm4b:s20+s16], $0x50, $0x38;
	[tilespmem:$0x1B980] =	vst v63  }
0x1aa: {  	s13 =	simm.s32 $0x4;
	s11 =	sadd.s32 s3, s11  }
0x1ab: {  	[tilespmem:s21], [sflag:$0xD] =	stream.linear.gather [hbm4b:s11+s16], $0x50, $0x38;
	[tilespmem:$0x1B980] =	vst v63  }
0x1ac: {  	_ =	swait.ge [sflag:s13], $0x50  }
0x1ad: {  	[sflag:s13] =	ssyncset.done $0x0  }
0x1ae: {  	v1 =	vmov s16;
	s20 =	simm.s32 $0x2;
	s31 =	simm.s32 $0x180;
	[sflag:s13] =	ssyncadd.s32 $0xFFFFFFB0  }
0x1af: {  	v1 =	vand.u32 $0xFFFFFFFC, v1;
	v2 =	vmov s20;
	[tilespmem:s18], [sflag:$0x13] =	stream.indirect.gather [hbm4b:s0+s17], $0x80, s31, s17, $0xb8;
	[tilespmem:$0x1B980] =	vst v63  }
0x1b0: {  	v1 =	vbroadcast v1, $0x0;
	v2 =	vand.u32 $0xFFFFFFFE, v2;
	_ =	swait.ge [sflag:s10], $0x2800  }
0x1b1: {  	v2 =	vbroadcast v2, $0x0;
	[sflag:s10] =	ssyncset.done $0x0  }
0x1b2: {  	s16 =	simm.s32 $0xF;
	[sflag:s10] =	ssyncadd.s32 $0xFFFFD800  }
0x1b3: {  	_ =	swait.ge [sflag:s16], $0x50  }
0x1b4: {  	[sflag:s16] =	ssyncset.done $0x0  }
0x1b5: {  	[sflag:s16] =	ssyncadd.s32 $0xFFFFFFB0  }
0x1b6: {  	v1 =	vld.idx.msk [tilespmem:v1+s9+$0x0], $0xffff  }
0x1b7: {  	s20 =	simm.s32 $0x1;
	s11 =	simm.s32 $0x5A00;
	v2 =	vld.idx.msk [tilespmem:v2+s9+$0x0], $0xffff  }
0x1b8: {  	v3 =	vmov s20;
	v4 =	vld [tilespmem:s11+$0x70]  }
0x1b9: {  	v3 =	vand.u32 $0xFFFFFFFD, v3;
	v5 =	vld [tilespmem:s11+$0xFFFFFF00]  }
0x1ba: {  	v3 =	vbroadcast v3, $0x0;
	v6 =	vld [tilespmem:s11+$0xFFFFFF10]  }
0x1bb: {  	v7 =	vld [tilespmem:s11+$0xFFFFFF20]  }
0x1bc: {  	v8 =	vld [tilespmem:s11+$0xFFFFFF30]  }
0x1bd: {  	v9 =	vld [tilespmem:s11+$0xFFFFFF40]  }
0x1be: {  	v10 =	vld [tilespmem:s11+$0xFFFFFF50]  }
0x1bf: {  	v11 =	vld [tilespmem:s11+$0xFFFFFF60];
	v5 =	vmul.f32 v5, v1  }
0x1c0: {  	v3 =	vld.idx.msk [tilespmem:v3+s9+$0x0], $0xffff;
	v4 =	vmul.f32 v4, v2  }
0x1c1: {  	v13 =	vld [tilespmem:s11+$0x40];
	[tilespmem:s11+$0xFFFFFF00] =	vst v5;
	v5 =	vmul.f32 v6, v1  }
0x1c2: {  	v6 =	vld [tilespmem:s11+$0xFFFFFF70];
	[tilespmem:s11+$0x70] =	vst v4;
	v4 =	vmul.f32 v7, v1  }
0x1c3: {  	v7 =	vld [tilespmem:s11+$0xFFFFFF80];
	[tilespmem:s11+$0xFFFFFF10] =	vst v5;
	v5 =	vmul.f32 v8, v1  }
0x1c4: {  	v8 =	vld [tilespmem:s11+$0xFFFFFF90];
	[tilespmem:s11+$0xFFFFFF20] =	vst v4;
	v4 =	vmul.f32 v9, v1  }
0x1c5: {  	v9 =	vld [tilespmem:s11+$0xFFFFFFA0];
	[tilespmem:s11+$0xFFFFFF30] =	vst v5;
	v5 =	vmul.f32 v10, v1  }
0x1c6: {  	v10 =	vld [tilespmem:s11+$0xFFFFFFB0];
	[tilespmem:s11+$0xFFFFFF40] =	vst v4;
	v4 =	vmul.f32 v11, v1  }
0x1c7: {  	v11 =	vld [tilespmem:s11+$0xFFFFFFC0];
	v6 =	vmul.f32 v6, v1;
	[tilespmem:s11+$0xFFFFFF50] =	vst v5  }
0x1c8: {  	v5 =	vmul.f32 v7, v3;
	v7 =	vld [tilespmem:s11+$0xFFFFFFD0];
	[tilespmem:s11+$0xFFFFFF60] =	vst v4  }
0x1c9: {  	s31 =	simm.s32 $0x3;
	v4 =	vld [tilespmem:s11+$0xFFFFFFE0];
	v8 =	vmul.f32 v8, v3;
	[tilespmem:s11+$0xFFFFFF70] =	vst v6  }
0x1ca: {  	v12 =	vmov s31;
	v6 =	vld [tilespmem:s11+$0xFFFFFFF0];
	[tilespmem:s11+$0xFFFFFF80] =	vst v5;
	v5 =	vmul.f32 v9, v3  }
0x1cb: {  	v9 =	vld [tilespmem:s11+$0x0];
	[tilespmem:s11+$0xFFFFFF90] =	vst v8;
	v8 =	vmul.f32 v10, v3  }
0x1cc: {  	v10 =	vld [tilespmem:s11+$0x10];
	[tilespmem:s11+$0xFFFFFFA0] =	vst v5;
	v5 =	vmul.f32 v11, v3  }
0x1cd: {  	[tilespmem:s11+$0xFFFFFFB0] =	vst v8;
	v7 =	vmul.f32 v7, v3;
	v8 =	vld [tilespmem:s11+$0x20]  }
0x1ce: {  	v11 =	vld [tilespmem:s11+$0x30];
	v4 =	vmul.f32 v4, v3;
	[tilespmem:s11+$0xFFFFFFC0] =	vst v5  }
0x1cf: {  	v1 =	vld.idx.msk [tilespmem:v12+s9+$0x0], $0xffff;
	v3 =	vmul.f32 v6, v3;
	[tilespmem:s11+$0xFFFFFFD0] =	vst v7  }
0x1d0: {  	[tilespmem:s11+$0xFFFFFFE0] =	vst v4;
	v5 =	vmul.f32 v9, v2;
	v4 =	vld [tilespmem:s11+$0x50]  }
0x1d1: {  	s16 =	simm.s32 $0x4;
	[tilespmem:s11+$0xFFFFFFF0] =	vst v3;
	v6 =	vmul.f32 v10, v2;
	v3 =	vld [tilespmem:s11+$0x60]  }
0x1d2: {  	s20 =	simm.s32 $0x7;
	v7 =	vmov s16;
	[tilespmem:s11+$0x0] =	vst v5;
	v9 =	vmul.f32 v8, v2;
	v8 =	vld [tilespmem:s11+$0x80]  }
0x1d3: {  	s31 =	simm.s32 $0x5;
	v12 =	vand.u32 $0xFFFFFFFC, v7;
	v7 =	vld [tilespmem:s11+$0x90];
	v5 =	vmov s20;
	v10 =	vmul.f32 v11, v2;
	[tilespmem:s11+$0x10] =	vst v6  }
0x1d4: {  	s13 =	simm.s32 $0x5A00;
	s16 =	simm.s32 $0x8;
	s20 =	simm.s32 $0x6;
	v11 =	vmul.f32 v13, v2;
	v6 =	vbroadcast v12, $0x0;
	v12 =	vmov s31;
	[tilespmem:s11+$0x20] =	vst v9;
	v9 =	vld [tilespmem:s11+$0xA0]  }
.LBB2_9:
0x1d5: {  	p1 =	slt.u32 s16, $0x4C;
	v12 =	vand.u32 $0xFFFFFFFD, v12;
	v13 =	vmov s20;
	[tilespmem:s11+$0x30] =	vst v10;
	v4 =	vmul.f32 v4, v2;
	v10 =	vld [tilespmem:s11+$0xB0]  }
0x1d6: {  	v12 =	vbroadcast v12, $0x0;
	v13 =	vand.u32 $0xFFFFFFFE, v13;
	[tilespmem:s11+$0x40] =	vst v11;
	v2 =	vmul.f32 v3, v2;
	v3 =	vld [tilespmem:s11+$0xC0]  }
0x1d7: {  	v11 =	vbroadcast v13, $0x0;
	[tilespmem:s11+$0x50] =	vst v4;
	v4 =	vmul.f32 v8, v1;
	v8 =	vld [tilespmem:s11+$0xD0]  }
0x1d8: {  	[tilespmem:s11+$0x60] =	vst v2;
	v2 =	vmul.f32 v7, v1;
	v7 =	vld [tilespmem:s11+$0xE0]  }
0x1d9: {  	[tilespmem:s11+$0x80] =	vst v4;
	v4 =	vmul.f32 v9, v1;
	v9 =	vld [tilespmem:s11+$0xF0]  }
0x1da: {  	v5 =	vld.idx.msk [tilespmem:v5+s9+$0x0], $0xffff;
	[tilespmem:s11+$0x90] =	vst v2;
	v2 =	vmul.f32 v10, v1  }
0x1db: {  	v6 =	vld.idx.msk [tilespmem:v6+s9+$0x0], $0xffff;
	[tilespmem:s11+$0xA0] =	vst v4;
	v3 =	vmul.f32 v3, v1  }
0x1dc: {  	v4 =	vld.idx.msk [tilespmem:v12+s9+$0x0], $0xffff;
	[tilespmem:s11+$0xB0] =	vst v2;
	v8 =	vmul.f32 v8, v1  }
0x1dd: {  	s11 =	sadd.s32 $0x200, s11;
	v2 =	vld.idx.msk [tilespmem:v11+s9+$0x0], $0xffff;
	[tilespmem:s13+$0xC0] =	vst v3;
	v3 =	vmul.f32 v7, v1  }
0x1de: {  	v7 =	vld [tilespmem:s11+$0x70];
	[tilespmem:s13+$0xD0] =	vst v8;
	v9 =	vmul.f32 v9, v1  }
0x1df: {  	v8 =	vld [tilespmem:s11+$0xFFFFFF00];
	[tilespmem:s13+$0xE0] =	vst v3  }
0x1e0: {  	v1 =	vmov v5;
	v3 =	vld [tilespmem:s11+$0xFFFFFF10];
	[tilespmem:s13+$0xF0] =	vst v9;
	s13 =	smov.u32 s11  }
0x1e1: {  	v5 =	vld [tilespmem:s11+$0xFFFFFF20]  }
0x1e2: {  	v9 =	vld [tilespmem:s11+$0xFFFFFF30]  }
0x1e3: {  	v10 =	vld [tilespmem:s11+$0xFFFFFF40];
	v7 =	vmul.f32 v7, v2  }
0x1e4: {  	v8 =	vmul.f32 v8, v6;
	v11 =	vld [tilespmem:s11+$0xFFFFFF50]  }
0x1e5: {  	v3 =	vmul.f32 v3, v6;
	v12 =	vld [tilespmem:s11+$0xFFFFFF60];
	[tilespmem:s11+$0x70] =	vst v7  }
0x1e6: {  	[tilespmem:s11+$0xFFFFFF00] =	vst v8;
	v5 =	vmul.f32 v5, v6;
	v7 =	vld [tilespmem:s11+$0xFFFFFF70]  }
0x1e7: {  	[tilespmem:s11+$0xFFFFFF10] =	vst v3;
	v3 =	vmul.f32 v9, v6;
	v8 =	vld [tilespmem:s11+$0xFFFFFF80]  }
0x1e8: {  	[tilespmem:s11+$0xFFFFFF20] =	vst v5;
	v5 =	vmul.f32 v10, v6;
	v9 =	vld [tilespmem:s11+$0xFFFFFF90]  }
0x1e9: {  	[tilespmem:s11+$0xFFFFFF30] =	vst v3;
	v3 =	vmul.f32 v11, v6;
	v10 =	vld [tilespmem:s11+$0xFFFFFFA0]  }
0x1ea: {  	[tilespmem:s11+$0xFFFFFF40] =	vst v5;
	v5 =	vmul.f32 v12, v6;
	v11 =	vld [tilespmem:s11+$0xFFFFFFB0]  }
0x1eb: {  	[tilespmem:s11+$0xFFFFFF50] =	vst v3;
	v3 =	vmul.f32 v7, v6;
	v6 =	vld [tilespmem:s11+$0xFFFFFFC0]  }
0x1ec: {  	[tilespmem:s11+$0xFFFFFF60] =	vst v5;
	v5 =	vmul.f32 v8, v4;
	v7 =	vld [tilespmem:s11+$0xFFFFFFD0]  }
0x1ed: {  	[tilespmem:s11+$0xFFFFFF70] =	vst v3;
	v3 =	vmul.f32 v9, v4;
	v8 =	vld [tilespmem:s11+$0xFFFFFFE0]  }
0x1ee: {  	[tilespmem:s11+$0xFFFFFF80] =	vst v5;
	v5 =	vmul.f32 v10, v4;
	v9 =	vld [tilespmem:s11+$0xFFFFFFF0]  }
0x1ef: {  	[tilespmem:s11+$0xFFFFFF90] =	vst v3;
	v3 =	vmul.f32 v11, v4;
	v10 =	vld [tilespmem:s11+$0x0]  }
0x1f0: {  	[tilespmem:s11+$0xFFFFFFA0] =	vst v5;
	v5 =	vmul.f32 v6, v4;
	v6 =	vld [tilespmem:s11+$0x10]  }
0x1f1: {  	[tilespmem:s11+$0xFFFFFFB0] =	vst v3;
	v3 =	vmul.f32 v7, v4;
	v7 =	vld [tilespmem:s11+$0x20]  }
0x1f2: {  	[tilespmem:s11+$0xFFFFFFC0] =	vst v5;
	v5 =	vmul.f32 v8, v4;
	v11 =	vld [tilespmem:s11+$0x30]  }
0x1f3: {  	[tilespmem:s11+$0xFFFFFFD0] =	vst v3;
	v3 =	vmul.f32 v9, v4;
	v9 =	vld [tilespmem:s11+$0x40]  }
.Ltmp3:
0x1f4: {  	[tilespmem:s11+$0xFFFFFFE0] =	vst v5;
	v5 =	vmul.f32 v10, v2;
	v4 =	vld [tilespmem:s11+$0x50];
	(pc) =	sbr.rel @p1 .LBB2_9-.Ltmp3, $4  }
0x1f5: {  	[tilespmem:s11+$0xFFFFFFF0] =	vst v3;
	v6 =	vmul.f32 v6, v2;
	v3 =	vld [tilespmem:s11+$0x60]  }
0x1f6: {  	s20 =	sadd.s32 $0x3, s16;
	v10 =	vmov s16;
	[tilespmem:s11+$0x0] =	vst v5;
	v13 =	vmul.f32 v7, v2;
	v8 =	vld [tilespmem:s11+$0x80]  }
0x1f7: {  	s31 =	sadd.s32 $0x1, s16;
	v12 =	vand.u32 $0xFFFFFFFC, v10;
	v5 =	vmov s20;
	[tilespmem:s11+$0x10] =	vst v6;
	v10 =	vmul.f32 v11, v2;
	v7 =	vld [tilespmem:s11+$0x90]  }
0x1f8: {  	s20 =	sadd.s32 $0x2, s16;
	s16 =	sadd.s32 $0x4, s16;
	v6 =	vbroadcast v12, $0x0;
	v12 =	vmov s31;
	[tilespmem:s11+$0x20] =	vst v13;
	v11 =	vmul.f32 v9, v2;
	v9 =	vld [tilespmem:s11+$0xA0]  }
0x1f9: {  	v13 =	vld [tilespmem:s11+$0xB0]  }
0x1fa: {  	v15 =	vld [tilespmem:s11+$0xC0]  }
0x1fb: {  	v14 =	vmov s20;
	v16 =	vld [tilespmem:s11+$0xD0]  }
0x1fc: {  	v17 =	vld [tilespmem:s11+$0xE0];
	[tilespmem:s11+$0x30] =	vst v10;
	v4 =	vmul.f32 v4, v2;
	v14 =	vand.u32 $0xFFFFFFFE, v14  }
0x1fd: {  	v12 =	vand.u32 $0xFFFFFFFD, v12;
	v5 =	vld.idx.msk [tilespmem:v5+s9+$0x0], $0xffff;
	[tilespmem:s11+$0x40] =	vst v11;
	v2 =	vmul.f32 v3, v2;
	v14 =	vbroadcast v14, $0x0  }
0x1fe: {  	s16 =	sadd.s32 $0x200, s11;
	v12 =	vbroadcast v12, $0x0;
	v3 =	vld.idx.msk [tilespmem:v6+s9+$0x0], $0xffff;
	v8 =	vmul.f32 v8, v1;
	[tilespmem:s11+$0x50] =	vst v4  }
0x1ff: {  	v10 =	vld [tilespmem:s16+$0xFFFFFF00];
	v4 =	vmul.f32 v7, v1;
	[tilespmem:s11+$0x60] =	vst v2  }
0x200: {  	[tilespmem:s11+$0x80] =	vst v8;
	v8 =	vld [tilespmem:s11+$0xF0];
	v2 =	vmul.f32 v9, v1  }
0x201: {  	v11 =	vld [tilespmem:s16+$0xFFFFFF10];
	[tilespmem:s11+$0x90] =	vst v4;
	v4 =	vmul.f32 v13, v1  }
0x202: {  	v9 =	vld [tilespmem:s16+$0x70];
	[tilespmem:s11+$0xA0] =	vst v2;
	v2 =	vmul.f32 v15, v1  }
0x203: {  	[tilespmem:s11+$0xB0] =	vst v4;
	v4 =	vmul.f32 v16, v1;
	v7 =	vld.idx.msk [tilespmem:v14+s9+$0x0], $0xffff  }
0x204: {  	v6 =	vld.idx.msk [tilespmem:v12+s9+$0x0], $0xffff;
	[tilespmem:s13+$0xC0] =	vst v2;
	v2 =	vmul.f32 v17, v1  }
0x205: {  	v12 =	vld [tilespmem:s16+$0xFFFFFF20];
	[tilespmem:s13+$0xD0] =	vst v4;
	v1 =	vmul.f32 v8, v1  }
0x206: {  	v4 =	vld [tilespmem:s16+$0xFFFFFF30];
	[tilespmem:s13+$0xE0] =	vst v2  }
0x207: {  	v2 =	vld [tilespmem:s16+$0xFFFFFF40];
	[tilespmem:s13+$0xF0] =	vst v1;
	v1 =	vmul.f32 v10, v3  }
0x208: {  	v8 =	vmul.f32 v9, v7;
	v9 =	vld [tilespmem:s16+$0xFFFFFF50]  }
0x209: {  	v10 =	vmul.f32 v11, v3;
	v11 =	vld [tilespmem:s16+$0xFFFFFF60];
	[tilespmem:s16+$0xFFFFFF00] =	vst v1  }
0x20a: {  	v1 =	vmul.f32 v12, v3;
	[tilespmem:s16+$0x70] =	vst v8;
	v8 =	vld [tilespmem:s16+$0xFFFFFF70]  }
0x20b: {  	[tilespmem:s16+$0xFFFFFF10] =	vst v10;
	v10 =	vld [tilespmem:s16+$0xFFFFFF80];
	v4 =	vmul.f32 v4, v3  }
0x20c: {  	[tilespmem:s16+$0xFFFFFF20] =	vst v1;
	v1 =	vmul.f32 v2, v3;
	v2 =	vld [tilespmem:s16+$0xFFFFFF90]  }
0x20d: {  	[tilespmem:s16+$0xFFFFFF30] =	vst v4;
	v4 =	vmul.f32 v9, v3;
	v9 =	vld [tilespmem:s16+$0xFFFFFFA0]  }
0x20e: {  	[tilespmem:s16+$0xFFFFFF40] =	vst v1;
	v1 =	vmul.f32 v11, v3;
	v11 =	vld [tilespmem:s16+$0xFFFFFFB0]  }
0x20f: {  	[tilespmem:s16+$0xFFFFFF50] =	vst v4;
	v3 =	vmul.f32 v8, v3;
	v4 =	vld [tilespmem:s16+$0xFFFFFFC0]  }
0x210: {  	[tilespmem:s16+$0xFFFFFF60] =	vst v1;
	v1 =	vmul.f32 v10, v6;
	v8 =	vld [tilespmem:s16+$0xFFFFFFD0]  }
0x211: {  	v2 =	vmul.f32 v2, v6;
	[tilespmem:s16+$0xFFFFFF70] =	vst v3;
	v3 =	vld [tilespmem:s16+$0xFFFFFFE0]  }
0x212: {  	[tilespmem:s16+$0xFFFFFF80] =	vst v1;
	v1 =	vmul.f32 v9, v6;
	v9 =	vld [tilespmem:s16+$0xFFFFFFF0]  }
0x213: {  	v10 =	vld [tilespmem:s16+$0x0];
	[tilespmem:s16+$0xFFFFFF90] =	vst v2;
	v2 =	vmul.f32 v11, v6  }
0x214: {  	[tilespmem:s16+$0xFFFFFFA0] =	vst v1;
	v1 =	vmul.f32 v4, v6;
	v4 =	vld [tilespmem:s16+$0x10]  }
0x215: {  	[tilespmem:s16+$0xFFFFFFB0] =	vst v2;
	v2 =	vmul.f32 v8, v6;
	v8 =	vld [tilespmem:s16+$0x20]  }
0x216: {  	[tilespmem:s16+$0xFFFFFFC0] =	vst v1;
	v1 =	vmul.f32 v3, v6;
	v3 =	vld [tilespmem:s16+$0x30]  }
0x217: {  	[tilespmem:s16+$0xFFFFFFD0] =	vst v2;
	v2 =	vmul.f32 v9, v6;
	v6 =	vld [tilespmem:s16+$0x40]  }
0x218: {  	v9 =	vld [tilespmem:s16+$0x50];
	[tilespmem:s16+$0xFFFFFFE0] =	vst v1;
	v1 =	vmul.f32 v10, v7  }
0x219: {  	[tilespmem:s16+$0xFFFFFFF0] =	vst v2;
	v2 =	vmul.f32 v4, v7;
	v4 =	vld [tilespmem:s16+$0x60]  }
0x21a: {  	[tilespmem:s16+$0x0] =	vst v1;
	v1 =	vmul.f32 v8, v7;
	v8 =	vld [tilespmem:s16+$0x80]  }
0x21b: {  	[tilespmem:s16+$0x10] =	vst v2;
	v2 =	vmul.f32 v3, v7;
	v3 =	vld [tilespmem:s16+$0x90]  }
0x21c: {  	[tilespmem:s16+$0x20] =	vst v1;
	v1 =	vmul.f32 v6, v7;
	v6 =	vld [tilespmem:s16+$0xA0]  }
0x21d: {  	[tilespmem:s16+$0x30] =	vst v2;
	v2 =	vmul.f32 v9, v7;
	v9 =	vld [tilespmem:s16+$0xB0]  }
0x21e: {  	[tilespmem:s16+$0x40] =	vst v1;
	v1 =	vmul.f32 v4, v7;
	v4 =	vld [tilespmem:s16+$0xC0]  }
0x21f: {  	v7 =	vld [tilespmem:s16+$0xD0];
	[tilespmem:s16+$0x50] =	vst v2;
	v2 =	vmul.f32 v8, v5  }
0x220: {  	[tilespmem:s16+$0x60] =	vst v1;
	v1 =	vmul.f32 v3, v5;
	v3 =	vld [tilespmem:s16+$0xE0]  }
0x221: {  	[tilespmem:s16+$0x80] =	vst v2;
	v2 =	vmul.f32 v6, v5;
	v6 =	vld [tilespmem:s16+$0xF0]  }
0x222: {  	[tilespmem:s16+$0x90] =	vst v1;
	v1 =	vmul.f32 v9, v5  }
0x223: {  	[tilespmem:s16+$0xA0] =	vst v2;
	v2 =	vmul.f32 v4, v5  }
0x224: {  	[tilespmem:s16+$0xB0] =	vst v1;
	v1 =	vmul.f32 v7, v5  }
0x225: {  	[tilespmem:s16+$0xC0] =	vst v2;
	v2 =	vmul.f32 v3, v5  }
0x226: {  	[tilespmem:s16+$0xD0] =	vst v1;
	v1 =	vmul.f32 v6, v5  }
0x227: {  	[tilespmem:s16+$0xE0] =	vst v2  }
0x228: {  	s31 =	simm.s32 $0x9;
	[tilespmem:s16+$0xF0] =	vst v1  }
0x229: {  	_ =	swait.ge [sflag:s31], $0x50  }
0x22a: {  	[sflag:s31] =	ssyncset.done $0x0  }
0x22b: {  	s13 =	simm.s32 $0x400;
	[sflag:s31] =	ssyncadd.s32 $0xFFFFFFB0  }
0x22c: {  	[spmem:s5] =	stream.indirect.scatter.add.f32 [tilespmem:s19], [sflag:$0x18], $0x80, s13, s17, $0xb8;
	[tilespmem:$0x1B980] =	vst v63  }
0x22d: {  	_ =	swait.ge [sflag:s14], $0x2800  }
0x22e: {  	s16 =	rddreg [dreg:$0x1b]  }
0x22f: {  	s11 =	sadd.s32 s26, s16  }
0x230: {  	s31 =	simm.s32 $0x80;
	[sflag:s14] =	ssyncset.done $0x0;
	s11 =	sshrl.u32 s11, $0x3  }
0x231: {  	[sflag:s14] =	ssyncadd.s32 $0xFFFFD800;
	s16 =	simm.s32 $0x0;
	s20 =	sadd.s32 s7, s11  }
0x232: {  	[tilespmem:s31], [sflag:$0x2] =	stream.linear.gather [hbm4b:s20+s16], $0x50, $0x38;
	[tilespmem:$0x1B980] =	vst v63  }
0x233: {  	s20 =	sadd.s32 s2, s11;
	s31 =	simm.s32 $0x380  }
0x234: {  	[tilespmem:s31], [sflag:$0x8] =	stream.linear.gather [hbm4b:s20+s16], $0x50, $0x38;
	[tilespmem:$0x1B980] =	vst v63  }
0x235: {  	s13 =	simm.s32 $0x5;
	s11 =	sadd.s32 s3, s11  }
0x236: {  	[tilespmem:s24], [sflag:$0xE] =	stream.linear.gather [hbm4b:s11+s16], $0x50, $0x38;
	[tilespmem:$0x1B980] =	vst v63  }
0x237: {  	_ =	swait.ge [sflag:s13], $0x50  }
0x238: {  	[sflag:s13] =	ssyncset.done $0x0  }
0x239: {  	v1 =	vmov s16;
	s20 =	simm.s32 $0x2;
	s31 =	simm.s32 $0x200;
	[sflag:s13] =	ssyncadd.s32 $0xFFFFFFB0  }
0x23a: {  	v1 =	vand.u32 $0xFFFFFFFC, v1;
	v2 =	vmov s20;
	[tilespmem:s29], [sflag:$0x14] =	stream.indirect.gather [hbm4b:s0+s17], $0x80, s31, s17, $0xb8;
	[tilespmem:$0x1B980] =	vst v63  }
0x23b: {  	v1 =	vbroadcast v1, $0x0;
	v2 =	vand.u32 $0xFFFFFFFE, v2;
	_ =	swait.ge [sflag:s30], $0x2800  }
0x23c: {  	v2 =	vbroadcast v2, $0x0;
	[sflag:s30] =	ssyncset.done $0x0  }
0x23d: {  	s16 =	simm.s32 $0x10;
	[sflag:s30] =	ssyncadd.s32 $0xFFFFD800  }
0x23e: {  	_ =	swait.ge [sflag:s16], $0x50  }
0x23f: {  	[sflag:s16] =	ssyncset.done $0x0  }
0x240: {  	[sflag:s16] =	ssyncadd.s32 $0xFFFFFFB0  }
0x241: {  	v1 =	vld.idx.msk [tilespmem:v1+s12+$0x0], $0xffff  }
0x242: {  	s20 =	simm.s32 $0x1;
	s11 =	simm.s32 $0xA00;
	v2 =	vld.idx.msk [tilespmem:v2+s12+$0x0], $0xffff  }
0x243: {  	v3 =	vmov s20;
	v4 =	vld [tilespmem:s11+$0x70]  }
0x244: {  	v3 =	vand.u32 $0xFFFFFFFD, v3;
	v5 =	vld [tilespmem:s11+$0xFFFFFF00]  }
0x245: {  	v3 =	vbroadcast v3, $0x0;
	v6 =	vld [tilespmem:s11+$0xFFFFFF10]  }
0x246: {  	v7 =	vld [tilespmem:s11+$0xFFFFFF20]  }
0x247: {  	v8 =	vld [tilespmem:s11+$0xFFFFFF30]  }
0x248: {  	v9 =	vld [tilespmem:s11+$0xFFFFFF40]  }
0x249: {  	v10 =	vld [tilespmem:s11+$0xFFFFFF50]  }
0x24a: {  	v11 =	vld [tilespmem:s11+$0xFFFFFF60];
	v5 =	vmul.f32 v5, v1  }
0x24b: {  	v3 =	vld.idx.msk [tilespmem:v3+s12+$0x0], $0xffff;
	v4 =	vmul.f32 v4, v2  }
0x24c: {  	v13 =	vld [tilespmem:s11+$0x40];
	[tilespmem:s11+$0xFFFFFF00] =	vst v5;
	v5 =	vmul.f32 v6, v1  }
0x24d: {  	v6 =	vld [tilespmem:s11+$0xFFFFFF70];
	[tilespmem:s11+$0x70] =	vst v4;
	v4 =	vmul.f32 v7, v1  }
0x24e: {  	v7 =	vld [tilespmem:s11+$0xFFFFFF80];
	[tilespmem:s11+$0xFFFFFF10] =	vst v5;
	v5 =	vmul.f32 v8, v1  }
0x24f: {  	v8 =	vld [tilespmem:s11+$0xFFFFFF90];
	[tilespmem:s11+$0xFFFFFF20] =	vst v4;
	v4 =	vmul.f32 v9, v1  }
0x250: {  	v9 =	vld [tilespmem:s11+$0xFFFFFFA0];
	[tilespmem:s11+$0xFFFFFF30] =	vst v5;
	v5 =	vmul.f32 v10, v1  }
0x251: {  	v10 =	vld [tilespmem:s11+$0xFFFFFFB0];
	[tilespmem:s11+$0xFFFFFF40] =	vst v4;
	v4 =	vmul.f32 v11, v1  }
0x252: {  	v11 =	vld [tilespmem:s11+$0xFFFFFFC0];
	v6 =	vmul.f32 v6, v1;
	[tilespmem:s11+$0xFFFFFF50] =	vst v5  }
0x253: {  	v5 =	vmul.f32 v7, v3;
	v7 =	vld [tilespmem:s11+$0xFFFFFFD0];
	[tilespmem:s11+$0xFFFFFF60] =	vst v4  }
0x254: {  	s31 =	simm.s32 $0x3;
	v4 =	vld [tilespmem:s11+$0xFFFFFFE0];
	v8 =	vmul.f32 v8, v3;
	[tilespmem:s11+$0xFFFFFF70] =	vst v6  }
0x255: {  	v12 =	vmov s31;
	v6 =	vld [tilespmem:s11+$0xFFFFFFF0];
	[tilespmem:s11+$0xFFFFFF80] =	vst v5;
	v5 =	vmul.f32 v9, v3  }
0x256: {  	v9 =	vld [tilespmem:s11+$0x0];
	[tilespmem:s11+$0xFFFFFF90] =	vst v8;
	v8 =	vmul.f32 v10, v3  }
0x257: {  	v10 =	vld [tilespmem:s11+$0x10];
	[tilespmem:s11+$0xFFFFFFA0] =	vst v5;
	v5 =	vmul.f32 v11, v3  }
0x258: {  	[tilespmem:s11+$0xFFFFFFB0] =	vst v8;
	v7 =	vmul.f32 v7, v3;
	v8 =	vld [tilespmem:s11+$0x20]  }
0x259: {  	v11 =	vld [tilespmem:s11+$0x30];
	v4 =	vmul.f32 v4, v3;
	[tilespmem:s11+$0xFFFFFFC0] =	vst v5  }
0x25a: {  	v1 =	vld.idx.msk [tilespmem:v12+s12+$0x0], $0xffff;
	v3 =	vmul.f32 v6, v3;
	[tilespmem:s11+$0xFFFFFFD0] =	vst v7  }
0x25b: {  	[tilespmem:s11+$0xFFFFFFE0] =	vst v4;
	v5 =	vmul.f32 v9, v2;
	v4 =	vld [tilespmem:s11+$0x50]  }
0x25c: {  	s16 =	simm.s32 $0x4;
	[tilespmem:s11+$0xFFFFFFF0] =	vst v3;
	v6 =	vmul.f32 v10, v2;
	v3 =	vld [tilespmem:s11+$0x60]  }
0x25d: {  	s20 =	simm.s32 $0x7;
	v7 =	vmov s16;
	[tilespmem:s11+$0x0] =	vst v5;
	v9 =	vmul.f32 v8, v2;
	v8 =	vld [tilespmem:s11+$0x80]  }
0x25e: {  	s31 =	simm.s32 $0x5;
	v12 =	vand.u32 $0xFFFFFFFC, v7;
	v7 =	vld [tilespmem:s11+$0x90];
	v5 =	vmov s20;
	v10 =	vmul.f32 v11, v2;
	[tilespmem:s11+$0x10] =	vst v6  }
0x25f: {  	s13 =	simm.s32 $0xA00;
	s16 =	simm.s32 $0x8;
	s20 =	simm.s32 $0x6;
	v11 =	vmul.f32 v13, v2;
	v6 =	vbroadcast v12, $0x0;
	v12 =	vmov s31;
	[tilespmem:s11+$0x20] =	vst v9;
	v9 =	vld [tilespmem:s11+$0xA0]  }
.LBB2_11:
0x260: {  	p1 =	slt.u32 s16, $0x4C;
	v12 =	vand.u32 $0xFFFFFFFD, v12;
	v13 =	vmov s20;
	[tilespmem:s11+$0x30] =	vst v10;
	v4 =	vmul.f32 v4, v2;
	v10 =	vld [tilespmem:s11+$0xB0]  }
0x261: {  	v12 =	vbroadcast v12, $0x0;
	v13 =	vand.u32 $0xFFFFFFFE, v13;
	[tilespmem:s11+$0x40] =	vst v11;
	v2 =	vmul.f32 v3, v2;
	v3 =	vld [tilespmem:s11+$0xC0]  }
0x262: {  	v11 =	vbroadcast v13, $0x0;
	[tilespmem:s11+$0x50] =	vst v4;
	v4 =	vmul.f32 v8, v1;
	v8 =	vld [tilespmem:s11+$0xD0]  }
0x263: {  	[tilespmem:s11+$0x60] =	vst v2;
	v2 =	vmul.f32 v7, v1;
	v7 =	vld [tilespmem:s11+$0xE0]  }
0x264: {  	[tilespmem:s11+$0x80] =	vst v4;
	v4 =	vmul.f32 v9, v1;
	v9 =	vld [tilespmem:s11+$0xF0]  }
0x265: {  	v5 =	vld.idx.msk [tilespmem:v5+s12+$0x0], $0xffff;
	[tilespmem:s11+$0x90] =	vst v2;
	v2 =	vmul.f32 v10, v1  }
0x266: {  	v6 =	vld.idx.msk [tilespmem:v6+s12+$0x0], $0xffff;
	[tilespmem:s11+$0xA0] =	vst v4;
	v3 =	vmul.f32 v3, v1  }
0x267: {  	v4 =	vld.idx.msk [tilespmem:v12+s12+$0x0], $0xffff;
	[tilespmem:s11+$0xB0] =	vst v2;
	v8 =	vmul.f32 v8, v1  }
0x268: {  	s11 =	sadd.s32 $0x200, s11;
	v2 =	vld.idx.msk [tilespmem:v11+s12+$0x0], $0xffff;
	[tilespmem:s13+$0xC0] =	vst v3;
	v3 =	vmul.f32 v7, v1  }
0x269: {  	v7 =	vld [tilespmem:s11+$0x70];
	[tilespmem:s13+$0xD0] =	vst v8;
	v9 =	vmul.f32 v9, v1  }
0x26a: {  	v8 =	vld [tilespmem:s11+$0xFFFFFF00];
	[tilespmem:s13+$0xE0] =	vst v3  }
0x26b: {  	v1 =	vmov v5;
	v3 =	vld [tilespmem:s11+$0xFFFFFF10];
	[tilespmem:s13+$0xF0] =	vst v9;
	s13 =	smov.u32 s11  }
0x26c: {  	v5 =	vld [tilespmem:s11+$0xFFFFFF20]  }
0x26d: {  	v9 =	vld [tilespmem:s11+$0xFFFFFF30]  }
0x26e: {  	v10 =	vld [tilespmem:s11+$0xFFFFFF40];
	v7 =	vmul.f32 v7, v2  }
0x26f: {  	v8 =	vmul.f32 v8, v6;
	v11 =	vld [tilespmem:s11+$0xFFFFFF50]  }
0x270: {  	v3 =	vmul.f32 v3, v6;
	v12 =	vld [tilespmem:s11+$0xFFFFFF60];
	[tilespmem:s11+$0x70] =	vst v7  }
0x271: {  	[tilespmem:s11+$0xFFFFFF00] =	vst v8;
	v5 =	vmul.f32 v5, v6;
	v7 =	vld [tilespmem:s11+$0xFFFFFF70]  }
0x272: {  	[tilespmem:s11+$0xFFFFFF10] =	vst v3;
	v3 =	vmul.f32 v9, v6;
	v8 =	vld [tilespmem:s11+$0xFFFFFF80]  }
0x273: {  	[tilespmem:s11+$0xFFFFFF20] =	vst v5;
	v5 =	vmul.f32 v10, v6;
	v9 =	vld [tilespmem:s11+$0xFFFFFF90]  }
0x274: {  	[tilespmem:s11+$0xFFFFFF30] =	vst v3;
	v3 =	vmul.f32 v11, v6;
	v10 =	vld [tilespmem:s11+$0xFFFFFFA0]  }
0x275: {  	[tilespmem:s11+$0xFFFFFF40] =	vst v5;
	v5 =	vmul.f32 v12, v6;
	v11 =	vld [tilespmem:s11+$0xFFFFFFB0]  }
0x276: {  	[tilespmem:s11+$0xFFFFFF50] =	vst v3;
	v3 =	vmul.f32 v7, v6;
	v6 =	vld [tilespmem:s11+$0xFFFFFFC0]  }
0x277: {  	[tilespmem:s11+$0xFFFFFF60] =	vst v5;
	v5 =	vmul.f32 v8, v4;
	v7 =	vld [tilespmem:s11+$0xFFFFFFD0]  }
0x278: {  	[tilespmem:s11+$0xFFFFFF70] =	vst v3;
	v3 =	vmul.f32 v9, v4;
	v8 =	vld [tilespmem:s11+$0xFFFFFFE0]  }
0x279: {  	[tilespmem:s11+$0xFFFFFF80] =	vst v5;
	v5 =	vmul.f32 v10, v4;
	v9 =	vld [tilespmem:s11+$0xFFFFFFF0]  }
0x27a: {  	[tilespmem:s11+$0xFFFFFF90] =	vst v3;
	v3 =	vmul.f32 v11, v4;
	v10 =	vld [tilespmem:s11+$0x0]  }
0x27b: {  	[tilespmem:s11+$0xFFFFFFA0] =	vst v5;
	v5 =	vmul.f32 v6, v4;
	v6 =	vld [tilespmem:s11+$0x10]  }
0x27c: {  	[tilespmem:s11+$0xFFFFFFB0] =	vst v3;
	v3 =	vmul.f32 v7, v4;
	v7 =	vld [tilespmem:s11+$0x20]  }
0x27d: {  	[tilespmem:s11+$0xFFFFFFC0] =	vst v5;
	v5 =	vmul.f32 v8, v4;
	v11 =	vld [tilespmem:s11+$0x30]  }
0x27e: {  	[tilespmem:s11+$0xFFFFFFD0] =	vst v3;
	v3 =	vmul.f32 v9, v4;
	v9 =	vld [tilespmem:s11+$0x40]  }
.Ltmp4:
0x27f: {  	[tilespmem:s11+$0xFFFFFFE0] =	vst v5;
	v5 =	vmul.f32 v10, v2;
	v4 =	vld [tilespmem:s11+$0x50];
	(pc) =	sbr.rel @p1 .LBB2_11-.Ltmp4, $4  }
0x280: {  	[tilespmem:s11+$0xFFFFFFF0] =	vst v3;
	v6 =	vmul.f32 v6, v2;
	v3 =	vld [tilespmem:s11+$0x60]  }
0x281: {  	s20 =	sadd.s32 $0x3, s16;
	v10 =	vmov s16;
	[tilespmem:s11+$0x0] =	vst v5;
	v13 =	vmul.f32 v7, v2;
	v8 =	vld [tilespmem:s11+$0x80]  }
0x282: {  	s31 =	sadd.s32 $0x1, s16;
	v12 =	vand.u32 $0xFFFFFFFC, v10;
	v5 =	vmov s20;
	[tilespmem:s11+$0x10] =	vst v6;
	v10 =	vmul.f32 v11, v2;
	v7 =	vld [tilespmem:s11+$0x90]  }
0x283: {  	s20 =	sadd.s32 $0x2, s16;
	s16 =	sadd.s32 $0x4, s16;
	v6 =	vbroadcast v12, $0x0;
	v12 =	vmov s31;
	[tilespmem:s11+$0x20] =	vst v13;
	v11 =	vmul.f32 v9, v2;
	v9 =	vld [tilespmem:s11+$0xA0]  }
0x284: {  	v13 =	vld [tilespmem:s11+$0xB0]  }
0x285: {  	v15 =	vld [tilespmem:s11+$0xC0]  }
0x286: {  	v14 =	vmov s20;
	v16 =	vld [tilespmem:s11+$0xD0]  }
0x287: {  	v17 =	vld [tilespmem:s11+$0xE0];
	[tilespmem:s11+$0x30] =	vst v10;
	v4 =	vmul.f32 v4, v2;
	v14 =	vand.u32 $0xFFFFFFFE, v14  }
0x288: {  	v12 =	vand.u32 $0xFFFFFFFD, v12;
	v5 =	vld.idx.msk [tilespmem:v5+s12+$0x0], $0xffff;
	[tilespmem:s11+$0x40] =	vst v11;
	v2 =	vmul.f32 v3, v2;
	v14 =	vbroadcast v14, $0x0  }
0x289: {  	s16 =	sadd.s32 $0x200, s11;
	v12 =	vbroadcast v12, $0x0;
	v3 =	vld.idx.msk [tilespmem:v6+s12+$0x0], $0xffff;
	v8 =	vmul.f32 v8, v1;
	[tilespmem:s11+$0x50] =	vst v4  }
0x28a: {  	v10 =	vld [tilespmem:s16+$0xFFFFFF00];
	v4 =	vmul.f32 v7, v1;
	[tilespmem:s11+$0x60] =	vst v2  }
0x28b: {  	[tilespmem:s11+$0x80] =	vst v8;
	v8 =	vld [tilespmem:s11+$0xF0];
	v2 =	vmul.f32 v9, v1  }
0x28c: {  	v11 =	vld [tilespmem:s16+$0xFFFFFF10];
	[tilespmem:s11+$0x90] =	vst v4;
	v4 =	vmul.f32 v13, v1  }
0x28d: {  	v9 =	vld [tilespmem:s16+$0x70];
	[tilespmem:s11+$0xA0] =	vst v2;
	v2 =	vmul.f32 v15, v1  }
0x28e: {  	[tilespmem:s11+$0xB0] =	vst v4;
	v4 =	vmul.f32 v16, v1;
	v7 =	vld.idx.msk [tilespmem:v14+s12+$0x0], $0xffff  }
0x28f: {  	v6 =	vld.idx.msk [tilespmem:v12+s12+$0x0], $0xffff;
	[tilespmem:s13+$0xC0] =	vst v2;
	v2 =	vmul.f32 v17, v1  }
0x290: {  	v12 =	vld [tilespmem:s16+$0xFFFFFF20];
	[tilespmem:s13+$0xD0] =	vst v4;
	v1 =	vmul.f32 v8, v1  }
0x291: {  	v4 =	vld [tilespmem:s16+$0xFFFFFF30];
	[tilespmem:s13+$0xE0] =	vst v2  }
0x292: {  	v2 =	vld [tilespmem:s16+$0xFFFFFF40];
	[tilespmem:s13+$0xF0] =	vst v1;
	v1 =	vmul.f32 v10, v3  }
0x293: {  	v8 =	vmul.f32 v9, v7;
	v9 =	vld [tilespmem:s16+$0xFFFFFF50]  }
0x294: {  	v10 =	vmul.f32 v11, v3;
	v11 =	vld [tilespmem:s16+$0xFFFFFF60];
	[tilespmem:s16+$0xFFFFFF00] =	vst v1  }
0x295: {  	v1 =	vmul.f32 v12, v3;
	[tilespmem:s16+$0x70] =	vst v8;
	v8 =	vld [tilespmem:s16+$0xFFFFFF70]  }
0x296: {  	[tilespmem:s16+$0xFFFFFF10] =	vst v10;
	v10 =	vld [tilespmem:s16+$0xFFFFFF80];
	v4 =	vmul.f32 v4, v3  }
0x297: {  	[tilespmem:s16+$0xFFFFFF20] =	vst v1;
	v1 =	vmul.f32 v2, v3;
	v2 =	vld [tilespmem:s16+$0xFFFFFF90]  }
0x298: {  	[tilespmem:s16+$0xFFFFFF30] =	vst v4;
	v4 =	vmul.f32 v9, v3;
	v9 =	vld [tilespmem:s16+$0xFFFFFFA0]  }
0x299: {  	[tilespmem:s16+$0xFFFFFF40] =	vst v1;
	v1 =	vmul.f32 v11, v3;
	v11 =	vld [tilespmem:s16+$0xFFFFFFB0]  }
0x29a: {  	[tilespmem:s16+$0xFFFFFF50] =	vst v4;
	v3 =	vmul.f32 v8, v3;
	v4 =	vld [tilespmem:s16+$0xFFFFFFC0]  }
0x29b: {  	[tilespmem:s16+$0xFFFFFF60] =	vst v1;
	v1 =	vmul.f32 v10, v6;
	v8 =	vld [tilespmem:s16+$0xFFFFFFD0]  }
0x29c: {  	v2 =	vmul.f32 v2, v6;
	[tilespmem:s16+$0xFFFFFF70] =	vst v3;
	v3 =	vld [tilespmem:s16+$0xFFFFFFE0]  }
0x29d: {  	[tilespmem:s16+$0xFFFFFF80] =	vst v1;
	v1 =	vmul.f32 v9, v6;
	v9 =	vld [tilespmem:s16+$0xFFFFFFF0]  }
0x29e: {  	v10 =	vld [tilespmem:s16+$0x0];
	[tilespmem:s16+$0xFFFFFF90] =	vst v2;
	v2 =	vmul.f32 v11, v6  }
0x29f: {  	[tilespmem:s16+$0xFFFFFFA0] =	vst v1;
	v1 =	vmul.f32 v4, v6;
	v4 =	vld [tilespmem:s16+$0x10]  }
0x2a0: {  	[tilespmem:s16+$0xFFFFFFB0] =	vst v2;
	v2 =	vmul.f32 v8, v6;
	v8 =	vld [tilespmem:s16+$0x20]  }
0x2a1: {  	[tilespmem:s16+$0xFFFFFFC0] =	vst v1;
	v1 =	vmul.f32 v3, v6;
	v3 =	vld [tilespmem:s16+$0x30]  }
0x2a2: {  	[tilespmem:s16+$0xFFFFFFD0] =	vst v2;
	v2 =	vmul.f32 v9, v6;
	v6 =	vld [tilespmem:s16+$0x40]  }
0x2a3: {  	v9 =	vld [tilespmem:s16+$0x50];
	[tilespmem:s16+$0xFFFFFFE0] =	vst v1;
	v1 =	vmul.f32 v10, v7  }
0x2a4: {  	[tilespmem:s16+$0xFFFFFFF0] =	vst v2;
	v2 =	vmul.f32 v4, v7;
	v4 =	vld [tilespmem:s16+$0x60]  }
0x2a5: {  	[tilespmem:s16+$0x0] =	vst v1;
	v1 =	vmul.f32 v8, v7;
	v8 =	vld [tilespmem:s16+$0x80]  }
0x2a6: {  	[tilespmem:s16+$0x10] =	vst v2;
	v2 =	vmul.f32 v3, v7;
	v3 =	vld [tilespmem:s16+$0x90]  }
0x2a7: {  	[tilespmem:s16+$0x20] =	vst v1;
	v1 =	vmul.f32 v6, v7;
	v6 =	vld [tilespmem:s16+$0xA0]  }
0x2a8: {  	[tilespmem:s16+$0x30] =	vst v2;
	v2 =	vmul.f32 v9, v7;
	v9 =	vld [tilespmem:s16+$0xB0]  }
0x2a9: {  	[tilespmem:s16+$0x40] =	vst v1;
	v1 =	vmul.f32 v4, v7;
	v4 =	vld [tilespmem:s16+$0xC0]  }
0x2aa: {  	v7 =	vld [tilespmem:s16+$0xD0];
	[tilespmem:s16+$0x50] =	vst v2;
	v2 =	vmul.f32 v8, v5  }
0x2ab: {  	[tilespmem:s16+$0x60] =	vst v1;
	v1 =	vmul.f32 v3, v5;
	v3 =	vld [tilespmem:s16+$0xE0]  }
0x2ac: {  	[tilespmem:s16+$0x80] =	vst v2;
	v2 =	vmul.f32 v6, v5;
	v6 =	vld [tilespmem:s16+$0xF0]  }
0x2ad: {  	[tilespmem:s16+$0x90] =	vst v1;
	v1 =	vmul.f32 v9, v5  }
0x2ae: {  	[tilespmem:s16+$0xA0] =	vst v2;
	v2 =	vmul.f32 v4, v5  }
0x2af: {  	[tilespmem:s16+$0xB0] =	vst v1;
	v1 =	vmul.f32 v7, v5  }
0x2b0: {  	[tilespmem:s16+$0xC0] =	vst v2;
	v2 =	vmul.f32 v3, v5  }
0x2b1: {  	[tilespmem:s16+$0xD0] =	vst v1;
	v1 =	vmul.f32 v6, v5  }
0x2b2: {  	[tilespmem:s16+$0xE0] =	vst v2  }
0x2b3: {  	s31 =	simm.s32 $0xA;
	[tilespmem:s16+$0xF0] =	vst v1  }
0x2b4: {  	_ =	swait.ge [sflag:s31], $0x50  }
0x2b5: {  	[sflag:s31] =	ssyncset.done $0x0  }
0x2b6: {  	s13 =	simm.s32 $0x480;
	[sflag:s31] =	ssyncadd.s32 $0xFFFFFFB0  }
0x2b7: {  	[spmem:s5] =	stream.indirect.scatter.add.f32 [tilespmem:s18], [sflag:$0x16], $0x80, s13, s17, $0xb8;
	[tilespmem:$0x1B980] =	vst v63  }
0x2b8: {  	_ =	swait.ge [sflag:s1], $0x2800  }
0x2b9: {  	s16 =	rddreg [dreg:$0x1c]  }
0x2ba: {  	s11 =	sadd.s32 s26, s16  }
0x2bb: {  	s31 =	simm.s32 $0x100;
	[sflag:s1] =	ssyncset.done $0x0;
	s11 =	sshrl.u32 s11, $0x3  }
0x2bc: {  	[sflag:s1] =	ssyncadd.s32 $0xFFFFD800;
	s16 =	simm.s32 $0x0;
	s20 =	sadd.s32 s7, s11  }
0x2bd: {  	[tilespmem:s31], [sflag:$0x3] =	stream.linear.gather [hbm4b:s20+s16], $0x50, $0x38;
	[tilespmem:$0x1B980] =	vst v63  }
0x2be: {  	s20 =	sadd.s32 s2, s11;
	s31 =	simm.s32 $0x400  }
0x2bf: {  	[tilespmem:s31], [sflag:$0x9] =	stream.linear.gather [hbm4b:s20+s16], $0x50, $0x38;
	[tilespmem:$0x1B980] =	vst v63  }
0x2c0: {  	s13 =	simm.s32 $0x6;
	s11 =	sadd.s32 s3, s11  }
0x2c1: {  	[tilespmem:s9], [sflag:$0xF] =	stream.linear.gather [hbm4b:s11+s16], $0x50, $0x38;
	[tilespmem:$0x1B980] =	vst v63  }
0x2c2: {  	_ =	swait.ge [sflag:s13], $0x50  }
0x2c3: {  	[sflag:s13] =	ssyncset.done $0x0  }
0x2c4: {  	v1 =	vmov s16;
	s20 =	simm.s32 $0x2;
	s31 =	simm.s32 $0x280;
	[sflag:s13] =	ssyncadd.s32 $0xFFFFFFB0  }
0x2c5: {  	v1 =	vand.u32 $0xFFFFFFFC, v1;
	v2 =	vmov s20;
	[tilespmem:s19], [sflag:$0x15] =	stream.indirect.gather [hbm4b:s0+s17], $0x80, s31, s17, $0xb8;
	[tilespmem:$0x1B980] =	vst v63  }
0x2c6: {  	v1 =	vbroadcast v1, $0x0;
	v2 =	vand.u32 $0xFFFFFFFE, v2;
	_ =	swait.ge [sflag:s22], $0x2800  }
0x2c7: {  	v2 =	vbroadcast v2, $0x0;
	[sflag:s22] =	ssyncset.done $0x0  }
0x2c8: {  	s16 =	simm.s32 $0x11;
	[sflag:s22] =	ssyncadd.s32 $0xFFFFD800  }
0x2c9: {  	_ =	swait.ge [sflag:s16], $0x50  }
0x2ca: {  	[sflag:s16] =	ssyncset.done $0x0  }
0x2cb: {  	[sflag:s16] =	ssyncadd.s32 $0xFFFFFFB0  }
0x2cc: {  	v1 =	vld.idx.msk [tilespmem:v1+s15+$0x0], $0xffff  }
0x2cd: {  	s20 =	simm.s32 $0x1;
	s11 =	simm.s32 $0x3200;
	v2 =	vld.idx.msk [tilespmem:v2+s15+$0x0], $0xffff  }
0x2ce: {  	v3 =	vmov s20;
	v4 =	vld [tilespmem:s11+$0x70]  }
0x2cf: {  	v3 =	vand.u32 $0xFFFFFFFD, v3;
	v5 =	vld [tilespmem:s11+$0xFFFFFF00]  }
0x2d0: {  	v3 =	vbroadcast v3, $0x0;
	v6 =	vld [tilespmem:s11+$0xFFFFFF10]  }
0x2d1: {  	v7 =	vld [tilespmem:s11+$0xFFFFFF20]  }
0x2d2: {  	v8 =	vld [tilespmem:s11+$0xFFFFFF30]  }
0x2d3: {  	v9 =	vld [tilespmem:s11+$0xFFFFFF40]  }
0x2d4: {  	v10 =	vld [tilespmem:s11+$0xFFFFFF50]  }
0x2d5: {  	v11 =	vld [tilespmem:s11+$0xFFFFFF60];
	v5 =	vmul.f32 v5, v1  }
0x2d6: {  	v3 =	vld.idx.msk [tilespmem:v3+s15+$0x0], $0xffff;
	v4 =	vmul.f32 v4, v2  }
0x2d7: {  	v13 =	vld [tilespmem:s11+$0x40];
	[tilespmem:s11+$0xFFFFFF00] =	vst v5;
	v5 =	vmul.f32 v6, v1  }
0x2d8: {  	v6 =	vld [tilespmem:s11+$0xFFFFFF70];
	[tilespmem:s11+$0x70] =	vst v4;
	v4 =	vmul.f32 v7, v1  }
0x2d9: {  	v7 =	vld [tilespmem:s11+$0xFFFFFF80];
	[tilespmem:s11+$0xFFFFFF10] =	vst v5;
	v5 =	vmul.f32 v8, v1  }
0x2da: {  	v8 =	vld [tilespmem:s11+$0xFFFFFF90];
	[tilespmem:s11+$0xFFFFFF20] =	vst v4;
	v4 =	vmul.f32 v9, v1  }
0x2db: {  	v9 =	vld [tilespmem:s11+$0xFFFFFFA0];
	[tilespmem:s11+$0xFFFFFF30] =	vst v5;
	v5 =	vmul.f32 v10, v1  }
0x2dc: {  	v10 =	vld [tilespmem:s11+$0xFFFFFFB0];
	[tilespmem:s11+$0xFFFFFF40] =	vst v4;
	v4 =	vmul.f32 v11, v1  }
0x2dd: {  	v11 =	vld [tilespmem:s11+$0xFFFFFFC0];
	v6 =	vmul.f32 v6, v1;
	[tilespmem:s11+$0xFFFFFF50] =	vst v5  }
0x2de: {  	v5 =	vmul.f32 v7, v3;
	v7 =	vld [tilespmem:s11+$0xFFFFFFD0];
	[tilespmem:s11+$0xFFFFFF60] =	vst v4  }
0x2df: {  	s31 =	simm.s32 $0x3;
	v4 =	vld [tilespmem:s11+$0xFFFFFFE0];
	v8 =	vmul.f32 v8, v3;
	[tilespmem:s11+$0xFFFFFF70] =	vst v6  }
0x2e0: {  	v12 =	vmov s31;
	v6 =	vld [tilespmem:s11+$0xFFFFFFF0];
	[tilespmem:s11+$0xFFFFFF80] =	vst v5;
	v5 =	vmul.f32 v9, v3  }
0x2e1: {  	v9 =	vld [tilespmem:s11+$0x0];
	[tilespmem:s11+$0xFFFFFF90] =	vst v8;
	v8 =	vmul.f32 v10, v3  }
0x2e2: {  	v10 =	vld [tilespmem:s11+$0x10];
	[tilespmem:s11+$0xFFFFFFA0] =	vst v5;
	v5 =	vmul.f32 v11, v3  }
0x2e3: {  	[tilespmem:s11+$0xFFFFFFB0] =	vst v8;
	v7 =	vmul.f32 v7, v3;
	v8 =	vld [tilespmem:s11+$0x20]  }
0x2e4: {  	v11 =	vld [tilespmem:s11+$0x30];
	v4 =	vmul.f32 v4, v3;
	[tilespmem:s11+$0xFFFFFFC0] =	vst v5  }
0x2e5: {  	v1 =	vld.idx.msk [tilespmem:v12+s15+$0x0], $0xffff;
	v3 =	vmul.f32 v6, v3;
	[tilespmem:s11+$0xFFFFFFD0] =	vst v7  }
0x2e6: {  	[tilespmem:s11+$0xFFFFFFE0] =	vst v4;
	v5 =	vmul.f32 v9, v2;
	v4 =	vld [tilespmem:s11+$0x50]  }
0x2e7: {  	s16 =	simm.s32 $0x4;
	[tilespmem:s11+$0xFFFFFFF0] =	vst v3;
	v6 =	vmul.f32 v10, v2;
	v3 =	vld [tilespmem:s11+$0x60]  }
0x2e8: {  	s20 =	simm.s32 $0x7;
	v7 =	vmov s16;
	[tilespmem:s11+$0x0] =	vst v5;
	v9 =	vmul.f32 v8, v2;
	v8 =	vld [tilespmem:s11+$0x80]  }
0x2e9: {  	s31 =	simm.s32 $0x5;
	v12 =	vand.u32 $0xFFFFFFFC, v7;
	v7 =	vld [tilespmem:s11+$0x90];
	v5 =	vmov s20;
	v10 =	vmul.f32 v11, v2;
	[tilespmem:s11+$0x10] =	vst v6  }
0x2ea: {  	s13 =	simm.s32 $0x3200;
	s16 =	simm.s32 $0x8;
	s20 =	simm.s32 $0x6;
	v11 =	vmul.f32 v13, v2;
	v6 =	vbroadcast v12, $0x0;
	v12 =	vmov s31;
	[tilespmem:s11+$0x20] =	vst v9;
	v9 =	vld [tilespmem:s11+$0xA0]  }
.LBB2_13:
0x2eb: {  	p1 =	slt.u32 s16, $0x4C;
	v12 =	vand.u32 $0xFFFFFFFD, v12;
	v13 =	vmov s20;
	[tilespmem:s11+$0x30] =	vst v10;
	v4 =	vmul.f32 v4, v2;
	v10 =	vld [tilespmem:s11+$0xB0]  }
0x2ec: {  	v12 =	vbroadcast v12, $0x0;
	v13 =	vand.u32 $0xFFFFFFFE, v13;
	[tilespmem:s11+$0x40] =	vst v11;
	v2 =	vmul.f32 v3, v2;
	v3 =	vld [tilespmem:s11+$0xC0]  }
0x2ed: {  	v11 =	vbroadcast v13, $0x0;
	[tilespmem:s11+$0x50] =	vst v4;
	v4 =	vmul.f32 v8, v1;
	v8 =	vld [tilespmem:s11+$0xD0]  }
0x2ee: {  	[tilespmem:s11+$0x60] =	vst v2;
	v2 =	vmul.f32 v7, v1;
	v7 =	vld [tilespmem:s11+$0xE0]  }
0x2ef: {  	[tilespmem:s11+$0x80] =	vst v4;
	v4 =	vmul.f32 v9, v1;
	v9 =	vld [tilespmem:s11+$0xF0]  }
0x2f0: {  	v5 =	vld.idx.msk [tilespmem:v5+s15+$0x0], $0xffff;
	[tilespmem:s11+$0x90] =	vst v2;
	v2 =	vmul.f32 v10, v1  }
0x2f1: {  	v6 =	vld.idx.msk [tilespmem:v6+s15+$0x0], $0xffff;
	[tilespmem:s11+$0xA0] =	vst v4;
	v3 =	vmul.f32 v3, v1  }
0x2f2: {  	v4 =	vld.idx.msk [tilespmem:v12+s15+$0x0], $0xffff;
	[tilespmem:s11+$0xB0] =	vst v2;
	v8 =	vmul.f32 v8, v1  }
0x2f3: {  	s11 =	sadd.s32 $0x200, s11;
	v2 =	vld.idx.msk [tilespmem:v11+s15+$0x0], $0xffff;
	[tilespmem:s13+$0xC0] =	vst v3;
	v3 =	vmul.f32 v7, v1  }
0x2f4: {  	v7 =	vld [tilespmem:s11+$0x70];
	[tilespmem:s13+$0xD0] =	vst v8;
	v9 =	vmul.f32 v9, v1  }
0x2f5: {  	v8 =	vld [tilespmem:s11+$0xFFFFFF00];
	[tilespmem:s13+$0xE0] =	vst v3  }
0x2f6: {  	v1 =	vmov v5;
	v3 =	vld [tilespmem:s11+$0xFFFFFF10];
	[tilespmem:s13+$0xF0] =	vst v9;
	s13 =	smov.u32 s11  }
0x2f7: {  	v5 =	vld [tilespmem:s11+$0xFFFFFF20]  }
0x2f8: {  	v9 =	vld [tilespmem:s11+$0xFFFFFF30]  }
0x2f9: {  	v10 =	vld [tilespmem:s11+$0xFFFFFF40];
	v7 =	vmul.f32 v7, v2  }
0x2fa: {  	v8 =	vmul.f32 v8, v6;
	v11 =	vld [tilespmem:s11+$0xFFFFFF50]  }
0x2fb: {  	v3 =	vmul.f32 v3, v6;
	v12 =	vld [tilespmem:s11+$0xFFFFFF60];
	[tilespmem:s11+$0x70] =	vst v7  }
0x2fc: {  	[tilespmem:s11+$0xFFFFFF00] =	vst v8;
	v5 =	vmul.f32 v5, v6;
	v7 =	vld [tilespmem:s11+$0xFFFFFF70]  }
0x2fd: {  	[tilespmem:s11+$0xFFFFFF10] =	vst v3;
	v3 =	vmul.f32 v9, v6;
	v8 =	vld [tilespmem:s11+$0xFFFFFF80]  }
0x2fe: {  	[tilespmem:s11+$0xFFFFFF20] =	vst v5;
	v5 =	vmul.f32 v10, v6;
	v9 =	vld [tilespmem:s11+$0xFFFFFF90]  }
0x2ff: {  	[tilespmem:s11+$0xFFFFFF30] =	vst v3;
	v3 =	vmul.f32 v11, v6;
	v10 =	vld [tilespmem:s11+$0xFFFFFFA0]  }
0x300: {  	[tilespmem:s11+$0xFFFFFF40] =	vst v5;
	v5 =	vmul.f32 v12, v6;
	v11 =	vld [tilespmem:s11+$0xFFFFFFB0]  }
0x301: {  	[tilespmem:s11+$0xFFFFFF50] =	vst v3;
	v3 =	vmul.f32 v7, v6;
	v6 =	vld [tilespmem:s11+$0xFFFFFFC0]  }
0x302: {  	[tilespmem:s11+$0xFFFFFF60] =	vst v5;
	v5 =	vmul.f32 v8, v4;
	v7 =	vld [tilespmem:s11+$0xFFFFFFD0]  }
0x303: {  	[tilespmem:s11+$0xFFFFFF70] =	vst v3;
	v3 =	vmul.f32 v9, v4;
	v8 =	vld [tilespmem:s11+$0xFFFFFFE0]  }
0x304: {  	[tilespmem:s11+$0xFFFFFF80] =	vst v5;
	v5 =	vmul.f32 v10, v4;
	v9 =	vld [tilespmem:s11+$0xFFFFFFF0]  }
0x305: {  	[tilespmem:s11+$0xFFFFFF90] =	vst v3;
	v3 =	vmul.f32 v11, v4;
	v10 =	vld [tilespmem:s11+$0x0]  }
0x306: {  	[tilespmem:s11+$0xFFFFFFA0] =	vst v5;
	v5 =	vmul.f32 v6, v4;
	v6 =	vld [tilespmem:s11+$0x10]  }
0x307: {  	[tilespmem:s11+$0xFFFFFFB0] =	vst v3;
	v3 =	vmul.f32 v7, v4;
	v7 =	vld [tilespmem:s11+$0x20]  }
0x308: {  	[tilespmem:s11+$0xFFFFFFC0] =	vst v5;
	v5 =	vmul.f32 v8, v4;
	v11 =	vld [tilespmem:s11+$0x30]  }
0x309: {  	[tilespmem:s11+$0xFFFFFFD0] =	vst v3;
	v3 =	vmul.f32 v9, v4;
	v9 =	vld [tilespmem:s11+$0x40]  }
.Ltmp5:
0x30a: {  	[tilespmem:s11+$0xFFFFFFE0] =	vst v5;
	v5 =	vmul.f32 v10, v2;
	v4 =	vld [tilespmem:s11+$0x50];
	(pc) =	sbr.rel @p1 .LBB2_13-.Ltmp5, $4  }
0x30b: {  	[tilespmem:s11+$0xFFFFFFF0] =	vst v3;
	v6 =	vmul.f32 v6, v2;
	v3 =	vld [tilespmem:s11+$0x60]  }
0x30c: {  	s20 =	sadd.s32 $0x3, s16;
	v10 =	vmov s16;
	[tilespmem:s11+$0x0] =	vst v5;
	v13 =	vmul.f32 v7, v2;
	v8 =	vld [tilespmem:s11+$0x80]  }
0x30d: {  	s31 =	sadd.s32 $0x1, s16;
	v12 =	vand.u32 $0xFFFFFFFC, v10;
	v5 =	vmov s20;
	[tilespmem:s11+$0x10] =	vst v6;
	v10 =	vmul.f32 v11, v2;
	v7 =	vld [tilespmem:s11+$0x90]  }
0x30e: {  	s20 =	sadd.s32 $0x2, s16;
	s16 =	sadd.s32 $0x4, s16;
	v6 =	vbroadcast v12, $0x0;
	v12 =	vmov s31;
	[tilespmem:s11+$0x20] =	vst v13;
	v11 =	vmul.f32 v9, v2;
	v9 =	vld [tilespmem:s11+$0xA0]  }
0x30f: {  	v13 =	vld [tilespmem:s11+$0xB0]  }
0x310: {  	v15 =	vld [tilespmem:s11+$0xC0]  }
0x311: {  	v14 =	vmov s20;
	v16 =	vld [tilespmem:s11+$0xD0]  }
0x312: {  	v17 =	vld [tilespmem:s11+$0xE0];
	[tilespmem:s11+$0x30] =	vst v10;
	v4 =	vmul.f32 v4, v2;
	v14 =	vand.u32 $0xFFFFFFFE, v14  }
0x313: {  	v12 =	vand.u32 $0xFFFFFFFD, v12;
	v5 =	vld.idx.msk [tilespmem:v5+s15+$0x0], $0xffff;
	[tilespmem:s11+$0x40] =	vst v11;
	v2 =	vmul.f32 v3, v2;
	v14 =	vbroadcast v14, $0x0  }
0x314: {  	s16 =	sadd.s32 $0x200, s11;
	v12 =	vbroadcast v12, $0x0;
	v3 =	vld.idx.msk [tilespmem:v6+s15+$0x0], $0xffff;
	v8 =	vmul.f32 v8, v1;
	[tilespmem:s11+$0x50] =	vst v4  }
0x315: {  	v10 =	vld [tilespmem:s16+$0xFFFFFF00];
	v4 =	vmul.f32 v7, v1;
	[tilespmem:s11+$0x60] =	vst v2  }
0x316: {  	[tilespmem:s11+$0x80] =	vst v8;
	v8 =	vld [tilespmem:s11+$0xF0];
	v2 =	vmul.f32 v9, v1  }
0x317: {  	v11 =	vld [tilespmem:s16+$0xFFFFFF10];
	[tilespmem:s11+$0x90] =	vst v4;
	v4 =	vmul.f32 v13, v1  }
0x318: {  	v9 =	vld [tilespmem:s16+$0x70];
	[tilespmem:s11+$0xA0] =	vst v2;
	v2 =	vmul.f32 v15, v1  }
0x319: {  	[tilespmem:s11+$0xB0] =	vst v4;
	v4 =	vmul.f32 v16, v1;
	v7 =	vld.idx.msk [tilespmem:v14+s15+$0x0], $0xffff  }
0x31a: {  	v6 =	vld.idx.msk [tilespmem:v12+s15+$0x0], $0xffff;
	[tilespmem:s13+$0xC0] =	vst v2;
	v2 =	vmul.f32 v17, v1  }
0x31b: {  	v12 =	vld [tilespmem:s16+$0xFFFFFF20];
	[tilespmem:s13+$0xD0] =	vst v4;
	v1 =	vmul.f32 v8, v1  }
0x31c: {  	v4 =	vld [tilespmem:s16+$0xFFFFFF30];
	[tilespmem:s13+$0xE0] =	vst v2  }
0x31d: {  	v2 =	vld [tilespmem:s16+$0xFFFFFF40];
	[tilespmem:s13+$0xF0] =	vst v1;
	v1 =	vmul.f32 v10, v3  }
0x31e: {  	v8 =	vmul.f32 v9, v7;
	v9 =	vld [tilespmem:s16+$0xFFFFFF50]  }
0x31f: {  	v10 =	vmul.f32 v11, v3;
	v11 =	vld [tilespmem:s16+$0xFFFFFF60];
	[tilespmem:s16+$0xFFFFFF00] =	vst v1  }
0x320: {  	v1 =	vmul.f32 v12, v3;
	[tilespmem:s16+$0x70] =	vst v8;
	v8 =	vld [tilespmem:s16+$0xFFFFFF70]  }
0x321: {  	[tilespmem:s16+$0xFFFFFF10] =	vst v10;
	v10 =	vld [tilespmem:s16+$0xFFFFFF80];
	v4 =	vmul.f32 v4, v3  }
0x322: {  	[tilespmem:s16+$0xFFFFFF20] =	vst v1;
	v1 =	vmul.f32 v2, v3;
	v2 =	vld [tilespmem:s16+$0xFFFFFF90]  }
0x323: {  	[tilespmem:s16+$0xFFFFFF30] =	vst v4;
	v4 =	vmul.f32 v9, v3;
	v9 =	vld [tilespmem:s16+$0xFFFFFFA0]  }
0x324: {  	[tilespmem:s16+$0xFFFFFF40] =	vst v1;
	v1 =	vmul.f32 v11, v3;
	v11 =	vld [tilespmem:s16+$0xFFFFFFB0]  }
0x325: {  	[tilespmem:s16+$0xFFFFFF50] =	vst v4;
	v3 =	vmul.f32 v8, v3;
	v4 =	vld [tilespmem:s16+$0xFFFFFFC0]  }
0x326: {  	[tilespmem:s16+$0xFFFFFF60] =	vst v1;
	v1 =	vmul.f32 v10, v6;
	v8 =	vld [tilespmem:s16+$0xFFFFFFD0]  }
0x327: {  	v2 =	vmul.f32 v2, v6;
	[tilespmem:s16+$0xFFFFFF70] =	vst v3;
	v3 =	vld [tilespmem:s16+$0xFFFFFFE0]  }
0x328: {  	[tilespmem:s16+$0xFFFFFF80] =	vst v1;
	v1 =	vmul.f32 v9, v6;
	v9 =	vld [tilespmem:s16+$0xFFFFFFF0]  }
0x329: {  	v10 =	vld [tilespmem:s16+$0x0];
	[tilespmem:s16+$0xFFFFFF90] =	vst v2;
	v2 =	vmul.f32 v11, v6  }
0x32a: {  	[tilespmem:s16+$0xFFFFFFA0] =	vst v1;
	v1 =	vmul.f32 v4, v6;
	v4 =	vld [tilespmem:s16+$0x10]  }
0x32b: {  	[tilespmem:s16+$0xFFFFFFB0] =	vst v2;
	v2 =	vmul.f32 v8, v6;
	v8 =	vld [tilespmem:s16+$0x20]  }
0x32c: {  	[tilespmem:s16+$0xFFFFFFC0] =	vst v1;
	v1 =	vmul.f32 v3, v6;
	v3 =	vld [tilespmem:s16+$0x30]  }
0x32d: {  	[tilespmem:s16+$0xFFFFFFD0] =	vst v2;
	v2 =	vmul.f32 v9, v6;
	v6 =	vld [tilespmem:s16+$0x40]  }
0x32e: {  	v9 =	vld [tilespmem:s16+$0x50];
	[tilespmem:s16+$0xFFFFFFE0] =	vst v1;
	v1 =	vmul.f32 v10, v7  }
0x32f: {  	[tilespmem:s16+$0xFFFFFFF0] =	vst v2;
	v2 =	vmul.f32 v4, v7;
	v4 =	vld [tilespmem:s16+$0x60]  }
0x330: {  	[tilespmem:s16+$0x0] =	vst v1;
	v1 =	vmul.f32 v8, v7;
	v8 =	vld [tilespmem:s16+$0x80]  }
0x331: {  	[tilespmem:s16+$0x10] =	vst v2;
	v2 =	vmul.f32 v3, v7;
	v3 =	vld [tilespmem:s16+$0x90]  }
0x332: {  	[tilespmem:s16+$0x20] =	vst v1;
	v1 =	vmul.f32 v6, v7;
	v6 =	vld [tilespmem:s16+$0xA0]  }
0x333: {  	[tilespmem:s16+$0x30] =	vst v2;
	v2 =	vmul.f32 v9, v7;
	v9 =	vld [tilespmem:s16+$0xB0]  }
0x334: {  	[tilespmem:s16+$0x40] =	vst v1;
	v1 =	vmul.f32 v4, v7;
	v4 =	vld [tilespmem:s16+$0xC0]  }
0x335: {  	v7 =	vld [tilespmem:s16+$0xD0];
	[tilespmem:s16+$0x50] =	vst v2;
	v2 =	vmul.f32 v8, v5  }
0x336: {  	[tilespmem:s16+$0x60] =	vst v1;
	v1 =	vmul.f32 v3, v5;
	v3 =	vld [tilespmem:s16+$0xE0]  }
0x337: {  	[tilespmem:s16+$0x80] =	vst v2;
	v2 =	vmul.f32 v6, v5;
	v6 =	vld [tilespmem:s16+$0xF0]  }
0x338: {  	[tilespmem:s16+$0x90] =	vst v1;
	v1 =	vmul.f32 v9, v5  }
0x339: {  	[tilespmem:s16+$0xA0] =	vst v2;
	v2 =	vmul.f32 v4, v5  }
0x33a: {  	[tilespmem:s16+$0xB0] =	vst v1;
	v1 =	vmul.f32 v7, v5  }
0x33b: {  	[tilespmem:s16+$0xC0] =	vst v2;
	v2 =	vmul.f32 v3, v5  }
0x33c: {  	[tilespmem:s16+$0xD0] =	vst v1;
	v1 =	vmul.f32 v6, v5  }
0x33d: {  	[tilespmem:s16+$0xE0] =	vst v2  }
0x33e: {  	[tilespmem:s16+$0xF0] =	vst v1  }
0x33f: {  	_ =	swait.ge [sflag:s23], $0x50  }
0x340: {  	[sflag:s23] =	ssyncset.done $0x0  }
0x341: {  	[sflag:s23] =	ssyncadd.s32 $0xFFFFFFB0  }
0x342: {  	[spmem:s5] =	stream.indirect.scatter.add.f32 [tilespmem:s29], [sflag:$0x17], $0x80, s4, s17, $0xb8;
	[tilespmem:$0x1B980] =	vst v63  }
0x343: {  	_ =	swait.ge [sflag:s28], $0x2800  }
0x344: {  	s20 =	rddreg [dreg:$0x1d]  }
0x345: {  	s11 =	sadd.s32 s26, s20  }
0x346: {  	s16 =	simm.s32 $0x0;
	[sflag:s28] =	ssyncset.done $0x0;
	s11 =	sshrl.u32 s11, $0x3  }
0x347: {  	s4 =	simm.s32 $0x180;
	[sflag:s28] =	ssyncadd.s32 $0xFFFFD800;
	s31 =	sadd.s32 s7, s11  }
0x348: {  	[tilespmem:s4], [sflag:$0x4] =	stream.linear.gather [hbm4b:s31+s16], $0x50, $0x38;
	[tilespmem:$0x1B980] =	vst v63  }
0x349: {  	s31 =	sadd.s32 s2, s11;
	s4 =	simm.s32 $0x480  }
0x34a: {  	[tilespmem:s4], [sflag:$0xA] =	stream.linear.gather [hbm4b:s31+s16], $0x50, $0x38;
	[tilespmem:$0x1B980] =	vst v63  }
0x34b: {  	s11 =	sadd.s32 s3, s11  }
0x34c: {  	[tilespmem:s12], [sflag:$0x10] =	stream.linear.gather [hbm4b:s11+s16], $0x50, $0x38;
	[tilespmem:$0x1B980] =	vst v63  }
0x34d: {  	s11 =	simm.s32 $0x1  }
0x34e: {  	_ =	swait.ge [sflag:s11], $0x50  }
0x34f: {  	[sflag:s11] =	ssyncset.done $0x0  }
0x350: {  	s13 =	simm.s32 $0x2;
	v1 =	vmov s16;
	[sflag:s11] =	ssyncadd.s32 $0xFFFFFFB0  }
0x351: {  	v2 =	vmov s13;
	v1 =	vand.u32 $0xFFFFFFFC, v1;
	[tilespmem:s18], [sflag:$0x13] =	stream.indirect.gather [hbm4b:s0+s17], $0x80, s16, s17, $0xb8;
	[tilespmem:$0x1B980] =	vst v63  }
0x352: {  	v2 =	vand.u32 $0xFFFFFFFE, v2;
	v1 =	vbroadcast v1, $0x0;
	_ =	swait.ge [sflag:s10], $0x2800  }
0x353: {  	v2 =	vbroadcast v2, $0x0;
	[sflag:s10] =	ssyncset.done $0x0  }
0x354: {  	s20 =	simm.s32 $0x12;
	[sflag:s10] =	ssyncadd.s32 $0xFFFFD800  }
0x355: {  	_ =	swait.ge [sflag:s20], $0x50  }
0x356: {  	[sflag:s20] =	ssyncset.done $0x0  }
0x357: {  	[sflag:s20] =	ssyncadd.s32 $0xFFFFFFB0  }
0x358: {  	v1 =	vld.idx.msk [tilespmem:v1+s8+$0x0], $0xffff  }
0x359: {  	s31 =	simm.s32 $0x1;
	s11 =	simm.s32 $0x5A00;
	v2 =	vld.idx.msk [tilespmem:v2+s8+$0x0], $0xffff  }
0x35a: {  	v3 =	vmov s31;
	v4 =	vld [tilespmem:s11+$0x70]  }
0x35b: {  	v3 =	vand.u32 $0xFFFFFFFD, v3;
	v5 =	vld [tilespmem:s11+$0xFFFFFF00]  }
0x35c: {  	v3 =	vbroadcast v3, $0x0;
	v6 =	vld [tilespmem:s11+$0xFFFFFF10]  }
0x35d: {  	v7 =	vld [tilespmem:s11+$0xFFFFFF20]  }
0x35e: {  	v8 =	vld [tilespmem:s11+$0xFFFFFF30]  }
0x35f: {  	v9 =	vld [tilespmem:s11+$0xFFFFFF40]  }
0x360: {  	v10 =	vld [tilespmem:s11+$0xFFFFFF50]  }
0x361: {  	v11 =	vld [tilespmem:s11+$0xFFFFFF60];
	v5 =	vmul.f32 v5, v1  }
0x362: {  	v3 =	vld.idx.msk [tilespmem:v3+s8+$0x0], $0xffff;
	v4 =	vmul.f32 v4, v2  }
0x363: {  	v13 =	vld [tilespmem:s11+$0x40];
	[tilespmem:s11+$0xFFFFFF00] =	vst v5;
	v5 =	vmul.f32 v6, v1  }
0x364: {  	v6 =	vld [tilespmem:s11+$0xFFFFFF70];
	[tilespmem:s11+$0x70] =	vst v4;
	v4 =	vmul.f32 v7, v1  }
0x365: {  	v7 =	vld [tilespmem:s11+$0xFFFFFF80];
	[tilespmem:s11+$0xFFFFFF10] =	vst v5;
	v5 =	vmul.f32 v8, v1  }
0x366: {  	v8 =	vld [tilespmem:s11+$0xFFFFFF90];
	[tilespmem:s11+$0xFFFFFF20] =	vst v4;
	v4 =	vmul.f32 v9, v1  }
0x367: {  	v9 =	vld [tilespmem:s11+$0xFFFFFFA0];
	[tilespmem:s11+$0xFFFFFF30] =	vst v5;
	v5 =	vmul.f32 v10, v1  }
0x368: {  	v10 =	vld [tilespmem:s11+$0xFFFFFFB0];
	[tilespmem:s11+$0xFFFFFF40] =	vst v4;
	v4 =	vmul.f32 v11, v1  }
0x369: {  	v11 =	vld [tilespmem:s11+$0xFFFFFFC0];
	v6 =	vmul.f32 v6, v1;
	[tilespmem:s11+$0xFFFFFF50] =	vst v5  }
0x36a: {  	v5 =	vmul.f32 v7, v3;
	v7 =	vld [tilespmem:s11+$0xFFFFFFD0];
	[tilespmem:s11+$0xFFFFFF60] =	vst v4  }
0x36b: {  	s4 =	simm.s32 $0x3;
	v4 =	vld [tilespmem:s11+$0xFFFFFFE0];
	v8 =	vmul.f32 v8, v3;
	[tilespmem:s11+$0xFFFFFF70] =	vst v6  }
0x36c: {  	v12 =	vmov s4;
	v6 =	vld [tilespmem:s11+$0xFFFFFFF0];
	[tilespmem:s11+$0xFFFFFF80] =	vst v5;
	v5 =	vmul.f32 v9, v3  }
0x36d: {  	v9 =	vld [tilespmem:s11+$0x0];
	[tilespmem:s11+$0xFFFFFF90] =	vst v8;
	v8 =	vmul.f32 v10, v3  }
0x36e: {  	v10 =	vld [tilespmem:s11+$0x10];
	[tilespmem:s11+$0xFFFFFFA0] =	vst v5;
	v5 =	vmul.f32 v11, v3  }
0x36f: {  	[tilespmem:s11+$0xFFFFFFB0] =	vst v8;
	v7 =	vmul.f32 v7, v3;
	v8 =	vld [tilespmem:s11+$0x20]  }
0x370: {  	v11 =	vld [tilespmem:s11+$0x30];
	v4 =	vmul.f32 v4, v3;
	[tilespmem:s11+$0xFFFFFFC0] =	vst v5  }
0x371: {  	v1 =	vld.idx.msk [tilespmem:v12+s8+$0x0], $0xffff;
	v3 =	vmul.f32 v6, v3;
	[tilespmem:s11+$0xFFFFFFD0] =	vst v7  }
0x372: {  	[tilespmem:s11+$0xFFFFFFE0] =	vst v4;
	v5 =	vmul.f32 v9, v2;
	v4 =	vld [tilespmem:s11+$0x50]  }
0x373: {  	s16 =	simm.s32 $0x4;
	[tilespmem:s11+$0xFFFFFFF0] =	vst v3;
	v6 =	vmul.f32 v10, v2;
	v3 =	vld [tilespmem:s11+$0x60]  }
0x374: {  	s20 =	simm.s32 $0x7;
	v7 =	vmov s16;
	[tilespmem:s11+$0x0] =	vst v5;
	v9 =	vmul.f32 v8, v2;
	v8 =	vld [tilespmem:s11+$0x80]  }
0x375: {  	s31 =	simm.s32 $0x5;
	v12 =	vand.u32 $0xFFFFFFFC, v7;
	v7 =	vld [tilespmem:s11+$0x90];
	v5 =	vmov s20;
	v10 =	vmul.f32 v11, v2;
	[tilespmem:s11+$0x10] =	vst v6  }
0x376: {  	s13 =	simm.s32 $0x5A00;
	s16 =	simm.s32 $0x8;
	s20 =	simm.s32 $0x6;
	v11 =	vmul.f32 v13, v2;
	v6 =	vbroadcast v12, $0x0;
	v12 =	vmov s31;
	[tilespmem:s11+$0x20] =	vst v9;
	v9 =	vld [tilespmem:s11+$0xA0]  }
.LBB2_15:
0x377: {  	p1 =	slt.u32 s16, $0x4C;
	v12 =	vand.u32 $0xFFFFFFFD, v12;
	v13 =	vmov s20;
	[tilespmem:s11+$0x30] =	vst v10;
	v4 =	vmul.f32 v4, v2;
	v10 =	vld [tilespmem:s11+$0xB0]  }
0x378: {  	v12 =	vbroadcast v12, $0x0;
	v13 =	vand.u32 $0xFFFFFFFE, v13;
	[tilespmem:s11+$0x40] =	vst v11;
	v2 =	vmul.f32 v3, v2;
	v3 =	vld [tilespmem:s11+$0xC0]  }
0x379: {  	v11 =	vbroadcast v13, $0x0;
	[tilespmem:s11+$0x50] =	vst v4;
	v4 =	vmul.f32 v8, v1;
	v8 =	vld [tilespmem:s11+$0xD0]  }
0x37a: {  	[tilespmem:s11+$0x60] =	vst v2;
	v2 =	vmul.f32 v7, v1;
	v7 =	vld [tilespmem:s11+$0xE0]  }
0x37b: {  	[tilespmem:s11+$0x80] =	vst v4;
	v4 =	vmul.f32 v9, v1;
	v9 =	vld [tilespmem:s11+$0xF0]  }
0x37c: {  	v5 =	vld.idx.msk [tilespmem:v5+s8+$0x0], $0xffff;
	[tilespmem:s11+$0x90] =	vst v2;
	v2 =	vmul.f32 v10, v1  }
0x37d: {  	v6 =	vld.idx.msk [tilespmem:v6+s8+$0x0], $0xffff;
	[tilespmem:s11+$0xA0] =	vst v4;
	v3 =	vmul.f32 v3, v1  }
0x37e: {  	v4 =	vld.idx.msk [tilespmem:v12+s8+$0x0], $0xffff;
	[tilespmem:s11+$0xB0] =	vst v2;
	v8 =	vmul.f32 v8, v1  }
0x37f: {  	s11 =	sadd.s32 $0x200, s11;
	v2 =	vld.idx.msk [tilespmem:v11+s8+$0x0], $0xffff;
	[tilespmem:s13+$0xC0] =	vst v3;
	v3 =	vmul.f32 v7, v1  }
0x380: {  	v7 =	vld [tilespmem:s11+$0x70];
	[tilespmem:s13+$0xD0] =	vst v8;
	v9 =	vmul.f32 v9, v1  }
0x381: {  	v8 =	vld [tilespmem:s11+$0xFFFFFF00];
	[tilespmem:s13+$0xE0] =	vst v3  }
0x382: {  	v1 =	vmov v5;
	v3 =	vld [tilespmem:s11+$0xFFFFFF10];
	[tilespmem:s13+$0xF0] =	vst v9;
	s13 =	smov.u32 s11  }
0x383: {  	v5 =	vld [tilespmem:s11+$0xFFFFFF20]  }
0x384: {  	v9 =	vld [tilespmem:s11+$0xFFFFFF30]  }
0x385: {  	v10 =	vld [tilespmem:s11+$0xFFFFFF40];
	v7 =	vmul.f32 v7, v2  }
0x386: {  	v8 =	vmul.f32 v8, v6;
	v11 =	vld [tilespmem:s11+$0xFFFFFF50]  }
0x387: {  	v3 =	vmul.f32 v3, v6;
	v12 =	vld [tilespmem:s11+$0xFFFFFF60];
	[tilespmem:s11+$0x70] =	vst v7  }
0x388: {  	[tilespmem:s11+$0xFFFFFF00] =	vst v8;
	v5 =	vmul.f32 v5, v6;
	v7 =	vld [tilespmem:s11+$0xFFFFFF70]  }
0x389: {  	[tilespmem:s11+$0xFFFFFF10] =	vst v3;
	v3 =	vmul.f32 v9, v6;
	v8 =	vld [tilespmem:s11+$0xFFFFFF80]  }
0x38a: {  	[tilespmem:s11+$0xFFFFFF20] =	vst v5;
	v5 =	vmul.f32 v10, v6;
	v9 =	vld [tilespmem:s11+$0xFFFFFF90]  }
0x38b: {  	[tilespmem:s11+$0xFFFFFF30] =	vst v3;
	v3 =	vmul.f32 v11, v6;
	v10 =	vld [tilespmem:s11+$0xFFFFFFA0]  }
0x38c: {  	[tilespmem:s11+$0xFFFFFF40] =	vst v5;
	v5 =	vmul.f32 v12, v6;
	v11 =	vld [tilespmem:s11+$0xFFFFFFB0]  }
0x38d: {  	[tilespmem:s11+$0xFFFFFF50] =	vst v3;
	v3 =	vmul.f32 v7, v6;
	v6 =	vld [tilespmem:s11+$0xFFFFFFC0]  }
0x38e: {  	[tilespmem:s11+$0xFFFFFF60] =	vst v5;
	v5 =	vmul.f32 v8, v4;
	v7 =	vld [tilespmem:s11+$0xFFFFFFD0]  }
0x38f: {  	[tilespmem:s11+$0xFFFFFF70] =	vst v3;
	v3 =	vmul.f32 v9, v4;
	v8 =	vld [tilespmem:s11+$0xFFFFFFE0]  }
0x390: {  	[tilespmem:s11+$0xFFFFFF80] =	vst v5;
	v5 =	vmul.f32 v10, v4;
	v9 =	vld [tilespmem:s11+$0xFFFFFFF0]  }
0x391: {  	[tilespmem:s11+$0xFFFFFF90] =	vst v3;
	v3 =	vmul.f32 v11, v4;
	v10 =	vld [tilespmem:s11+$0x0]  }
0x392: {  	[tilespmem:s11+$0xFFFFFFA0] =	vst v5;
	v5 =	vmul.f32 v6, v4;
	v6 =	vld [tilespmem:s11+$0x10]  }
0x393: {  	[tilespmem:s11+$0xFFFFFFB0] =	vst v3;
	v3 =	vmul.f32 v7, v4;
	v7 =	vld [tilespmem:s11+$0x20]  }
0x394: {  	[tilespmem:s11+$0xFFFFFFC0] =	vst v5;
	v5 =	vmul.f32 v8, v4;
	v11 =	vld [tilespmem:s11+$0x30]  }
0x395: {  	[tilespmem:s11+$0xFFFFFFD0] =	vst v3;
	v3 =	vmul.f32 v9, v4;
	v9 =	vld [tilespmem:s11+$0x40]  }
.Ltmp6:
0x396: {  	[tilespmem:s11+$0xFFFFFFE0] =	vst v5;
	v5 =	vmul.f32 v10, v2;
	v4 =	vld [tilespmem:s11+$0x50];
	(pc) =	sbr.rel @p1 .LBB2_15-.Ltmp6, $4  }
0x397: {  	[tilespmem:s11+$0xFFFFFFF0] =	vst v3;
	v6 =	vmul.f32 v6, v2;
	v3 =	vld [tilespmem:s11+$0x60]  }
0x398: {  	s20 =	sadd.s32 $0x3, s16;
	v10 =	vmov s16;
	[tilespmem:s11+$0x0] =	vst v5;
	v13 =	vmul.f32 v7, v2;
	v8 =	vld [tilespmem:s11+$0x80]  }
0x399: {  	s31 =	sadd.s32 $0x1, s16;
	v12 =	vand.u32 $0xFFFFFFFC, v10;
	v5 =	vmov s20;
	[tilespmem:s11+$0x10] =	vst v6;
	v10 =	vmul.f32 v11, v2;
	v7 =	vld [tilespmem:s11+$0x90]  }
0x39a: {  	s20 =	sadd.s32 $0x2, s16;
	s16 =	sadd.s32 $0x4, s16;
	v6 =	vbroadcast v12, $0x0;
	v12 =	vmov s31;
	[tilespmem:s11+$0x20] =	vst v13;
	v11 =	vmul.f32 v9, v2;
	v9 =	vld [tilespmem:s11+$0xA0]  }
0x39b: {  	v13 =	vld [tilespmem:s11+$0xB0]  }
0x39c: {  	v15 =	vld [tilespmem:s11+$0xC0]  }
0x39d: {  	v16 =	vld [tilespmem:s11+$0xD0]  }
0x39e: {  	v17 =	vld [tilespmem:s11+$0xE0]  }
0x39f: {  	v29 =	vld [tilespmem:s11+$0xF0];
	[tilespmem:s11+$0x30] =	vst v10;
	v4 =	vmul.f32 v4, v2  }
0x3a0: {  	v5 =	vld.idx.msk [tilespmem:v5+s8+$0x0], $0xffff;
	[tilespmem:s11+$0x40] =	vst v11;
	v2 =	vmul.f32 v3, v2  }
0x3a1: {  	s16 =	sadd.s32 $0x200, s11;
	v3 =	vld.idx.msk [tilespmem:v6+s8+$0x0], $0xffff;
	v8 =	vmul.f32 v8, v1;
	[tilespmem:s11+$0x50] =	vst v4  }
0x3a2: {  	v14 =	vmov s20;
	v34 =	vld [tilespmem:s16+$0x70];
	v30 =	vmul.f32 v7, v1;
	[tilespmem:s11+$0x60] =	vst v2  }
0x3a3: {  	v14 =	vand.u32 $0xFFFFFFFE, v14;
	v35 =	vld [tilespmem:s16+$0xFFFFFF00];
	[tilespmem:s11+$0x80] =	vst v8;
	v2 =	vmul.f32 v9, v1  }
0x3a4: {  	v37 =	vld [tilespmem:s16+$0xFFFFFF10];
	v14 =	vbroadcast v14, $0x0;
	[tilespmem:s11+$0x90] =	vst v30;
	v33 =	vmul.f32 v13, v1  }
0x3a5: {  	v38 =	vld [tilespmem:s16+$0xFFFFFF20];
	[tilespmem:s11+$0xA0] =	vst v2;
	v2 =	vmul.f32 v15, v1  }
0x3a6: {  	v12 =	vand.u32 $0xFFFFFFFD, v12;
	v39 =	vld [tilespmem:s16+$0xFFFFFF30];
	v36 =	vmul.f32 v16, v1;
	[tilespmem:s11+$0xB0] =	vst v33  }
0x3a7: {  	v12 =	vbroadcast v12, $0x0;
	v41 =	vld [tilespmem:s16+$0xFFFFFF50];
	[tilespmem:s13+$0xC0] =	vst v2;
	v2 =	vmul.f32 v17, v1  }
0x3a8: {  	v43 =	vld [tilespmem:s16+$0xFFFFFF60];
	[tilespmem:s13+$0xD0] =	vst v36;
	v1 =	vmul.f32 v29, v1  }
0x3a9: {  	v42 =	vmul.f32 v37, v3;
	[tilespmem:s13+$0xE0] =	vst v2;
	v2 =	vld [tilespmem:s16+$0xFFFFFF40]  }
0x3aa: {  	v32 =	vld.idx.msk [tilespmem:v14+s8+$0x0], $0xffff;
	[tilespmem:s13+$0xF0] =	vst v1;
	v1 =	vmul.f32 v35, v3  }
0x3ab: {  	v44 =	vld [tilespmem:s16+$0xFFFFFF70];
	v4 =	vmul.f32 v39, v3;
	[tilespmem:s16+$0xFFFFFF10] =	vst v42  }
0x3ac: {  	v45 =	vld [tilespmem:s16+$0xFFFFFF80];
	[tilespmem:s16+$0xFFFFFF00] =	vst v1;
	v1 =	vmul.f32 v38, v3  }
0x3ad: {  	v46 =	vmul.f32 v41, v3;
	v31 =	vld.idx.msk [tilespmem:v12+s8+$0x0], $0xffff;
	[tilespmem:s16+$0xFFFFFF30] =	vst v4  }
0x3ae: {  	[tilespmem:s16+$0xFFFFFF20] =	vst v1;
	v1 =	vmul.f32 v2, v3;
	v2 =	vld [tilespmem:s16+$0xFFFFFF90]  }
0x3af: {  	v47 =	vld [tilespmem:s16+$0xFFFFFFA0];
	[tilespmem:s16+$0xFFFFFF50] =	vst v46;
	v40 =	vmul.f32 v34, v32  }
0x3b0: {  	v48 =	vld [tilespmem:s16+$0xFFFFFFB0];
	[tilespmem:s16+$0xFFFFFF40] =	vst v1;
	v1 =	vmul.f32 v43, v3  }
0x3b1: {  	v49 =	vld [tilespmem:s16+$0xFFFFFFC0];
	[tilespmem:s16+$0x70] =	vst v40;
	v3 =	vmul.f32 v44, v3  }
0x3b2: {  	v50 =	vld [tilespmem:s16+$0xFFFFFFD0];
	[tilespmem:s16+$0xFFFFFF60] =	vst v1;
	v1 =	vmul.f32 v45, v31  }
0x3b3: {  	[tilespmem:s16+$0xFFFFFF70] =	vst v3;
	v3 =	vld [tilespmem:s16+$0xFFFFFFE0];
	v2 =	vmul.f32 v2, v31  }
0x3b4: {  	v51 =	vld [tilespmem:s16+$0xFFFFFFF0];
	[tilespmem:s16+$0xFFFFFF80] =	vst v1;
	v1 =	vmul.f32 v47, v31  }
0x3b5: {  	v52 =	vld [tilespmem:s16+$0x0];
	[tilespmem:s16+$0xFFFFFF90] =	vst v2;
	v2 =	vmul.f32 v48, v31  }
0x3b6: {  	v53 =	vld [tilespmem:s16+$0x10];
	[tilespmem:s16+$0xFFFFFFA0] =	vst v1;
	v1 =	vmul.f32 v49, v31  }
0x3b7: {  	v54 =	vld [tilespmem:s16+$0x20];
	[tilespmem:s16+$0xFFFFFFB0] =	vst v2;
	v2 =	vmul.f32 v50, v31  }
0x3b8: {  	[tilespmem:s16+$0xFFFFFFC0] =	vst v1;
	v1 =	vmul.f32 v3, v31;
	v3 =	vld [tilespmem:s16+$0x30]  }
0x3b9: {  	v55 =	vld [tilespmem:s16+$0x40];
	[tilespmem:s16+$0xFFFFFFD0] =	vst v2;
	v2 =	vmul.f32 v51, v31  }
0x3ba: {  	v56 =	vld [tilespmem:s16+$0x50];
	[tilespmem:s16+$0xFFFFFFE0] =	vst v1;
	v1 =	vmul.f32 v52, v32  }
0x3bb: {  	v57 =	vld [tilespmem:s16+$0x60];
	[tilespmem:s16+$0xFFFFFFF0] =	vst v2;
	v2 =	vmul.f32 v53, v32  }
0x3bc: {  	v58 =	vld [tilespmem:s16+$0x80];
	[tilespmem:s16+$0x0] =	vst v1;
	v1 =	vmul.f32 v54, v32  }
0x3bd: {  	[tilespmem:s16+$0x10] =	vst v2;
	v2 =	vmul.f32 v3, v32;
	v3 =	vld [tilespmem:s16+$0x90]  }
0x3be: {  	v59 =	vld [tilespmem:s16+$0xA0];
	[tilespmem:s16+$0x20] =	vst v1;
	v1 =	vmul.f32 v55, v32  }
0x3bf: {  	v60 =	vld [tilespmem:s16+$0xB0];
	[tilespmem:s16+$0x30] =	vst v2;
	v2 =	vmul.f32 v56, v32  }
0x3c0: {  	v61 =	vld [tilespmem:s16+$0xC0];
	[tilespmem:s16+$0x40] =	vst v1;
	v1 =	vmul.f32 v57, v32  }
0x3c1: {  	v62 =	vld [tilespmem:s16+$0xD0];
	[tilespmem:s16+$0x50] =	vst v2;
	v2 =	vmul.f32 v58, v5  }
0x3c2: {  	[tilespmem:s16+$0x60] =	vst v1;
	v1 =	vmul.f32 v3, v5;
	v3 =	vld [tilespmem:s16+$0xE0]  }
0x3c3: {  	v63 =	vld [tilespmem:s16+$0xF0];
	[tilespmem:s16+$0x80] =	vst v2;
	v2 =	vmul.f32 v59, v5  }
0x3c4: {  	[tilespmem:s16+$0x90] =	vst v1;
	v1 =	vmul.f32 v60, v5  }
0x3c5: {  	[tilespmem:s16+$0xA0] =	vst v2;
	v2 =	vmul.f32 v61, v5  }
0x3c6: {  	[tilespmem:s16+$0xB0] =	vst v1;
	v1 =	vmul.f32 v62, v5  }
0x3c7: {  	[tilespmem:s16+$0xC0] =	vst v2;
	v2 =	vmul.f32 v3, v5  }
0x3c8: {  	[tilespmem:s16+$0xD0] =	vst v1;
	v1 =	vmul.f32 v63, v5  }
0x3c9: {  	[tilespmem:s16+$0xE0] =	vst v2  }
0x3ca: {  	s4 =	simm.s32 $0xC;
	[tilespmem:s16+$0xF0] =	vst v1  }
0x3cb: {  	_ =	swait.ge [sflag:s4], $0x50  }
0x3cc: {  	[sflag:s4] =	ssyncset.done $0x0  }
0x3cd: {  	s13 =	simm.s32 $0x580;
	[sflag:s4] =	ssyncadd.s32 $0xFFFFFFB0  }
0x3ce: {  	[spmem:s5] =	stream.indirect.scatter.add.f32 [tilespmem:s19], [sflag:$0x18], $0x80, s13, s17, $0xb8;
	[tilespmem:$0x1B980] =	vst v63  }
0x3cf: {  	_ =	swait.ge [sflag:s14], $0x2800  }
0x3d0: {  	s16 =	rddreg [dreg:$0x1e]  }
0x3d1: {  	s11 =	sadd.s32 s26, s16  }
0x3d2: {  	[sflag:s14] =	ssyncset.done $0x0;
	s11 =	sshrl.u32 s11, $0x3  }
0x3d3: {  	[sflag:s14] =	ssyncadd.s32 $0xFFFFD800;
	s26 =	simm.s32 $0x200;
	s20 =	sadd.s32 s7, s11  }
0x3d4: {  	[tilespmem:s26], [sflag:$0x5] =	stream.linear.gather [hbm4b:s20+s6], $0x50, $0x38;
	[tilespmem:$0x1B980] =	vst v63  }
0x3d5: {  	s25 =	sadd.s32 $0x1, s25;
	s4 =	sadd.s32 s2, s11;
	s26 =	simm.s32 $0x500  }
0x3d6: {  	[tilespmem:s26], [sflag:$0xB] =	stream.linear.gather [hbm4b:s4+s6], $0x50, $0x38;
	[tilespmem:$0x1B980] =	vst v63  }
0x3d7: {  	p1 =	sne.s32 s25, $0x14;
	s11 =	sadd.s32 s3, s11  }
0x3d8: {  	[tilespmem:s15], [sflag:$0x11] =	stream.linear.gather [hbm4b:s11+s6], $0x50, $0x38;
	[tilespmem:$0x1B980] =	vst v63  }
.Ltmp7:
0x3d9: {  	s16 =	simm.s32 $0x2;
	(pc) =	sbr.rel @p1 .LBB2_4-.Ltmp7, $4  }
0x3da: {  	_ =	swait.ge [sflag:s16], $0x50  }
0x3db: {  	[sflag:s16] =	ssyncset.done $0x0  }
0x3dc: {  	s31 =	simm.s32 $0x300;
	s20 =	simm.s32 $0x80;
	[sflag:s16] =	ssyncadd.s32 $0xFFFFFFB0  }
0x3dd: {  	[tilespmem:s29], [sflag:$0x14] =	stream.indirect.gather [hbm4b:s0+s17], $0x80, s20, s17, $0xb8;
	[tilespmem:$0x1B980] =	vst v63  }
0x3de: {  	_ =	swait.ge [sflag:s30], $0x2800  }
0x3df: {  	s11 =	simm.s32 $0x0;
	[sflag:s30] =	ssyncset.done $0x0  }
0x3e0: {  	s13 =	simm.s32 $0x2;
	s4 =	simm.s32 $0xD;
	v1 =	vmov s11;
	[sflag:s30] =	ssyncadd.s32 $0xFFFFD800  }
0x3e1: {  	v2 =	vmov s13;
	v1 =	vand.u32 $0xFFFFFFFC, v1;
	_ =	swait.ge [sflag:s4], $0x50  }
0x3e2: {  	v2 =	vand.u32 $0xFFFFFFFE, v2;
	v1 =	vbroadcast v1, $0x0;
	[sflag:s4] =	ssyncset.done $0x0  }
0x3e3: {  	s11 =	simm.s32 $0xA00;
	v2 =	vbroadcast v2, $0x0;
	[sflag:s4] =	ssyncadd.s32 $0xFFFFFFB0  }
0x3e4: {  	v4 =	vld [tilespmem:s11+$0x70]  }
0x3e5: {  	v5 =	vld [tilespmem:s11+$0xFFFFFF00]  }
0x3e6: {  	s13 =	simm.s32 $0x1;
	v6 =	vld [tilespmem:s11+$0xFFFFFF10]  }
0x3e7: {  	v3 =	vmov s13;
	v7 =	vld [tilespmem:s11+$0xFFFFFF20]  }
0x3e8: {  	v3 =	vand.u32 $0xFFFFFFFD, v3;
	v1 =	vld.idx.msk [tilespmem:v1+s21+$0x0], $0xffff  }
0x3e9: {  	v3 =	vbroadcast v3, $0x0;
	v2 =	vld.idx.msk [tilespmem:v2+s21+$0x0], $0xffff  }
0x3ea: {  	v8 =	vld [tilespmem:s11+$0xFFFFFF30]  }
0x3eb: {  	v9 =	vld [tilespmem:s11+$0xFFFFFF40]  }
0x3ec: {  	v10 =	vld [tilespmem:s11+$0xFFFFFF50]  }
0x3ed: {  	v11 =	vld [tilespmem:s11+$0xFFFFFF60];
	v5 =	vmul.f32 v5, v1  }
0x3ee: {  	v13 =	vld [tilespmem:s11+$0x40];
	v4 =	vmul.f32 v4, v2  }
0x3ef: {  	v3 =	vld.idx.msk [tilespmem:v3+s21+$0x0], $0xffff;
	[tilespmem:s11+$0xFFFFFF00] =	vst v5;
	v5 =	vmul.f32 v6, v1  }
0x3f0: {  	v6 =	vld [tilespmem:s11+$0xFFFFFF70];
	[tilespmem:s11+$0x70] =	vst v4;
	v4 =	vmul.f32 v7, v1  }
0x3f1: {  	v7 =	vld [tilespmem:s11+$0xFFFFFF80];
	[tilespmem:s11+$0xFFFFFF10] =	vst v5;
	v5 =	vmul.f32 v8, v1  }
0x3f2: {  	v8 =	vld [tilespmem:s11+$0xFFFFFF90];
	[tilespmem:s11+$0xFFFFFF20] =	vst v4;
	v4 =	vmul.f32 v9, v1  }
0x3f3: {  	v9 =	vld [tilespmem:s11+$0xFFFFFFA0];
	[tilespmem:s11+$0xFFFFFF30] =	vst v5;
	v5 =	vmul.f32 v10, v1  }
0x3f4: {  	v10 =	vld [tilespmem:s11+$0xFFFFFFB0];
	[tilespmem:s11+$0xFFFFFF40] =	vst v4;
	v4 =	vmul.f32 v11, v1  }
0x3f5: {  	v11 =	vld [tilespmem:s11+$0xFFFFFFC0];
	v6 =	vmul.f32 v6, v1;
	[tilespmem:s11+$0xFFFFFF50] =	vst v5  }
0x3f6: {  	v5 =	vmul.f32 v7, v3;
	v7 =	vld [tilespmem:s11+$0xFFFFFFD0];
	[tilespmem:s11+$0xFFFFFF60] =	vst v4  }
0x3f7: {  	s16 =	simm.s32 $0x3;
	v4 =	vld [tilespmem:s11+$0xFFFFFFE0];
	v8 =	vmul.f32 v8, v3;
	[tilespmem:s11+$0xFFFFFF70] =	vst v6  }
0x3f8: {  	v12 =	vmov s16;
	v6 =	vld [tilespmem:s11+$0xFFFFFFF0];
	[tilespmem:s11+$0xFFFFFF80] =	vst v5;
	v5 =	vmul.f32 v9, v3  }
0x3f9: {  	v9 =	vld [tilespmem:s11+$0x0];
	[tilespmem:s11+$0xFFFFFF90] =	vst v8;
	v8 =	vmul.f32 v10, v3  }
0x3fa: {  	v10 =	vld [tilespmem:s11+$0x10];
	[tilespmem:s11+$0xFFFFFFA0] =	vst v5;
	v5 =	vmul.f32 v11, v3  }
0x3fb: {  	[tilespmem:s11+$0xFFFFFFB0] =	vst v8;
	v7 =	vmul.f32 v7, v3;
	v8 =	vld [tilespmem:s11+$0x20]  }
0x3fc: {  	v11 =	vld [tilespmem:s11+$0x30];
	v4 =	vmul.f32 v4, v3;
	[tilespmem:s11+$0xFFFFFFC0] =	vst v5  }
0x3fd: {  	v1 =	vld.idx.msk [tilespmem:v12+s21+$0x0], $0xffff;
	v3 =	vmul.f32 v6, v3;
	[tilespmem:s11+$0xFFFFFFD0] =	vst v7  }
0x3fe: {  	[tilespmem:s11+$0xFFFFFFE0] =	vst v4;
	v5 =	vmul.f32 v9, v2;
	v4 =	vld [tilespmem:s11+$0x50]  }
0x3ff: {  	s20 =	simm.s32 $0x4;
	[tilespmem:s11+$0xFFFFFFF0] =	vst v3;
	v6 =	vmul.f32 v10, v2;
	v3 =	vld [tilespmem:s11+$0x60]  }
0x400: {  	s25 =	simm.s32 $0x7;
	v7 =	vmov s20;
	[tilespmem:s11+$0x0] =	vst v5;
	v9 =	vmul.f32 v8, v2;
	v8 =	vld [tilespmem:s11+$0x80]  }
0x401: {  	s16 =	simm.s32 $0x5;
	v12 =	vand.u32 $0xFFFFFFFC, v7;
	v7 =	vld [tilespmem:s11+$0x90];
	v5 =	vmov s25;
	v10 =	vmul.f32 v11, v2;
	[tilespmem:s11+$0x10] =	vst v6  }
0x402: {  	s13 =	simm.s32 $0xA00;
	s20 =	simm.s32 $0x6;
	v11 =	vmul.f32 v13, v2;
	v6 =	vbroadcast v12, $0x0;
	v12 =	vmov s16;
	s16 =	simm.s32 $0x8;
	[tilespmem:s11+$0x20] =	vst v9;
	v9 =	vld [tilespmem:s11+$0xA0]  }
.LBB2_18:
0x403: {  	p1 =	slt.u32 s16, $0x4C;
	v12 =	vand.u32 $0xFFFFFFFD, v12;
	v13 =	vmov s20;
	[tilespmem:s11+$0x30] =	vst v10;
	v4 =	vmul.f32 v4, v2;
	v10 =	vld [tilespmem:s11+$0xB0]  }
0x404: {  	v12 =	vbroadcast v12, $0x0;
	v13 =	vand.u32 $0xFFFFFFFE, v13;
	[tilespmem:s11+$0x40] =	vst v11;
	v2 =	vmul.f32 v3, v2;
	v3 =	vld [tilespmem:s11+$0xC0]  }
0x405: {  	v11 =	vbroadcast v13, $0x0;
	[tilespmem:s11+$0x50] =	vst v4;
	v4 =	vmul.f32 v8, v1;
	v8 =	vld [tilespmem:s11+$0xD0]  }
0x406: {  	[tilespmem:s11+$0x60] =	vst v2;
	v2 =	vmul.f32 v7, v1;
	v7 =	vld [tilespmem:s11+$0xE0]  }
0x407: {  	[tilespmem:s11+$0x80] =	vst v4;
	v4 =	vmul.f32 v9, v1;
	v9 =	vld [tilespmem:s11+$0xF0]  }
0x408: {  	v5 =	vld.idx.msk [tilespmem:v5+s21+$0x0], $0xffff;
	[tilespmem:s11+$0x90] =	vst v2;
	v2 =	vmul.f32 v10, v1  }
0x409: {  	v6 =	vld.idx.msk [tilespmem:v6+s21+$0x0], $0xffff;
	[tilespmem:s11+$0xA0] =	vst v4;
	v3 =	vmul.f32 v3, v1  }
0x40a: {  	v4 =	vld.idx.msk [tilespmem:v12+s21+$0x0], $0xffff;
	[tilespmem:s11+$0xB0] =	vst v2;
	v8 =	vmul.f32 v8, v1  }
0x40b: {  	s11 =	sadd.s32 $0x200, s11;
	v2 =	vld.idx.msk [tilespmem:v11+s21+$0x0], $0xffff;
	[tilespmem:s13+$0xC0] =	vst v3;
	v3 =	vmul.f32 v7, v1  }
0x40c: {  	v7 =	vld [tilespmem:s11+$0x70];
	[tilespmem:s13+$0xD0] =	vst v8;
	v9 =	vmul.f32 v9, v1  }
0x40d: {  	v8 =	vld [tilespmem:s11+$0xFFFFFF00];
	[tilespmem:s13+$0xE0] =	vst v3  }
0x40e: {  	v1 =	vmov v5;
	v3 =	vld [tilespmem:s11+$0xFFFFFF10];
	[tilespmem:s13+$0xF0] =	vst v9;
	s13 =	smov.u32 s11  }
0x40f: {  	v5 =	vld [tilespmem:s11+$0xFFFFFF20]  }
0x410: {  	v9 =	vld [tilespmem:s11+$0xFFFFFF30]  }
0x411: {  	v10 =	vld [tilespmem:s11+$0xFFFFFF40];
	v7 =	vmul.f32 v7, v2  }
0x412: {  	v8 =	vmul.f32 v8, v6;
	v11 =	vld [tilespmem:s11+$0xFFFFFF50]  }
0x413: {  	v3 =	vmul.f32 v3, v6;
	v12 =	vld [tilespmem:s11+$0xFFFFFF60];
	[tilespmem:s11+$0x70] =	vst v7  }
0x414: {  	[tilespmem:s11+$0xFFFFFF00] =	vst v8;
	v5 =	vmul.f32 v5, v6;
	v7 =	vld [tilespmem:s11+$0xFFFFFF70]  }
0x415: {  	[tilespmem:s11+$0xFFFFFF10] =	vst v3;
	v3 =	vmul.f32 v9, v6;
	v8 =	vld [tilespmem:s11+$0xFFFFFF80]  }
0x416: {  	[tilespmem:s11+$0xFFFFFF20] =	vst v5;
	v5 =	vmul.f32 v10, v6;
	v9 =	vld [tilespmem:s11+$0xFFFFFF90]  }
0x417: {  	[tilespmem:s11+$0xFFFFFF30] =	vst v3;
	v3 =	vmul.f32 v11, v6;
	v10 =	vld [tilespmem:s11+$0xFFFFFFA0]  }
0x418: {  	[tilespmem:s11+$0xFFFFFF40] =	vst v5;
	v5 =	vmul.f32 v12, v6;
	v11 =	vld [tilespmem:s11+$0xFFFFFFB0]  }
0x419: {  	[tilespmem:s11+$0xFFFFFF50] =	vst v3;
	v3 =	vmul.f32 v7, v6;
	v6 =	vld [tilespmem:s11+$0xFFFFFFC0]  }
0x41a: {  	[tilespmem:s11+$0xFFFFFF60] =	vst v5;
	v5 =	vmul.f32 v8, v4;
	v7 =	vld [tilespmem:s11+$0xFFFFFFD0]  }
0x41b: {  	[tilespmem:s11+$0xFFFFFF70] =	vst v3;
	v3 =	vmul.f32 v9, v4;
	v8 =	vld [tilespmem:s11+$0xFFFFFFE0]  }
0x41c: {  	[tilespmem:s11+$0xFFFFFF80] =	vst v5;
	v5 =	vmul.f32 v10, v4;
	v9 =	vld [tilespmem:s11+$0xFFFFFFF0]  }
0x41d: {  	[tilespmem:s11+$0xFFFFFF90] =	vst v3;
	v3 =	vmul.f32 v11, v4;
	v10 =	vld [tilespmem:s11+$0x0]  }
0x41e: {  	[tilespmem:s11+$0xFFFFFFA0] =	vst v5;
	v5 =	vmul.f32 v6, v4;
	v6 =	vld [tilespmem:s11+$0x10]  }
0x41f: {  	[tilespmem:s11+$0xFFFFFFB0] =	vst v3;
	v3 =	vmul.f32 v7, v4;
	v7 =	vld [tilespmem:s11+$0x20]  }
0x420: {  	[tilespmem:s11+$0xFFFFFFC0] =	vst v5;
	v5 =	vmul.f32 v8, v4;
	v11 =	vld [tilespmem:s11+$0x30]  }
0x421: {  	[tilespmem:s11+$0xFFFFFFD0] =	vst v3;
	v3 =	vmul.f32 v9, v4;
	v9 =	vld [tilespmem:s11+$0x40]  }
.Ltmp8:
0x422: {  	[tilespmem:s11+$0xFFFFFFE0] =	vst v5;
	v5 =	vmul.f32 v10, v2;
	v4 =	vld [tilespmem:s11+$0x50];
	(pc) =	sbr.rel @p1 .LBB2_18-.Ltmp8, $4  }
0x423: {  	[tilespmem:s11+$0xFFFFFFF0] =	vst v3;
	v6 =	vmul.f32 v6, v2;
	v3 =	vld [tilespmem:s11+$0x60]  }
0x424: {  	s20 =	sadd.s32 $0x3, s16;
	v10 =	vmov s16;
	[tilespmem:s11+$0x0] =	vst v5;
	v13 =	vmul.f32 v7, v2;
	v8 =	vld [tilespmem:s11+$0x80]  }
0x425: {  	s25 =	sadd.s32 $0x1, s16;
	v12 =	vand.u32 $0xFFFFFFFC, v10;
	v5 =	vmov s20;
	[tilespmem:s11+$0x10] =	vst v6;
	v10 =	vmul.f32 v11, v2;
	v7 =	vld [tilespmem:s11+$0x90]  }
0x426: {  	s20 =	sadd.s32 $0x2, s16;
	s16 =	sadd.s32 $0x4, s16;
	v6 =	vbroadcast v12, $0x0;
	v12 =	vmov s25;
	[tilespmem:s11+$0x20] =	vst v13;
	v11 =	vmul.f32 v9, v2;
	v9 =	vld [tilespmem:s11+$0xA0]  }
0x427: {  	v13 =	vld [tilespmem:s11+$0xB0]  }
0x428: {  	v15 =	vld [tilespmem:s11+$0xC0]  }
0x429: {  	v14 =	vmov s20;
	v16 =	vld [tilespmem:s11+$0xD0]  }
0x42a: {  	v17 =	vld [tilespmem:s11+$0xE0];
	[tilespmem:s11+$0x30] =	vst v10;
	v4 =	vmul.f32 v4, v2;
	v14 =	vand.u32 $0xFFFFFFFE, v14  }
0x42b: {  	v12 =	vand.u32 $0xFFFFFFFD, v12;
	v5 =	vld.idx.msk [tilespmem:v5+s21+$0x0], $0xffff;
	[tilespmem:s11+$0x40] =	vst v11;
	v2 =	vmul.f32 v3, v2;
	v14 =	vbroadcast v14, $0x0  }
0x42c: {  	s16 =	sadd.s32 $0x200, s11;
	v12 =	vbroadcast v12, $0x0;
	v3 =	vld.idx.msk [tilespmem:v6+s21+$0x0], $0xffff;
	v8 =	vmul.f32 v8, v1;
	[tilespmem:s11+$0x50] =	vst v4  }
0x42d: {  	v10 =	vld [tilespmem:s16+$0xFFFFFF00];
	v4 =	vmul.f32 v7, v1;
	[tilespmem:s11+$0x60] =	vst v2  }
0x42e: {  	[tilespmem:s11+$0x80] =	vst v8;
	v8 =	vld [tilespmem:s11+$0xF0];
	v2 =	vmul.f32 v9, v1  }
0x42f: {  	v11 =	vld [tilespmem:s16+$0xFFFFFF10];
	[tilespmem:s11+$0x90] =	vst v4;
	v4 =	vmul.f32 v13, v1  }
0x430: {  	v9 =	vld [tilespmem:s16+$0x70];
	[tilespmem:s11+$0xA0] =	vst v2;
	v2 =	vmul.f32 v15, v1  }
0x431: {  	[tilespmem:s11+$0xB0] =	vst v4;
	v4 =	vmul.f32 v16, v1;
	v7 =	vld.idx.msk [tilespmem:v14+s21+$0x0], $0xffff  }
0x432: {  	v6 =	vld.idx.msk [tilespmem:v12+s21+$0x0], $0xffff;
	[tilespmem:s13+$0xC0] =	vst v2;
	v2 =	vmul.f32 v17, v1  }
0x433: {  	v12 =	vld [tilespmem:s16+$0xFFFFFF20];
	[tilespmem:s13+$0xD0] =	vst v4;
	v1 =	vmul.f32 v8, v1  }
0x434: {  	v4 =	vld [tilespmem:s16+$0xFFFFFF30];
	[tilespmem:s13+$0xE0] =	vst v2  }
0x435: {  	v2 =	vld [tilespmem:s16+$0xFFFFFF40];
	[tilespmem:s13+$0xF0] =	vst v1;
	v1 =	vmul.f32 v10, v3  }
0x436: {  	v8 =	vmul.f32 v9, v7;
	v9 =	vld [tilespmem:s16+$0xFFFFFF50]  }
0x437: {  	v10 =	vmul.f32 v11, v3;
	v11 =	vld [tilespmem:s16+$0xFFFFFF60];
	[tilespmem:s16+$0xFFFFFF00] =	vst v1  }
0x438: {  	v1 =	vmul.f32 v12, v3;
	[tilespmem:s16+$0x70] =	vst v8;
	v8 =	vld [tilespmem:s16+$0xFFFFFF70]  }
0x439: {  	[tilespmem:s16+$0xFFFFFF10] =	vst v10;
	v10 =	vld [tilespmem:s16+$0xFFFFFF80];
	v4 =	vmul.f32 v4, v3  }
0x43a: {  	[tilespmem:s16+$0xFFFFFF20] =	vst v1;
	v1 =	vmul.f32 v2, v3;
	v2 =	vld [tilespmem:s16+$0xFFFFFF90]  }
0x43b: {  	[tilespmem:s16+$0xFFFFFF30] =	vst v4;
	v4 =	vmul.f32 v9, v3;
	v9 =	vld [tilespmem:s16+$0xFFFFFFA0]  }
0x43c: {  	[tilespmem:s16+$0xFFFFFF40] =	vst v1;
	v1 =	vmul.f32 v11, v3;
	v11 =	vld [tilespmem:s16+$0xFFFFFFB0]  }
0x43d: {  	[tilespmem:s16+$0xFFFFFF50] =	vst v4;
	v3 =	vmul.f32 v8, v3;
	v4 =	vld [tilespmem:s16+$0xFFFFFFC0]  }
0x43e: {  	[tilespmem:s16+$0xFFFFFF60] =	vst v1;
	v1 =	vmul.f32 v10, v6;
	v8 =	vld [tilespmem:s16+$0xFFFFFFD0]  }
0x43f: {  	v2 =	vmul.f32 v2, v6;
	[tilespmem:s16+$0xFFFFFF70] =	vst v3;
	v3 =	vld [tilespmem:s16+$0xFFFFFFE0]  }
0x440: {  	[tilespmem:s16+$0xFFFFFF80] =	vst v1;
	v1 =	vmul.f32 v9, v6;
	v9 =	vld [tilespmem:s16+$0xFFFFFFF0]  }
0x441: {  	v10 =	vld [tilespmem:s16+$0x0];
	[tilespmem:s16+$0xFFFFFF90] =	vst v2;
	v2 =	vmul.f32 v11, v6  }
0x442: {  	[tilespmem:s16+$0xFFFFFFA0] =	vst v1;
	v1 =	vmul.f32 v4, v6;
	v4 =	vld [tilespmem:s16+$0x10]  }
0x443: {  	[tilespmem:s16+$0xFFFFFFB0] =	vst v2;
	v2 =	vmul.f32 v8, v6;
	v8 =	vld [tilespmem:s16+$0x20]  }
0x444: {  	[tilespmem:s16+$0xFFFFFFC0] =	vst v1;
	v1 =	vmul.f32 v3, v6;
	v3 =	vld [tilespmem:s16+$0x30]  }
0x445: {  	[tilespmem:s16+$0xFFFFFFD0] =	vst v2;
	v2 =	vmul.f32 v9, v6;
	v6 =	vld [tilespmem:s16+$0x40]  }
0x446: {  	v9 =	vld [tilespmem:s16+$0x50];
	[tilespmem:s16+$0xFFFFFFE0] =	vst v1;
	v1 =	vmul.f32 v10, v7  }
0x447: {  	[tilespmem:s16+$0xFFFFFFF0] =	vst v2;
	v2 =	vmul.f32 v4, v7;
	v4 =	vld [tilespmem:s16+$0x60]  }
0x448: {  	[tilespmem:s16+$0x0] =	vst v1;
	v1 =	vmul.f32 v8, v7;
	v8 =	vld [tilespmem:s16+$0x80]  }
0x449: {  	[tilespmem:s16+$0x10] =	vst v2;
	v2 =	vmul.f32 v3, v7;
	v3 =	vld [tilespmem:s16+$0x90]  }
0x44a: {  	[tilespmem:s16+$0x20] =	vst v1;
	v1 =	vmul.f32 v6, v7;
	v6 =	vld [tilespmem:s16+$0xA0]  }
0x44b: {  	[tilespmem:s16+$0x30] =	vst v2;
	v2 =	vmul.f32 v9, v7;
	v9 =	vld [tilespmem:s16+$0xB0]  }
0x44c: {  	[tilespmem:s16+$0x40] =	vst v1;
	v1 =	vmul.f32 v4, v7;
	v4 =	vld [tilespmem:s16+$0xC0]  }
0x44d: {  	v7 =	vld [tilespmem:s16+$0xD0];
	[tilespmem:s16+$0x50] =	vst v2;
	v2 =	vmul.f32 v8, v5  }
0x44e: {  	[tilespmem:s16+$0x60] =	vst v1;
	v1 =	vmul.f32 v3, v5;
	v3 =	vld [tilespmem:s16+$0xE0]  }
0x44f: {  	[tilespmem:s16+$0x80] =	vst v2;
	v2 =	vmul.f32 v6, v5;
	v6 =	vld [tilespmem:s16+$0xF0]  }
0x450: {  	[tilespmem:s16+$0x90] =	vst v1;
	v1 =	vmul.f32 v9, v5  }
0x451: {  	[tilespmem:s16+$0xA0] =	vst v2;
	v2 =	vmul.f32 v4, v5  }
0x452: {  	[tilespmem:s16+$0xB0] =	vst v1;
	v1 =	vmul.f32 v7, v5  }
0x453: {  	[tilespmem:s16+$0xC0] =	vst v2;
	v2 =	vmul.f32 v3, v5  }
0x454: {  	[tilespmem:s16+$0xD0] =	vst v1;
	v1 =	vmul.f32 v6, v5  }
0x455: {  	[tilespmem:s16+$0xE0] =	vst v2  }
0x456: {  	s4 =	simm.s32 $0x7;
	[tilespmem:s16+$0xF0] =	vst v1  }
0x457: {  	_ =	swait.ge [sflag:s4], $0x50  }
0x458: {  	[sflag:s4] =	ssyncset.done $0x0  }
0x459: {  	[sflag:s4] =	ssyncadd.s32 $0xFFFFFFB0  }
0x45a: {  	[spmem:s5] =	stream.indirect.scatter.add.f32 [tilespmem:s18], [sflag:$0x16], $0x80, s31, s17, $0xb8;
	[tilespmem:$0x1B980] =	vst v63  }
0x45b: {  	_ =	swait.ge [sflag:s1], $0x2800  }
0x45c: {  	[sflag:s1] =	ssyncset.done $0x0  }
0x45d: {  	s20 =	simm.s32 $0x3;
	[sflag:s1] =	ssyncadd.s32 $0xFFFFD800  }
0x45e: {  	_ =	swait.ge [sflag:s20], $0x50  }
0x45f: {  	s25 =	simm.s32 $0x0;
	[sflag:s20] =	ssyncset.done $0x0  }
0x460: {  	v1 =	vmov s25;
	s16 =	simm.s32 $0x100;
	s4 =	simm.s32 $0x2;
	[sflag:s20] =	ssyncadd.s32 $0xFFFFFFB0  }
0x461: {  	v1 =	vand.u32 $0xFFFFFFFC, v1;
	v2 =	vmov s4;
	[tilespmem:s19], [sflag:$0x15] =	stream.indirect.gather [hbm4b:s0+s17], $0x80, s16, s17, $0xb8;
	[tilespmem:$0x1B980] =	vst v63  }
0x462: {  	v1 =	vbroadcast v1, $0x0;
	v2 =	vand.u32 $0xFFFFFFFE, v2;
	_ =	swait.ge [sflag:s22], $0x2800  }
0x463: {  	v2 =	vbroadcast v2, $0x0;
	[sflag:s22] =	ssyncset.done $0x0  }
0x464: {  	s20 =	simm.s32 $0xE;
	[sflag:s22] =	ssyncadd.s32 $0xFFFFD800  }
0x465: {  	_ =	swait.ge [sflag:s20], $0x50  }
0x466: {  	[sflag:s20] =	ssyncset.done $0x0  }
0x467: {  	[sflag:s20] =	ssyncadd.s32 $0xFFFFFFB0  }
0x468: {  	v1 =	vld.idx.msk [tilespmem:v1+s24+$0x0], $0xffff  }
0x469: {  	s11 =	simm.s32 $0x3200;
	s25 =	simm.s32 $0x1;
	v2 =	vld.idx.msk [tilespmem:v2+s24+$0x0], $0xffff  }
0x46a: {  	v3 =	vmov s25;
	v4 =	vld [tilespmem:s11+$0x70]  }
0x46b: {  	v3 =	vand.u32 $0xFFFFFFFD, v3;
	v5 =	vld [tilespmem:s11+$0xFFFFFF00]  }
0x46c: {  	v3 =	vbroadcast v3, $0x0;
	v6 =	vld [tilespmem:s11+$0xFFFFFF10]  }
0x46d: {  	v7 =	vld [tilespmem:s11+$0xFFFFFF20]  }
0x46e: {  	v8 =	vld [tilespmem:s11+$0xFFFFFF30]  }
0x46f: {  	v9 =	vld [tilespmem:s11+$0xFFFFFF40]  }
0x470: {  	v10 =	vld [tilespmem:s11+$0xFFFFFF50]  }
0x471: {  	v11 =	vld [tilespmem:s11+$0xFFFFFF60];
	v5 =	vmul.f32 v5, v1  }
0x472: {  	v3 =	vld.idx.msk [tilespmem:v3+s24+$0x0], $0xffff;
	v4 =	vmul.f32 v4, v2  }
0x473: {  	v13 =	vld [tilespmem:s11+$0x40];
	[tilespmem:s11+$0xFFFFFF00] =	vst v5;
	v5 =	vmul.f32 v6, v1  }
0x474: {  	v6 =	vld [tilespmem:s11+$0xFFFFFF70];
	[tilespmem:s11+$0x70] =	vst v4;
	v4 =	vmul.f32 v7, v1  }
0x475: {  	v7 =	vld [tilespmem:s11+$0xFFFFFF80];
	[tilespmem:s11+$0xFFFFFF10] =	vst v5;
	v5 =	vmul.f32 v8, v1  }
0x476: {  	v8 =	vld [tilespmem:s11+$0xFFFFFF90];
	[tilespmem:s11+$0xFFFFFF20] =	vst v4;
	v4 =	vmul.f32 v9, v1  }
0x477: {  	v9 =	vld [tilespmem:s11+$0xFFFFFFA0];
	[tilespmem:s11+$0xFFFFFF30] =	vst v5;
	v5 =	vmul.f32 v10, v1  }
0x478: {  	v10 =	vld [tilespmem:s11+$0xFFFFFFB0];
	[tilespmem:s11+$0xFFFFFF40] =	vst v4;
	v4 =	vmul.f32 v11, v1  }
0x479: {  	v11 =	vld [tilespmem:s11+$0xFFFFFFC0];
	v6 =	vmul.f32 v6, v1;
	[tilespmem:s11+$0xFFFFFF50] =	vst v5  }
0x47a: {  	v5 =	vmul.f32 v7, v3;
	v7 =	vld [tilespmem:s11+$0xFFFFFFD0];
	[tilespmem:s11+$0xFFFFFF60] =	vst v4  }
0x47b: {  	s4 =	simm.s32 $0x3;
	v4 =	vld [tilespmem:s11+$0xFFFFFFE0];
	v8 =	vmul.f32 v8, v3;
	[tilespmem:s11+$0xFFFFFF70] =	vst v6  }
0x47c: {  	v12 =	vmov s4;
	v6 =	vld [tilespmem:s11+$0xFFFFFFF0];
	[tilespmem:s11+$0xFFFFFF80] =	vst v5;
	v5 =	vmul.f32 v9, v3  }
0x47d: {  	v9 =	vld [tilespmem:s11+$0x0];
	[tilespmem:s11+$0xFFFFFF90] =	vst v8;
	v8 =	vmul.f32 v10, v3  }
0x47e: {  	v10 =	vld [tilespmem:s11+$0x10];
	[tilespmem:s11+$0xFFFFFFA0] =	vst v5;
	v5 =	vmul.f32 v11, v3  }
0x47f: {  	[tilespmem:s11+$0xFFFFFFB0] =	vst v8;
	v7 =	vmul.f32 v7, v3;
	v8 =	vld [tilespmem:s11+$0x20]  }
0x480: {  	v11 =	vld [tilespmem:s11+$0x30];
	v4 =	vmul.f32 v4, v3;
	[tilespmem:s11+$0xFFFFFFC0] =	vst v5  }
0x481: {  	v1 =	vld.idx.msk [tilespmem:v12+s24+$0x0], $0xffff;
	v3 =	vmul.f32 v6, v3;
	[tilespmem:s11+$0xFFFFFFD0] =	vst v7  }
0x482: {  	[tilespmem:s11+$0xFFFFFFE0] =	vst v4;
	v5 =	vmul.f32 v9, v2;
	v4 =	vld [tilespmem:s11+$0x50]  }
0x483: {  	s16 =	simm.s32 $0x4;
	[tilespmem:s11+$0xFFFFFFF0] =	vst v3;
	v6 =	vmul.f32 v10, v2;
	v3 =	vld [tilespmem:s11+$0x60]  }
0x484: {  	s20 =	simm.s32 $0x7;
	v7 =	vmov s16;
	[tilespmem:s11+$0x0] =	vst v5;
	v9 =	vmul.f32 v8, v2;
	v8 =	vld [tilespmem:s11+$0x80]  }
0x485: {  	s25 =	simm.s32 $0x5;
	v12 =	vand.u32 $0xFFFFFFFC, v7;
	v7 =	vld [tilespmem:s11+$0x90];
	v5 =	vmov s20;
	v10 =	vmul.f32 v11, v2;
	[tilespmem:s11+$0x10] =	vst v6  }
0x486: {  	s13 =	simm.s32 $0x3200;
	s16 =	simm.s32 $0x8;
	s20 =	simm.s32 $0x6;
	v11 =	vmul.f32 v13, v2;
	v6 =	vbroadcast v12, $0x0;
	v12 =	vmov s25;
	[tilespmem:s11+$0x20] =	vst v9;
	v9 =	vld [tilespmem:s11+$0xA0]  }
.LBB2_20:
0x487: {  	p1 =	slt.u32 s16, $0x4C;
	v12 =	vand.u32 $0xFFFFFFFD, v12;
	v13 =	vmov s20;
	[tilespmem:s11+$0x30] =	vst v10;
	v4 =	vmul.f32 v4, v2;
	v10 =	vld [tilespmem:s11+$0xB0]  }
0x488: {  	v12 =	vbroadcast v12, $0x0;
	v13 =	vand.u32 $0xFFFFFFFE, v13;
	[tilespmem:s11+$0x40] =	vst v11;
	v2 =	vmul.f32 v3, v2;
	v3 =	vld [tilespmem:s11+$0xC0]  }
0x489: {  	v11 =	vbroadcast v13, $0x0;
	[tilespmem:s11+$0x50] =	vst v4;
	v4 =	vmul.f32 v8, v1;
	v8 =	vld [tilespmem:s11+$0xD0]  }
0x48a: {  	[tilespmem:s11+$0x60] =	vst v2;
	v2 =	vmul.f32 v7, v1;
	v7 =	vld [tilespmem:s11+$0xE0]  }
0x48b: {  	[tilespmem:s11+$0x80] =	vst v4;
	v4 =	vmul.f32 v9, v1;
	v9 =	vld [tilespmem:s11+$0xF0]  }
0x48c: {  	v5 =	vld.idx.msk [tilespmem:v5+s24+$0x0], $0xffff;
	[tilespmem:s11+$0x90] =	vst v2;
	v2 =	vmul.f32 v10, v1  }
0x48d: {  	v6 =	vld.idx.msk [tilespmem:v6+s24+$0x0], $0xffff;
	[tilespmem:s11+$0xA0] =	vst v4;
	v3 =	vmul.f32 v3, v1  }
0x48e: {  	v4 =	vld.idx.msk [tilespmem:v12+s24+$0x0], $0xffff;
	[tilespmem:s11+$0xB0] =	vst v2;
	v8 =	vmul.f32 v8, v1  }
0x48f: {  	s11 =	sadd.s32 $0x200, s11;
	v2 =	vld.idx.msk [tilespmem:v11+s24+$0x0], $0xffff;
	[tilespmem:s13+$0xC0] =	vst v3;
	v3 =	vmul.f32 v7, v1  }
0x490: {  	v7 =	vld [tilespmem:s11+$0x70];
	[tilespmem:s13+$0xD0] =	vst v8;
	v9 =	vmul.f32 v9, v1  }
0x491: {  	v8 =	vld [tilespmem:s11+$0xFFFFFF00];
	[tilespmem:s13+$0xE0] =	vst v3  }
0x492: {  	v1 =	vmov v5;
	v3 =	vld [tilespmem:s11+$0xFFFFFF10];
	[tilespmem:s13+$0xF0] =	vst v9;
	s13 =	smov.u32 s11  }
0x493: {  	v5 =	vld [tilespmem:s11+$0xFFFFFF20]  }
0x494: {  	v9 =	vld [tilespmem:s11+$0xFFFFFF30]  }
0x495: {  	v10 =	vld [tilespmem:s11+$0xFFFFFF40];
	v7 =	vmul.f32 v7, v2  }
0x496: {  	v8 =	vmul.f32 v8, v6;
	v11 =	vld [tilespmem:s11+$0xFFFFFF50]  }
0x497: {  	v3 =	vmul.f32 v3, v6;
	v12 =	vld [tilespmem:s11+$0xFFFFFF60];
	[tilespmem:s11+$0x70] =	vst v7  }
0x498: {  	[tilespmem:s11+$0xFFFFFF00] =	vst v8;
	v5 =	vmul.f32 v5, v6;
	v7 =	vld [tilespmem:s11+$0xFFFFFF70]  }
0x499: {  	[tilespmem:s11+$0xFFFFFF10] =	vst v3;
	v3 =	vmul.f32 v9, v6;
	v8 =	vld [tilespmem:s11+$0xFFFFFF80]  }
0x49a: {  	[tilespmem:s11+$0xFFFFFF20] =	vst v5;
	v5 =	vmul.f32 v10, v6;
	v9 =	vld [tilespmem:s11+$0xFFFFFF90]  }
0x49b: {  	[tilespmem:s11+$0xFFFFFF30] =	vst v3;
	v3 =	vmul.f32 v11, v6;
	v10 =	vld [tilespmem:s11+$0xFFFFFFA0]  }
0x49c: {  	[tilespmem:s11+$0xFFFFFF40] =	vst v5;
	v5 =	vmul.f32 v12, v6;
	v11 =	vld [tilespmem:s11+$0xFFFFFFB0]  }
0x49d: {  	[tilespmem:s11+$0xFFFFFF50] =	vst v3;
	v3 =	vmul.f32 v7, v6;
	v6 =	vld [tilespmem:s11+$0xFFFFFFC0]  }
0x49e: {  	[tilespmem:s11+$0xFFFFFF60] =	vst v5;
	v5 =	vmul.f32 v8, v4;
	v7 =	vld [tilespmem:s11+$0xFFFFFFD0]  }
0x49f: {  	[tilespmem:s11+$0xFFFFFF70] =	vst v3;
	v3 =	vmul.f32 v9, v4;
	v8 =	vld [tilespmem:s11+$0xFFFFFFE0]  }
0x4a0: {  	[tilespmem:s11+$0xFFFFFF80] =	vst v5;
	v5 =	vmul.f32 v10, v4;
	v9 =	vld [tilespmem:s11+$0xFFFFFFF0]  }
0x4a1: {  	[tilespmem:s11+$0xFFFFFF90] =	vst v3;
	v3 =	vmul.f32 v11, v4;
	v10 =	vld [tilespmem:s11+$0x0]  }
0x4a2: {  	[tilespmem:s11+$0xFFFFFFA0] =	vst v5;
	v5 =	vmul.f32 v6, v4;
	v6 =	vld [tilespmem:s11+$0x10]  }
0x4a3: {  	[tilespmem:s11+$0xFFFFFFB0] =	vst v3;
	v3 =	vmul.f32 v7, v4;
	v7 =	vld [tilespmem:s11+$0x20]  }
0x4a4: {  	[tilespmem:s11+$0xFFFFFFC0] =	vst v5;
	v5 =	vmul.f32 v8, v4;
	v11 =	vld [tilespmem:s11+$0x30]  }
0x4a5: {  	[tilespmem:s11+$0xFFFFFFD0] =	vst v3;
	v3 =	vmul.f32 v9, v4;
	v9 =	vld [tilespmem:s11+$0x40]  }
.Ltmp9:
0x4a6: {  	[tilespmem:s11+$0xFFFFFFE0] =	vst v5;
	v5 =	vmul.f32 v10, v2;
	v4 =	vld [tilespmem:s11+$0x50];
	(pc) =	sbr.rel @p1 .LBB2_20-.Ltmp9, $4  }
0x4a7: {  	[tilespmem:s11+$0xFFFFFFF0] =	vst v3;
	v6 =	vmul.f32 v6, v2;
	v3 =	vld [tilespmem:s11+$0x60]  }
0x4a8: {  	s20 =	sadd.s32 $0x3, s16;
	v10 =	vmov s16;
	[tilespmem:s11+$0x0] =	vst v5;
	v13 =	vmul.f32 v7, v2;
	v8 =	vld [tilespmem:s11+$0x80]  }
0x4a9: {  	s25 =	sadd.s32 $0x1, s16;
	v12 =	vand.u32 $0xFFFFFFFC, v10;
	v5 =	vmov s20;
	[tilespmem:s11+$0x10] =	vst v6;
	v10 =	vmul.f32 v11, v2;
	v7 =	vld [tilespmem:s11+$0x90]  }
0x4aa: {  	s20 =	sadd.s32 $0x2, s16;
	s16 =	sadd.s32 $0x4, s16;
	v6 =	vbroadcast v12, $0x0;
	v12 =	vmov s25;
	[tilespmem:s11+$0x20] =	vst v13;
	v11 =	vmul.f32 v9, v2;
	v9 =	vld [tilespmem:s11+$0xA0]  }
0x4ab: {  	v13 =	vld [tilespmem:s11+$0xB0]  }
0x4ac: {  	v15 =	vld [tilespmem:s11+$0xC0]  }
0x4ad: {  	v14 =	vmov s20;
	v16 =	vld [tilespmem:s11+$0xD0]  }
0x4ae: {  	v17 =	vld [tilespmem:s11+$0xE0];
	[tilespmem:s11+$0x30] =	vst v10;
	v4 =	vmul.f32 v4, v2;
	v14 =	vand.u32 $0xFFFFFFFE, v14  }
0x4af: {  	v12 =	vand.u32 $0xFFFFFFFD, v12;
	v5 =	vld.idx.msk [tilespmem:v5+s24+$0x0], $0xffff;
	[tilespmem:s11+$0x40] =	vst v11;
	v2 =	vmul.f32 v3, v2;
	v14 =	vbroadcast v14, $0x0  }
0x4b0: {  	s16 =	sadd.s32 $0x200, s11;
	v12 =	vbroadcast v12, $0x0;
	v3 =	vld.idx.msk [tilespmem:v6+s24+$0x0], $0xffff;
	v8 =	vmul.f32 v8, v1;
	[tilespmem:s11+$0x50] =	vst v4  }
0x4b1: {  	v10 =	vld [tilespmem:s16+$0xFFFFFF00];
	v4 =	vmul.f32 v7, v1;
	[tilespmem:s11+$0x60] =	vst v2  }
0x4b2: {  	[tilespmem:s11+$0x80] =	vst v8;
	v8 =	vld [tilespmem:s11+$0xF0];
	v2 =	vmul.f32 v9, v1  }
0x4b3: {  	v11 =	vld [tilespmem:s16+$0xFFFFFF10];
	[tilespmem:s11+$0x90] =	vst v4;
	v4 =	vmul.f32 v13, v1  }
0x4b4: {  	v9 =	vld [tilespmem:s16+$0x70];
	[tilespmem:s11+$0xA0] =	vst v2;
	v2 =	vmul.f32 v15, v1  }
0x4b5: {  	[tilespmem:s11+$0xB0] =	vst v4;
	v4 =	vmul.f32 v16, v1;
	v7 =	vld.idx.msk [tilespmem:v14+s24+$0x0], $0xffff  }
0x4b6: {  	v6 =	vld.idx.msk [tilespmem:v12+s24+$0x0], $0xffff;
	[tilespmem:s13+$0xC0] =	vst v2;
	v2 =	vmul.f32 v17, v1  }
0x4b7: {  	v12 =	vld [tilespmem:s16+$0xFFFFFF20];
	[tilespmem:s13+$0xD0] =	vst v4;
	v1 =	vmul.f32 v8, v1  }
0x4b8: {  	v4 =	vld [tilespmem:s16+$0xFFFFFF30];
	[tilespmem:s13+$0xE0] =	vst v2  }
0x4b9: {  	v2 =	vld [tilespmem:s16+$0xFFFFFF40];
	[tilespmem:s13+$0xF0] =	vst v1;
	v1 =	vmul.f32 v10, v3  }
0x4ba: {  	v8 =	vmul.f32 v9, v7;
	v9 =	vld [tilespmem:s16+$0xFFFFFF50]  }
0x4bb: {  	v10 =	vmul.f32 v11, v3;
	v11 =	vld [tilespmem:s16+$0xFFFFFF60];
	[tilespmem:s16+$0xFFFFFF00] =	vst v1  }
0x4bc: {  	v1 =	vmul.f32 v12, v3;
	[tilespmem:s16+$0x70] =	vst v8;
	v8 =	vld [tilespmem:s16+$0xFFFFFF70]  }
0x4bd: {  	[tilespmem:s16+$0xFFFFFF10] =	vst v10;
	v10 =	vld [tilespmem:s16+$0xFFFFFF80];
	v4 =	vmul.f32 v4, v3  }
0x4be: {  	[tilespmem:s16+$0xFFFFFF20] =	vst v1;
	v1 =	vmul.f32 v2, v3;
	v2 =	vld [tilespmem:s16+$0xFFFFFF90]  }
0x4bf: {  	[tilespmem:s16+$0xFFFFFF30] =	vst v4;
	v4 =	vmul.f32 v9, v3;
	v9 =	vld [tilespmem:s16+$0xFFFFFFA0]  }
0x4c0: {  	[tilespmem:s16+$0xFFFFFF40] =	vst v1;
	v1 =	vmul.f32 v11, v3;
	v11 =	vld [tilespmem:s16+$0xFFFFFFB0]  }
0x4c1: {  	[tilespmem:s16+$0xFFFFFF50] =	vst v4;
	v3 =	vmul.f32 v8, v3;
	v4 =	vld [tilespmem:s16+$0xFFFFFFC0]  }
0x4c2: {  	[tilespmem:s16+$0xFFFFFF60] =	vst v1;
	v1 =	vmul.f32 v10, v6;
	v8 =	vld [tilespmem:s16+$0xFFFFFFD0]  }
0x4c3: {  	v2 =	vmul.f32 v2, v6;
	[tilespmem:s16+$0xFFFFFF70] =	vst v3;
	v3 =	vld [tilespmem:s16+$0xFFFFFFE0]  }
0x4c4: {  	[tilespmem:s16+$0xFFFFFF80] =	vst v1;
	v1 =	vmul.f32 v9, v6;
	v9 =	vld [tilespmem:s16+$0xFFFFFFF0]  }
0x4c5: {  	v10 =	vld [tilespmem:s16+$0x0];
	[tilespmem:s16+$0xFFFFFF90] =	vst v2;
	v2 =	vmul.f32 v11, v6  }
0x4c6: {  	[tilespmem:s16+$0xFFFFFFA0] =	vst v1;
	v1 =	vmul.f32 v4, v6;
	v4 =	vld [tilespmem:s16+$0x10]  }
0x4c7: {  	[tilespmem:s16+$0xFFFFFFB0] =	vst v2;
	v2 =	vmul.f32 v8, v6;
	v8 =	vld [tilespmem:s16+$0x20]  }
0x4c8: {  	[tilespmem:s16+$0xFFFFFFC0] =	vst v1;
	v1 =	vmul.f32 v3, v6;
	v3 =	vld [tilespmem:s16+$0x30]  }
0x4c9: {  	[tilespmem:s16+$0xFFFFFFD0] =	vst v2;
	v2 =	vmul.f32 v9, v6;
	v6 =	vld [tilespmem:s16+$0x40]  }
0x4ca: {  	v9 =	vld [tilespmem:s16+$0x50];
	[tilespmem:s16+$0xFFFFFFE0] =	vst v1;
	v1 =	vmul.f32 v10, v7  }
0x4cb: {  	[tilespmem:s16+$0xFFFFFFF0] =	vst v2;
	v2 =	vmul.f32 v4, v7;
	v4 =	vld [tilespmem:s16+$0x60]  }
0x4cc: {  	[tilespmem:s16+$0x0] =	vst v1;
	v1 =	vmul.f32 v8, v7;
	v8 =	vld [tilespmem:s16+$0x80]  }
0x4cd: {  	[tilespmem:s16+$0x10] =	vst v2;
	v2 =	vmul.f32 v3, v7;
	v3 =	vld [tilespmem:s16+$0x90]  }
0x4ce: {  	[tilespmem:s16+$0x20] =	vst v1;
	v1 =	vmul.f32 v6, v7;
	v6 =	vld [tilespmem:s16+$0xA0]  }
0x4cf: {  	[tilespmem:s16+$0x30] =	vst v2;
	v2 =	vmul.f32 v9, v7;
	v9 =	vld [tilespmem:s16+$0xB0]  }
0x4d0: {  	[tilespmem:s16+$0x40] =	vst v1;
	v1 =	vmul.f32 v4, v7;
	v4 =	vld [tilespmem:s16+$0xC0]  }
0x4d1: {  	v7 =	vld [tilespmem:s16+$0xD0];
	[tilespmem:s16+$0x50] =	vst v2;
	v2 =	vmul.f32 v8, v5  }
0x4d2: {  	[tilespmem:s16+$0x60] =	vst v1;
	v1 =	vmul.f32 v3, v5;
	v3 =	vld [tilespmem:s16+$0xE0]  }
0x4d3: {  	[tilespmem:s16+$0x80] =	vst v2;
	v2 =	vmul.f32 v6, v5;
	v6 =	vld [tilespmem:s16+$0xF0]  }
0x4d4: {  	[tilespmem:s16+$0x90] =	vst v1;
	v1 =	vmul.f32 v9, v5  }
0x4d5: {  	[tilespmem:s16+$0xA0] =	vst v2;
	v2 =	vmul.f32 v4, v5  }
0x4d6: {  	[tilespmem:s16+$0xB0] =	vst v1;
	v1 =	vmul.f32 v7, v5  }
0x4d7: {  	[tilespmem:s16+$0xC0] =	vst v2;
	v2 =	vmul.f32 v3, v5  }
0x4d8: {  	[tilespmem:s16+$0xD0] =	vst v1;
	v1 =	vmul.f32 v6, v5  }
0x4d9: {  	[tilespmem:s16+$0xE0] =	vst v2  }
0x4da: {  	s4 =	simm.s32 $0x8;
	[tilespmem:s16+$0xF0] =	vst v1  }
0x4db: {  	_ =	swait.ge [sflag:s4], $0x50  }
0x4dc: {  	[sflag:s4] =	ssyncset.done $0x0  }
0x4dd: {  	s16 =	simm.s32 $0x380;
	[sflag:s4] =	ssyncadd.s32 $0xFFFFFFB0  }
0x4de: {  	[spmem:s5] =	stream.indirect.scatter.add.f32 [tilespmem:s29], [sflag:$0x17], $0x80, s16, s17, $0xb8;
	[tilespmem:$0x1B980] =	vst v63  }
0x4df: {  	_ =	swait.ge [sflag:s28], $0x2800  }
0x4e0: {  	[sflag:s28] =	ssyncset.done $0x0  }
0x4e1: {  	s20 =	simm.s32 $0x4;
	[sflag:s28] =	ssyncadd.s32 $0xFFFFD800  }
0x4e2: {  	_ =	swait.ge [sflag:s20], $0x50  }
0x4e3: {  	s25 =	simm.s32 $0x0;
	[sflag:s20] =	ssyncset.done $0x0  }
0x4e4: {  	v1 =	vmov s25;
	s4 =	simm.s32 $0x2;
	s16 =	simm.s32 $0x180;
	[sflag:s20] =	ssyncadd.s32 $0xFFFFFFB0  }
0x4e5: {  	v1 =	vand.u32 $0xFFFFFFFC, v1;
	v2 =	vmov s4;
	[tilespmem:s18], [sflag:$0x13] =	stream.indirect.gather [hbm4b:s0+s17], $0x80, s16, s17, $0xb8;
	[tilespmem:$0x1B980] =	vst v63  }
0x4e6: {  	v1 =	vbroadcast v1, $0x0;
	v2 =	vand.u32 $0xFFFFFFFE, v2;
	_ =	swait.ge [sflag:s10], $0x2800  }
0x4e7: {  	v2 =	vbroadcast v2, $0x0;
	[sflag:s10] =	ssyncset.done $0x0  }
0x4e8: {  	s20 =	simm.s32 $0xF;
	[sflag:s10] =	ssyncadd.s32 $0xFFFFD800  }
0x4e9: {  	_ =	swait.ge [sflag:s20], $0x50  }
0x4ea: {  	[sflag:s20] =	ssyncset.done $0x0  }
0x4eb: {  	[sflag:s20] =	ssyncadd.s32 $0xFFFFFFB0  }
0x4ec: {  	v1 =	vld.idx.msk [tilespmem:v1+s9+$0x0], $0xffff  }
0x4ed: {  	s11 =	simm.s32 $0x5A00;
	s25 =	simm.s32 $0x1;
	v2 =	vld.idx.msk [tilespmem:v2+s9+$0x0], $0xffff  }
0x4ee: {  	v3 =	vmov s25;
	v4 =	vld [tilespmem:s11+$0x70]  }
0x4ef: {  	v3 =	vand.u32 $0xFFFFFFFD, v3;
	v5 =	vld [tilespmem:s11+$0xFFFFFF00]  }
0x4f0: {  	v3 =	vbroadcast v3, $0x0;
	v6 =	vld [tilespmem:s11+$0xFFFFFF10]  }
0x4f1: {  	v7 =	vld [tilespmem:s11+$0xFFFFFF20]  }
0x4f2: {  	v8 =	vld [tilespmem:s11+$0xFFFFFF30]  }
0x4f3: {  	v9 =	vld [tilespmem:s11+$0xFFFFFF40]  }
0x4f4: {  	v10 =	vld [tilespmem:s11+$0xFFFFFF50]  }
0x4f5: {  	v11 =	vld [tilespmem:s11+$0xFFFFFF60];
	v5 =	vmul.f32 v5, v1  }
0x4f6: {  	v3 =	vld.idx.msk [tilespmem:v3+s9+$0x0], $0xffff;
	v4 =	vmul.f32 v4, v2  }
0x4f7: {  	v13 =	vld [tilespmem:s11+$0x40];
	[tilespmem:s11+$0xFFFFFF00] =	vst v5;
	v5 =	vmul.f32 v6, v1  }
0x4f8: {  	v6 =	vld [tilespmem:s11+$0xFFFFFF70];
	[tilespmem:s11+$0x70] =	vst v4;
	v4 =	vmul.f32 v7, v1  }
0x4f9: {  	v7 =	vld [tilespmem:s11+$0xFFFFFF80];
	[tilespmem:s11+$0xFFFFFF10] =	vst v5;
	v5 =	vmul.f32 v8, v1  }
0x4fa: {  	v8 =	vld [tilespmem:s11+$0xFFFFFF90];
	[tilespmem:s11+$0xFFFFFF20] =	vst v4;
	v4 =	vmul.f32 v9, v1  }
0x4fb: {  	v9 =	vld [tilespmem:s11+$0xFFFFFFA0];
	[tilespmem:s11+$0xFFFFFF30] =	vst v5;
	v5 =	vmul.f32 v10, v1  }
0x4fc: {  	v10 =	vld [tilespmem:s11+$0xFFFFFFB0];
	[tilespmem:s11+$0xFFFFFF40] =	vst v4;
	v4 =	vmul.f32 v11, v1  }
0x4fd: {  	v11 =	vld [tilespmem:s11+$0xFFFFFFC0];
	v6 =	vmul.f32 v6, v1;
	[tilespmem:s11+$0xFFFFFF50] =	vst v5  }
0x4fe: {  	v5 =	vmul.f32 v7, v3;
	v7 =	vld [tilespmem:s11+$0xFFFFFFD0];
	[tilespmem:s11+$0xFFFFFF60] =	vst v4  }
0x4ff: {  	s4 =	simm.s32 $0x3;
	v4 =	vld [tilespmem:s11+$0xFFFFFFE0];
	v8 =	vmul.f32 v8, v3;
	[tilespmem:s11+$0xFFFFFF70] =	vst v6  }
0x500: {  	v12 =	vmov s4;
	v6 =	vld [tilespmem:s11+$0xFFFFFFF0];
	[tilespmem:s11+$0xFFFFFF80] =	vst v5;
	v5 =	vmul.f32 v9, v3  }
0x501: {  	v9 =	vld [tilespmem:s11+$0x0];
	[tilespmem:s11+$0xFFFFFF90] =	vst v8;
	v8 =	vmul.f32 v10, v3  }
0x502: {  	v10 =	vld [tilespmem:s11+$0x10];
	[tilespmem:s11+$0xFFFFFFA0] =	vst v5;
	v5 =	vmul.f32 v11, v3  }
0x503: {  	[tilespmem:s11+$0xFFFFFFB0] =	vst v8;
	v7 =	vmul.f32 v7, v3;
	v8 =	vld [tilespmem:s11+$0x20]  }
0x504: {  	v11 =	vld [tilespmem:s11+$0x30];
	v4 =	vmul.f32 v4, v3;
	[tilespmem:s11+$0xFFFFFFC0] =	vst v5  }
0x505: {  	v1 =	vld.idx.msk [tilespmem:v12+s9+$0x0], $0xffff;
	v3 =	vmul.f32 v6, v3;
	[tilespmem:s11+$0xFFFFFFD0] =	vst v7  }
0x506: {  	[tilespmem:s11+$0xFFFFFFE0] =	vst v4;
	v5 =	vmul.f32 v9, v2;
	v4 =	vld [tilespmem:s11+$0x50]  }
0x507: {  	s16 =	simm.s32 $0x4;
	[tilespmem:s11+$0xFFFFFFF0] =	vst v3;
	v6 =	vmul.f32 v10, v2;
	v3 =	vld [tilespmem:s11+$0x60]  }
0x508: {  	s20 =	simm.s32 $0x7;
	v7 =	vmov s16;
	[tilespmem:s11+$0x0] =	vst v5;
	v9 =	vmul.f32 v8, v2;
	v8 =	vld [tilespmem:s11+$0x80]  }
0x509: {  	s25 =	simm.s32 $0x5;
	v12 =	vand.u32 $0xFFFFFFFC, v7;
	v7 =	vld [tilespmem:s11+$0x90];
	v5 =	vmov s20;
	v10 =	vmul.f32 v11, v2;
	[tilespmem:s11+$0x10] =	vst v6  }
0x50a: {  	s13 =	simm.s32 $0x5A00;
	s16 =	simm.s32 $0x8;
	s20 =	simm.s32 $0x6;
	v11 =	vmul.f32 v13, v2;
	v6 =	vbroadcast v12, $0x0;
	v12 =	vmov s25;
	[tilespmem:s11+$0x20] =	vst v9;
	v9 =	vld [tilespmem:s11+$0xA0]  }
.LBB2_22:
0x50b: {  	p1 =	slt.u32 s16, $0x4C;
	v12 =	vand.u32 $0xFFFFFFFD, v12;
	v13 =	vmov s20;
	[tilespmem:s11+$0x30] =	vst v10;
	v4 =	vmul.f32 v4, v2;
	v10 =	vld [tilespmem:s11+$0xB0]  }
0x50c: {  	v12 =	vbroadcast v12, $0x0;
	v13 =	vand.u32 $0xFFFFFFFE, v13;
	[tilespmem:s11+$0x40] =	vst v11;
	v2 =	vmul.f32 v3, v2;
	v3 =	vld [tilespmem:s11+$0xC0]  }
0x50d: {  	v11 =	vbroadcast v13, $0x0;
	[tilespmem:s11+$0x50] =	vst v4;
	v4 =	vmul.f32 v8, v1;
	v8 =	vld [tilespmem:s11+$0xD0]  }
0x50e: {  	[tilespmem:s11+$0x60] =	vst v2;
	v2 =	vmul.f32 v7, v1;
	v7 =	vld [tilespmem:s11+$0xE0]  }
0x50f: {  	[tilespmem:s11+$0x80] =	vst v4;
	v4 =	vmul.f32 v9, v1;
	v9 =	vld [tilespmem:s11+$0xF0]  }
0x510: {  	v5 =	vld.idx.msk [tilespmem:v5+s9+$0x0], $0xffff;
	[tilespmem:s11+$0x90] =	vst v2;
	v2 =	vmul.f32 v10, v1  }
0x511: {  	v6 =	vld.idx.msk [tilespmem:v6+s9+$0x0], $0xffff;
	[tilespmem:s11+$0xA0] =	vst v4;
	v3 =	vmul.f32 v3, v1  }
0x512: {  	v4 =	vld.idx.msk [tilespmem:v12+s9+$0x0], $0xffff;
	[tilespmem:s11+$0xB0] =	vst v2;
	v8 =	vmul.f32 v8, v1  }
0x513: {  	s11 =	sadd.s32 $0x200, s11;
	v2 =	vld.idx.msk [tilespmem:v11+s9+$0x0], $0xffff;
	[tilespmem:s13+$0xC0] =	vst v3;
	v3 =	vmul.f32 v7, v1  }
0x514: {  	v7 =	vld [tilespmem:s11+$0x70];
	[tilespmem:s13+$0xD0] =	vst v8;
	v9 =	vmul.f32 v9, v1  }
0x515: {  	v8 =	vld [tilespmem:s11+$0xFFFFFF00];
	[tilespmem:s13+$0xE0] =	vst v3  }
0x516: {  	v1 =	vmov v5;
	v3 =	vld [tilespmem:s11+$0xFFFFFF10];
	[tilespmem:s13+$0xF0] =	vst v9;
	s13 =	smov.u32 s11  }
0x517: {  	v5 =	vld [tilespmem:s11+$0xFFFFFF20]  }
0x518: {  	v9 =	vld [tilespmem:s11+$0xFFFFFF30]  }
0x519: {  	v10 =	vld [tilespmem:s11+$0xFFFFFF40];
	v7 =	vmul.f32 v7, v2  }
0x51a: {  	v8 =	vmul.f32 v8, v6;
	v11 =	vld [tilespmem:s11+$0xFFFFFF50]  }
0x51b: {  	v3 =	vmul.f32 v3, v6;
	v12 =	vld [tilespmem:s11+$0xFFFFFF60];
	[tilespmem:s11+$0x70] =	vst v7  }
0x51c: {  	[tilespmem:s11+$0xFFFFFF00] =	vst v8;
	v5 =	vmul.f32 v5, v6;
	v7 =	vld [tilespmem:s11+$0xFFFFFF70]  }
0x51d: {  	[tilespmem:s11+$0xFFFFFF10] =	vst v3;
	v3 =	vmul.f32 v9, v6;
	v8 =	vld [tilespmem:s11+$0xFFFFFF80]  }
0x51e: {  	[tilespmem:s11+$0xFFFFFF20] =	vst v5;
	v5 =	vmul.f32 v10, v6;
	v9 =	vld [tilespmem:s11+$0xFFFFFF90]  }
0x51f: {  	[tilespmem:s11+$0xFFFFFF30] =	vst v3;
	v3 =	vmul.f32 v11, v6;
	v10 =	vld [tilespmem:s11+$0xFFFFFFA0]  }
0x520: {  	[tilespmem:s11+$0xFFFFFF40] =	vst v5;
	v5 =	vmul.f32 v12, v6;
	v11 =	vld [tilespmem:s11+$0xFFFFFFB0]  }
0x521: {  	[tilespmem:s11+$0xFFFFFF50] =	vst v3;
	v3 =	vmul.f32 v7, v6;
	v6 =	vld [tilespmem:s11+$0xFFFFFFC0]  }
0x522: {  	[tilespmem:s11+$0xFFFFFF60] =	vst v5;
	v5 =	vmul.f32 v8, v4;
	v7 =	vld [tilespmem:s11+$0xFFFFFFD0]  }
0x523: {  	[tilespmem:s11+$0xFFFFFF70] =	vst v3;
	v3 =	vmul.f32 v9, v4;
	v8 =	vld [tilespmem:s11+$0xFFFFFFE0]  }
0x524: {  	[tilespmem:s11+$0xFFFFFF80] =	vst v5;
	v5 =	vmul.f32 v10, v4;
	v9 =	vld [tilespmem:s11+$0xFFFFFFF0]  }
0x525: {  	[tilespmem:s11+$0xFFFFFF90] =	vst v3;
	v3 =	vmul.f32 v11, v4;
	v10 =	vld [tilespmem:s11+$0x0]  }
0x526: {  	[tilespmem:s11+$0xFFFFFFA0] =	vst v5;
	v5 =	vmul.f32 v6, v4;
	v6 =	vld [tilespmem:s11+$0x10]  }
0x527: {  	[tilespmem:s11+$0xFFFFFFB0] =	vst v3;
	v3 =	vmul.f32 v7, v4;
	v7 =	vld [tilespmem:s11+$0x20]  }
0x528: {  	[tilespmem:s11+$0xFFFFFFC0] =	vst v5;
	v5 =	vmul.f32 v8, v4;
	v11 =	vld [tilespmem:s11+$0x30]  }
0x529: {  	[tilespmem:s11+$0xFFFFFFD0] =	vst v3;
	v3 =	vmul.f32 v9, v4;
	v9 =	vld [tilespmem:s11+$0x40]  }
.Ltmp10:
0x52a: {  	[tilespmem:s11+$0xFFFFFFE0] =	vst v5;
	v5 =	vmul.f32 v10, v2;
	v4 =	vld [tilespmem:s11+$0x50];
	(pc) =	sbr.rel @p1 .LBB2_22-.Ltmp10, $4  }
0x52b: {  	[tilespmem:s11+$0xFFFFFFF0] =	vst v3;
	v6 =	vmul.f32 v6, v2;
	v3 =	vld [tilespmem:s11+$0x60]  }
0x52c: {  	s20 =	sadd.s32 $0x3, s16;
	v10 =	vmov s16;
	[tilespmem:s11+$0x0] =	vst v5;
	v13 =	vmul.f32 v7, v2;
	v8 =	vld [tilespmem:s11+$0x80]  }
0x52d: {  	s25 =	sadd.s32 $0x1, s16;
	v12 =	vand.u32 $0xFFFFFFFC, v10;
	v5 =	vmov s20;
	[tilespmem:s11+$0x10] =	vst v6;
	v10 =	vmul.f32 v11, v2;
	v7 =	vld [tilespmem:s11+$0x90]  }
0x52e: {  	s20 =	sadd.s32 $0x2, s16;
	s16 =	sadd.s32 $0x4, s16;
	v6 =	vbroadcast v12, $0x0;
	v12 =	vmov s25;
	[tilespmem:s11+$0x20] =	vst v13;
	v11 =	vmul.f32 v9, v2;
	v9 =	vld [tilespmem:s11+$0xA0]  }
0x52f: {  	v13 =	vld [tilespmem:s11+$0xB0]  }
0x530: {  	v15 =	vld [tilespmem:s11+$0xC0]  }
0x531: {  	v14 =	vmov s20;
	v16 =	vld [tilespmem:s11+$0xD0]  }
0x532: {  	v17 =	vld [tilespmem:s11+$0xE0];
	[tilespmem:s11+$0x30] =	vst v10;
	v4 =	vmul.f32 v4, v2;
	v14 =	vand.u32 $0xFFFFFFFE, v14  }
0x533: {  	v12 =	vand.u32 $0xFFFFFFFD, v12;
	v5 =	vld.idx.msk [tilespmem:v5+s9+$0x0], $0xffff;
	[tilespmem:s11+$0x40] =	vst v11;
	v2 =	vmul.f32 v3, v2;
	v14 =	vbroadcast v14, $0x0  }
0x534: {  	s16 =	sadd.s32 $0x200, s11;
	v12 =	vbroadcast v12, $0x0;
	v3 =	vld.idx.msk [tilespmem:v6+s9+$0x0], $0xffff;
	v8 =	vmul.f32 v8, v1;
	[tilespmem:s11+$0x50] =	vst v4  }
0x535: {  	v10 =	vld [tilespmem:s16+$0xFFFFFF00];
	v4 =	vmul.f32 v7, v1;
	[tilespmem:s11+$0x60] =	vst v2  }
0x536: {  	[tilespmem:s11+$0x80] =	vst v8;
	v8 =	vld [tilespmem:s11+$0xF0];
	v2 =	vmul.f32 v9, v1  }
0x537: {  	v11 =	vld [tilespmem:s16+$0xFFFFFF10];
	[tilespmem:s11+$0x90] =	vst v4;
	v4 =	vmul.f32 v13, v1  }
0x538: {  	v9 =	vld [tilespmem:s16+$0x70];
	[tilespmem:s11+$0xA0] =	vst v2;
	v2 =	vmul.f32 v15, v1  }
0x539: {  	[tilespmem:s11+$0xB0] =	vst v4;
	v4 =	vmul.f32 v16, v1;
	v7 =	vld.idx.msk [tilespmem:v14+s9+$0x0], $0xffff  }
0x53a: {  	v6 =	vld.idx.msk [tilespmem:v12+s9+$0x0], $0xffff;
	[tilespmem:s13+$0xC0] =	vst v2;
	v2 =	vmul.f32 v17, v1  }
0x53b: {  	v12 =	vld [tilespmem:s16+$0xFFFFFF20];
	[tilespmem:s13+$0xD0] =	vst v4;
	v1 =	vmul.f32 v8, v1  }
0x53c: {  	v4 =	vld [tilespmem:s16+$0xFFFFFF30];
	[tilespmem:s13+$0xE0] =	vst v2  }
0x53d: {  	v2 =	vld [tilespmem:s16+$0xFFFFFF40];
	[tilespmem:s13+$0xF0] =	vst v1;
	v1 =	vmul.f32 v10, v3  }
0x53e: {  	v8 =	vmul.f32 v9, v7;
	v9 =	vld [tilespmem:s16+$0xFFFFFF50]  }
0x53f: {  	v10 =	vmul.f32 v11, v3;
	v11 =	vld [tilespmem:s16+$0xFFFFFF60];
	[tilespmem:s16+$0xFFFFFF00] =	vst v1  }
0x540: {  	v1 =	vmul.f32 v12, v3;
	[tilespmem:s16+$0x70] =	vst v8;
	v8 =	vld [tilespmem:s16+$0xFFFFFF70]  }
0x541: {  	[tilespmem:s16+$0xFFFFFF10] =	vst v10;
	v10 =	vld [tilespmem:s16+$0xFFFFFF80];
	v4 =	vmul.f32 v4, v3  }
0x542: {  	[tilespmem:s16+$0xFFFFFF20] =	vst v1;
	v1 =	vmul.f32 v2, v3;
	v2 =	vld [tilespmem:s16+$0xFFFFFF90]  }
0x543: {  	[tilespmem:s16+$0xFFFFFF30] =	vst v4;
	v4 =	vmul.f32 v9, v3;
	v9 =	vld [tilespmem:s16+$0xFFFFFFA0]  }
0x544: {  	[tilespmem:s16+$0xFFFFFF40] =	vst v1;
	v1 =	vmul.f32 v11, v3;
	v11 =	vld [tilespmem:s16+$0xFFFFFFB0]  }
0x545: {  	[tilespmem:s16+$0xFFFFFF50] =	vst v4;
	v3 =	vmul.f32 v8, v3;
	v4 =	vld [tilespmem:s16+$0xFFFFFFC0]  }
0x546: {  	[tilespmem:s16+$0xFFFFFF60] =	vst v1;
	v1 =	vmul.f32 v10, v6;
	v8 =	vld [tilespmem:s16+$0xFFFFFFD0]  }
0x547: {  	v2 =	vmul.f32 v2, v6;
	[tilespmem:s16+$0xFFFFFF70] =	vst v3;
	v3 =	vld [tilespmem:s16+$0xFFFFFFE0]  }
0x548: {  	[tilespmem:s16+$0xFFFFFF80] =	vst v1;
	v1 =	vmul.f32 v9, v6;
	v9 =	vld [tilespmem:s16+$0xFFFFFFF0]  }
0x549: {  	v10 =	vld [tilespmem:s16+$0x0];
	[tilespmem:s16+$0xFFFFFF90] =	vst v2;
	v2 =	vmul.f32 v11, v6  }
0x54a: {  	[tilespmem:s16+$0xFFFFFFA0] =	vst v1;
	v1 =	vmul.f32 v4, v6;
	v4 =	vld [tilespmem:s16+$0x10]  }
0x54b: {  	[tilespmem:s16+$0xFFFFFFB0] =	vst v2;
	v2 =	vmul.f32 v8, v6;
	v8 =	vld [tilespmem:s16+$0x20]  }
0x54c: {  	[tilespmem:s16+$0xFFFFFFC0] =	vst v1;
	v1 =	vmul.f32 v3, v6;
	v3 =	vld [tilespmem:s16+$0x30]  }
0x54d: {  	[tilespmem:s16+$0xFFFFFFD0] =	vst v2;
	v2 =	vmul.f32 v9, v6;
	v6 =	vld [tilespmem:s16+$0x40]  }
0x54e: {  	v9 =	vld [tilespmem:s16+$0x50];
	[tilespmem:s16+$0xFFFFFFE0] =	vst v1;
	v1 =	vmul.f32 v10, v7  }
0x54f: {  	[tilespmem:s16+$0xFFFFFFF0] =	vst v2;
	v2 =	vmul.f32 v4, v7;
	v4 =	vld [tilespmem:s16+$0x60]  }
0x550: {  	[tilespmem:s16+$0x0] =	vst v1;
	v1 =	vmul.f32 v8, v7;
	v8 =	vld [tilespmem:s16+$0x80]  }
0x551: {  	[tilespmem:s16+$0x10] =	vst v2;
	v2 =	vmul.f32 v3, v7;
	v3 =	vld [tilespmem:s16+$0x90]  }
0x552: {  	[tilespmem:s16+$0x20] =	vst v1;
	v1 =	vmul.f32 v6, v7;
	v6 =	vld [tilespmem:s16+$0xA0]  }
0x553: {  	[tilespmem:s16+$0x30] =	vst v2;
	v2 =	vmul.f32 v9, v7;
	v9 =	vld [tilespmem:s16+$0xB0]  }
0x554: {  	[tilespmem:s16+$0x40] =	vst v1;
	v1 =	vmul.f32 v4, v7;
	v4 =	vld [tilespmem:s16+$0xC0]  }
0x555: {  	v7 =	vld [tilespmem:s16+$0xD0];
	[tilespmem:s16+$0x50] =	vst v2;
	v2 =	vmul.f32 v8, v5  }
0x556: {  	[tilespmem:s16+$0x60] =	vst v1;
	v1 =	vmul.f32 v3, v5;
	v3 =	vld [tilespmem:s16+$0xE0]  }
0x557: {  	[tilespmem:s16+$0x80] =	vst v2;
	v2 =	vmul.f32 v6, v5;
	v6 =	vld [tilespmem:s16+$0xF0]  }
0x558: {  	[tilespmem:s16+$0x90] =	vst v1;
	v1 =	vmul.f32 v9, v5  }
0x559: {  	[tilespmem:s16+$0xA0] =	vst v2;
	v2 =	vmul.f32 v4, v5  }
0x55a: {  	[tilespmem:s16+$0xB0] =	vst v1;
	v1 =	vmul.f32 v7, v5  }
0x55b: {  	[tilespmem:s16+$0xC0] =	vst v2;
	v2 =	vmul.f32 v3, v5  }
0x55c: {  	[tilespmem:s16+$0xD0] =	vst v1;
	v1 =	vmul.f32 v6, v5  }
0x55d: {  	[tilespmem:s16+$0xE0] =	vst v2  }
0x55e: {  	s4 =	simm.s32 $0x9;
	[tilespmem:s16+$0xF0] =	vst v1  }
0x55f: {  	_ =	swait.ge [sflag:s4], $0x50  }
0x560: {  	[sflag:s4] =	ssyncset.done $0x0  }
0x561: {  	s16 =	simm.s32 $0x400;
	[sflag:s4] =	ssyncadd.s32 $0xFFFFFFB0  }
0x562: {  	[spmem:s5] =	stream.indirect.scatter.add.f32 [tilespmem:s19], [sflag:$0x18], $0x80, s16, s17, $0xb8;
	[tilespmem:$0x1B980] =	vst v63  }
0x563: {  	_ =	swait.ge [sflag:s14], $0x2800  }
0x564: {  	[sflag:s14] =	ssyncset.done $0x0  }
0x565: {  	s20 =	simm.s32 $0x5;
	[sflag:s14] =	ssyncadd.s32 $0xFFFFD800  }
0x566: {  	_ =	swait.ge [sflag:s20], $0x50  }
0x567: {  	s25 =	simm.s32 $0x0;
	[sflag:s20] =	ssyncset.done $0x0  }
0x568: {  	v1 =	vmov s25;
	s4 =	simm.s32 $0x2;
	s16 =	simm.s32 $0x200;
	[sflag:s20] =	ssyncadd.s32 $0xFFFFFFB0  }
0x569: {  	v1 =	vand.u32 $0xFFFFFFFC, v1;
	v2 =	vmov s4;
	[tilespmem:s29], [sflag:$0x14] =	stream.indirect.gather [hbm4b:s0+s17], $0x80, s16, s17, $0xb8;
	[tilespmem:$0x1B980] =	vst v63  }
0x56a: {  	v1 =	vbroadcast v1, $0x0;
	v2 =	vand.u32 $0xFFFFFFFE, v2;
	_ =	swait.ge [sflag:s30], $0x2800  }
0x56b: {  	v2 =	vbroadcast v2, $0x0;
	[sflag:s30] =	ssyncset.done $0x0  }
0x56c: {  	s20 =	simm.s32 $0x10;
	[sflag:s30] =	ssyncadd.s32 $0xFFFFD800  }
0x56d: {  	_ =	swait.ge [sflag:s20], $0x50  }
0x56e: {  	[sflag:s20] =	ssyncset.done $0x0  }
0x56f: {  	[sflag:s20] =	ssyncadd.s32 $0xFFFFFFB0  }
0x570: {  	v1 =	vld.idx.msk [tilespmem:v1+s12+$0x0], $0xffff  }
0x571: {  	s11 =	simm.s32 $0xA00;
	s25 =	simm.s32 $0x1;
	v2 =	vld.idx.msk [tilespmem:v2+s12+$0x0], $0xffff  }
0x572: {  	v3 =	vmov s25;
	v4 =	vld [tilespmem:s11+$0x70]  }
0x573: {  	v3 =	vand.u32 $0xFFFFFFFD, v3;
	v5 =	vld [tilespmem:s11+$0xFFFFFF00]  }
0x574: {  	v3 =	vbroadcast v3, $0x0;
	v6 =	vld [tilespmem:s11+$0xFFFFFF10]  }
0x575: {  	v7 =	vld [tilespmem:s11+$0xFFFFFF20]  }
0x576: {  	v8 =	vld [tilespmem:s11+$0xFFFFFF30]  }
0x577: {  	v9 =	vld [tilespmem:s11+$0xFFFFFF40]  }
0x578: {  	v10 =	vld [tilespmem:s11+$0xFFFFFF50]  }
0x579: {  	v11 =	vld [tilespmem:s11+$0xFFFFFF60];
	v5 =	vmul.f32 v5, v1  }
0x57a: {  	v3 =	vld.idx.msk [tilespmem:v3+s12+$0x0], $0xffff;
	v4 =	vmul.f32 v4, v2  }
0x57b: {  	v13 =	vld [tilespmem:s11+$0x40];
	[tilespmem:s11+$0xFFFFFF00] =	vst v5;
	v5 =	vmul.f32 v6, v1  }
0x57c: {  	v6 =	vld [tilespmem:s11+$0xFFFFFF70];
	[tilespmem:s11+$0x70] =	vst v4;
	v4 =	vmul.f32 v7, v1  }
0x57d: {  	v7 =	vld [tilespmem:s11+$0xFFFFFF80];
	[tilespmem:s11+$0xFFFFFF10] =	vst v5;
	v5 =	vmul.f32 v8, v1  }
0x57e: {  	v8 =	vld [tilespmem:s11+$0xFFFFFF90];
	[tilespmem:s11+$0xFFFFFF20] =	vst v4;
	v4 =	vmul.f32 v9, v1  }
0x57f: {  	v9 =	vld [tilespmem:s11+$0xFFFFFFA0];
	[tilespmem:s11+$0xFFFFFF30] =	vst v5;
	v5 =	vmul.f32 v10, v1  }
0x580: {  	v10 =	vld [tilespmem:s11+$0xFFFFFFB0];
	[tilespmem:s11+$0xFFFFFF40] =	vst v4;
	v4 =	vmul.f32 v11, v1  }
0x581: {  	v11 =	vld [tilespmem:s11+$0xFFFFFFC0];
	v6 =	vmul.f32 v6, v1;
	[tilespmem:s11+$0xFFFFFF50] =	vst v5  }
0x582: {  	v5 =	vmul.f32 v7, v3;
	v7 =	vld [tilespmem:s11+$0xFFFFFFD0];
	[tilespmem:s11+$0xFFFFFF60] =	vst v4  }
0x583: {  	s4 =	simm.s32 $0x3;
	v4 =	vld [tilespmem:s11+$0xFFFFFFE0];
	v8 =	vmul.f32 v8, v3;
	[tilespmem:s11+$0xFFFFFF70] =	vst v6  }
0x584: {  	v12 =	vmov s4;
	v6 =	vld [tilespmem:s11+$0xFFFFFFF0];
	[tilespmem:s11+$0xFFFFFF80] =	vst v5;
	v5 =	vmul.f32 v9, v3  }
0x585: {  	v9 =	vld [tilespmem:s11+$0x0];
	[tilespmem:s11+$0xFFFFFF90] =	vst v8;
	v8 =	vmul.f32 v10, v3  }
0x586: {  	v10 =	vld [tilespmem:s11+$0x10];
	[tilespmem:s11+$0xFFFFFFA0] =	vst v5;
	v5 =	vmul.f32 v11, v3  }
0x587: {  	[tilespmem:s11+$0xFFFFFFB0] =	vst v8;
	v7 =	vmul.f32 v7, v3;
	v8 =	vld [tilespmem:s11+$0x20]  }
0x588: {  	v11 =	vld [tilespmem:s11+$0x30];
	v4 =	vmul.f32 v4, v3;
	[tilespmem:s11+$0xFFFFFFC0] =	vst v5  }
0x589: {  	v1 =	vld.idx.msk [tilespmem:v12+s12+$0x0], $0xffff;
	v3 =	vmul.f32 v6, v3;
	[tilespmem:s11+$0xFFFFFFD0] =	vst v7  }
0x58a: {  	[tilespmem:s11+$0xFFFFFFE0] =	vst v4;
	v5 =	vmul.f32 v9, v2;
	v4 =	vld [tilespmem:s11+$0x50]  }
0x58b: {  	s16 =	simm.s32 $0x4;
	[tilespmem:s11+$0xFFFFFFF0] =	vst v3;
	v6 =	vmul.f32 v10, v2;
	v3 =	vld [tilespmem:s11+$0x60]  }
0x58c: {  	s20 =	simm.s32 $0x7;
	v7 =	vmov s16;
	[tilespmem:s11+$0x0] =	vst v5;
	v9 =	vmul.f32 v8, v2;
	v8 =	vld [tilespmem:s11+$0x80]  }
0x58d: {  	s25 =	simm.s32 $0x5;
	v12 =	vand.u32 $0xFFFFFFFC, v7;
	v7 =	vld [tilespmem:s11+$0x90];
	v5 =	vmov s20;
	v10 =	vmul.f32 v11, v2;
	[tilespmem:s11+$0x10] =	vst v6  }
0x58e: {  	s13 =	simm.s32 $0xA00;
	s16 =	simm.s32 $0x8;
	s20 =	simm.s32 $0x6;
	v11 =	vmul.f32 v13, v2;
	v6 =	vbroadcast v12, $0x0;
	v12 =	vmov s25;
	[tilespmem:s11+$0x20] =	vst v9;
	v9 =	vld [tilespmem:s11+$0xA0]  }
.LBB2_24:
0x58f: {  	p1 =	slt.u32 s16, $0x4C;
	v12 =	vand.u32 $0xFFFFFFFD, v12;
	v13 =	vmov s20;
	[tilespmem:s11+$0x30] =	vst v10;
	v4 =	vmul.f32 v4, v2;
	v10 =	vld [tilespmem:s11+$0xB0]  }
0x590: {  	v12 =	vbroadcast v12, $0x0;
	v13 =	vand.u32 $0xFFFFFFFE, v13;
	[tilespmem:s11+$0x40] =	vst v11;
	v2 =	vmul.f32 v3, v2;
	v3 =	vld [tilespmem:s11+$0xC0]  }
0x591: {  	v11 =	vbroadcast v13, $0x0;
	[tilespmem:s11+$0x50] =	vst v4;
	v4 =	vmul.f32 v8, v1;
	v8 =	vld [tilespmem:s11+$0xD0]  }
0x592: {  	[tilespmem:s11+$0x60] =	vst v2;
	v2 =	vmul.f32 v7, v1;
	v7 =	vld [tilespmem:s11+$0xE0]  }
0x593: {  	[tilespmem:s11+$0x80] =	vst v4;
	v4 =	vmul.f32 v9, v1;
	v9 =	vld [tilespmem:s11+$0xF0]  }
0x594: {  	v5 =	vld.idx.msk [tilespmem:v5+s12+$0x0], $0xffff;
	[tilespmem:s11+$0x90] =	vst v2;
	v2 =	vmul.f32 v10, v1  }
0x595: {  	v6 =	vld.idx.msk [tilespmem:v6+s12+$0x0], $0xffff;
	[tilespmem:s11+$0xA0] =	vst v4;
	v3 =	vmul.f32 v3, v1  }
0x596: {  	v4 =	vld.idx.msk [tilespmem:v12+s12+$0x0], $0xffff;
	[tilespmem:s11+$0xB0] =	vst v2;
	v8 =	vmul.f32 v8, v1  }
0x597: {  	s11 =	sadd.s32 $0x200, s11;
	v2 =	vld.idx.msk [tilespmem:v11+s12+$0x0], $0xffff;
	[tilespmem:s13+$0xC0] =	vst v3;
	v3 =	vmul.f32 v7, v1  }
0x598: {  	v7 =	vld [tilespmem:s11+$0x70];
	[tilespmem:s13+$0xD0] =	vst v8;
	v9 =	vmul.f32 v9, v1  }
0x599: {  	v8 =	vld [tilespmem:s11+$0xFFFFFF00];
	[tilespmem:s13+$0xE0] =	vst v3  }
0x59a: {  	v1 =	vmov v5;
	v3 =	vld [tilespmem:s11+$0xFFFFFF10];
	[tilespmem:s13+$0xF0] =	vst v9;
	s13 =	smov.u32 s11  }
0x59b: {  	v5 =	vld [tilespmem:s11+$0xFFFFFF20]  }
0x59c: {  	v9 =	vld [tilespmem:s11+$0xFFFFFF30]  }
0x59d: {  	v10 =	vld [tilespmem:s11+$0xFFFFFF40];
	v7 =	vmul.f32 v7, v2  }
0x59e: {  	v8 =	vmul.f32 v8, v6;
	v11 =	vld [tilespmem:s11+$0xFFFFFF50]  }
0x59f: {  	v3 =	vmul.f32 v3, v6;
	v12 =	vld [tilespmem:s11+$0xFFFFFF60];
	[tilespmem:s11+$0x70] =	vst v7  }
0x5a0: {  	[tilespmem:s11+$0xFFFFFF00] =	vst v8;
	v5 =	vmul.f32 v5, v6;
	v7 =	vld [tilespmem:s11+$0xFFFFFF70]  }
0x5a1: {  	[tilespmem:s11+$0xFFFFFF10] =	vst v3;
	v3 =	vmul.f32 v9, v6;
	v8 =	vld [tilespmem:s11+$0xFFFFFF80]  }
0x5a2: {  	[tilespmem:s11+$0xFFFFFF20] =	vst v5;
	v5 =	vmul.f32 v10, v6;
	v9 =	vld [tilespmem:s11+$0xFFFFFF90]  }
0x5a3: {  	[tilespmem:s11+$0xFFFFFF30] =	vst v3;
	v3 =	vmul.f32 v11, v6;
	v10 =	vld [tilespmem:s11+$0xFFFFFFA0]  }
0x5a4: {  	[tilespmem:s11+$0xFFFFFF40] =	vst v5;
	v5 =	vmul.f32 v12, v6;
	v11 =	vld [tilespmem:s11+$0xFFFFFFB0]  }
0x5a5: {  	[tilespmem:s11+$0xFFFFFF50] =	vst v3;
	v3 =	vmul.f32 v7, v6;
	v6 =	vld [tilespmem:s11+$0xFFFFFFC0]  }
0x5a6: {  	[tilespmem:s11+$0xFFFFFF60] =	vst v5;
	v5 =	vmul.f32 v8, v4;
	v7 =	vld [tilespmem:s11+$0xFFFFFFD0]  }
0x5a7: {  	[tilespmem:s11+$0xFFFFFF70] =	vst v3;
	v3 =	vmul.f32 v9, v4;
	v8 =	vld [tilespmem:s11+$0xFFFFFFE0]  }
0x5a8: {  	[tilespmem:s11+$0xFFFFFF80] =	vst v5;
	v5 =	vmul.f32 v10, v4;
	v9 =	vld [tilespmem:s11+$0xFFFFFFF0]  }
0x5a9: {  	[tilespmem:s11+$0xFFFFFF90] =	vst v3;
	v3 =	vmul.f32 v11, v4;
	v10 =	vld [tilespmem:s11+$0x0]  }
0x5aa: {  	[tilespmem:s11+$0xFFFFFFA0] =	vst v5;
	v5 =	vmul.f32 v6, v4;
	v6 =	vld [tilespmem:s11+$0x10]  }
0x5ab: {  	[tilespmem:s11+$0xFFFFFFB0] =	vst v3;
	v3 =	vmul.f32 v7, v4;
	v7 =	vld [tilespmem:s11+$0x20]  }
0x5ac: {  	[tilespmem:s11+$0xFFFFFFC0] =	vst v5;
	v5 =	vmul.f32 v8, v4;
	v11 =	vld [tilespmem:s11+$0x30]  }
0x5ad: {  	[tilespmem:s11+$0xFFFFFFD0] =	vst v3;
	v3 =	vmul.f32 v9, v4;
	v9 =	vld [tilespmem:s11+$0x40]  }
.Ltmp11:
0x5ae: {  	[tilespmem:s11+$0xFFFFFFE0] =	vst v5;
	v5 =	vmul.f32 v10, v2;
	v4 =	vld [tilespmem:s11+$0x50];
	(pc) =	sbr.rel @p1 .LBB2_24-.Ltmp11, $4  }
0x5af: {  	[tilespmem:s11+$0xFFFFFFF0] =	vst v3;
	v6 =	vmul.f32 v6, v2;
	v3 =	vld [tilespmem:s11+$0x60]  }
0x5b0: {  	s20 =	sadd.s32 $0x3, s16;
	v10 =	vmov s16;
	[tilespmem:s11+$0x0] =	vst v5;
	v13 =	vmul.f32 v7, v2;
	v8 =	vld [tilespmem:s11+$0x80]  }
0x5b1: {  	s25 =	sadd.s32 $0x1, s16;
	v12 =	vand.u32 $0xFFFFFFFC, v10;
	v5 =	vmov s20;
	[tilespmem:s11+$0x10] =	vst v6;
	v10 =	vmul.f32 v11, v2;
	v7 =	vld [tilespmem:s11+$0x90]  }
0x5b2: {  	s20 =	sadd.s32 $0x2, s16;
	s16 =	sadd.s32 $0x4, s16;
	v6 =	vbroadcast v12, $0x0;
	v12 =	vmov s25;
	[tilespmem:s11+$0x20] =	vst v13;
	v11 =	vmul.f32 v9, v2;
	v9 =	vld [tilespmem:s11+$0xA0]  }
0x5b3: {  	v13 =	vld [tilespmem:s11+$0xB0]  }
0x5b4: {  	v15 =	vld [tilespmem:s11+$0xC0]  }
0x5b5: {  	v14 =	vmov s20;
	v16 =	vld [tilespmem:s11+$0xD0]  }
0x5b6: {  	v17 =	vld [tilespmem:s11+$0xE0];
	[tilespmem:s11+$0x30] =	vst v10;
	v4 =	vmul.f32 v4, v2;
	v14 =	vand.u32 $0xFFFFFFFE, v14  }
0x5b7: {  	v12 =	vand.u32 $0xFFFFFFFD, v12;
	v5 =	vld.idx.msk [tilespmem:v5+s12+$0x0], $0xffff;
	[tilespmem:s11+$0x40] =	vst v11;
	v2 =	vmul.f32 v3, v2;
	v14 =	vbroadcast v14, $0x0  }
0x5b8: {  	s16 =	sadd.s32 $0x200, s11;
	v12 =	vbroadcast v12, $0x0;
	v3 =	vld.idx.msk [tilespmem:v6+s12+$0x0], $0xffff;
	v8 =	vmul.f32 v8, v1;
	[tilespmem:s11+$0x50] =	vst v4  }
0x5b9: {  	v10 =	vld [tilespmem:s16+$0xFFFFFF00];
	v4 =	vmul.f32 v7, v1;
	[tilespmem:s11+$0x60] =	vst v2  }
0x5ba: {  	[tilespmem:s11+$0x80] =	vst v8;
	v8 =	vld [tilespmem:s11+$0xF0];
	v2 =	vmul.f32 v9, v1  }
0x5bb: {  	v11 =	vld [tilespmem:s16+$0xFFFFFF10];
	[tilespmem:s11+$0x90] =	vst v4;
	v4 =	vmul.f32 v13, v1  }
0x5bc: {  	v9 =	vld [tilespmem:s16+$0x70];
	[tilespmem:s11+$0xA0] =	vst v2;
	v2 =	vmul.f32 v15, v1  }
0x5bd: {  	[tilespmem:s11+$0xB0] =	vst v4;
	v4 =	vmul.f32 v16, v1;
	v7 =	vld.idx.msk [tilespmem:v14+s12+$0x0], $0xffff  }
0x5be: {  	v6 =	vld.idx.msk [tilespmem:v12+s12+$0x0], $0xffff;
	[tilespmem:s13+$0xC0] =	vst v2;
	v2 =	vmul.f32 v17, v1  }
0x5bf: {  	v12 =	vld [tilespmem:s16+$0xFFFFFF20];
	[tilespmem:s13+$0xD0] =	vst v4;
	v1 =	vmul.f32 v8, v1  }
0x5c0: {  	v4 =	vld [tilespmem:s16+$0xFFFFFF30];
	[tilespmem:s13+$0xE0] =	vst v2  }
0x5c1: {  	v2 =	vld [tilespmem:s16+$0xFFFFFF40];
	[tilespmem:s13+$0xF0] =	vst v1;
	v1 =	vmul.f32 v10, v3  }
0x5c2: {  	v8 =	vmul.f32 v9, v7;
	v9 =	vld [tilespmem:s16+$0xFFFFFF50]  }
0x5c3: {  	v10 =	vmul.f32 v11, v3;
	v11 =	vld [tilespmem:s16+$0xFFFFFF60];
	[tilespmem:s16+$0xFFFFFF00] =	vst v1  }
0x5c4: {  	v1 =	vmul.f32 v12, v3;
	[tilespmem:s16+$0x70] =	vst v8;
	v8 =	vld [tilespmem:s16+$0xFFFFFF70]  }
0x5c5: {  	[tilespmem:s16+$0xFFFFFF10] =	vst v10;
	v10 =	vld [tilespmem:s16+$0xFFFFFF80];
	v4 =	vmul.f32 v4, v3  }
0x5c6: {  	[tilespmem:s16+$0xFFFFFF20] =	vst v1;
	v1 =	vmul.f32 v2, v3;
	v2 =	vld [tilespmem:s16+$0xFFFFFF90]  }
0x5c7: {  	[tilespmem:s16+$0xFFFFFF30] =	vst v4;
	v4 =	vmul.f32 v9, v3;
	v9 =	vld [tilespmem:s16+$0xFFFFFFA0]  }
0x5c8: {  	[tilespmem:s16+$0xFFFFFF40] =	vst v1;
	v1 =	vmul.f32 v11, v3;
	v11 =	vld [tilespmem:s16+$0xFFFFFFB0]  }
0x5c9: {  	[tilespmem:s16+$0xFFFFFF50] =	vst v4;
	v3 =	vmul.f32 v8, v3;
	v4 =	vld [tilespmem:s16+$0xFFFFFFC0]  }
0x5ca: {  	[tilespmem:s16+$0xFFFFFF60] =	vst v1;
	v1 =	vmul.f32 v10, v6;
	v8 =	vld [tilespmem:s16+$0xFFFFFFD0]  }
0x5cb: {  	v2 =	vmul.f32 v2, v6;
	[tilespmem:s16+$0xFFFFFF70] =	vst v3;
	v3 =	vld [tilespmem:s16+$0xFFFFFFE0]  }
0x5cc: {  	[tilespmem:s16+$0xFFFFFF80] =	vst v1;
	v1 =	vmul.f32 v9, v6;
	v9 =	vld [tilespmem:s16+$0xFFFFFFF0]  }
0x5cd: {  	v10 =	vld [tilespmem:s16+$0x0];
	[tilespmem:s16+$0xFFFFFF90] =	vst v2;
	v2 =	vmul.f32 v11, v6  }
0x5ce: {  	[tilespmem:s16+$0xFFFFFFA0] =	vst v1;
	v1 =	vmul.f32 v4, v6;
	v4 =	vld [tilespmem:s16+$0x10]  }
0x5cf: {  	[tilespmem:s16+$0xFFFFFFB0] =	vst v2;
	v2 =	vmul.f32 v8, v6;
	v8 =	vld [tilespmem:s16+$0x20]  }
0x5d0: {  	[tilespmem:s16+$0xFFFFFFC0] =	vst v1;
	v1 =	vmul.f32 v3, v6;
	v3 =	vld [tilespmem:s16+$0x30]  }
0x5d1: {  	[tilespmem:s16+$0xFFFFFFD0] =	vst v2;
	v2 =	vmul.f32 v9, v6;
	v6 =	vld [tilespmem:s16+$0x40]  }
0x5d2: {  	v9 =	vld [tilespmem:s16+$0x50];
	[tilespmem:s16+$0xFFFFFFE0] =	vst v1;
	v1 =	vmul.f32 v10, v7  }
0x5d3: {  	[tilespmem:s16+$0xFFFFFFF0] =	vst v2;
	v2 =	vmul.f32 v4, v7;
	v4 =	vld [tilespmem:s16+$0x60]  }
0x5d4: {  	[tilespmem:s16+$0x0] =	vst v1;
	v1 =	vmul.f32 v8, v7;
	v8 =	vld [tilespmem:s16+$0x80]  }
0x5d5: {  	[tilespmem:s16+$0x10] =	vst v2;
	v2 =	vmul.f32 v3, v7;
	v3 =	vld [tilespmem:s16+$0x90]  }
0x5d6: {  	[tilespmem:s16+$0x20] =	vst v1;
	v1 =	vmul.f32 v6, v7;
	v6 =	vld [tilespmem:s16+$0xA0]  }
0x5d7: {  	[tilespmem:s16+$0x30] =	vst v2;
	v2 =	vmul.f32 v9, v7;
	v9 =	vld [tilespmem:s16+$0xB0]  }
0x5d8: {  	[tilespmem:s16+$0x40] =	vst v1;
	v1 =	vmul.f32 v4, v7;
	v4 =	vld [tilespmem:s16+$0xC0]  }
0x5d9: {  	v7 =	vld [tilespmem:s16+$0xD0];
	[tilespmem:s16+$0x50] =	vst v2;
	v2 =	vmul.f32 v8, v5  }
0x5da: {  	[tilespmem:s16+$0x60] =	vst v1;
	v1 =	vmul.f32 v3, v5;
	v3 =	vld [tilespmem:s16+$0xE0]  }
0x5db: {  	[tilespmem:s16+$0x80] =	vst v2;
	v2 =	vmul.f32 v6, v5;
	v6 =	vld [tilespmem:s16+$0xF0]  }
0x5dc: {  	[tilespmem:s16+$0x90] =	vst v1;
	v1 =	vmul.f32 v9, v5  }
0x5dd: {  	[tilespmem:s16+$0xA0] =	vst v2;
	v2 =	vmul.f32 v4, v5  }
0x5de: {  	[tilespmem:s16+$0xB0] =	vst v1;
	v1 =	vmul.f32 v7, v5  }
0x5df: {  	[tilespmem:s16+$0xC0] =	vst v2;
	v2 =	vmul.f32 v3, v5  }
0x5e0: {  	[tilespmem:s16+$0xD0] =	vst v1;
	v1 =	vmul.f32 v6, v5  }
0x5e1: {  	[tilespmem:s16+$0xE0] =	vst v2  }
0x5e2: {  	s4 =	simm.s32 $0xA;
	[tilespmem:s16+$0xF0] =	vst v1  }
0x5e3: {  	_ =	swait.ge [sflag:s4], $0x50  }
0x5e4: {  	[sflag:s4] =	ssyncset.done $0x0  }
0x5e5: {  	[sflag:s4] =	ssyncadd.s32 $0xFFFFFFB0;
	s4 =	simm.s32 $0x480  }
0x5e6: {  	[spmem:s5] =	stream.indirect.scatter.add.f32 [tilespmem:s18], [sflag:$0x16], $0x80, s4, s17, $0xb8;
	[tilespmem:$0x1B980] =	vst v63  }
0x5e7: {  	s13 =	simm.s32 $0x0;
	_ =	swait.ge [sflag:s1], $0x2800  }
0x5e8: {  	v1 =	vmov s13;
	s16 =	simm.s32 $0x2;
	[sflag:s1] =	ssyncset.done $0x0  }
0x5e9: {  	v1 =	vand.u32 $0xFFFFFFFC, v1;
	v2 =	vmov s16;
	[sflag:s1] =	ssyncadd.s32 $0xFFFFD800  }
0x5ea: {  	v1 =	vbroadcast v1, $0x0;
	v2 =	vand.u32 $0xFFFFFFFE, v2;
	_ =	swait.ge [sflag:s22], $0x2800  }
0x5eb: {  	v2 =	vbroadcast v2, $0x0;
	[sflag:s22] =	ssyncset.done $0x0  }
0x5ec: {  	s20 =	simm.s32 $0x11;
	[sflag:s22] =	ssyncadd.s32 $0xFFFFD800  }
0x5ed: {  	_ =	swait.ge [sflag:s20], $0x50  }
0x5ee: {  	[sflag:s20] =	ssyncset.done $0x0  }
0x5ef: {  	[sflag:s20] =	ssyncadd.s32 $0xFFFFFFB0  }
0x5f0: {  	v1 =	vld.idx.msk [tilespmem:v1+s15+$0x0], $0xffff  }
0x5f1: {  	s25 =	simm.s32 $0x1;
	s11 =	simm.s32 $0x3200;
	v2 =	vld.idx.msk [tilespmem:v2+s15+$0x0], $0xffff  }
0x5f2: {  	v3 =	vmov s25;
	v4 =	vld [tilespmem:s11+$0x70]  }
0x5f3: {  	v3 =	vand.u32 $0xFFFFFFFD, v3;
	v5 =	vld [tilespmem:s11+$0xFFFFFF00]  }
0x5f4: {  	v3 =	vbroadcast v3, $0x0;
	v6 =	vld [tilespmem:s11+$0xFFFFFF10]  }
0x5f5: {  	v7 =	vld [tilespmem:s11+$0xFFFFFF20]  }
0x5f6: {  	v8 =	vld [tilespmem:s11+$0xFFFFFF30]  }
0x5f7: {  	v9 =	vld [tilespmem:s11+$0xFFFFFF40]  }
0x5f8: {  	v10 =	vld [tilespmem:s11+$0xFFFFFF50]  }
0x5f9: {  	v11 =	vld [tilespmem:s11+$0xFFFFFF60];
	v5 =	vmul.f32 v5, v1  }
0x5fa: {  	v3 =	vld.idx.msk [tilespmem:v3+s15+$0x0], $0xffff;
	v4 =	vmul.f32 v4, v2  }
0x5fb: {  	v13 =	vld [tilespmem:s11+$0x40];
	[tilespmem:s11+$0xFFFFFF00] =	vst v5;
	v5 =	vmul.f32 v6, v1  }
0x5fc: {  	v6 =	vld [tilespmem:s11+$0xFFFFFF70];
	[tilespmem:s11+$0x70] =	vst v4;
	v4 =	vmul.f32 v7, v1  }
0x5fd: {  	v7 =	vld [tilespmem:s11+$0xFFFFFF80];
	[tilespmem:s11+$0xFFFFFF10] =	vst v5;
	v5 =	vmul.f32 v8, v1  }
0x5fe: {  	v8 =	vld [tilespmem:s11+$0xFFFFFF90];
	[tilespmem:s11+$0xFFFFFF20] =	vst v4;
	v4 =	vmul.f32 v9, v1  }
0x5ff: {  	v9 =	vld [tilespmem:s11+$0xFFFFFFA0];
	[tilespmem:s11+$0xFFFFFF30] =	vst v5;
	v5 =	vmul.f32 v10, v1  }
0x600: {  	v10 =	vld [tilespmem:s11+$0xFFFFFFB0];
	[tilespmem:s11+$0xFFFFFF40] =	vst v4;
	v4 =	vmul.f32 v11, v1  }
0x601: {  	v11 =	vld [tilespmem:s11+$0xFFFFFFC0];
	v6 =	vmul.f32 v6, v1;
	[tilespmem:s11+$0xFFFFFF50] =	vst v5  }
0x602: {  	v5 =	vmul.f32 v7, v3;
	v7 =	vld [tilespmem:s11+$0xFFFFFFD0];
	[tilespmem:s11+$0xFFFFFF60] =	vst v4  }
0x603: {  	s4 =	simm.s32 $0x3;
	v4 =	vld [tilespmem:s11+$0xFFFFFFE0];
	v8 =	vmul.f32 v8, v3;
	[tilespmem:s11+$0xFFFFFF70] =	vst v6  }
0x604: {  	v12 =	vmov s4;
	v6 =	vld [tilespmem:s11+$0xFFFFFFF0];
	[tilespmem:s11+$0xFFFFFF80] =	vst v5;
	v5 =	vmul.f32 v9, v3  }
0x605: {  	v9 =	vld [tilespmem:s11+$0x0];
	[tilespmem:s11+$0xFFFFFF90] =	vst v8;
	v8 =	vmul.f32 v10, v3  }
0x606: {  	v10 =	vld [tilespmem:s11+$0x10];
	[tilespmem:s11+$0xFFFFFFA0] =	vst v5;
	v5 =	vmul.f32 v11, v3  }
0x607: {  	[tilespmem:s11+$0xFFFFFFB0] =	vst v8;
	v7 =	vmul.f32 v7, v3;
	v8 =	vld [tilespmem:s11+$0x20]  }
0x608: {  	v11 =	vld [tilespmem:s11+$0x30];
	v4 =	vmul.f32 v4, v3;
	[tilespmem:s11+$0xFFFFFFC0] =	vst v5  }
0x609: {  	v1 =	vld.idx.msk [tilespmem:v12+s15+$0x0], $0xffff;
	v3 =	vmul.f32 v6, v3;
	[tilespmem:s11+$0xFFFFFFD0] =	vst v7  }
0x60a: {  	[tilespmem:s11+$0xFFFFFFE0] =	vst v4;
	v5 =	vmul.f32 v9, v2;
	v4 =	vld [tilespmem:s11+$0x50]  }
0x60b: {  	s16 =	simm.s32 $0x4;
	[tilespmem:s11+$0xFFFFFFF0] =	vst v3;
	v6 =	vmul.f32 v10, v2;
	v3 =	vld [tilespmem:s11+$0x60]  }
0x60c: {  	s20 =	simm.s32 $0x7;
	v7 =	vmov s16;
	[tilespmem:s11+$0x0] =	vst v5;
	v9 =	vmul.f32 v8, v2;
	v8 =	vld [tilespmem:s11+$0x80]  }
0x60d: {  	s25 =	simm.s32 $0x5;
	v12 =	vand.u32 $0xFFFFFFFC, v7;
	v7 =	vld [tilespmem:s11+$0x90];
	v5 =	vmov s20;
	v10 =	vmul.f32 v11, v2;
	[tilespmem:s11+$0x10] =	vst v6  }
0x60e: {  	s13 =	simm.s32 $0x3200;
	s16 =	simm.s32 $0x8;
	s20 =	simm.s32 $0x6;
	v11 =	vmul.f32 v13, v2;
	v6 =	vbroadcast v12, $0x0;
	v12 =	vmov s25;
	[tilespmem:s11+$0x20] =	vst v9;
	v9 =	vld [tilespmem:s11+$0xA0]  }
.LBB2_26:
0x60f: {  	p1 =	slt.u32 s16, $0x4C;
	v12 =	vand.u32 $0xFFFFFFFD, v12;
	v13 =	vmov s20;
	[tilespmem:s11+$0x30] =	vst v10;
	v4 =	vmul.f32 v4, v2;
	v10 =	vld [tilespmem:s11+$0xB0]  }
0x610: {  	v12 =	vbroadcast v12, $0x0;
	v13 =	vand.u32 $0xFFFFFFFE, v13;
	[tilespmem:s11+$0x40] =	vst v11;
	v2 =	vmul.f32 v3, v2;
	v3 =	vld [tilespmem:s11+$0xC0]  }
0x611: {  	v11 =	vbroadcast v13, $0x0;
	[tilespmem:s11+$0x50] =	vst v4;
	v4 =	vmul.f32 v8, v1;
	v8 =	vld [tilespmem:s11+$0xD0]  }
0x612: {  	[tilespmem:s11+$0x60] =	vst v2;
	v2 =	vmul.f32 v7, v1;
	v7 =	vld [tilespmem:s11+$0xE0]  }
0x613: {  	[tilespmem:s11+$0x80] =	vst v4;
	v4 =	vmul.f32 v9, v1;
	v9 =	vld [tilespmem:s11+$0xF0]  }
0x614: {  	v5 =	vld.idx.msk [tilespmem:v5+s15+$0x0], $0xffff;
	[tilespmem:s11+$0x90] =	vst v2;
	v2 =	vmul.f32 v10, v1  }
0x615: {  	v6 =	vld.idx.msk [tilespmem:v6+s15+$0x0], $0xffff;
	[tilespmem:s11+$0xA0] =	vst v4;
	v3 =	vmul.f32 v3, v1  }
0x616: {  	v4 =	vld.idx.msk [tilespmem:v12+s15+$0x0], $0xffff;
	[tilespmem:s11+$0xB0] =	vst v2;
	v8 =	vmul.f32 v8, v1  }
0x617: {  	s11 =	sadd.s32 $0x200, s11;
	v2 =	vld.idx.msk [tilespmem:v11+s15+$0x0], $0xffff;
	[tilespmem:s13+$0xC0] =	vst v3;
	v3 =	vmul.f32 v7, v1  }
0x618: {  	v7 =	vld [tilespmem:s11+$0x70];
	[tilespmem:s13+$0xD0] =	vst v8;
	v9 =	vmul.f32 v9, v1  }
0x619: {  	v8 =	vld [tilespmem:s11+$0xFFFFFF00];
	[tilespmem:s13+$0xE0] =	vst v3  }
0x61a: {  	v1 =	vmov v5;
	v3 =	vld [tilespmem:s11+$0xFFFFFF10];
	[tilespmem:s13+$0xF0] =	vst v9;
	s13 =	smov.u32 s11  }
0x61b: {  	v5 =	vld [tilespmem:s11+$0xFFFFFF20]  }
0x61c: {  	v9 =	vld [tilespmem:s11+$0xFFFFFF30]  }
0x61d: {  	v10 =	vld [tilespmem:s11+$0xFFFFFF40];
	v7 =	vmul.f32 v7, v2  }
0x61e: {  	v8 =	vmul.f32 v8, v6;
	v11 =	vld [tilespmem:s11+$0xFFFFFF50]  }
0x61f: {  	v3 =	vmul.f32 v3, v6;
	v12 =	vld [tilespmem:s11+$0xFFFFFF60];
	[tilespmem:s11+$0x70] =	vst v7  }
0x620: {  	[tilespmem:s11+$0xFFFFFF00] =	vst v8;
	v5 =	vmul.f32 v5, v6;
	v7 =	vld [tilespmem:s11+$0xFFFFFF70]  }
0x621: {  	[tilespmem:s11+$0xFFFFFF10] =	vst v3;
	v3 =	vmul.f32 v9, v6;
	v8 =	vld [tilespmem:s11+$0xFFFFFF80]  }
0x622: {  	[tilespmem:s11+$0xFFFFFF20] =	vst v5;
	v5 =	vmul.f32 v10, v6;
	v9 =	vld [tilespmem:s11+$0xFFFFFF90]  }
0x623: {  	[tilespmem:s11+$0xFFFFFF30] =	vst v3;
	v3 =	vmul.f32 v11, v6;
	v10 =	vld [tilespmem:s11+$0xFFFFFFA0]  }
0x624: {  	[tilespmem:s11+$0xFFFFFF40] =	vst v5;
	v5 =	vmul.f32 v12, v6;
	v11 =	vld [tilespmem:s11+$0xFFFFFFB0]  }
0x625: {  	[tilespmem:s11+$0xFFFFFF50] =	vst v3;
	v3 =	vmul.f32 v7, v6;
	v6 =	vld [tilespmem:s11+$0xFFFFFFC0]  }
0x626: {  	[tilespmem:s11+$0xFFFFFF60] =	vst v5;
	v5 =	vmul.f32 v8, v4;
	v7 =	vld [tilespmem:s11+$0xFFFFFFD0]  }
0x627: {  	[tilespmem:s11+$0xFFFFFF70] =	vst v3;
	v3 =	vmul.f32 v9, v4;
	v8 =	vld [tilespmem:s11+$0xFFFFFFE0]  }
0x628: {  	[tilespmem:s11+$0xFFFFFF80] =	vst v5;
	v5 =	vmul.f32 v10, v4;
	v9 =	vld [tilespmem:s11+$0xFFFFFFF0]  }
0x629: {  	[tilespmem:s11+$0xFFFFFF90] =	vst v3;
	v3 =	vmul.f32 v11, v4;
	v10 =	vld [tilespmem:s11+$0x0]  }
0x62a: {  	[tilespmem:s11+$0xFFFFFFA0] =	vst v5;
	v5 =	vmul.f32 v6, v4;
	v6 =	vld [tilespmem:s11+$0x10]  }
0x62b: {  	[tilespmem:s11+$0xFFFFFFB0] =	vst v3;
	v3 =	vmul.f32 v7, v4;
	v7 =	vld [tilespmem:s11+$0x20]  }
0x62c: {  	[tilespmem:s11+$0xFFFFFFC0] =	vst v5;
	v5 =	vmul.f32 v8, v4;
	v11 =	vld [tilespmem:s11+$0x30]  }
0x62d: {  	[tilespmem:s11+$0xFFFFFFD0] =	vst v3;
	v3 =	vmul.f32 v9, v4;
	v9 =	vld [tilespmem:s11+$0x40]  }
.Ltmp12:
0x62e: {  	[tilespmem:s11+$0xFFFFFFE0] =	vst v5;
	v5 =	vmul.f32 v10, v2;
	v4 =	vld [tilespmem:s11+$0x50];
	(pc) =	sbr.rel @p1 .LBB2_26-.Ltmp12, $4  }
0x62f: {  	[tilespmem:s11+$0xFFFFFFF0] =	vst v3;
	v6 =	vmul.f32 v6, v2;
	v3 =	vld [tilespmem:s11+$0x60]  }
0x630: {  	s20 =	sadd.s32 $0x3, s16;
	v10 =	vmov s16;
	[tilespmem:s11+$0x0] =	vst v5;
	v13 =	vmul.f32 v7, v2;
	v8 =	vld [tilespmem:s11+$0x80]  }
0x631: {  	s25 =	sadd.s32 $0x1, s16;
	v12 =	vand.u32 $0xFFFFFFFC, v10;
	v5 =	vmov s20;
	[tilespmem:s11+$0x10] =	vst v6;
	v10 =	vmul.f32 v11, v2;
	v7 =	vld [tilespmem:s11+$0x90]  }
0x632: {  	s20 =	sadd.s32 $0x2, s16;
	s16 =	sadd.s32 $0x4, s16;
	v6 =	vbroadcast v12, $0x0;
	v12 =	vmov s25;
	[tilespmem:s11+$0x20] =	vst v13;
	v11 =	vmul.f32 v9, v2;
	v9 =	vld [tilespmem:s11+$0xA0]  }
0x633: {  	v13 =	vld [tilespmem:s11+$0xB0]  }
0x634: {  	v15 =	vld [tilespmem:s11+$0xC0]  }
0x635: {  	v16 =	vld [tilespmem:s11+$0xD0]  }
0x636: {  	v17 =	vld [tilespmem:s11+$0xE0]  }
0x637: {  	v29 =	vld [tilespmem:s11+$0xF0];
	[tilespmem:s11+$0x30] =	vst v10;
	v4 =	vmul.f32 v4, v2  }
0x638: {  	v5 =	vld.idx.msk [tilespmem:v5+s15+$0x0], $0xffff;
	[tilespmem:s11+$0x40] =	vst v11;
	v2 =	vmul.f32 v3, v2  }
0x639: {  	s16 =	sadd.s32 $0x200, s11;
	v3 =	vld.idx.msk [tilespmem:v6+s15+$0x0], $0xffff;
	v8 =	vmul.f32 v8, v1;
	[tilespmem:s11+$0x50] =	vst v4  }
0x63a: {  	v14 =	vmov s20;
	v34 =	vld [tilespmem:s16+$0x70];
	v30 =	vmul.f32 v7, v1;
	[tilespmem:s11+$0x60] =	vst v2  }
0x63b: {  	v14 =	vand.u32 $0xFFFFFFFE, v14;
	v35 =	vld [tilespmem:s16+$0xFFFFFF00];
	[tilespmem:s11+$0x80] =	vst v8;
	v2 =	vmul.f32 v9, v1  }
0x63c: {  	v37 =	vld [tilespmem:s16+$0xFFFFFF10];
	v14 =	vbroadcast v14, $0x0;
	[tilespmem:s11+$0x90] =	vst v30;
	v33 =	vmul.f32 v13, v1  }
0x63d: {  	v38 =	vld [tilespmem:s16+$0xFFFFFF20];
	[tilespmem:s11+$0xA0] =	vst v2;
	v2 =	vmul.f32 v15, v1  }
0x63e: {  	v12 =	vand.u32 $0xFFFFFFFD, v12;
	v39 =	vld [tilespmem:s16+$0xFFFFFF30];
	v36 =	vmul.f32 v16, v1;
	[tilespmem:s11+$0xB0] =	vst v33  }
0x63f: {  	v12 =	vbroadcast v12, $0x0;
	v41 =	vld [tilespmem:s16+$0xFFFFFF50];
	[tilespmem:s13+$0xC0] =	vst v2;
	v2 =	vmul.f32 v17, v1  }
0x640: {  	v43 =	vld [tilespmem:s16+$0xFFFFFF60];
	[tilespmem:s13+$0xD0] =	vst v36;
	v1 =	vmul.f32 v29, v1  }
0x641: {  	v42 =	vmul.f32 v37, v3;
	[tilespmem:s13+$0xE0] =	vst v2;
	v2 =	vld [tilespmem:s16+$0xFFFFFF40]  }
0x642: {  	v32 =	vld.idx.msk [tilespmem:v14+s15+$0x0], $0xffff;
	[tilespmem:s13+$0xF0] =	vst v1;
	v1 =	vmul.f32 v35, v3  }
0x643: {  	v44 =	vld [tilespmem:s16+$0xFFFFFF70];
	v4 =	vmul.f32 v39, v3;
	[tilespmem:s16+$0xFFFFFF10] =	vst v42  }
0x644: {  	v45 =	vld [tilespmem:s16+$0xFFFFFF80];
	[tilespmem:s16+$0xFFFFFF00] =	vst v1;
	v1 =	vmul.f32 v38, v3  }
0x645: {  	v46 =	vmul.f32 v41, v3;
	v31 =	vld.idx.msk [tilespmem:v12+s15+$0x0], $0xffff;
	[tilespmem:s16+$0xFFFFFF30] =	vst v4  }
0x646: {  	[tilespmem:s16+$0xFFFFFF20] =	vst v1;
	v1 =	vmul.f32 v2, v3;
	v2 =	vld [tilespmem:s16+$0xFFFFFF90]  }
0x647: {  	v47 =	vld [tilespmem:s16+$0xFFFFFFA0];
	[tilespmem:s16+$0xFFFFFF50] =	vst v46;
	v40 =	vmul.f32 v34, v32  }
0x648: {  	v48 =	vld [tilespmem:s16+$0xFFFFFFB0];
	[tilespmem:s16+$0xFFFFFF40] =	vst v1;
	v1 =	vmul.f32 v43, v3  }
0x649: {  	v49 =	vld [tilespmem:s16+$0xFFFFFFC0];
	[tilespmem:s16+$0x70] =	vst v40;
	v3 =	vmul.f32 v44, v3  }
0x64a: {  	v50 =	vld [tilespmem:s16+$0xFFFFFFD0];
	[tilespmem:s16+$0xFFFFFF60] =	vst v1;
	v1 =	vmul.f32 v45, v31  }
0x64b: {  	[tilespmem:s16+$0xFFFFFF70] =	vst v3;
	v3 =	vld [tilespmem:s16+$0xFFFFFFE0];
	v2 =	vmul.f32 v2, v31  }
0x64c: {  	v51 =	vld [tilespmem:s16+$0xFFFFFFF0];
	[tilespmem:s16+$0xFFFFFF80] =	vst v1;
	v1 =	vmul.f32 v47, v31  }
0x64d: {  	v52 =	vld [tilespmem:s16+$0x0];
	[tilespmem:s16+$0xFFFFFF90] =	vst v2;
	v2 =	vmul.f32 v48, v31  }
0x64e: {  	v53 =	vld [tilespmem:s16+$0x10];
	[tilespmem:s16+$0xFFFFFFA0] =	vst v1;
	v1 =	vmul.f32 v49, v31  }
0x64f: {  	v54 =	vld [tilespmem:s16+$0x20];
	[tilespmem:s16+$0xFFFFFFB0] =	vst v2;
	v2 =	vmul.f32 v50, v31  }
0x650: {  	[tilespmem:s16+$0xFFFFFFC0] =	vst v1;
	v1 =	vmul.f32 v3, v31;
	v3 =	vld [tilespmem:s16+$0x30]  }
0x651: {  	v55 =	vld [tilespmem:s16+$0x40];
	[tilespmem:s16+$0xFFFFFFD0] =	vst v2;
	v2 =	vmul.f32 v51, v31  }
0x652: {  	v56 =	vld [tilespmem:s16+$0x50];
	[tilespmem:s16+$0xFFFFFFE0] =	vst v1;
	v1 =	vmul.f32 v52, v32  }
0x653: {  	v57 =	vld [tilespmem:s16+$0x60];
	[tilespmem:s16+$0xFFFFFFF0] =	vst v2;
	v2 =	vmul.f32 v53, v32  }
0x654: {  	v58 =	vld [tilespmem:s16+$0x80];
	[tilespmem:s16+$0x0] =	vst v1;
	v1 =	vmul.f32 v54, v32  }
0x655: {  	[tilespmem:s16+$0x10] =	vst v2;
	v2 =	vmul.f32 v3, v32;
	v3 =	vld [tilespmem:s16+$0x90]  }
0x656: {  	v59 =	vld [tilespmem:s16+$0xA0];
	[tilespmem:s16+$0x20] =	vst v1;
	v1 =	vmul.f32 v55, v32  }
0x657: {  	v60 =	vld [tilespmem:s16+$0xB0];
	[tilespmem:s16+$0x30] =	vst v2;
	v2 =	vmul.f32 v56, v32  }
0x658: {  	v61 =	vld [tilespmem:s16+$0xC0];
	[tilespmem:s16+$0x40] =	vst v1;
	v1 =	vmul.f32 v57, v32  }
0x659: {  	v62 =	vld [tilespmem:s16+$0xD0];
	[tilespmem:s16+$0x50] =	vst v2;
	v2 =	vmul.f32 v58, v5  }
0x65a: {  	[tilespmem:s16+$0x60] =	vst v1;
	v1 =	vmul.f32 v3, v5;
	v3 =	vld [tilespmem:s16+$0xE0]  }
0x65b: {  	v63 =	vld [tilespmem:s16+$0xF0];
	[tilespmem:s16+$0x80] =	vst v2;
	v2 =	vmul.f32 v59, v5  }
0x65c: {  	[tilespmem:s16+$0x90] =	vst v1;
	v1 =	vmul.f32 v60, v5  }
0x65d: {  	[tilespmem:s16+$0xA0] =	vst v2;
	v2 =	vmul.f32 v61, v5  }
0x65e: {  	[tilespmem:s16+$0xB0] =	vst v1;
	v1 =	vmul.f32 v62, v5  }
0x65f: {  	[tilespmem:s16+$0xC0] =	vst v2;
	v2 =	vmul.f32 v3, v5  }
0x660: {  	[tilespmem:s16+$0xD0] =	vst v1;
	v1 =	vmul.f32 v63, v5  }
0x661: {  	[tilespmem:s16+$0xE0] =	vst v2  }
0x662: {  	[tilespmem:s16+$0xF0] =	vst v1  }
0x663: {  	_ =	swait.ge [sflag:s23], $0x50  }
0x664: {  	[sflag:s23] =	ssyncset.done $0x0  }
0x665: {  	[sflag:s23] =	ssyncadd.s32 $0xFFFFFFB0  }
0x666: {  	[spmem:s5] =	stream.indirect.scatter.add.f32 [tilespmem:s29], [sflag:$0x17], $0x80, s26, s17, $0xb8;
	[tilespmem:$0x1B980] =	vst v63  }
0x667: {  	_ =	swait.ge [sflag:s28], $0x2800  }
0x668: {  	[sflag:s28] =	ssyncset.done $0x0  }
0x669: {  	[sflag:s28] =	ssyncadd.s32 $0xFFFFD800  }
0x66a: {  	_ =	swait.ge [sflag:s14], $0x2800  }
0x66b: {  	[sflag:s14] =	ssyncset.done $0x0  }
0x66c: {  	[sflag:s14] =	ssyncadd.s32 $0xFFFFD800  }
0x66d: {  	[bflag:$0x0] =	sbarrier.arrive $0xFFFF  }
0x66e: {  	s20 =	stileid.u32;
	s4 =	sld [smem:$0x7F5]  }
0x66f: {  	s11 =	sshll.u32 s20, $0x6;
	s20 =	rddreg [dreg:$0x19]  }
0x670: {  	s11 =	sor.u32 $0x1C19, s11;
	s25 =	sshrl.u32 s20, $0x3  }
0x671: {  	[hbm:s4], [sflag:s11] =	dma.local [spmem:s25], $0x2700  }
0x672: {  	s4 =	simm.s32 $0x19  }
0x673: {  	_ =	swait.ge [sflag:s4], $0x2700  }
0x674: {  	s25 =	sld [smem:$0x7FD];
	_ =	sdelay $0x1  }
0x675: {  	[sflag:s4] =	ssyncset.done $0x0;
	s13 =	rddreg [dreg:$0x1f]  }
0x676: {  	[sflag:s4] =	ssyncadd.s32 $0xFFFFD900;
	s13 =	sadd.s32 @!p0 $0x27000, s13;
	s16 =	sshrl.u32 @!p0 s25, $0x3  }
0x677: {  	[hbm:s13], [sflag:s11] =	dma.local @!p0 [spmem:s16], $0x100  }
0x678: {  	s11 =	simm.s32 @!p0 $0x19  }
0x679: {  	_ =	swait.ge @!p0 [sflag:s11], $0x100  }
0x67a: {  	s13 =	sld [smem:$0x7F3]  }
0x67b: {  	s16 =	sld [smem:$0x7F4];
	_ =	sdelay $0x1  }
0x67c: {  	s4 =	sadd.s32 $0x1, s13  }
0x67d: {  	p1 =	sne.s32 s4, s16  }
.Ltmp13:
0x67e: {  	_ = 	snop;
	(pc) =	sbr.rel @p1 .LBB2_1-.Ltmp13, $3  }
0x67f: {  	_ =	sdelay $0x1  }
0x680: {  	[sflag:s11] =	ssyncset.done @!p0 $0x0  }
0x681: {  	[sflag:s11] =	ssyncadd.s32 @!p0 $0xFFFFFF00  }
0x682: {  	_ =	sfence.sel $0x180000  }
0x683: {  	[bflag:$0x0] =	sbarrier.arrive $0xFFFF  }
0x684: {  	_ =	strace $0x90000047  }
0x685: {  	s0 =	stileid.u32;
	[bflag:$0x2] =	sbarrier.arrive $0xFFFF  }
0x686: {  	p0 =	sne.s32 s0, $0x0;
	s0 =	rddreg [dreg:$0x5]  }
0x687: {  	s0 =	sadd.s32 @!p0 $0x100000, s0  }
0x688: {  	[sflag:s0] =	ssyncadd.tile.s32 @!p0 $0x1;
	_ =	shalt  }
.Lfunc_end2:
_tile_overlayer_lowered:
.L_overlay_start_2:
0x689: {  	(tag) =	ssettag $0x2  }
0x68a: {  	s0 =	rddreg [dreg:$0x0];
	s2 =	stileid.u32  }
0x68b: {  	s1 =	rddreg [dreg:$0x1];
	p0 =	sne.s32 s2, $0x0  }
0x68c: {  	s3 =	rddreg [dreg:$0x2];
	[bflag:$0x3] =	sbarrier.arrive $0xFFFF;
	s2 =	simm.s32 @!p0 $0x1C19  }
0x68d: {  	[timem:s3], [sflag:s2] =	dma.local @!p0 [hbm:s0], s1  }
0x68e: {  	s0 =	simm.s32 @!p0 $0x19  }
0x68f: {  	_ =	swait.ge @!p0 [sflag:s0], s1  }
0x690: {  	s1 =	ssub.s32 @!p0 $0x0, s1;
	[sflag:s0] =	ssyncset.done @!p0 $0x0  }
0x691: {  	[sflag:s0] =	ssyncadd.s32 @!p0 s1  }
0x692: {  	[bflag:$0x3] =	sbarrier.arrive $0xFFFF  }
0x693: {  	_ =	shalt  }

</sc_bundles>
